<compile_context>
chip_gen: v7x
topology: tpu7x:2x2x1
jax: 0.10.2.dev20260603
libtpu: 0.0.44.dev20260713+nightly
codegen_flags: <defaults>
</compile_context>

<pallas_src>
import functools

import jax
import jax.numpy as jnp
from jax import lax
from jax.experimental import pallas as pl
from jax.experimental.pallas import tpu as pltpu
from jax.experimental.pallas import tpu_sc as plsc

N_FIELDS_K = 26
EMBED_DIM_K = 32
BATCH_K = 16384

NUM_WORKERS = 32
RPW = BATCH_K // NUM_WORKERS
NLANE = 16


def _sc_body(table_h, x_h, bias_h, out_h,
             xblk, bias_v, idx0, idx1, stg0, stg1, trb0, trb1,
             sg0, sg1, ss0, ss1):
    wid = lax.axis_index("s") * 2 + lax.axis_index("c")
    b0 = wid * RPW

    pltpu.sync_copy(x_h.at[pl.ds(b0, RPW)], xblk)
    pltpu.sync_copy(bias_h, bias_v)

    iota = lax.iota(jnp.int32, NLANE)
    d_lo = iota
    d_hi = iota + NLANE

    def build_idx(f, idxb):
        def per_k(k, _):
            for g in range(8):
                rows = k * 128 + g * NLANE + iota
                cols = jnp.broadcast_to(f, (NLANE,))
                v = plsc.load_gather(xblk, [rows, cols])
                idxb[k, pl.ds(g * NLANE, NLANE)] = v
            return 0
        lax.fori_loop(0, 4, per_k, 0)

    def fire(idxb, stg, sem):
        for k in range(4):
            pltpu.async_copy(
                table_h.at[idxb.at[k]],
                stg.at[pl.ds(k * 128, 128)],
                sem,
            )

    def drain(stg, sem):
        pltpu.make_async_copy(table_h.at[pl.ds(0, RPW)], stg, sem).wait()

    def compute(f, stg, trb):
        bias_lo = bias_v[f, pl.ds(0, NLANE)]
        bias_hi = bias_v[f, pl.ds(NLANE, NLANE)]

        def per_i(i, _):
            for tbl in range(4):
                for j in range(4):
                    l = tbl * 128 + i * 4 + j
                    col = jnp.broadcast_to(tbl * 128 + i * 4 + j, (NLANE,))
                    lo = stg[l, pl.ds(0, NLANE)] + bias_lo
                    hi = stg[l, pl.ds(NLANE, NLANE)] + bias_hi
                    plsc.store_scatter(trb, [d_lo, col], lo)
                    plsc.store_scatter(trb, [d_hi, col], hi)
            return 0
        lax.fori_loop(0, 32, per_i, 0)

    def scatter_out(f, trb, sem):
        for ts in range(4):
            for tbl in range(4):
                pltpu.async_copy(
                    trb.at[pl.ds(ts * 8, 8), pl.ds(tbl * 128, 128)],
                    out_h.at[f, ts, wid * 4 + tbl],
                    sem,
                )

    def wait_scatter(f, trb, sem):
        for ts in range(4):
            for tbl in range(4):
                pltpu.make_async_copy(
                    trb.at[pl.ds(ts * 8, 8), pl.ds(tbl * 128, 128)],
                    out_h.at[f, ts, wid * 4 + tbl],
                    sem,
                ).wait()

    build_idx(0, idx0)
    fire(idx0, stg0, sg0)

    def pair_step(p, _):
        f0 = 2 * p
        f1 = f0 + 1

        @pl.when(p > 0)
        def _():
            wait_scatter(f1 - 2, trb1, ss1)
        build_idx(f1, idx1)
        fire(idx1, stg1, sg1)

        drain(stg0, sg0)
        compute(f0, stg0, trb0)
        scatter_out(f0, trb0, ss0)

        @pl.when(p < N_FIELDS_K // 2 - 1)
        def _():
            wait_scatter(f0, trb0, ss0)
            build_idx(f0 + 2, idx0)
            fire(idx0, stg0, sg0)

        drain(stg1, sg1)
        compute(f1, stg1, trb1)
        scatter_out(f1, trb1, ss1)
        return 0

    lax.fori_loop(0, N_FIELDS_K // 2, pair_step, 0)
    wait_scatter(N_FIELDS_K - 2, trb0, ss0)
    wait_scatter(N_FIELDS_K - 1, trb1, ss1)


@jax.jit
def kernel(X, table, bias):
    mesh = plsc.VectorSubcoreMesh(core_axis_name="c", subcore_axis_name="s")
    run = functools.partial(
        pl.kernel,
        mesh=mesh,
        out_type=jax.ShapeDtypeStruct(
            (N_FIELDS_K, 4, BATCH_K // 128, 8, 128), jnp.float32),
        scratch_types=[
            pltpu.VMEM((RPW, N_FIELDS_K), jnp.int32),
            pltpu.VMEM((N_FIELDS_K, EMBED_DIM_K), jnp.float32),
            pltpu.VMEM((4, 128), jnp.int32),
            pltpu.VMEM((4, 128), jnp.int32),
            pltpu.VMEM((RPW, EMBED_DIM_K), jnp.float32),
            pltpu.VMEM((RPW, EMBED_DIM_K), jnp.float32),
            pltpu.VMEM((EMBED_DIM_K, 513), jnp.float32),
            pltpu.VMEM((EMBED_DIM_K, 513), jnp.float32),
            pltpu.SemaphoreType.DMA,
            pltpu.SemaphoreType.DMA,
            pltpu.SemaphoreType.DMA,
            pltpu.SemaphoreType.DMA,
        ],
        compiler_params=pltpu.CompilerParams(use_tc_tiling_on_sc=False,
                                             needs_layout_passes=False),
    )(_sc_body)
    out5 = run(table, X, bias)
    return out5.transpose(2, 4, 0, 1, 3).reshape(BATCH_K, N_FIELDS_K,
                                                 EMBED_DIM_K)

# --- scband reference (transcript-rebuilt; emitter-appended) ---
"""Pipeline reference for scband-categorical-embeddings-33423435497531 (READ-ONLY COPY).

The authoritative reference and input builder live on the scoring server;
editing this copy changes nothing except your own understanding.
"""

import jax, jax.numpy as jnp
import numpy as np

N_FIELDS = 26
N_TOKENS = 26 * 38461  # 999986
EMBED_DIM = 32
BATCH = 16384


def setup_inputs(seed: int = 0) -> dict:
    key = jax.random.key(seed)
    k1, k2, k3 = jax.random.split(key, 3)
    X = jax.random.randint(k1, (BATCH, N_FIELDS), 0, N_TOKENS + 1, dtype=jnp.int32)
    # nn.Embedding(n_tokens+1, embed_dim, padding_idx=0); weights clamped implicitly small
    table = jax.random.normal(k2, (N_TOKENS + 1, EMBED_DIM), dtype=jnp.float32) * 0.05
    table = jnp.clip(table, -2.0, 2.0)
    table = table.at[0].set(0.0)  # padding_idx=0 row is zero
    # bias: kaiming_uniform_(a=sqrt(5)) over shape [n_fields, embed_dim]
    bound = 1.0 / np.sqrt(EMBED_DIM)
    bias = jax.random.uniform(k3, (N_FIELDS, EMBED_DIM), minval=-bound, maxval=bound, dtype=jnp.float32)
    return {"X": X, "table": table, "bias": bias}


def reference(X, table, bias):
    # shared_embed=False path:
    # cat_idx = [column_idx[col] for col in categorical_cols] = [0..25], i.e. all columns
    cat_idx = jnp.arange(N_FIELDS)
    idx = jnp.take(X, cat_idx, axis=1)            # [B, 26]
    x = jnp.take(table, idx, axis=0)              # [B, 26, D] embedding gather
    # dropout p=0.0 (eval) -> identity
    x = x + bias[None, :, :]                      # use_bias=True
    return x

if __name__ == "__main__":
    import jax
    _d = setup_inputs()
    print(jax.jit(kernel)(*tuple(_d.values())))

</pallas_src>

<mosaic_0001>
#map = affine_map<(d0, d1) -> (0, 0)>
#map1 = affine_map<(d0, d1) -> (0, 0, 0, 0, 0)>
module attributes {stable_mosaic.version = 14 : i64} {
  func.func @_sc_body(%arg0: i32, %arg1: i32, %arg2: memref<999987x32xf32, #tpu.memory_space<hbm>>, %arg3: memref<16384x26xi32, #tpu.memory_space<hbm>>, %arg4: memref<26x32xf32, #tpu.memory_space<hbm>>, %arg5: memref<26x4x128x8x128xf32, #tpu.memory_space<hbm>>, %arg6: memref<512x26xi32, #tpu.memory_space<vmem>>, %arg7: memref<26x32xf32, #tpu.memory_space<vmem>>, %arg8: memref<4x128xi32, #tpu.memory_space<vmem>>, %arg9: memref<4x128xi32, #tpu.memory_space<vmem>>, %arg10: memref<512x32xf32, #tpu.memory_space<vmem>>, %arg11: memref<512x32xf32, #tpu.memory_space<vmem>>, %arg12: memref<32x513xf32, #tpu.memory_space<vmem>>, %arg13: memref<32x513xf32, #tpu.memory_space<vmem>>, %arg14: memref<!tpu.dma_semaphore, #tpu.memory_space<semaphore_mem>>, %arg15: memref<!tpu.dma_semaphore, #tpu.memory_space<semaphore_mem>>, %arg16: memref<!tpu.dma_semaphore, #tpu.memory_space<semaphore_mem>>, %arg17: memref<!tpu.dma_semaphore, #tpu.memory_space<semaphore_mem>>) attributes {dimension_semantics = [#tpu.dimension_semantics<core_parallel>, #tpu.dimension_semantics<subcore_parallel>], iteration_bounds = array<i64: 2, 16>, scalar_prefetch = 0 : i64, scratch_operands = 12 : i64, tpu.core_type = #tpu.core_type<sc_vector_subcore>, window_params = [{transform_indices = #map}, {transform_indices = #map}, {transform_indices = #map}, {transform_indices = #map1}]} {
    %mul3A = arith.constant 2 : i32
    %mul3A_0 = arith.muli %arg1, %mul3A : i32
    %add3A = arith.addi %mul3A_0, %arg0 : i32
    %mul3A_1 = arith.constant 512 : i32
    %mul3A_2 = arith.muli %add3A, %mul3A_1 : i32
    "tpu.region"() ({
      %run_scoped3A = tpu.sem_alloc : memref<!tpu.dma_semaphore, #tpu.memory_space<semaphore_mem>>
      %dma_start3A_697 = arith.constant 0 : i32
      %dma_start3A_698 = tpu.memref_slice %arg3[%mul3A_2, %dma_start3A_697] : memref<16384x26xi32, #tpu.memory_space<hbm>> -> memref<512x26xi32, #tpu.memory_space<hbm>>
      %dma_start3A_699 = arith.constant 0 : i32
      %dma_start3A_700 = tpu.memref_slice %arg3[%mul3A_2, %dma_start3A_699] : memref<16384x26xi32, #tpu.memory_space<hbm>> -> memref<512x26xi32, #tpu.memory_space<hbm>>
      tpu.enqueue_dma source(%dma_start3A_700 : memref<512x26xi32, #tpu.memory_space<hbm>>) target(%arg6 : memref<512x26xi32, #tpu.memory_space<vmem>>) target_semaphore(%run_scoped3A : memref<!tpu.dma_semaphore, #tpu.memory_space<semaphore_mem>>)
      %dma_wait3A_701 = arith.constant 0 : i32
      %dma_wait3A_702 = tpu.memref_slice %arg3[%mul3A_2, %dma_wait3A_701] : memref<16384x26xi32, #tpu.memory_space<hbm>> -> memref<512x26xi32, #tpu.memory_space<hbm>>
      %dma_wait3A_703 = arith.constant 0 : i32
      %dma_wait3A_704 = tpu.memref_slice %arg3[%mul3A_2, %dma_wait3A_703] : memref<16384x26xi32, #tpu.memory_space<hbm>> -> memref<512x26xi32, #tpu.memory_space<hbm>>
      tpu.wait_dma2 semaphore(%run_scoped3A : memref<!tpu.dma_semaphore, #tpu.memory_space<semaphore_mem>>) src(%dma_wait3A_704 : memref<512x26xi32, #tpu.memory_space<hbm>>) dst(%arg6 : memref<512x26xi32, #tpu.memory_space<vmem>>)
      tpu.yield
    }) : () -> ()
    "tpu.region"() ({
      %run_scoped3A = tpu.sem_alloc : memref<!tpu.dma_semaphore, #tpu.memory_space<semaphore_mem>>
      tpu.enqueue_dma source(%arg4 : memref<26x32xf32, #tpu.memory_space<hbm>>) target(%arg7 : memref<26x32xf32, #tpu.memory_space<vmem>>) target_semaphore(%run_scoped3A : memref<!tpu.dma_semaphore, #tpu.memory_space<semaphore_mem>>)
      tpu.wait_dma2 semaphore(%run_scoped3A : memref<!tpu.dma_semaphore, #tpu.memory_space<semaphore_mem>>) src(%arg4 : memref<26x32xf32, #tpu.memory_space<hbm>>) dst(%arg7 : memref<26x32xf32, #tpu.memory_space<vmem>>)
      tpu.yield
    }) : () -> ()
    %iota3A = tpu.iota {dimensions = array<i32: 0>} : vector<16xi32>
    %add3A_3 = arith.constant 16 : i32
    %add3A_4 = vector.broadcast %add3A_3 : i32 to vector<16xi32>
    %add3A_5 = arith.addi %iota3A, %add3A_4 : vector<16xi32>
    %scan3A = arith.constant 0 : i32
    %scan3A_6 = arith.constant 0 : i32
    %scan3A_7 = arith.constant 4 : i32
    %scan3A_8 = arith.addi %scan3A_6, %scan3A_7 : i32
    %scan3A_9 = arith.constant 1 : i32
    %scan3A_10 = scf.for %scan3A_697 = %scan3A_6 to %scan3A_8 step %scan3A_9 iter_args(%scan3A_698 = %scan3A) -> (i32)  : i32 {
      %mul3A_699 = arith.constant 128 : i32
      %mul3A_700 = arith.muli %scan3A_697, %mul3A_699 : i32
      %add3A_701 = arith.constant 0 : i32
      %add3A_702 = arith.addi %mul3A_700, %add3A_701 : i32
      %add3A_703 = vector.broadcast %add3A_702 : i32 to vector<16xi32>
      %add3A_704 = arith.addi %add3A_703, %iota3A : vector<16xi32>
      %broadcast_in_dim3A = arith.constant 0 : i32
      %broadcast_in_dim3A_705 = vector.broadcast %broadcast_in_dim3A : i32 to vector<16xi32>
      %gather3A = tpu.vector_load_idx %arg6[%add3A_704, %broadcast_in_dim3A_705] : memref<512x26xi32, #tpu.memory_space<vmem>>[vector<16xi32>, vector<16xi32>], vector<16xi32>,
      %swap3A = arith.index_cast %scan3A_697 : i32 to index
      %swap3A_706 = arith.constant 0 : index
      %swap3A_707 = tpu.vector_load %arg8[%swap3A, %swap3A_706] {strides = array<i32>} : memref<4x128xi32, #tpu.memory_space<vmem>>, vector<16xi32>,
      tpu.vector_store %arg8[%swap3A, %swap3A_706], %gather3A {strides = array<i32>} : memref<4x128xi32, #tpu.memory_space<vmem>>, vector<16xi32>,
      %mul3A_708 = arith.constant 128 : i32
      %mul3A_709 = arith.muli %scan3A_697, %mul3A_708 : i32
      %add3A_710 = arith.constant 16 : i32
      %add3A_711 = arith.addi %mul3A_709, %add3A_710 : i32
      %add3A_712 = vector.broadcast %add3A_711 : i32 to vector<16xi32>
      %add3A_713 = arith.addi %add3A_712, %iota3A : vector<16xi32>
      %broadcast_in_dim3A_714 = arith.constant 0 : i32
      %broadcast_in_dim3A_715 = vector.broadcast %broadcast_in_dim3A_714 : i32 to vector<16xi32>
      %gather3A_716 = tpu.vector_load_idx %arg6[%add3A_713, %broadcast_in_dim3A_715] : memref<512x26xi32, #tpu.memory_space<vmem>>[vector<16xi32>, vector<16xi32>], vector<16xi32>,
      %swap3A_717 = arith.index_cast %scan3A_697 : i32 to index
      %swap3A_718 = arith.constant 16 : index
      %swap3A_719 = tpu.vector_load %arg8[%swap3A_717, %swap3A_718] {strides = array<i32>} : memref<4x128xi32, #tpu.memory_space<vmem>>, vector<16xi32>,
      tpu.vector_store %arg8[%swap3A_717, %swap3A_718], %gather3A_716 {strides = array<i32>} : memref<4x128xi32, #tpu.memory_space<vmem>>, vector<16xi32>,
      %mul3A_720 = arith.constant 128 : i32
      %mul3A_721 = arith.muli %scan3A_697, %mul3A_720 : i32
      %add3A_722 = arith.constant 32 : i32
      %add3A_723 = arith.addi %mul3A_721, %add3A_722 : i32
      %add3A_724 = vector.broadcast %add3A_723 : i32 to vector<16xi32>
      %add3A_725 = arith.addi %add3A_724, %iota3A : vector<16xi32>
      %broadcast_in_dim3A_726 = arith.constant 0 : i32
      %broadcast_in_dim3A_727 = vector.broadcast %broadcast_in_dim3A_726 : i32 to vector<16xi32>
      %gather3A_728 = tpu.vector_load_idx %arg6[%add3A_725, %broadcast_in_dim3A_727] : memref<512x26xi32, #tpu.memory_space<vmem>>[vector<16xi32>, vector<16xi32>], vector<16xi32>,
      %swap3A_729 = arith.index_cast %scan3A_697 : i32 to index
      %swap3A_730 = arith.constant 32 : index
      %swap3A_731 = tpu.vector_load %arg8[%swap3A_729, %swap3A_730] {strides = array<i32>} : memref<4x128xi32, #tpu.memory_space<vmem>>, vector<16xi32>,
      tpu.vector_store %arg8[%swap3A_729, %swap3A_730], %gather3A_728 {strides = array<i32>} : memref<4x128xi32, #tpu.memory_space<vmem>>, vector<16xi32>,
      %mul3A_732 = arith.constant 128 : i32
      %mul3A_733 = arith.muli %scan3A_697, %mul3A_732 : i32
      %add3A_734 = arith.constant 48 : i32
      %add3A_735 = arith.addi %mul3A_733, %add3A_734 : i32
      %add3A_736 = vector.broadcast %add3A_735 : i32 to vector<16xi32>
      %add3A_737 = arith.addi %add3A_736, %iota3A : vector<16xi32>
      %broadcast_in_dim3A_738 = arith.constant 0 : i32
      %broadcast_in_dim3A_739 = vector.broadcast %broadcast_in_dim3A_738 : i32 to vector<16xi32>
      %gather3A_740 = tpu.vector_load_idx %arg6[%add3A_737, %broadcast_in_dim3A_739] : memref<512x26xi32, #tpu.memory_space<vmem>>[vector<16xi32>, vector<16xi32>], vector<16xi32>,
      %swap3A_741 = arith.index_cast %scan3A_697 : i32 to index
      %swap3A_742 = arith.constant 48 : index
      %swap3A_743 = tpu.vector_load %arg8[%swap3A_741, %swap3A_742] {strides = array<i32>} : memref<4x128xi32, #tpu.memory_space<vmem>>, vector<16xi32>,
      tpu.vector_store %arg8[%swap3A_741, %swap3A_742], %gather3A_740 {strides = array<i32>} : memref<4x128xi32, #tpu.memory_space<vmem>>, vector<16xi32>,
      %mul3A_744 = arith.constant 128 : i32
      %mul3A_745 = arith.muli %scan3A_697, %mul3A_744 : i32
      %add3A_746 = arith.constant 64 : i32
      %add3A_747 = arith.addi %mul3A_745, %add3A_746 : i32
      %add3A_748 = vector.broadcast %add3A_747 : i32 to vector<16xi32>
      %add3A_749 = arith.addi %add3A_748, %iota3A : vector<16xi32>
      %broadcast_in_dim3A_750 = arith.constant 0 : i32
      %broadcast_in_dim3A_751 = vector.broadcast %broadcast_in_dim3A_750 : i32 to vector<16xi32>
      %gather3A_752 = tpu.vector_load_idx %arg6[%add3A_749, %broadcast_in_dim3A_751] : memref<512x26xi32, #tpu.memory_space<vmem>>[vector<16xi32>, vector<16xi32>], vector<16xi32>,
      %swap3A_753 = arith.index_cast %scan3A_697 : i32 to index
      %swap3A_754 = arith.constant 64 : index
      %swap3A_755 = tpu.vector_load %arg8[%swap3A_753, %swap3A_754] {strides = array<i32>} : memref<4x128xi32, #tpu.memory_space<vmem>>, vector<16xi32>,
      tpu.vector_store %arg8[%swap3A_753, %swap3A_754], %gather3A_752 {strides = array<i32>} : memref<4x128xi32, #tpu.memory_space<vmem>>, vector<16xi32>,
      %mul3A_756 = arith.constant 128 : i32
      %mul3A_757 = arith.muli %scan3A_697, %mul3A_756 : i32
      %add3A_758 = arith.constant 80 : i32
      %add3A_759 = arith.addi %mul3A_757, %add3A_758 : i32
      %add3A_760 = vector.broadcast %add3A_759 : i32 to vector<16xi32>
      %add3A_761 = arith.addi %add3A_760, %iota3A : vector<16xi32>
      %broadcast_in_dim3A_762 = arith.constant 0 : i32
      %broadcast_in_dim3A_763 = vector.broadcast %broadcast_in_dim3A_762 : i32 to vector<16xi32>
      %gather3A_764 = tpu.vector_load_idx %arg6[%add3A_761, %broadcast_in_dim3A_763] : memref<512x26xi32, #tpu.memory_space<vmem>>[vector<16xi32>, vector<16xi32>], vector<16xi32>,
      %swap3A_765 = arith.index_cast %scan3A_697 : i32 to index
      %swap3A_766 = arith.constant 80 : index
      %swap3A_767 = tpu.vector_load %arg8[%swap3A_765, %swap3A_766] {strides = array<i32>} : memref<4x128xi32, #tpu.memory_space<vmem>>, vector<16xi32>,
      tpu.vector_store %arg8[%swap3A_765, %swap3A_766], %gather3A_764 {strides = array<i32>} : memref<4x128xi32, #tpu.memory_space<vmem>>, vector<16xi32>,
      %mul3A_768 = arith.constant 128 : i32
      %mul3A_769 = arith.muli %scan3A_697, %mul3A_768 : i32
      %add3A_770 = arith.constant 96 : i32
      %add3A_771 = arith.addi %mul3A_769, %add3A_770 : i32
      %add3A_772 = vector.broadcast %add3A_771 : i32 to vector<16xi32>
      %add3A_773 = arith.addi %add3A_772, %iota3A : vector<16xi32>
      %broadcast_in_dim3A_774 = arith.constant 0 : i32
      %broadcast_in_dim3A_775 = vector.broadcast %broadcast_in_dim3A_774 : i32 to vector<16xi32>
      %gather3A_776 = tpu.vector_load_idx %arg6[%add3A_773, %broadcast_in_dim3A_775] : memref<512x26xi32, #tpu.memory_space<vmem>>[vector<16xi32>, vector<16xi32>], vector<16xi32>,
      %swap3A_777 = arith.index_cast %scan3A_697 : i32 to index
      %swap3A_778 = arith.constant 96 : index
      %swap3A_779 = tpu.vector_load %arg8[%swap3A_777, %swap3A_778] {strides = array<i32>} : memref<4x128xi32, #tpu.memory_space<vmem>>, vector<16xi32>,
      tpu.vector_store %arg8[%swap3A_777, %swap3A_778], %gather3A_776 {strides = array<i32>} : memref<4x128xi32, #tpu.memory_space<vmem>>, vector<16xi32>,
      %mul3A_780 = arith.constant 128 : i32
      %mul3A_781 = arith.muli %scan3A_697, %mul3A_780 : i32
      %add3A_782 = arith.constant 112 : i32
      %add3A_783 = arith.addi %mul3A_781, %add3A_782 : i32
      %add3A_784 = vector.broadcast %add3A_783 : i32 to vector<16xi32>
      %add3A_785 = arith.addi %add3A_784, %iota3A : vector<16xi32>
      %broadcast_in_dim3A_786 = arith.constant 0 : i32
      %broadcast_in_dim3A_787 = vector.broadcast %broadcast_in_dim3A_786 : i32 to vector<16xi32>
      %gather3A_788 = tpu.vector_load_idx %arg6[%add3A_785, %broadcast_in_dim3A_787] : memref<512x26xi32, #tpu.memory_space<vmem>>[vector<16xi32>, vector<16xi32>], vector<16xi32>,
      %swap3A_789 = arith.index_cast %scan3A_697 : i32 to index
      %swap3A_790 = arith.constant 112 : index
      %swap3A_791 = tpu.vector_load %arg8[%swap3A_789, %swap3A_790] {strides = array<i32>} : memref<4x128xi32, #tpu.memory_space<vmem>>, vector<16xi32>,
      tpu.vector_store %arg8[%swap3A_789, %swap3A_790], %gather3A_788 {strides = array<i32>} : memref<4x128xi32, #tpu.memory_space<vmem>>, vector<16xi32>,
      %scan3A_792 = arith.constant 0 : i32
      scf.yield %scan3A_792 : i32
    }
    %scan3A_11 = arith.constant 4 : i32
    %dma_start3A = arith.constant 0 : i32
    %dma_start3A_12 = arith.constant 0 : i32
    %dma_start3A_13 = arith.constant 0 : i32
    %dma_start3A_14 = tpu.memref_slice %arg10[%dma_start3A_12, %dma_start3A_13] : memref<512x32xf32, #tpu.memory_space<vmem>> -> memref<128x32xf32, #tpu.memory_space<vmem>>
    %dma_start3A_15 = arith.constant 0 : i32
    %dma_start3A_16 = tpu.memref_slice %arg8[%dma_start3A, %dma_start3A_15] : memref<4x128xi32, #tpu.memory_space<vmem>> -> memref<1x128xi32, #tpu.memory_space<vmem>>
    %dma_start3A_17 = tpu.memref_squeeze %dma_start3A_16 : memref<1x128xi32, #tpu.memory_space<vmem>> -> memref<128xi32, #tpu.memory_space<vmem>>
    %dma_start3A_18 = arith.constant 0 : i32
    %dma_start3A_19 = arith.constant 0 : i32
    %dma_start3A_20 = tpu.memref_slice %arg2[%dma_start3A_18, %dma_start3A_19] : memref<999987x32xf32, #tpu.memory_space<hbm>> -> memref<999987x32xf32, #tpu.memory_space<hbm>>
    tpu.enqueue_indirect_dma source(%dma_start3A_20 : memref<999987x32xf32, #tpu.memory_space<hbm>>) target(%dma_start3A_14 : memref<128x32xf32, #tpu.memory_space<vmem>>) offsets(%dma_start3A_17 : memref<128xi32, #tpu.memory_space<vmem>>) semaphore(%arg14 : memref<!tpu.dma_semaphore, #tpu.memory_space<semaphore_mem>>)
    %dma_start3A_21 = arith.constant 1 : i32
    %dma_start3A_22 = arith.constant 128 : i32
    %dma_start3A_23 = arith.constant 0 : i32
    %dma_start3A_24 = tpu.memref_slice %arg10[%dma_start3A_22, %dma_start3A_23] : memref<512x32xf32, #tpu.memory_space<vmem>> -> memref<128x32xf32, #tpu.memory_space<vmem>>
    %dma_start3A_25 = arith.constant 0 : i32
    %dma_start3A_26 = tpu.memref_slice %arg8[%dma_start3A_21, %dma_start3A_25] : memref<4x128xi32, #tpu.memory_space<vmem>> -> memref<1x128xi32, #tpu.memory_space<vmem>>
    %dma_start3A_27 = tpu.memref_squeeze %dma_start3A_26 : memref<1x128xi32, #tpu.memory_space<vmem>> -> memref<128xi32, #tpu.memory_space<vmem>>
    %dma_start3A_28 = arith.constant 0 : i32
    %dma_start3A_29 = arith.constant 0 : i32
    %dma_start3A_30 = tpu.memref_slice %arg2[%dma_start3A_28, %dma_start3A_29] : memref<999987x32xf32, #tpu.memory_space<hbm>> -> memref<999987x32xf32, #tpu.memory_space<hbm>>
    tpu.enqueue_indirect_dma source(%dma_start3A_30 : memref<999987x32xf32, #tpu.memory_space<hbm>>) target(%dma_start3A_24 : memref<128x32xf32, #tpu.memory_space<vmem>>) offsets(%dma_start3A_27 : memref<128xi32, #tpu.memory_space<vmem>>) semaphore(%arg14 : memref<!tpu.dma_semaphore, #tpu.memory_space<semaphore_mem>>)
    %dma_start3A_31 = arith.constant 2 : i32
    %dma_start3A_32 = arith.constant 256 : i32
    %dma_start3A_33 = arith.constant 0 : i32
    %dma_start3A_34 = tpu.memref_slice %arg10[%dma_start3A_32, %dma_start3A_33] : memref<512x32xf32, #tpu.memory_space<vmem>> -> memref<128x32xf32, #tpu.memory_space<vmem>>
    %dma_start3A_35 = arith.constant 0 : i32
    %dma_start3A_36 = tpu.memref_slice %arg8[%dma_start3A_31, %dma_start3A_35] : memref<4x128xi32, #tpu.memory_space<vmem>> -> memref<1x128xi32, #tpu.memory_space<vmem>>
    %dma_start3A_37 = tpu.memref_squeeze %dma_start3A_36 : memref<1x128xi32, #tpu.memory_space<vmem>> -> memref<128xi32, #tpu.memory_space<vmem>>
    %dma_start3A_38 = arith.constant 0 : i32
    %dma_start3A_39 = arith.constant 0 : i32
    %dma_start3A_40 = tpu.memref_slice %arg2[%dma_start3A_38, %dma_start3A_39] : memref<999987x32xf32, #tpu.memory_space<hbm>> -> memref<999987x32xf32, #tpu.memory_space<hbm>>
    tpu.enqueue_indirect_dma source(%dma_start3A_40 : memref<999987x32xf32, #tpu.memory_space<hbm>>) target(%dma_start3A_34 : memref<128x32xf32, #tpu.memory_space<vmem>>) offsets(%dma_start3A_37 : memref<128xi32, #tpu.memory_space<vmem>>) semaphore(%arg14 : memref<!tpu.dma_semaphore, #tpu.memory_space<semaphore_mem>>)
    %dma_start3A_41 = arith.constant 3 : i32
    %dma_start3A_42 = arith.constant 384 : i32
    %dma_start3A_43 = arith.constant 0 : i32
    %dma_start3A_44 = tpu.memref_slice %arg10[%dma_start3A_42, %dma_start3A_43] : memref<512x32xf32, #tpu.memory_space<vmem>> -> memref<128x32xf32, #tpu.memory_space<vmem>>
    %dma_start3A_45 = arith.constant 0 : i32
    %dma_start3A_46 = tpu.memref_slice %arg8[%dma_start3A_41, %dma_start3A_45] : memref<4x128xi32, #tpu.memory_space<vmem>> -> memref<1x128xi32, #tpu.memory_space<vmem>>
    %dma_start3A_47 = tpu.memref_squeeze %dma_start3A_46 : memref<1x128xi32, #tpu.memory_space<vmem>> -> memref<128xi32, #tpu.memory_space<vmem>>
    %dma_start3A_48 = arith.constant 0 : i32
    %dma_start3A_49 = arith.constant 0 : i32
    %dma_start3A_50 = tpu.memref_slice %arg2[%dma_start3A_48, %dma_start3A_49] : memref<999987x32xf32, #tpu.memory_space<hbm>> -> memref<999987x32xf32, #tpu.memory_space<hbm>>
    tpu.enqueue_indirect_dma source(%dma_start3A_50 : memref<999987x32xf32, #tpu.memory_space<hbm>>) target(%dma_start3A_44 : memref<128x32xf32, #tpu.memory_space<vmem>>) offsets(%dma_start3A_47 : memref<128xi32, #tpu.memory_space<vmem>>) semaphore(%arg14 : memref<!tpu.dma_semaphore, #tpu.memory_space<semaphore_mem>>)
    %scan3A_51 = arith.constant 0 : i32
    %scan3A_52 = arith.constant 0 : i32
    %scan3A_53 = arith.constant 13 : i32
    %scan3A_54 = arith.addi %scan3A_52, %scan3A_53 : i32
    %scan3A_55 = arith.constant 1 : i32
    %scan3A_56 = scf.for %scan3A_697 = %scan3A_52 to %scan3A_54 step %scan3A_55 iter_args(%scan3A_698 = %scan3A_51) -> (i32)  : i32 {
      %mul3A_699 = arith.constant 2 : i32
      %mul3A_700 = arith.muli %mul3A_699, %scan3A_697 : i32
      %add3A_701 = arith.constant 1 : i32
      %add3A_702 = arith.addi %mul3A_700, %add3A_701 : i32
      %gt3A = arith.constant 0 : i32
      %gt3A_703 = arith.cmpi sgt, %scan3A_697, %gt3A : i32
      %convert_element_type3A = arith.extui %gt3A_703 : i1 to i32
      %cond3A = arith.constant 0 : i32
      %cond3A_704 = arith.cmpi ne, %convert_element_type3A, %cond3A : i32
      scf.if %cond3A_704 {
        %sub3A = arith.constant 2 : i32
        %sub3A_1402 = arith.subi %add3A_702, %sub3A : i32
        %mul3A_1403 = arith.constant 4 : i32
        %mul3A_1404 = arith.muli %add3A, %mul3A_1403 : i32
        %add3A_1405 = arith.constant 0 : i32
        %add3A_1406 = arith.addi %mul3A_1404, %add3A_1405 : i32
        %dma_wait3A_1407 = arith.constant 0 : i32
        %dma_wait3A_1408 = arith.constant 0 : i32
        %dma_wait3A_1409 = arith.constant 0 : i32
        %dma_wait3A_1410 = tpu.memref_slice %arg13[%dma_wait3A_1408, %dma_wait3A_1409] : memref<32x513xf32, #tpu.memory_space<vmem>> -> memref<8x128xf32, #tpu.memory_space<vmem>>
        %dma_wait3A_1411 = arith.constant 0 : i32
        %dma_wait3A_1412 = arith.constant 0 : i32
        %dma_wait3A_1413 = tpu.memref_slice %arg5[%sub3A_1402, %dma_wait3A_1407, %add3A_1406, %dma_wait3A_1411, %dma_wait3A_1412] : memref<26x4x128x8x128xf32, #tpu.memory_space<hbm>> -> memref<1x1x1x8x128xf32, #tpu.memory_space<hbm>>
        %dma_wait3A_1414 = tpu.memref_squeeze %dma_wait3A_1413 : memref<1x1x1x8x128xf32, #tpu.memory_space<hbm>> -> memref<8x128xf32, #tpu.memory_space<hbm>>
        %dma_wait3A_1415 = arith.constant 0 : i32
        %dma_wait3A_1416 = arith.constant 0 : i32
        %dma_wait3A_1417 = tpu.memref_slice %arg5[%sub3A_1402, %dma_wait3A_1407, %add3A_1406, %dma_wait3A_1415, %dma_wait3A_1416] : memref<26x4x128x8x128xf32, #tpu.memory_space<hbm>> -> memref<1x1x1x8x128xf32, #tpu.memory_space<hbm>>
        %dma_wait3A_1418 = tpu.memref_squeeze %dma_wait3A_1417 : memref<1x1x1x8x128xf32, #tpu.memory_space<hbm>> -> memref<8x128xf32, #tpu.memory_space<hbm>>
        %dma_wait3A_1419 = arith.constant 0 : i32
        %dma_wait3A_1420 = arith.constant 0 : i32
        %dma_wait3A_1421 = tpu.memref_slice %arg13[%dma_wait3A_1419, %dma_wait3A_1420] : memref<32x513xf32, #tpu.memory_space<vmem>> -> memref<8x128xf32, #tpu.memory_space<vmem>>
        tpu.wait_dma2 semaphore(%arg17 : memref<!tpu.dma_semaphore, #tpu.memory_space<semaphore_mem>>) src(%dma_wait3A_1421 : memref<8x128xf32, #tpu.memory_space<vmem>>) dst(%dma_wait3A_1418 : memref<8x128xf32, #tpu.memory_space<hbm>>)
        %mul3A_1422 = arith.constant 4 : i32
        %mul3A_1423 = arith.muli %add3A, %mul3A_1422 : i32
        %add3A_1424 = arith.constant 1 : i32
        %add3A_1425 = arith.addi %mul3A_1423, %add3A_1424 : i32
        %dma_wait3A_1426 = arith.constant 0 : i32
        %dma_wait3A_1427 = arith.constant 0 : i32
        %dma_wait3A_1428 = arith.constant 128 : i32
        %dma_wait3A_1429 = tpu.memref_slice %arg13[%dma_wait3A_1427, %dma_wait3A_1428] : memref<32x513xf32, #tpu.memory_space<vmem>> -> memref<8x128xf32, #tpu.memory_space<vmem>>
        %dma_wait3A_1430 = arith.constant 0 : i32
        %dma_wait3A_1431 = arith.constant 0 : i32
        %dma_wait3A_1432 = tpu.memref_slice %arg5[%sub3A_1402, %dma_wait3A_1426, %add3A_1425, %dma_wait3A_1430, %dma_wait3A_1431] : memref<26x4x128x8x128xf32, #tpu.memory_space<hbm>> -> memref<1x1x1x8x128xf32, #tpu.memory_space<hbm>>
        %dma_wait3A_1433 = tpu.memref_squeeze %dma_wait3A_1432 : memref<1x1x1x8x128xf32, #tpu.memory_space<hbm>> -> memref<8x128xf32, #tpu.memory_space<hbm>>
        %dma_wait3A_1434 = arith.constant 0 : i32
        %dma_wait3A_1435 = arith.constant 0 : i32
        %dma_wait3A_1436 = tpu.memref_slice %arg5[%sub3A_1402, %dma_wait3A_1426, %add3A_1425, %dma_wait3A_1434, %dma_wait3A_1435] : memref<26x4x128x8x128xf32, #tpu.memory_space<hbm>> -> memref<1x1x1x8x128xf32, #tpu.memory_space<hbm>>
        %dma_wait3A_1437 = tpu.memref_squeeze %dma_wait3A_1436 : memref<1x1x1x8x128xf32, #tpu.memory_space<hbm>> -> memref<8x128xf32, #tpu.memory_space<hbm>>
        %dma_wait3A_1438 = arith.constant 0 : i32
        %dma_wait3A_1439 = arith.constant 128 : i32
        %dma_wait3A_1440 = tpu.memref_slice %arg13[%dma_wait3A_1438, %dma_wait3A_1439] : memref<32x513xf32, #tpu.memory_space<vmem>> -> memref<8x128xf32, #tpu.memory_space<vmem>>
        tpu.wait_dma2 semaphore(%arg17 : memref<!tpu.dma_semaphore, #tpu.memory_space<semaphore_mem>>) src(%dma_wait3A_1440 : memref<8x128xf32, #tpu.memory_space<vmem>>) dst(%dma_wait3A_1437 : memref<8x128xf32, #tpu.memory_space<hbm>>)
        %mul3A_1441 = arith.constant 4 : i32
        %mul3A_1442 = arith.muli %add3A, %mul3A_1441 : i32
        %add3A_1443 = arith.constant 2 : i32
        %add3A_1444 = arith.addi %mul3A_1442, %add3A_1443 : i32
        %dma_wait3A_1445 = arith.constant 0 : i32
        %dma_wait3A_1446 = arith.constant 0 : i32
        %dma_wait3A_1447 = arith.constant 256 : i32
        %dma_wait3A_1448 = tpu.memref_slice %arg13[%dma_wait3A_1446, %dma_wait3A_1447] : memref<32x513xf32, #tpu.memory_space<vmem>> -> memref<8x128xf32, #tpu.memory_space<vmem>>
        %dma_wait3A_1449 = arith.constant 0 : i32
        %dma_wait3A_1450 = arith.constant 0 : i32
        %dma_wait3A_1451 = tpu.memref_slice %arg5[%sub3A_1402, %dma_wait3A_1445, %add3A_1444, %dma_wait3A_1449, %dma_wait3A_1450] : memref<26x4x128x8x128xf32, #tpu.memory_space<hbm>> -> memref<1x1x1x8x128xf32, #tpu.memory_space<hbm>>
        %dma_wait3A_1452 = tpu.memref_squeeze %dma_wait3A_1451 : memref<1x1x1x8x128xf32, #tpu.memory_space<hbm>> -> memref<8x128xf32, #tpu.memory_space<hbm>>
        %dma_wait3A_1453 = arith.constant 0 : i32
        %dma_wait3A_1454 = arith.constant 0 : i32
        %dma_wait3A_1455 = tpu.memref_slice %arg5[%sub3A_1402, %dma_wait3A_1445, %add3A_1444, %dma_wait3A_1453, %dma_wait3A_1454] : memref<26x4x128x8x128xf32, #tpu.memory_space<hbm>> -> memref<1x1x1x8x128xf32, #tpu.memory_space<hbm>>
        %dma_wait3A_1456 = tpu.memref_squeeze %dma_wait3A_1455 : memref<1x1x1x8x128xf32, #tpu.memory_space<hbm>> -> memref<8x128xf32, #tpu.memory_space<hbm>>
        %dma_wait3A_1457 = arith.constant 0 : i32
        %dma_wait3A_1458 = arith.constant 256 : i32
        %dma_wait3A_1459 = tpu.memref_slice %arg13[%dma_wait3A_1457, %dma_wait3A_1458] : memref<32x513xf32, #tpu.memory_space<vmem>> -> memref<8x128xf32, #tpu.memory_space<vmem>>
        tpu.wait_dma2 semaphore(%arg17 : memref<!tpu.dma_semaphore, #tpu.memory_space<semaphore_mem>>) src(%dma_wait3A_1459 : memref<8x128xf32, #tpu.memory_space<vmem>>) dst(%dma_wait3A_1456 : memref<8x128xf32, #tpu.memory_space<hbm>>)
        %mul3A_1460 = arith.constant 4 : i32
        %mul3A_1461 = arith.muli %add3A, %mul3A_1460 : i32
        %add3A_1462 = arith.constant 3 : i32
        %add3A_1463 = arith.addi %mul3A_1461, %add3A_1462 : i32
        %dma_wait3A_1464 = arith.constant 0 : i32
        %dma_wait3A_1465 = arith.constant 0 : i32
        %dma_wait3A_1466 = arith.constant 384 : i32
        %dma_wait3A_1467 = tpu.memref_slice %arg13[%dma_wait3A_1465, %dma_wait3A_1466] : memref<32x513xf32, #tpu.memory_space<vmem>> -> memref<8x128xf32, #tpu.memory_space<vmem>>
        %dma_wait3A_1468 = arith.constant 0 : i32
        %dma_wait3A_1469 = arith.constant 0 : i32
        %dma_wait3A_1470 = tpu.memref_slice %arg5[%sub3A_1402, %dma_wait3A_1464, %add3A_1463, %dma_wait3A_1468, %dma_wait3A_1469] : memref<26x4x128x8x128xf32, #tpu.memory_space<hbm>> -> memref<1x1x1x8x128xf32, #tpu.memory_space<hbm>>
        %dma_wait3A_1471 = tpu.memref_squeeze %dma_wait3A_1470 : memref<1x1x1x8x128xf32, #tpu.memory_space<hbm>> -> memref<8x128xf32, #tpu.memory_space<hbm>>
        %dma_wait3A_1472 = arith.constant 0 : i32
        %dma_wait3A_1473 = arith.constant 0 : i32
        %dma_wait3A_1474 = tpu.memref_slice %arg5[%sub3A_1402, %dma_wait3A_1464, %add3A_1463, %dma_wait3A_1472, %dma_wait3A_1473] : memref<26x4x128x8x128xf32, #tpu.memory_space<hbm>> -> memref<1x1x1x8x128xf32, #tpu.memory_space<hbm>>
        %dma_wait3A_1475 = tpu.memref_squeeze %dma_wait3A_1474 : memref<1x1x1x8x128xf32, #tpu.memory_space<hbm>> -> memref<8x128xf32, #tpu.memory_space<hbm>>
        %dma_wait3A_1476 = arith.constant 0 : i32
        %dma_wait3A_1477 = arith.constant 384 : i32
        %dma_wait3A_1478 = tpu.memref_slice %arg13[%dma_wait3A_1476, %dma_wait3A_1477] : memref<32x513xf32, #tpu.memory_space<vmem>> -> memref<8x128xf32, #tpu.memory_space<vmem>>
        tpu.wait_dma2 semaphore(%arg17 : memref<!tpu.dma_semaphore, #tpu.memory_space<semaphore_mem>>) src(%dma_wait3A_1478 : memref<8x128xf32, #tpu.memory_space<vmem>>) dst(%dma_wait3A_1475 : memref<8x128xf32, #tpu.memory_space<hbm>>)
        %mul3A_1479 = arith.constant 4 : i32
        %mul3A_1480 = arith.muli %add3A, %mul3A_1479 : i32
        %add3A_1481 = arith.constant 0 : i32
        %add3A_1482 = arith.addi %mul3A_1480, %add3A_1481 : i32
        %dma_wait3A_1483 = arith.constant 1 : i32
        %dma_wait3A_1484 = arith.constant 8 : i32
        %dma_wait3A_1485 = arith.constant 0 : i32
        %dma_wait3A_1486 = tpu.memref_slice %arg13[%dma_wait3A_1484, %dma_wait3A_1485] : memref<32x513xf32, #tpu.memory_space<vmem>> -> memref<8x128xf32, #tpu.memory_space<vmem>>
        %dma_wait3A_1487 = arith.constant 0 : i32
        %dma_wait3A_1488 = arith.constant 0 : i32
        %dma_wait3A_1489 = tpu.memref_slice %arg5[%sub3A_1402, %dma_wait3A_1483, %add3A_1482, %dma_wait3A_1487, %dma_wait3A_1488] : memref<26x4x128x8x128xf32, #tpu.memory_space<hbm>> -> memref<1x1x1x8x128xf32, #tpu.memory_space<hbm>>
        %dma_wait3A_1490 = tpu.memref_squeeze %dma_wait3A_1489 : memref<1x1x1x8x128xf32, #tpu.memory_space<hbm>> -> memref<8x128xf32, #tpu.memory_space<hbm>>
        %dma_wait3A_1491 = arith.constant 0 : i32
        %dma_wait3A_1492 = arith.constant 0 : i32
        %dma_wait3A_1493 = tpu.memref_slice %arg5[%sub3A_1402, %dma_wait3A_1483, %add3A_1482, %dma_wait3A_1491, %dma_wait3A_1492] : memref<26x4x128x8x128xf32, #tpu.memory_space<hbm>> -> memref<1x1x1x8x128xf32, #tpu.memory_space<hbm>>
        %dma_wait3A_1494 = tpu.memref_squeeze %dma_wait3A_1493 : memref<1x1x1x8x128xf32, #tpu.memory_space<hbm>> -> memref<8x128xf32, #tpu.memory_space<hbm>>
        %dma_wait3A_1495 = arith.constant 8 : i32
        %dma_wait3A_1496 = arith.constant 0 : i32
        %dma_wait3A_1497 = tpu.memref_slice %arg13[%dma_wait3A_1495, %dma_wait3A_1496] : memref<32x513xf32, #tpu.memory_space<vmem>> -> memref<8x128xf32, #tpu.memory_space<vmem>>
        tpu.wait_dma2 semaphore(%arg17 : memref<!tpu.dma_semaphore, #tpu.memory_space<semaphore_mem>>) src(%dma_wait3A_1497 : memref<8x128xf32, #tpu.memory_space<vmem>>) dst(%dma_wait3A_1494 : memref<8x128xf32, #tpu.memory_space<hbm>>)
        %mul3A_1498 = arith.constant 4 : i32
        %mul3A_1499 = arith.muli %add3A, %mul3A_1498 : i32
        %add3A_1500 = arith.constant 1 : i32
        %add3A_1501 = arith.addi %mul3A_1499, %add3A_1500 : i32
        %dma_wait3A_1502 = arith.constant 1 : i32
        %dma_wait3A_1503 = arith.constant 8 : i32
        %dma_wait3A_1504 = arith.constant 128 : i32
        %dma_wait3A_1505 = tpu.memref_slice %arg13[%dma_wait3A_1503, %dma_wait3A_1504] : memref<32x513xf32, #tpu.memory_space<vmem>> -> memref<8x128xf32, #tpu.memory_space<vmem>>
        %dma_wait3A_1506 = arith.constant 0 : i32
        %dma_wait3A_1507 = arith.constant 0 : i32
        %dma_wait3A_1508 = tpu.memref_slice %arg5[%sub3A_1402, %dma_wait3A_1502, %add3A_1501, %dma_wait3A_1506, %dma_wait3A_1507] : memref<26x4x128x8x128xf32, #tpu.memory_space<hbm>> -> memref<1x1x1x8x128xf32, #tpu.memory_space<hbm>>
        %dma_wait3A_1509 = tpu.memref_squeeze %dma_wait3A_1508 : memref<1x1x1x8x128xf32, #tpu.memory_space<hbm>> -> memref<8x128xf32, #tpu.memory_space<hbm>>
        %dma_wait3A_1510 = arith.constant 0 : i32
        %dma_wait3A_1511 = arith.constant 0 : i32
        %dma_wait3A_1512 = tpu.memref_slice %arg5[%sub3A_1402, %dma_wait3A_1502, %add3A_1501, %dma_wait3A_1510, %dma_wait3A_1511] : memref<26x4x128x8x128xf32, #tpu.memory_space<hbm>> -> memref<1x1x1x8x128xf32, #tpu.memory_space<hbm>>
        %dma_wait3A_1513 = tpu.memref_squeeze %dma_wait3A_1512 : memref<1x1x1x8x128xf32, #tpu.memory_space<hbm>> -> memref<8x128xf32, #tpu.memory_space<hbm>>
        %dma_wait3A_1514 = arith.constant 8 : i32
        %dma_wait3A_1515 = arith.constant 128 : i32
        %dma_wait3A_1516 = tpu.memref_slice %arg13[%dma_wait3A_1514, %dma_wait3A_1515] : memref<32x513xf32, #tpu.memory_space<vmem>> -> memref<8x128xf32, #tpu.memory_space<vmem>>
        tpu.wait_dma2 semaphore(%arg17 : memref<!tpu.dma_semaphore, #tpu.memory_space<semaphore_mem>>) src(%dma_wait3A_1516 : memref<8x128xf32, #tpu.memory_space<vmem>>) dst(%dma_wait3A_1513 : memref<8x128xf32, #tpu.memory_space<hbm>>)
        %mul3A_1517 = arith.constant 4 : i32
        %mul3A_1518 = arith.muli %add3A, %mul3A_1517 : i32
        %add3A_1519 = arith.constant 2 : i32
        %add3A_1520 = arith.addi %mul3A_1518, %add3A_1519 : i32
        %dma_wait3A_1521 = arith.constant 1 : i32
        %dma_wait3A_1522 = arith.constant 8 : i32
        %dma_wait3A_1523 = arith.constant 256 : i32
        %dma_wait3A_1524 = tpu.memref_slice %arg13[%dma_wait3A_1522, %dma_wait3A_1523] : memref<32x513xf32, #tpu.memory_space<vmem>> -> memref<8x128xf32, #tpu.memory_space<vmem>>
        %dma_wait3A_1525 = arith.constant 0 : i32
        %dma_wait3A_1526 = arith.constant 0 : i32
        %dma_wait3A_1527 = tpu.memref_slice %arg5[%sub3A_1402, %dma_wait3A_1521, %add3A_1520, %dma_wait3A_1525, %dma_wait3A_1526] : memref<26x4x128x8x128xf32, #tpu.memory_space<hbm>> -> memref<1x1x1x8x128xf32, #tpu.memory_space<hbm>>
        %dma_wait3A_1528 = tpu.memref_squeeze %dma_wait3A_1527 : memref<1x1x1x8x128xf32, #tpu.memory_space<hbm>> -> memref<8x128xf32, #tpu.memory_space<hbm>>
        %dma_wait3A_1529 = arith.constant 0 : i32
        %dma_wait3A_1530 = arith.constant 0 : i32
        %dma_wait3A_1531 = tpu.memref_slice %arg5[%sub3A_1402, %dma_wait3A_1521, %add3A_1520, %dma_wait3A_1529, %dma_wait3A_1530] : memref<26x4x128x8x128xf32, #tpu.memory_space<hbm>> -> memref<1x1x1x8x128xf32, #tpu.memory_space<hbm>>
        %dma_wait3A_1532 = tpu.memref_squeeze %dma_wait3A_1531 : memref<1x1x1x8x128xf32, #tpu.memory_space<hbm>> -> memref<8x128xf32, #tpu.memory_space<hbm>>
        %dma_wait3A_1533 = arith.constant 8 : i32
        %dma_wait3A_1534 = arith.constant 256 : i32
        %dma_wait3A_1535 = tpu.memref_slice %arg13[%dma_wait3A_1533, %dma_wait3A_1534] : memref<32x513xf32, #tpu.memory_space<vmem>> -> memref<8x128xf32, #tpu.memory_space<vmem>>
        tpu.wait_dma2 semaphore(%arg17 : memref<!tpu.dma_semaphore, #tpu.memory_space<semaphore_mem>>) src(%dma_wait3A_1535 : memref<8x128xf32, #tpu.memory_space<vmem>>) dst(%dma_wait3A_1532 : memref<8x128xf32, #tpu.memory_space<hbm>>)
        %mul3A_1536 = arith.constant 4 : i32
        %mul3A_1537 = arith.muli %add3A, %mul3A_1536 : i32
        %add3A_1538 = arith.constant 3 : i32
        %add3A_1539 = arith.addi %mul3A_1537, %add3A_1538 : i32
        %dma_wait3A_1540 = arith.constant 1 : i32
        %dma_wait3A_1541 = arith.constant 8 : i32
        %dma_wait3A_1542 = arith.constant 384 : i32
        %dma_wait3A_1543 = tpu.memref_slice %arg13[%dma_wait3A_1541, %dma_wait3A_1542] : memref<32x513xf32, #tpu.memory_space<vmem>> -> memref<8x128xf32, #tpu.memory_space<vmem>>
        %dma_wait3A_1544 = arith.constant 0 : i32
        %dma_wait3A_1545 = arith.constant 0 : i32
        %dma_wait3A_1546 = tpu.memref_slice %arg5[%sub3A_1402, %dma_wait3A_1540, %add3A_1539, %dma_wait3A_1544, %dma_wait3A_1545] : memref<26x4x128x8x128xf32, #tpu.memory_space<hbm>> -> memref<1x1x1x8x128xf32, #tpu.memory_space<hbm>>
        %dma_wait3A_1547 = tpu.memref_squeeze %dma_wait3A_1546 : memref<1x1x1x8x128xf32, #tpu.memory_space<hbm>> -> memref<8x128xf32, #tpu.memory_space<hbm>>
        %dma_wait3A_1548 = arith.constant 0 : i32
        %dma_wait3A_1549 = arith.constant 0 : i32
        %dma_wait3A_1550 = tpu.memref_slice %arg5[%sub3A_1402, %dma_wait3A_1540, %add3A_1539, %dma_wait3A_1548, %dma_wait3A_1549] : memref<26x4x128x8x128xf32, #tpu.memory_space<hbm>> -> memref<1x1x1x8x128xf32, #tpu.memory_space<hbm>>
        %dma_wait3A_1551 = tpu.memref_squeeze %dma_wait3A_1550 : memref<1x1x1x8x128xf32, #tpu.memory_space<hbm>> -> memref<8x128xf32, #tpu.memory_space<hbm>>
        %dma_wait3A_1552 = arith.constant 8 : i32
        %dma_wait3A_1553 = arith.constant 384 : i32
        %dma_wait3A_1554 = tpu.memref_slice %arg13[%dma_wait3A_1552, %dma_wait3A_1553] : memref<32x513xf32, #tpu.memory_space<vmem>> -> memref<8x128xf32, #tpu.memory_space<vmem>>
        tpu.wait_dma2 semaphore(%arg17 : memref<!tpu.dma_semaphore, #tpu.memory_space<semaphore_mem>>) src(%dma_wait3A_1554 : memref<8x128xf32, #tpu.memory_space<vmem>>) dst(%dma_wait3A_1551 : memref<8x128xf32, #tpu.memory_space<hbm>>)
        %mul3A_1555 = arith.constant 4 : i32
        %mul3A_1556 = arith.muli %add3A, %mul3A_1555 : i32
        %add3A_1557 = arith.constant 0 : i32
        %add3A_1558 = arith.addi %mul3A_1556, %add3A_1557 : i32
        %dma_wait3A_1559 = arith.constant 2 : i32
        %dma_wait3A_1560 = arith.constant 16 : i32
        %dma_wait3A_1561 = arith.constant 0 : i32
        %dma_wait3A_1562 = tpu.memref_slice %arg13[%dma_wait3A_1560, %dma_wait3A_1561] : memref<32x513xf32, #tpu.memory_space<vmem>> -> memref<8x128xf32, #tpu.memory_space<vmem>>
        %dma_wait3A_1563 = arith.constant 0 : i32
        %dma_wait3A_1564 = arith.constant 0 : i32
        %dma_wait3A_1565 = tpu.memref_slice %arg5[%sub3A_1402, %dma_wait3A_1559, %add3A_1558, %dma_wait3A_1563, %dma_wait3A_1564] : memref<26x4x128x8x128xf32, #tpu.memory_space<hbm>> -> memref<1x1x1x8x128xf32, #tpu.memory_space<hbm>>
        %dma_wait3A_1566 = tpu.memref_squeeze %dma_wait3A_1565 : memref<1x1x1x8x128xf32, #tpu.memory_space<hbm>> -> memref<8x128xf32, #tpu.memory_space<hbm>>
        %dma_wait3A_1567 = arith.constant 0 : i32
        %dma_wait3A_1568 = arith.constant 0 : i32
        %dma_wait3A_1569 = tpu.memref_slice %arg5[%sub3A_1402, %dma_wait3A_1559, %add3A_1558, %dma_wait3A_1567, %dma_wait3A_1568] : memref<26x4x128x8x128xf32, #tpu.memory_space<hbm>> -> memref<1x1x1x8x128xf32, #tpu.memory_space<hbm>>
        %dma_wait3A_1570 = tpu.memref_squeeze %dma_wait3A_1569 : memref<1x1x1x8x128xf32, #tpu.memory_space<hbm>> -> memref<8x128xf32, #tpu.memory_space<hbm>>
        %dma_wait3A_1571 = arith.constant 16 : i32
        %dma_wait3A_1572 = arith.constant 0 : i32
        %dma_wait3A_1573 = tpu.memref_slice %arg13[%dma_wait3A_1571, %dma_wait3A_1572] : memref<32x513xf32, #tpu.memory_space<vmem>> -> memref<8x128xf32, #tpu.memory_space<vmem>>
        tpu.wait_dma2 semaphore(%arg17 : memref<!tpu.dma_semaphore, #tpu.memory_space<semaphore_mem>>) src(%dma_wait3A_1573 : memref<8x128xf32, #tpu.memory_space<vmem>>) dst(%dma_wait3A_1570 : memref<8x128xf32, #tpu.memory_space<hbm>>)
        %mul3A_1574 = arith.constant 4 : i32
        %mul3A_1575 = arith.muli %add3A, %mul3A_1574 : i32
        %add3A_1576 = arith.constant 1 : i32
        %add3A_1577 = arith.addi %mul3A_1575, %add3A_1576 : i32
        %dma_wait3A_1578 = arith.constant 2 : i32
        %dma_wait3A_1579 = arith.constant 16 : i32
        %dma_wait3A_1580 = arith.constant 128 : i32
        %dma_wait3A_1581 = tpu.memref_slice %arg13[%dma_wait3A_1579, %dma_wait3A_1580] : memref<32x513xf32, #tpu.memory_space<vmem>> -> memref<8x128xf32, #tpu.memory_space<vmem>>
        %dma_wait3A_1582 = arith.constant 0 : i32
        %dma_wait3A_1583 = arith.constant 0 : i32
        %dma_wait3A_1584 = tpu.memref_slice %arg5[%sub3A_1402, %dma_wait3A_1578, %add3A_1577, %dma_wait3A_1582, %dma_wait3A_1583] : memref<26x4x128x8x128xf32, #tpu.memory_space<hbm>> -> memref<1x1x1x8x128xf32, #tpu.memory_space<hbm>>
        %dma_wait3A_1585 = tpu.memref_squeeze %dma_wait3A_1584 : memref<1x1x1x8x128xf32, #tpu.memory_space<hbm>> -> memref<8x128xf32, #tpu.memory_space<hbm>>
        %dma_wait3A_1586 = arith.constant 0 : i32
        %dma_wait3A_1587 = arith.constant 0 : i32
        %dma_wait3A_1588 = tpu.memref_slice %arg5[%sub3A_1402, %dma_wait3A_1578, %add3A_1577, %dma_wait3A_1586, %dma_wait3A_1587] : memref<26x4x128x8x128xf32, #tpu.memory_space<hbm>> -> memref<1x1x1x8x128xf32, #tpu.memory_space<hbm>>
        %dma_wait3A_1589 = tpu.memref_squeeze %dma_wait3A_1588 : memref<1x1x1x8x128xf32, #tpu.memory_space<hbm>> -> memref<8x128xf32, #tpu.memory_space<hbm>>
        %dma_wait3A_1590 = arith.constant 16 : i32
        %dma_wait3A_1591 = arith.constant 128 : i32
        %dma_wait3A_1592 = tpu.memref_slice %arg13[%dma_wait3A_1590, %dma_wait3A_1591] : memref<32x513xf32, #tpu.memory_space<vmem>> -> memref<8x128xf32, #tpu.memory_space<vmem>>
        tpu.wait_dma2 semaphore(%arg17 : memref<!tpu.dma_semaphore, #tpu.memory_space<semaphore_mem>>) src(%dma_wait3A_1592 : memref<8x128xf32, #tpu.memory_space<vmem>>) dst(%dma_wait3A_1589 : memref<8x128xf32, #tpu.memory_space<hbm>>)
        %mul3A_1593 = arith.constant 4 : i32
        %mul3A_1594 = arith.muli %add3A, %mul3A_1593 : i32
        %add3A_1595 = arith.constant 2 : i32
        %add3A_1596 = arith.addi %mul3A_1594, %add3A_1595 : i32
        %dma_wait3A_1597 = arith.constant 2 : i32
        %dma_wait3A_1598 = arith.constant 16 : i32
        %dma_wait3A_1599 = arith.constant 256 : i32
        %dma_wait3A_1600 = tpu.memref_slice %arg13[%dma_wait3A_1598, %dma_wait3A_1599] : memref<32x513xf32, #tpu.memory_space<vmem>> -> memref<8x128xf32, #tpu.memory_space<vmem>>
        %dma_wait3A_1601 = arith.constant 0 : i32
        %dma_wait3A_1602 = arith.constant 0 : i32
        %dma_wait3A_1603 = tpu.memref_slice %arg5[%sub3A_1402, %dma_wait3A_1597, %add3A_1596, %dma_wait3A_1601, %dma_wait3A_1602] : memref<26x4x128x8x128xf32, #tpu.memory_space<hbm>> -> memref<1x1x1x8x128xf32, #tpu.memory_space<hbm>>
        %dma_wait3A_1604 = tpu.memref_squeeze %dma_wait3A_1603 : memref<1x1x1x8x128xf32, #tpu.memory_space<hbm>> -> memref<8x128xf32, #tpu.memory_space<hbm>>
        %dma_wait3A_1605 = arith.constant 0 : i32
        %dma_wait3A_1606 = arith.constant 0 : i32
        %dma_wait3A_1607 = tpu.memref_slice %arg5[%sub3A_1402, %dma_wait3A_1597, %add3A_1596, %dma_wait3A_1605, %dma_wait3A_1606] : memref<26x4x128x8x128xf32, #tpu.memory_space<hbm>> -> memref<1x1x1x8x128xf32, #tpu.memory_space<hbm>>
        %dma_wait3A_1608 = tpu.memref_squeeze %dma_wait3A_1607 : memref<1x1x1x8x128xf32, #tpu.memory_space<hbm>> -> memref<8x128xf32, #tpu.memory_space<hbm>>
        %dma_wait3A_1609 = arith.constant 16 : i32
        %dma_wait3A_1610 = arith.constant 256 : i32
        %dma_wait3A_1611 = tpu.memref_slice %arg13[%dma_wait3A_1609, %dma_wait3A_1610] : memref<32x513xf32, #tpu.memory_space<vmem>> -> memref<8x128xf32, #tpu.memory_space<vmem>>
        tpu.wait_dma2 semaphore(%arg17 : memref<!tpu.dma_semaphore, #tpu.memory_space<semaphore_mem>>) src(%dma_wait3A_1611 : memref<8x128xf32, #tpu.memory_space<vmem>>) dst(%dma_wait3A_1608 : memref<8x128xf32, #tpu.memory_space<hbm>>)
        %mul3A_1612 = arith.constant 4 : i32
        %mul3A_1613 = arith.muli %add3A, %mul3A_1612 : i32
        %add3A_1614 = arith.constant 3 : i32
        %add3A_1615 = arith.addi %mul3A_1613, %add3A_1614 : i32
        %dma_wait3A_1616 = arith.constant 2 : i32
        %dma_wait3A_1617 = arith.constant 16 : i32
        %dma_wait3A_1618 = arith.constant 384 : i32
        %dma_wait3A_1619 = tpu.memref_slice %arg13[%dma_wait3A_1617, %dma_wait3A_1618] : memref<32x513xf32, #tpu.memory_space<vmem>> -> memref<8x128xf32, #tpu.memory_space<vmem>>
        %dma_wait3A_1620 = arith.constant 0 : i32
        %dma_wait3A_1621 = arith.constant 0 : i32
        %dma_wait3A_1622 = tpu.memref_slice %arg5[%sub3A_1402, %dma_wait3A_1616, %add3A_1615, %dma_wait3A_1620, %dma_wait3A_1621] : memref<26x4x128x8x128xf32, #tpu.memory_space<hbm>> -> memref<1x1x1x8x128xf32, #tpu.memory_space<hbm>>
        %dma_wait3A_1623 = tpu.memref_squeeze %dma_wait3A_1622 : memref<1x1x1x8x128xf32, #tpu.memory_space<hbm>> -> memref<8x128xf32, #tpu.memory_space<hbm>>
        %dma_wait3A_1624 = arith.constant 0 : i32
        %dma_wait3A_1625 = arith.constant 0 : i32
        %dma_wait3A_1626 = tpu.memref_slice %arg5[%sub3A_1402, %dma_wait3A_1616, %add3A_1615, %dma_wait3A_1624, %dma_wait3A_1625] : memref<26x4x128x8x128xf32, #tpu.memory_space<hbm>> -> memref<1x1x1x8x128xf32, #tpu.memory_space<hbm>>
        %dma_wait3A_1627 = tpu.memref_squeeze %dma_wait3A_1626 : memref<1x1x1x8x128xf32, #tpu.memory_space<hbm>> -> memref<8x128xf32, #tpu.memory_space<hbm>>
        %dma_wait3A_1628 = arith.constant 16 : i32
        %dma_wait3A_1629 = arith.constant 384 : i32
        %dma_wait3A_1630 = tpu.memref_slice %arg13[%dma_wait3A_1628, %dma_wait3A_1629] : memref<32x513xf32, #tpu.memory_space<vmem>> -> memref<8x128xf32, #tpu.memory_space<vmem>>
        tpu.wait_dma2 semaphore(%arg17 : memref<!tpu.dma_semaphore, #tpu.memory_space<semaphore_mem>>) src(%dma_wait3A_1630 : memref<8x128xf32, #tpu.memory_space<vmem>>) dst(%dma_wait3A_1627 : memref<8x128xf32, #tpu.memory_space<hbm>>)
        %mul3A_1631 = arith.constant 4 : i32
        %mul3A_1632 = arith.muli %add3A, %mul3A_1631 : i32
        %add3A_1633 = arith.constant 0 : i32
        %add3A_1634 = arith.addi %mul3A_1632, %add3A_1633 : i32
        %dma_wait3A_1635 = arith.constant 3 : i32
        %dma_wait3A_1636 = arith.constant 24 : i32
        %dma_wait3A_1637 = arith.constant 0 : i32
        %dma_wait3A_1638 = tpu.memref_slice %arg13[%dma_wait3A_1636, %dma_wait3A_1637] : memref<32x513xf32, #tpu.memory_space<vmem>> -> memref<8x128xf32, #tpu.memory_space<vmem>>
        %dma_wait3A_1639 = arith.constant 0 : i32
        %dma_wait3A_1640 = arith.constant 0 : i32
        %dma_wait3A_1641 = tpu.memref_slice %arg5[%sub3A_1402, %dma_wait3A_1635, %add3A_1634, %dma_wait3A_1639, %dma_wait3A_1640] : memref<26x4x128x8x128xf32, #tpu.memory_space<hbm>> -> memref<1x1x1x8x128xf32, #tpu.memory_space<hbm>>
        %dma_wait3A_1642 = tpu.memref_squeeze %dma_wait3A_1641 : memref<1x1x1x8x128xf32, #tpu.memory_space<hbm>> -> memref<8x128xf32, #tpu.memory_space<hbm>>
        %dma_wait3A_1643 = arith.constant 0 : i32
        %dma_wait3A_1644 = arith.constant 0 : i32
        %dma_wait3A_1645 = tpu.memref_slice %arg5[%sub3A_1402, %dma_wait3A_1635, %add3A_1634, %dma_wait3A_1643, %dma_wait3A_1644] : memref<26x4x128x8x128xf32, #tpu.memory_space<hbm>> -> memref<1x1x1x8x128xf32, #tpu.memory_space<hbm>>
        %dma_wait3A_1646 = tpu.memref_squeeze %dma_wait3A_1645 : memref<1x1x1x8x128xf32, #tpu.memory_space<hbm>> -> memref<8x128xf32, #tpu.memory_space<hbm>>
        %dma_wait3A_1647 = arith.constant 24 : i32
        %dma_wait3A_1648 = arith.constant 0 : i32
        %dma_wait3A_1649 = tpu.memref_slice %arg13[%dma_wait3A_1647, %dma_wait3A_1648] : memref<32x513xf32, #tpu.memory_space<vmem>> -> memref<8x128xf32, #tpu.memory_space<vmem>>
        tpu.wait_dma2 semaphore(%arg17 : memref<!tpu.dma_semaphore, #tpu.memory_space<semaphore_mem>>) src(%dma_wait3A_1649 : memref<8x128xf32, #tpu.memory_space<vmem>>) dst(%dma_wait3A_1646 : memref<8x128xf32, #tpu.memory_space<hbm>>)
        %mul3A_1650 = arith.constant 4 : i32
        %mul3A_1651 = arith.muli %add3A, %mul3A_1650 : i32
        %add3A_1652 = arith.constant 1 : i32
        %add3A_1653 = arith.addi %mul3A_1651, %add3A_1652 : i32
        %dma_wait3A_1654 = arith.constant 3 : i32
        %dma_wait3A_1655 = arith.constant 24 : i32
        %dma_wait3A_1656 = arith.constant 128 : i32
        %dma_wait3A_1657 = tpu.memref_slice %arg13[%dma_wait3A_1655, %dma_wait3A_1656] : memref<32x513xf32, #tpu.memory_space<vmem>> -> memref<8x128xf32, #tpu.memory_space<vmem>>
        %dma_wait3A_1658 = arith.constant 0 : i32
        %dma_wait3A_1659 = arith.constant 0 : i32
        %dma_wait3A_1660 = tpu.memref_slice %arg5[%sub3A_1402, %dma_wait3A_1654, %add3A_1653, %dma_wait3A_1658, %dma_wait3A_1659] : memref<26x4x128x8x128xf32, #tpu.memory_space<hbm>> -> memref<1x1x1x8x128xf32, #tpu.memory_space<hbm>>
        %dma_wait3A_1661 = tpu.memref_squeeze %dma_wait3A_1660 : memref<1x1x1x8x128xf32, #tpu.memory_space<hbm>> -> memref<8x128xf32, #tpu.memory_space<hbm>>
        %dma_wait3A_1662 = arith.constant 0 : i32
        %dma_wait3A_1663 = arith.constant 0 : i32
        %dma_wait3A_1664 = tpu.memref_slice %arg5[%sub3A_1402, %dma_wait3A_1654, %add3A_1653, %dma_wait3A_1662, %dma_wait3A_1663] : memref<26x4x128x8x128xf32, #tpu.memory_space<hbm>> -> memref<1x1x1x8x128xf32, #tpu.memory_space<hbm>>
        %dma_wait3A_1665 = tpu.memref_squeeze %dma_wait3A_1664 : memref<1x1x1x8x128xf32, #tpu.memory_space<hbm>> -> memref<8x128xf32, #tpu.memory_space<hbm>>
        %dma_wait3A_1666 = arith.constant 24 : i32
        %dma_wait3A_1667 = arith.constant 128 : i32
        %dma_wait3A_1668 = tpu.memref_slice %arg13[%dma_wait3A_1666, %dma_wait3A_1667] : memref<32x513xf32, #tpu.memory_space<vmem>> -> memref<8x128xf32, #tpu.memory_space<vmem>>
        tpu.wait_dma2 semaphore(%arg17 : memref<!tpu.dma_semaphore, #tpu.memory_space<semaphore_mem>>) src(%dma_wait3A_1668 : memref<8x128xf32, #tpu.memory_space<vmem>>) dst(%dma_wait3A_1665 : memref<8x128xf32, #tpu.memory_space<hbm>>)
        %mul3A_1669 = arith.constant 4 : i32
        %mul3A_1670 = arith.muli %add3A, %mul3A_1669 : i32
        %add3A_1671 = arith.constant 2 : i32
        %add3A_1672 = arith.addi %mul3A_1670, %add3A_1671 : i32
        %dma_wait3A_1673 = arith.constant 3 : i32
        %dma_wait3A_1674 = arith.constant 24 : i32
        %dma_wait3A_1675 = arith.constant 256 : i32
        %dma_wait3A_1676 = tpu.memref_slice %arg13[%dma_wait3A_1674, %dma_wait3A_1675] : memref<32x513xf32, #tpu.memory_space<vmem>> -> memref<8x128xf32, #tpu.memory_space<vmem>>
        %dma_wait3A_1677 = arith.constant 0 : i32
        %dma_wait3A_1678 = arith.constant 0 : i32
        %dma_wait3A_1679 = tpu.memref_slice %arg5[%sub3A_1402, %dma_wait3A_1673, %add3A_1672, %dma_wait3A_1677, %dma_wait3A_1678] : memref<26x4x128x8x128xf32, #tpu.memory_space<hbm>> -> memref<1x1x1x8x128xf32, #tpu.memory_space<hbm>>
        %dma_wait3A_1680 = tpu.memref_squeeze %dma_wait3A_1679 : memref<1x1x1x8x128xf32, #tpu.memory_space<hbm>> -> memref<8x128xf32, #tpu.memory_space<hbm>>
        %dma_wait3A_1681 = arith.constant 0 : i32
        %dma_wait3A_1682 = arith.constant 0 : i32
        %dma_wait3A_1683 = tpu.memref_slice %arg5[%sub3A_1402, %dma_wait3A_1673, %add3A_1672, %dma_wait3A_1681, %dma_wait3A_1682] : memref<26x4x128x8x128xf32, #tpu.memory_space<hbm>> -> memref<1x1x1x8x128xf32, #tpu.memory_space<hbm>>
        %dma_wait3A_1684 = tpu.memref_squeeze %dma_wait3A_1683 : memref<1x1x1x8x128xf32, #tpu.memory_space<hbm>> -> memref<8x128xf32, #tpu.memory_space<hbm>>
        %dma_wait3A_1685 = arith.constant 24 : i32
        %dma_wait3A_1686 = arith.constant 256 : i32
        %dma_wait3A_1687 = tpu.memref_slice %arg13[%dma_wait3A_1685, %dma_wait3A_1686] : memref<32x513xf32, #tpu.memory_space<vmem>> -> memref<8x128xf32, #tpu.memory_space<vmem>>
        tpu.wait_dma2 semaphore(%arg17 : memref<!tpu.dma_semaphore, #tpu.memory_space<semaphore_mem>>) src(%dma_wait3A_1687 : memref<8x128xf32, #tpu.memory_space<vmem>>) dst(%dma_wait3A_1684 : memref<8x128xf32, #tpu.memory_space<hbm>>)
        %mul3A_1688 = arith.constant 4 : i32
        %mul3A_1689 = arith.muli %add3A, %mul3A_1688 : i32
        %add3A_1690 = arith.constant 3 : i32
        %add3A_1691 = arith.addi %mul3A_1689, %add3A_1690 : i32
        %dma_wait3A_1692 = arith.constant 3 : i32
        %dma_wait3A_1693 = arith.constant 24 : i32
        %dma_wait3A_1694 = arith.constant 384 : i32
        %dma_wait3A_1695 = tpu.memref_slice %arg13[%dma_wait3A_1693, %dma_wait3A_1694] : memref<32x513xf32, #tpu.memory_space<vmem>> -> memref<8x128xf32, #tpu.memory_space<vmem>>
        %dma_wait3A_1696 = arith.constant 0 : i32
        %dma_wait3A_1697 = arith.constant 0 : i32
        %dma_wait3A_1698 = tpu.memref_slice %arg5[%sub3A_1402, %dma_wait3A_1692, %add3A_1691, %dma_wait3A_1696, %dma_wait3A_1697] : memref<26x4x128x8x128xf32, #tpu.memory_space<hbm>> -> memref<1x1x1x8x128xf32, #tpu.memory_space<hbm>>
        %dma_wait3A_1699 = tpu.memref_squeeze %dma_wait3A_1698 : memref<1x1x1x8x128xf32, #tpu.memory_space<hbm>> -> memref<8x128xf32, #tpu.memory_space<hbm>>
        %dma_wait3A_1700 = arith.constant 0 : i32
        %dma_wait3A_1701 = arith.constant 0 : i32
        %dma_wait3A_1702 = tpu.memref_slice %arg5[%sub3A_1402, %dma_wait3A_1692, %add3A_1691, %dma_wait3A_1700, %dma_wait3A_1701] : memref<26x4x128x8x128xf32, #tpu.memory_space<hbm>> -> memref<1x1x1x8x128xf32, #tpu.memory_space<hbm>>
        %dma_wait3A_1703 = tpu.memref_squeeze %dma_wait3A_1702 : memref<1x1x1x8x128xf32, #tpu.memory_space<hbm>> -> memref<8x128xf32, #tpu.memory_space<hbm>>
        %dma_wait3A_1704 = arith.constant 24 : i32
        %dma_wait3A_1705 = arith.constant 384 : i32
        %dma_wait3A_1706 = tpu.memref_slice %arg13[%dma_wait3A_1704, %dma_wait3A_1705] : memref<32x513xf32, #tpu.memory_space<vmem>> -> memref<8x128xf32, #tpu.memory_space<vmem>>
        tpu.wait_dma2 semaphore(%arg17 : memref<!tpu.dma_semaphore, #tpu.memory_space<semaphore_mem>>) src(%dma_wait3A_1706 : memref<8x128xf32, #tpu.memory_space<vmem>>) dst(%dma_wait3A_1703 : memref<8x128xf32, #tpu.memory_space<hbm>>)
      } else {
      }
      %scan3A_705 = arith.constant 0 : i32
      %scan3A_706 = arith.constant 0 : i32
      %scan3A_707 = arith.constant 4 : i32
      %scan3A_708 = arith.addi %scan3A_706, %scan3A_707 : i32
      %scan3A_709 = arith.constant 1 : i32
      %scan3A_710 = scf.for %scan3A_1402 = %scan3A_706 to %scan3A_708 step %scan3A_709 iter_args(%scan3A_1403 = %scan3A_705) -> (i32)  : i32 {
        %mul3A_1404 = arith.constant 128 : i32
        %mul3A_1405 = arith.muli %scan3A_1402, %mul3A_1404 : i32
        %add3A_1406 = arith.constant 0 : i32
        %add3A_1407 = arith.addi %mul3A_1405, %add3A_1406 : i32
        %add3A_1408 = vector.broadcast %add3A_1407 : i32 to vector<16xi32>
        %add3A_1409 = arith.addi %add3A_1408, %iota3A : vector<16xi32>
        %broadcast_in_dim3A = vector.broadcast %add3A_702 : i32 to vector<16xi32>
        %gather3A = tpu.vector_load_idx %arg6[%add3A_1409, %broadcast_in_dim3A] : memref<512x26xi32, #tpu.memory_space<vmem>>[vector<16xi32>, vector<16xi32>], vector<16xi32>,
        %swap3A = arith.index_cast %scan3A_1402 : i32 to index
        %swap3A_1410 = arith.constant 0 : index
        %swap3A_1411 = tpu.vector_load %arg9[%swap3A, %swap3A_1410] {strides = array<i32>} : memref<4x128xi32, #tpu.memory_space<vmem>>, vector<16xi32>,
        tpu.vector_store %arg9[%swap3A, %swap3A_1410], %gather3A {strides = array<i32>} : memref<4x128xi32, #tpu.memory_space<vmem>>, vector<16xi32>,
        %mul3A_1412 = arith.constant 128 : i32
        %mul3A_1413 = arith.muli %scan3A_1402, %mul3A_1412 : i32
        %add3A_1414 = arith.constant 16 : i32
        %add3A_1415 = arith.addi %mul3A_1413, %add3A_1414 : i32
        %add3A_1416 = vector.broadcast %add3A_1415 : i32 to vector<16xi32>
        %add3A_1417 = arith.addi %add3A_1416, %iota3A : vector<16xi32>
        %broadcast_in_dim3A_1418 = vector.broadcast %add3A_702 : i32 to vector<16xi32>
        %gather3A_1419 = tpu.vector_load_idx %arg6[%add3A_1417, %broadcast_in_dim3A_1418] : memref<512x26xi32, #tpu.memory_space<vmem>>[vector<16xi32>, vector<16xi32>], vector<16xi32>,
        %swap3A_1420 = arith.index_cast %scan3A_1402 : i32 to index
        %swap3A_1421 = arith.constant 16 : index
        %swap3A_1422 = tpu.vector_load %arg9[%swap3A_1420, %swap3A_1421] {strides = array<i32>} : memref<4x128xi32, #tpu.memory_space<vmem>>, vector<16xi32>,
        tpu.vector_store %arg9[%swap3A_1420, %swap3A_1421], %gather3A_1419 {strides = array<i32>} : memref<4x128xi32, #tpu.memory_space<vmem>>, vector<16xi32>,
        %mul3A_1423 = arith.constant 128 : i32
        %mul3A_1424 = arith.muli %scan3A_1402, %mul3A_1423 : i32
        %add3A_1425 = arith.constant 32 : i32
        %add3A_1426 = arith.addi %mul3A_1424, %add3A_1425 : i32
        %add3A_1427 = vector.broadcast %add3A_1426 : i32 to vector<16xi32>
        %add3A_1428 = arith.addi %add3A_1427, %iota3A : vector<16xi32>
        %broadcast_in_dim3A_1429 = vector.broadcast %add3A_702 : i32 to vector<16xi32>
        %gather3A_1430 = tpu.vector_load_idx %arg6[%add3A_1428, %broadcast_in_dim3A_1429] : memref<512x26xi32, #tpu.memory_space<vmem>>[vector<16xi32>, vector<16xi32>], vector<16xi32>,
        %swap3A_1431 = arith.index_cast %scan3A_1402 : i32 to index
        %swap3A_1432 = arith.constant 32 : index
        %swap3A_1433 = tpu.vector_load %arg9[%swap3A_1431, %swap3A_1432] {strides = array<i32>} : memref<4x128xi32, #tpu.memory_space<vmem>>, vector<16xi32>,
        tpu.vector_store %arg9[%swap3A_1431, %swap3A_1432], %gather3A_1430 {strides = array<i32>} : memref<4x128xi32, #tpu.memory_space<vmem>>, vector<16xi32>,
        %mul3A_1434 = arith.constant 128 : i32
        %mul3A_1435 = arith.muli %scan3A_1402, %mul3A_1434 : i32
        %add3A_1436 = arith.constant 48 : i32
        %add3A_1437 = arith.addi %mul3A_1435, %add3A_1436 : i32
        %add3A_1438 = vector.broadcast %add3A_1437 : i32 to vector<16xi32>
        %add3A_1439 = arith.addi %add3A_1438, %iota3A : vector<16xi32>
        %broadcast_in_dim3A_1440 = vector.broadcast %add3A_702 : i32 to vector<16xi32>
        %gather3A_1441 = tpu.vector_load_idx %arg6[%add3A_1439, %broadcast_in_dim3A_1440] : memref<512x26xi32, #tpu.memory_space<vmem>>[vector<16xi32>, vector<16xi32>], vector<16xi32>,
        %swap3A_1442 = arith.index_cast %scan3A_1402 : i32 to index
        %swap3A_1443 = arith.constant 48 : index
        %swap3A_1444 = tpu.vector_load %arg9[%swap3A_1442, %swap3A_1443] {strides = array<i32>} : memref<4x128xi32, #tpu.memory_space<vmem>>, vector<16xi32>,
        tpu.vector_store %arg9[%swap3A_1442, %swap3A_1443], %gather3A_1441 {strides = array<i32>} : memref<4x128xi32, #tpu.memory_space<vmem>>, vector<16xi32>,
        %mul3A_1445 = arith.constant 128 : i32
        %mul3A_1446 = arith.muli %scan3A_1402, %mul3A_1445 : i32
        %add3A_1447 = arith.constant 64 : i32
        %add3A_1448 = arith.addi %mul3A_1446, %add3A_1447 : i32
        %add3A_1449 = vector.broadcast %add3A_1448 : i32 to vector<16xi32>
        %add3A_1450 = arith.addi %add3A_1449, %iota3A : vector<16xi32>
        %broadcast_in_dim3A_1451 = vector.broadcast %add3A_702 : i32 to vector<16xi32>
        %gather3A_1452 = tpu.vector_load_idx %arg6[%add3A_1450, %broadcast_in_dim3A_1451] : memref<512x26xi32, #tpu.memory_space<vmem>>[vector<16xi32>, vector<16xi32>], vector<16xi32>,
        %swap3A_1453 = arith.index_cast %scan3A_1402 : i32 to index
        %swap3A_1454 = arith.constant 64 : index
        %swap3A_1455 = tpu.vector_load %arg9[%swap3A_1453, %swap3A_1454] {strides = array<i32>} : memref<4x128xi32, #tpu.memory_space<vmem>>, vector<16xi32>,
        tpu.vector_store %arg9[%swap3A_1453, %swap3A_1454], %gather3A_1452 {strides = array<i32>} : memref<4x128xi32, #tpu.memory_space<vmem>>, vector<16xi32>,
        %mul3A_1456 = arith.constant 128 : i32
        %mul3A_1457 = arith.muli %scan3A_1402, %mul3A_1456 : i32
        %add3A_1458 = arith.constant 80 : i32
        %add3A_1459 = arith.addi %mul3A_1457, %add3A_1458 : i32
        %add3A_1460 = vector.broadcast %add3A_1459 : i32 to vector<16xi32>
        %add3A_1461 = arith.addi %add3A_1460, %iota3A : vector<16xi32>
        %broadcast_in_dim3A_1462 = vector.broadcast %add3A_702 : i32 to vector<16xi32>
        %gather3A_1463 = tpu.vector_load_idx %arg6[%add3A_1461, %broadcast_in_dim3A_1462] : memref<512x26xi32, #tpu.memory_space<vmem>>[vector<16xi32>, vector<16xi32>], vector<16xi32>,
        %swap3A_1464 = arith.index_cast %scan3A_1402 : i32 to index
        %swap3A_1465 = arith.constant 80 : index
        %swap3A_1466 = tpu.vector_load %arg9[%swap3A_1464, %swap3A_1465] {strides = array<i32>} : memref<4x128xi32, #tpu.memory_space<vmem>>, vector<16xi32>,
        tpu.vector_store %arg9[%swap3A_1464, %swap3A_1465], %gather3A_1463 {strides = array<i32>} : memref<4x128xi32, #tpu.memory_space<vmem>>, vector<16xi32>,
        %mul3A_1467 = arith.constant 128 : i32
        %mul3A_1468 = arith.muli %scan3A_1402, %mul3A_1467 : i32
        %add3A_1469 = arith.constant 96 : i32
        %add3A_1470 = arith.addi %mul3A_1468, %add3A_1469 : i32
        %add3A_1471 = vector.broadcast %add3A_1470 : i32 to vector<16xi32>
        %add3A_1472 = arith.addi %add3A_1471, %iota3A : vector<16xi32>
        %broadcast_in_dim3A_1473 = vector.broadcast %add3A_702 : i32 to vector<16xi32>
        %gather3A_1474 = tpu.vector_load_idx %arg6[%add3A_1472, %broadcast_in_dim3A_1473] : memref<512x26xi32, #tpu.memory_space<vmem>>[vector<16xi32>, vector<16xi32>], vector<16xi32>,
        %swap3A_1475 = arith.index_cast %scan3A_1402 : i32 to index
        %swap3A_1476 = arith.constant 96 : index
        %swap3A_1477 = tpu.vector_load %arg9[%swap3A_1475, %swap3A_1476] {strides = array<i32>} : memref<4x128xi32, #tpu.memory_space<vmem>>, vector<16xi32>,
        tpu.vector_store %arg9[%swap3A_1475, %swap3A_1476], %gather3A_1474 {strides = array<i32>} : memref<4x128xi32, #tpu.memory_space<vmem>>, vector<16xi32>,
        %mul3A_1478 = arith.constant 128 : i32
        %mul3A_1479 = arith.muli %scan3A_1402, %mul3A_1478 : i32
        %add3A_1480 = arith.constant 112 : i32
        %add3A_1481 = arith.addi %mul3A_1479, %add3A_1480 : i32
        %add3A_1482 = vector.broadcast %add3A_1481 : i32 to vector<16xi32>
        %add3A_1483 = arith.addi %add3A_1482, %iota3A : vector<16xi32>
        %broadcast_in_dim3A_1484 = vector.broadcast %add3A_702 : i32 to vector<16xi32>
        %gather3A_1485 = tpu.vector_load_idx %arg6[%add3A_1483, %broadcast_in_dim3A_1484] : memref<512x26xi32, #tpu.memory_space<vmem>>[vector<16xi32>, vector<16xi32>], vector<16xi32>,
        %swap3A_1486 = arith.index_cast %scan3A_1402 : i32 to index
        %swap3A_1487 = arith.constant 112 : index
        %swap3A_1488 = tpu.vector_load %arg9[%swap3A_1486, %swap3A_1487] {strides = array<i32>} : memref<4x128xi32, #tpu.memory_space<vmem>>, vector<16xi32>,
        tpu.vector_store %arg9[%swap3A_1486, %swap3A_1487], %gather3A_1485 {strides = array<i32>} : memref<4x128xi32, #tpu.memory_space<vmem>>, vector<16xi32>,
        %scan3A_1489 = arith.constant 0 : i32
        scf.yield %scan3A_1489 : i32
      }
      %scan3A_711 = arith.constant 4 : i32
      %dma_start3A_712 = arith.constant 0 : i32
      %dma_start3A_713 = arith.constant 0 : i32
      %dma_start3A_714 = arith.constant 0 : i32
      %dma_start3A_715 = tpu.memref_slice %arg11[%dma_start3A_713, %dma_start3A_714] : memref<512x32xf32, #tpu.memory_space<vmem>> -> memref<128x32xf32, #tpu.memory_space<vmem>>
      %dma_start3A_716 = arith.constant 0 : i32
      %dma_start3A_717 = tpu.memref_slice %arg9[%dma_start3A_712, %dma_start3A_716] : memref<4x128xi32, #tpu.memory_space<vmem>> -> memref<1x128xi32, #tpu.memory_space<vmem>>
      %dma_start3A_718 = tpu.memref_squeeze %dma_start3A_717 : memref<1x128xi32, #tpu.memory_space<vmem>> -> memref<128xi32, #tpu.memory_space<vmem>>
      %dma_start3A_719 = arith.constant 0 : i32
      %dma_start3A_720 = arith.constant 0 : i32
      %dma_start3A_721 = tpu.memref_slice %arg2[%dma_start3A_719, %dma_start3A_720] : memref<999987x32xf32, #tpu.memory_space<hbm>> -> memref<999987x32xf32, #tpu.memory_space<hbm>>
      tpu.enqueue_indirect_dma source(%dma_start3A_721 : memref<999987x32xf32, #tpu.memory_space<hbm>>) target(%dma_start3A_715 : memref<128x32xf32, #tpu.memory_space<vmem>>) offsets(%dma_start3A_718 : memref<128xi32, #tpu.memory_space<vmem>>) semaphore(%arg15 : memref<!tpu.dma_semaphore, #tpu.memory_space<semaphore_mem>>)
      %dma_start3A_722 = arith.constant 1 : i32
      %dma_start3A_723 = arith.constant 128 : i32
      %dma_start3A_724 = arith.constant 0 : i32
      %dma_start3A_725 = tpu.memref_slice %arg11[%dma_start3A_723, %dma_start3A_724] : memref<512x32xf32, #tpu.memory_space<vmem>> -> memref<128x32xf32, #tpu.memory_space<vmem>>
      %dma_start3A_726 = arith.constant 0 : i32
      %dma_start3A_727 = tpu.memref_slice %arg9[%dma_start3A_722, %dma_start3A_726] : memref<4x128xi32, #tpu.memory_space<vmem>> -> memref<1x128xi32, #tpu.memory_space<vmem>>
      %dma_start3A_728 = tpu.memref_squeeze %dma_start3A_727 : memref<1x128xi32, #tpu.memory_space<vmem>> -> memref<128xi32, #tpu.memory_space<vmem>>
      %dma_start3A_729 = arith.constant 0 : i32
      %dma_start3A_730 = arith.constant 0 : i32
      %dma_start3A_731 = tpu.memref_slice %arg2[%dma_start3A_729, %dma_start3A_730] : memref<999987x32xf32, #tpu.memory_space<hbm>> -> memref<999987x32xf32, #tpu.memory_space<hbm>>
      tpu.enqueue_indirect_dma source(%dma_start3A_731 : memref<999987x32xf32, #tpu.memory_space<hbm>>) target(%dma_start3A_725 : memref<128x32xf32, #tpu.memory_space<vmem>>) offsets(%dma_start3A_728 : memref<128xi32, #tpu.memory_space<vmem>>) semaphore(%arg15 : memref<!tpu.dma_semaphore, #tpu.memory_space<semaphore_mem>>)
      %dma_start3A_732 = arith.constant 2 : i32
      %dma_start3A_733 = arith.constant 256 : i32
      %dma_start3A_734 = arith.constant 0 : i32
      %dma_start3A_735 = tpu.memref_slice %arg11[%dma_start3A_733, %dma_start3A_734] : memref<512x32xf32, #tpu.memory_space<vmem>> -> memref<128x32xf32, #tpu.memory_space<vmem>>
      %dma_start3A_736 = arith.constant 0 : i32
      %dma_start3A_737 = tpu.memref_slice %arg9[%dma_start3A_732, %dma_start3A_736] : memref<4x128xi32, #tpu.memory_space<vmem>> -> memref<1x128xi32, #tpu.memory_space<vmem>>
      %dma_start3A_738 = tpu.memref_squeeze %dma_start3A_737 : memref<1x128xi32, #tpu.memory_space<vmem>> -> memref<128xi32, #tpu.memory_space<vmem>>
      %dma_start3A_739 = arith.constant 0 : i32
      %dma_start3A_740 = arith.constant 0 : i32
      %dma_start3A_741 = tpu.memref_slice %arg2[%dma_start3A_739, %dma_start3A_740] : memref<999987x32xf32, #tpu.memory_space<hbm>> -> memref<999987x32xf32, #tpu.memory_space<hbm>>
      tpu.enqueue_indirect_dma source(%dma_start3A_741 : memref<999987x32xf32, #tpu.memory_space<hbm>>) target(%dma_start3A_735 : memref<128x32xf32, #tpu.memory_space<vmem>>) offsets(%dma_start3A_738 : memref<128xi32, #tpu.memory_space<vmem>>) semaphore(%arg15 : memref<!tpu.dma_semaphore, #tpu.memory_space<semaphore_mem>>)
      %dma_start3A_742 = arith.constant 3 : i32
      %dma_start3A_743 = arith.constant 384 : i32
      %dma_start3A_744 = arith.constant 0 : i32
      %dma_start3A_745 = tpu.memref_slice %arg11[%dma_start3A_743, %dma_start3A_744] : memref<512x32xf32, #tpu.memory_space<vmem>> -> memref<128x32xf32, #tpu.memory_space<vmem>>
      %dma_start3A_746 = arith.constant 0 : i32
      %dma_start3A_747 = tpu.memref_slice %arg9[%dma_start3A_742, %dma_start3A_746] : memref<4x128xi32, #tpu.memory_space<vmem>> -> memref<1x128xi32, #tpu.memory_space<vmem>>
      %dma_start3A_748 = tpu.memref_squeeze %dma_start3A_747 : memref<1x128xi32, #tpu.memory_space<vmem>> -> memref<128xi32, #tpu.memory_space<vmem>>
      %dma_start3A_749 = arith.constant 0 : i32
      %dma_start3A_750 = arith.constant 0 : i32
      %dma_start3A_751 = tpu.memref_slice %arg2[%dma_start3A_749, %dma_start3A_750] : memref<999987x32xf32, #tpu.memory_space<hbm>> -> memref<999987x32xf32, #tpu.memory_space<hbm>>
      tpu.enqueue_indirect_dma source(%dma_start3A_751 : memref<999987x32xf32, #tpu.memory_space<hbm>>) target(%dma_start3A_745 : memref<128x32xf32, #tpu.memory_space<vmem>>) offsets(%dma_start3A_748 : memref<128xi32, #tpu.memory_space<vmem>>) semaphore(%arg15 : memref<!tpu.dma_semaphore, #tpu.memory_space<semaphore_mem>>)
      %dma_wait3A_752 = arith.constant 0 : i32
      %dma_wait3A_753 = arith.constant 0 : i32
      %dma_wait3A_754 = tpu.memref_slice %arg2[%dma_wait3A_752, %dma_wait3A_753] : memref<999987x32xf32, #tpu.memory_space<hbm>> -> memref<512x32xf32, #tpu.memory_space<hbm>>
      %dma_wait3A_755 = arith.constant 0 : i32
      %dma_wait3A_756 = arith.constant 0 : i32
      %dma_wait3A_757 = tpu.memref_slice %arg2[%dma_wait3A_755, %dma_wait3A_756] : memref<999987x32xf32, #tpu.memory_space<hbm>> -> memref<512x32xf32, #tpu.memory_space<hbm>>
      tpu.wait_dma2 semaphore(%arg14 : memref<!tpu.dma_semaphore, #tpu.memory_space<semaphore_mem>>) src(%dma_wait3A_757 : memref<512x32xf32, #tpu.memory_space<hbm>>) dst(%arg10 : memref<512x32xf32, #tpu.memory_space<vmem>>)
      %get3A = arith.index_cast %mul3A_700 : i32 to index
      %get3A_758 = arith.constant 0 : index
      %get3A_759 = tpu.vector_load %arg7[%get3A, %get3A_758] {strides = array<i32>} : memref<26x32xf32, #tpu.memory_space<vmem>>, vector<16xf32>,
      %get3A_760 = arith.index_cast %mul3A_700 : i32 to index
      %get3A_761 = arith.constant 16 : index
      %get3A_762 = tpu.vector_load %arg7[%get3A_760, %get3A_761] {strides = array<i32>} : memref<26x32xf32, #tpu.memory_space<vmem>>, vector<16xf32>,
      %scan3A_763 = arith.constant 0 : i32
      %scan3A_764 = arith.constant 0 : i32
      %scan3A_765 = arith.constant 32 : i32
      %scan3A_766 = arith.addi %scan3A_764, %scan3A_765 : i32
      %scan3A_767 = arith.constant 1 : i32
      %scan3A_768 = scf.for %scan3A_1402 = %scan3A_764 to %scan3A_766 step %scan3A_767 iter_args(%scan3A_1403 = %scan3A_763) -> (i32)  : i32 {
        %mul3A_1404 = arith.constant 4 : i32
        %mul3A_1405 = arith.muli %scan3A_1402, %mul3A_1404 : i32
        %add3A_1406 = arith.constant 0 : i32
        %add3A_1407 = arith.addi %add3A_1406, %mul3A_1405 : i32
        %add3A_1408 = arith.constant 0 : i32
        %add3A_1409 = arith.addi %add3A_1407, %add3A_1408 : i32
        %mul3A_1410 = arith.constant 4 : i32
        %mul3A_1411 = arith.muli %scan3A_1402, %mul3A_1410 : i32
        %add3A_1412 = arith.constant 0 : i32
        %add3A_1413 = arith.addi %add3A_1412, %mul3A_1411 : i32
        %add3A_1414 = arith.constant 0 : i32
        %add3A_1415 = arith.addi %add3A_1413, %add3A_1414 : i32
        %broadcast_in_dim3A = vector.broadcast %add3A_1415 : i32 to vector<16xi32>
        %get3A_1416 = arith.index_cast %add3A_1409 : i32 to index
        %get3A_1417 = arith.constant 0 : index
        %get3A_1418 = tpu.vector_load %arg10[%get3A_1416, %get3A_1417] {strides = array<i32>} : memref<512x32xf32, #tpu.memory_space<vmem>>, vector<16xf32>,
        %add3A_1419 = arith.addf %get3A_1418, %get3A_759 : vector<16xf32>
        %get3A_1420 = arith.index_cast %add3A_1409 : i32 to index
        %get3A_1421 = arith.constant 16 : index
        %get3A_1422 = tpu.vector_load %arg10[%get3A_1420, %get3A_1421] {strides = array<i32>} : memref<512x32xf32, #tpu.memory_space<vmem>>, vector<16xf32>,
        %add3A_1423 = arith.addf %get3A_1422, %get3A_762 : vector<16xf32>
        tpu.vector_store_idx %arg12[%iota3A, %broadcast_in_dim3A], %add3A_1419 : memref<32x513xf32, #tpu.memory_space<vmem>>[vector<16xi32>, vector<16xi32>], vector<16xf32>,
        tpu.vector_store_idx %arg12[%add3A_5, %broadcast_in_dim3A], %add3A_1423 : memref<32x513xf32, #tpu.memory_space<vmem>>[vector<16xi32>, vector<16xi32>], vector<16xf32>,
        %mul3A_1424 = arith.constant 4 : i32
        %mul3A_1425 = arith.muli %scan3A_1402, %mul3A_1424 : i32
        %add3A_1426 = arith.constant 0 : i32
        %add3A_1427 = arith.addi %add3A_1426, %mul3A_1425 : i32
        %add3A_1428 = arith.constant 1 : i32
        %add3A_1429 = arith.addi %add3A_1427, %add3A_1428 : i32
        %mul3A_1430 = arith.constant 4 : i32
        %mul3A_1431 = arith.muli %scan3A_1402, %mul3A_1430 : i32
        %add3A_1432 = arith.constant 0 : i32
        %add3A_1433 = arith.addi %add3A_1432, %mul3A_1431 : i32
        %add3A_1434 = arith.constant 1 : i32
        %add3A_1435 = arith.addi %add3A_1433, %add3A_1434 : i32
        %broadcast_in_dim3A_1436 = vector.broadcast %add3A_1435 : i32 to vector<16xi32>
        %get3A_1437 = arith.index_cast %add3A_1429 : i32 to index
        %get3A_1438 = arith.constant 0 : index
        %get3A_1439 = tpu.vector_load %arg10[%get3A_1437, %get3A_1438] {strides = array<i32>} : memref<512x32xf32, #tpu.memory_space<vmem>>, vector<16xf32>,
        %add3A_1440 = arith.addf %get3A_1439, %get3A_759 : vector<16xf32>
        %get3A_1441 = arith.index_cast %add3A_1429 : i32 to index
        %get3A_1442 = arith.constant 16 : index
        %get3A_1443 = tpu.vector_load %arg10[%get3A_1441, %get3A_1442] {strides = array<i32>} : memref<512x32xf32, #tpu.memory_space<vmem>>, vector<16xf32>,
        %add3A_1444 = arith.addf %get3A_1443, %get3A_762 : vector<16xf32>
        tpu.vector_store_idx %arg12[%iota3A, %broadcast_in_dim3A_1436], %add3A_1440 : memref<32x513xf32, #tpu.memory_space<vmem>>[vector<16xi32>, vector<16xi32>], vector<16xf32>,
        tpu.vector_store_idx %arg12[%add3A_5, %broadcast_in_dim3A_1436], %add3A_1444 : memref<32x513xf32, #tpu.memory_space<vmem>>[vector<16xi32>, vector<16xi32>], vector<16xf32>,
        %mul3A_1445 = arith.constant 4 : i32
        %mul3A_1446 = arith.muli %scan3A_1402, %mul3A_1445 : i32
        %add3A_1447 = arith.constant 0 : i32
        %add3A_1448 = arith.addi %add3A_1447, %mul3A_1446 : i32
        %add3A_1449 = arith.constant 2 : i32
        %add3A_1450 = arith.addi %add3A_1448, %add3A_1449 : i32
        %mul3A_1451 = arith.constant 4 : i32
        %mul3A_1452 = arith.muli %scan3A_1402, %mul3A_1451 : i32
        %add3A_1453 = arith.constant 0 : i32
        %add3A_1454 = arith.addi %add3A_1453, %mul3A_1452 : i32
        %add3A_1455 = arith.constant 2 : i32
        %add3A_1456 = arith.addi %add3A_1454, %add3A_1455 : i32
        %broadcast_in_dim3A_1457 = vector.broadcast %add3A_1456 : i32 to vector<16xi32>
        %get3A_1458 = arith.index_cast %add3A_1450 : i32 to index
        %get3A_1459 = arith.constant 0 : index
        %get3A_1460 = tpu.vector_load %arg10[%get3A_1458, %get3A_1459] {strides = array<i32>} : memref<512x32xf32, #tpu.memory_space<vmem>>, vector<16xf32>,
        %add3A_1461 = arith.addf %get3A_1460, %get3A_759 : vector<16xf32>
        %get3A_1462 = arith.index_cast %add3A_1450 : i32 to index
        %get3A_1463 = arith.constant 16 : index
        %get3A_1464 = tpu.vector_load %arg10[%get3A_1462, %get3A_1463] {strides = array<i32>} : memref<512x32xf32, #tpu.memory_space<vmem>>, vector<16xf32>,
        %add3A_1465 = arith.addf %get3A_1464, %get3A_762 : vector<16xf32>
        tpu.vector_store_idx %arg12[%iota3A, %broadcast_in_dim3A_1457], %add3A_1461 : memref<32x513xf32, #tpu.memory_space<vmem>>[vector<16xi32>, vector<16xi32>], vector<16xf32>,
        tpu.vector_store_idx %arg12[%add3A_5, %broadcast_in_dim3A_1457], %add3A_1465 : memref<32x513xf32, #tpu.memory_space<vmem>>[vector<16xi32>, vector<16xi32>], vector<16xf32>,
        %mul3A_1466 = arith.constant 4 : i32
        %mul3A_1467 = arith.muli %scan3A_1402, %mul3A_1466 : i32
        %add3A_1468 = arith.constant 0 : i32
        %add3A_1469 = arith.addi %add3A_1468, %mul3A_1467 : i32
        %add3A_1470 = arith.constant 3 : i32
        %add3A_1471 = arith.addi %add3A_1469, %add3A_1470 : i32
        %mul3A_1472 = arith.constant 4 : i32
        %mul3A_1473 = arith.muli %scan3A_1402, %mul3A_1472 : i32
        %add3A_1474 = arith.constant 0 : i32
        %add3A_1475 = arith.addi %add3A_1474, %mul3A_1473 : i32
        %add3A_1476 = arith.constant 3 : i32
        %add3A_1477 = arith.addi %add3A_1475, %add3A_1476 : i32
        %broadcast_in_dim3A_1478 = vector.broadcast %add3A_1477 : i32 to vector<16xi32>
        %get3A_1479 = arith.index_cast %add3A_1471 : i32 to index
        %get3A_1480 = arith.constant 0 : index
        %get3A_1481 = tpu.vector_load %arg10[%get3A_1479, %get3A_1480] {strides = array<i32>} : memref<512x32xf32, #tpu.memory_space<vmem>>, vector<16xf32>,
        %add3A_1482 = arith.addf %get3A_1481, %get3A_759 : vector<16xf32>
        %get3A_1483 = arith.index_cast %add3A_1471 : i32 to index
        %get3A_1484 = arith.constant 16 : index
        %get3A_1485 = tpu.vector_load %arg10[%get3A_1483, %get3A_1484] {strides = array<i32>} : memref<512x32xf32, #tpu.memory_space<vmem>>, vector<16xf32>,
        %add3A_1486 = arith.addf %get3A_1485, %get3A_762 : vector<16xf32>
        tpu.vector_store_idx %arg12[%iota3A, %broadcast_in_dim3A_1478], %add3A_1482 : memref<32x513xf32, #tpu.memory_space<vmem>>[vector<16xi32>, vector<16xi32>], vector<16xf32>,
        tpu.vector_store_idx %arg12[%add3A_5, %broadcast_in_dim3A_1478], %add3A_1486 : memref<32x513xf32, #tpu.memory_space<vmem>>[vector<16xi32>, vector<16xi32>], vector<16xf32>,
        %mul3A_1487 = arith.constant 4 : i32
        %mul3A_1488 = arith.muli %scan3A_1402, %mul3A_1487 : i32
        %add3A_1489 = arith.constant 128 : i32
        %add3A_1490 = arith.addi %add3A_1489, %mul3A_1488 : i32
        %add3A_1491 = arith.constant 0 : i32
        %add3A_1492 = arith.addi %add3A_1490, %add3A_1491 : i32
        %mul3A_1493 = arith.constant 4 : i32
        %mul3A_1494 = arith.muli %scan3A_1402, %mul3A_1493 : i32
        %add3A_1495 = arith.constant 128 : i32
        %add3A_1496 = arith.addi %add3A_1495, %mul3A_1494 : i32
        %add3A_1497 = arith.constant 0 : i32
        %add3A_1498 = arith.addi %add3A_1496, %add3A_1497 : i32
        %broadcast_in_dim3A_1499 = vector.broadcast %add3A_1498 : i32 to vector<16xi32>
        %get3A_1500 = arith.index_cast %add3A_1492 : i32 to index
        %get3A_1501 = arith.constant 0 : index
        %get3A_1502 = tpu.vector_load %arg10[%get3A_1500, %get3A_1501] {strides = array<i32>} : memref<512x32xf32, #tpu.memory_space<vmem>>, vector<16xf32>,
        %add3A_1503 = arith.addf %get3A_1502, %get3A_759 : vector<16xf32>
        %get3A_1504 = arith.index_cast %add3A_1492 : i32 to index
        %get3A_1505 = arith.constant 16 : index
        %get3A_1506 = tpu.vector_load %arg10[%get3A_1504, %get3A_1505] {strides = array<i32>} : memref<512x32xf32, #tpu.memory_space<vmem>>, vector<16xf32>,
        %add3A_1507 = arith.addf %get3A_1506, %get3A_762 : vector<16xf32>
        tpu.vector_store_idx %arg12[%iota3A, %broadcast_in_dim3A_1499], %add3A_1503 : memref<32x513xf32, #tpu.memory_space<vmem>>[vector<16xi32>, vector<16xi32>], vector<16xf32>,
        tpu.vector_store_idx %arg12[%add3A_5, %broadcast_in_dim3A_1499], %add3A_1507 : memref<32x513xf32, #tpu.memory_space<vmem>>[vector<16xi32>, vector<16xi32>], vector<16xf32>,
        %mul3A_1508 = arith.constant 4 : i32
        %mul3A_1509 = arith.muli %scan3A_1402, %mul3A_1508 : i32
        %add3A_1510 = arith.constant 128 : i32
        %add3A_1511 = arith.addi %add3A_1510, %mul3A_1509 : i32
        %add3A_1512 = arith.constant 1 : i32
        %add3A_1513 = arith.addi %add3A_1511, %add3A_1512 : i32
        %mul3A_1514 = arith.constant 4 : i32
        %mul3A_1515 = arith.muli %scan3A_1402, %mul3A_1514 : i32
        %add3A_1516 = arith.constant 128 : i32
        %add3A_1517 = arith.addi %add3A_1516, %mul3A_1515 : i32
        %add3A_1518 = arith.constant 1 : i32
        %add3A_1519 = arith.addi %add3A_1517, %add3A_1518 : i32
        %broadcast_in_dim3A_1520 = vector.broadcast %add3A_1519 : i32 to vector<16xi32>
        %get3A_1521 = arith.index_cast %add3A_1513 : i32 to index
        %get3A_1522 = arith.constant 0 : index
        %get3A_1523 = tpu.vector_load %arg10[%get3A_1521, %get3A_1522] {strides = array<i32>} : memref<512x32xf32, #tpu.memory_space<vmem>>, vector<16xf32>,
        %add3A_1524 = arith.addf %get3A_1523, %get3A_759 : vector<16xf32>
        %get3A_1525 = arith.index_cast %add3A_1513 : i32 to index
        %get3A_1526 = arith.constant 16 : index
        %get3A_1527 = tpu.vector_load %arg10[%get3A_1525, %get3A_1526] {strides = array<i32>} : memref<512x32xf32, #tpu.memory_space<vmem>>, vector<16xf32>,
        %add3A_1528 = arith.addf %get3A_1527, %get3A_762 : vector<16xf32>
        tpu.vector_store_idx %arg12[%iota3A, %broadcast_in_dim3A_1520], %add3A_1524 : memref<32x513xf32, #tpu.memory_space<vmem>>[vector<16xi32>, vector<16xi32>], vector<16xf32>,
        tpu.vector_store_idx %arg12[%add3A_5, %broadcast_in_dim3A_1520], %add3A_1528 : memref<32x513xf32, #tpu.memory_space<vmem>>[vector<16xi32>, vector<16xi32>], vector<16xf32>,
        %mul3A_1529 = arith.constant 4 : i32
        %mul3A_1530 = arith.muli %scan3A_1402, %mul3A_1529 : i32
        %add3A_1531 = arith.constant 128 : i32
        %add3A_1532 = arith.addi %add3A_1531, %mul3A_1530 : i32
        %add3A_1533 = arith.constant 2 : i32
        %add3A_1534 = arith.addi %add3A_1532, %add3A_1533 : i32
        %mul3A_1535 = arith.constant 4 : i32
        %mul3A_1536 = arith.muli %scan3A_1402, %mul3A_1535 : i32
        %add3A_1537 = arith.constant 128 : i32
        %add3A_1538 = arith.addi %add3A_1537, %mul3A_1536 : i32
        %add3A_1539 = arith.constant 2 : i32
        %add3A_1540 = arith.addi %add3A_1538, %add3A_1539 : i32
        %broadcast_in_dim3A_1541 = vector.broadcast %add3A_1540 : i32 to vector<16xi32>
        %get3A_1542 = arith.index_cast %add3A_1534 : i32 to index
        %get3A_1543 = arith.constant 0 : index
        %get3A_1544 = tpu.vector_load %arg10[%get3A_1542, %get3A_1543] {strides = array<i32>} : memref<512x32xf32, #tpu.memory_space<vmem>>, vector<16xf32>,
        %add3A_1545 = arith.addf %get3A_1544, %get3A_759 : vector<16xf32>
        %get3A_1546 = arith.index_cast %add3A_1534 : i32 to index
        %get3A_1547 = arith.constant 16 : index
        %get3A_1548 = tpu.vector_load %arg10[%get3A_1546, %get3A_1547] {strides = array<i32>} : memref<512x32xf32, #tpu.memory_space<vmem>>, vector<16xf32>,
        %add3A_1549 = arith.addf %get3A_1548, %get3A_762 : vector<16xf32>
        tpu.vector_store_idx %arg12[%iota3A, %broadcast_in_dim3A_1541], %add3A_1545 : memref<32x513xf32, #tpu.memory_space<vmem>>[vector<16xi32>, vector<16xi32>], vector<16xf32>,
        tpu.vector_store_idx %arg12[%add3A_5, %broadcast_in_dim3A_1541], %add3A_1549 : memref<32x513xf32, #tpu.memory_space<vmem>>[vector<16xi32>, vector<16xi32>], vector<16xf32>,
        %mul3A_1550 = arith.constant 4 : i32
        %mul3A_1551 = arith.muli %scan3A_1402, %mul3A_1550 : i32
        %add3A_1552 = arith.constant 128 : i32
        %add3A_1553 = arith.addi %add3A_1552, %mul3A_1551 : i32
        %add3A_1554 = arith.constant 3 : i32
        %add3A_1555 = arith.addi %add3A_1553, %add3A_1554 : i32
        %mul3A_1556 = arith.constant 4 : i32
        %mul3A_1557 = arith.muli %scan3A_1402, %mul3A_1556 : i32
        %add3A_1558 = arith.constant 128 : i32
        %add3A_1559 = arith.addi %add3A_1558, %mul3A_1557 : i32
        %add3A_1560 = arith.constant 3 : i32
        %add3A_1561 = arith.addi %add3A_1559, %add3A_1560 : i32
        %broadcast_in_dim3A_1562 = vector.broadcast %add3A_1561 : i32 to vector<16xi32>
        %get3A_1563 = arith.index_cast %add3A_1555 : i32 to index
        %get3A_1564 = arith.constant 0 : index
        %get3A_1565 = tpu.vector_load %arg10[%get3A_1563, %get3A_1564] {strides = array<i32>} : memref<512x32xf32, #tpu.memory_space<vmem>>, vector<16xf32>,
        %add3A_1566 = arith.addf %get3A_1565, %get3A_759 : vector<16xf32>
        %get3A_1567 = arith.index_cast %add3A_1555 : i32 to index
        %get3A_1568 = arith.constant 16 : index
        %get3A_1569 = tpu.vector_load %arg10[%get3A_1567, %get3A_1568] {strides = array<i32>} : memref<512x32xf32, #tpu.memory_space<vmem>>, vector<16xf32>,
        %add3A_1570 = arith.addf %get3A_1569, %get3A_762 : vector<16xf32>
        tpu.vector_store_idx %arg12[%iota3A, %broadcast_in_dim3A_1562], %add3A_1566 : memref<32x513xf32, #tpu.memory_space<vmem>>[vector<16xi32>, vector<16xi32>], vector<16xf32>,
        tpu.vector_store_idx %arg12[%add3A_5, %broadcast_in_dim3A_1562], %add3A_1570 : memref<32x513xf32, #tpu.memory_space<vmem>>[vector<16xi32>, vector<16xi32>], vector<16xf32>,
        %mul3A_1571 = arith.constant 4 : i32
        %mul3A_1572 = arith.muli %scan3A_1402, %mul3A_1571 : i32
        %add3A_1573 = arith.constant 256 : i32
        %add3A_1574 = arith.addi %add3A_1573, %mul3A_1572 : i32
        %add3A_1575 = arith.constant 0 : i32
        %add3A_1576 = arith.addi %add3A_1574, %add3A_1575 : i32
        %mul3A_1577 = arith.constant 4 : i32
        %mul3A_1578 = arith.muli %scan3A_1402, %mul3A_1577 : i32
        %add3A_1579 = arith.constant 256 : i32
        %add3A_1580 = arith.addi %add3A_1579, %mul3A_1578 : i32
        %add3A_1581 = arith.constant 0 : i32
        %add3A_1582 = arith.addi %add3A_1580, %add3A_1581 : i32
        %broadcast_in_dim3A_1583 = vector.broadcast %add3A_1582 : i32 to vector<16xi32>
        %get3A_1584 = arith.index_cast %add3A_1576 : i32 to index
        %get3A_1585 = arith.constant 0 : index
        %get3A_1586 = tpu.vector_load %arg10[%get3A_1584, %get3A_1585] {strides = array<i32>} : memref<512x32xf32, #tpu.memory_space<vmem>>, vector<16xf32>,
        %add3A_1587 = arith.addf %get3A_1586, %get3A_759 : vector<16xf32>
        %get3A_1588 = arith.index_cast %add3A_1576 : i32 to index
        %get3A_1589 = arith.constant 16 : index
        %get3A_1590 = tpu.vector_load %arg10[%get3A_1588, %get3A_1589] {strides = array<i32>} : memref<512x32xf32, #tpu.memory_space<vmem>>, vector<16xf32>,
        %add3A_1591 = arith.addf %get3A_1590, %get3A_762 : vector<16xf32>
        tpu.vector_store_idx %arg12[%iota3A, %broadcast_in_dim3A_1583], %add3A_1587 : memref<32x513xf32, #tpu.memory_space<vmem>>[vector<16xi32>, vector<16xi32>], vector<16xf32>,
        tpu.vector_store_idx %arg12[%add3A_5, %broadcast_in_dim3A_1583], %add3A_1591 : memref<32x513xf32, #tpu.memory_space<vmem>>[vector<16xi32>, vector<16xi32>], vector<16xf32>,
        %mul3A_1592 = arith.constant 4 : i32
        %mul3A_1593 = arith.muli %scan3A_1402, %mul3A_1592 : i32
        %add3A_1594 = arith.constant 256 : i32
        %add3A_1595 = arith.addi %add3A_1594, %mul3A_1593 : i32
        %add3A_1596 = arith.constant 1 : i32
        %add3A_1597 = arith.addi %add3A_1595, %add3A_1596 : i32
        %mul3A_1598 = arith.constant 4 : i32
        %mul3A_1599 = arith.muli %scan3A_1402, %mul3A_1598 : i32
        %add3A_1600 = arith.constant 256 : i32
        %add3A_1601 = arith.addi %add3A_1600, %mul3A_1599 : i32
        %add3A_1602 = arith.constant 1 : i32
        %add3A_1603 = arith.addi %add3A_1601, %add3A_1602 : i32
        %broadcast_in_dim3A_1604 = vector.broadcast %add3A_1603 : i32 to vector<16xi32>
        %get3A_1605 = arith.index_cast %add3A_1597 : i32 to index
        %get3A_1606 = arith.constant 0 : index
        %get3A_1607 = tpu.vector_load %arg10[%get3A_1605, %get3A_1606] {strides = array<i32>} : memref<512x32xf32, #tpu.memory_space<vmem>>, vector<16xf32>,
        %add3A_1608 = arith.addf %get3A_1607, %get3A_759 : vector<16xf32>
        %get3A_1609 = arith.index_cast %add3A_1597 : i32 to index
        %get3A_1610 = arith.constant 16 : index
        %get3A_1611 = tpu.vector_load %arg10[%get3A_1609, %get3A_1610] {strides = array<i32>} : memref<512x32xf32, #tpu.memory_space<vmem>>, vector<16xf32>,
        %add3A_1612 = arith.addf %get3A_1611, %get3A_762 : vector<16xf32>
        tpu.vector_store_idx %arg12[%iota3A, %broadcast_in_dim3A_1604], %add3A_1608 : memref<32x513xf32, #tpu.memory_space<vmem>>[vector<16xi32>, vector<16xi32>], vector<16xf32>,
        tpu.vector_store_idx %arg12[%add3A_5, %broadcast_in_dim3A_1604], %add3A_1612 : memref<32x513xf32, #tpu.memory_space<vmem>>[vector<16xi32>, vector<16xi32>], vector<16xf32>,
        %mul3A_1613 = arith.constant 4 : i32
        %mul3A_1614 = arith.muli %scan3A_1402, %mul3A_1613 : i32
        %add3A_1615 = arith.constant 256 : i32
        %add3A_1616 = arith.addi %add3A_1615, %mul3A_1614 : i32
        %add3A_1617 = arith.constant 2 : i32
        %add3A_1618 = arith.addi %add3A_1616, %add3A_1617 : i32
        %mul3A_1619 = arith.constant 4 : i32
        %mul3A_1620 = arith.muli %scan3A_1402, %mul3A_1619 : i32
        %add3A_1621 = arith.constant 256 : i32
        %add3A_1622 = arith.addi %add3A_1621, %mul3A_1620 : i32
        %add3A_1623 = arith.constant 2 : i32
        %add3A_1624 = arith.addi %add3A_1622, %add3A_1623 : i32
        %broadcast_in_dim3A_1625 = vector.broadcast %add3A_1624 : i32 to vector<16xi32>
        %get3A_1626 = arith.index_cast %add3A_1618 : i32 to index
        %get3A_1627 = arith.constant 0 : index
        %get3A_1628 = tpu.vector_load %arg10[%get3A_1626, %get3A_1627] {strides = array<i32>} : memref<512x32xf32, #tpu.memory_space<vmem>>, vector<16xf32>,
        %add3A_1629 = arith.addf %get3A_1628, %get3A_759 : vector<16xf32>
        %get3A_1630 = arith.index_cast %add3A_1618 : i32 to index
        %get3A_1631 = arith.constant 16 : index
        %get3A_1632 = tpu.vector_load %arg10[%get3A_1630, %get3A_1631] {strides = array<i32>} : memref<512x32xf32, #tpu.memory_space<vmem>>, vector<16xf32>,
        %add3A_1633 = arith.addf %get3A_1632, %get3A_762 : vector<16xf32>
        tpu.vector_store_idx %arg12[%iota3A, %broadcast_in_dim3A_1625], %add3A_1629 : memref<32x513xf32, #tpu.memory_space<vmem>>[vector<16xi32>, vector<16xi32>], vector<16xf32>,
        tpu.vector_store_idx %arg12[%add3A_5, %broadcast_in_dim3A_1625], %add3A_1633 : memref<32x513xf32, #tpu.memory_space<vmem>>[vector<16xi32>, vector<16xi32>], vector<16xf32>,
        %mul3A_1634 = arith.constant 4 : i32
        %mul3A_1635 = arith.muli %scan3A_1402, %mul3A_1634 : i32
        %add3A_1636 = arith.constant 256 : i32
        %add3A_1637 = arith.addi %add3A_1636, %mul3A_1635 : i32
        %add3A_1638 = arith.constant 3 : i32
        %add3A_1639 = arith.addi %add3A_1637, %add3A_1638 : i32
        %mul3A_1640 = arith.constant 4 : i32
        %mul3A_1641 = arith.muli %scan3A_1402, %mul3A_1640 : i32
        %add3A_1642 = arith.constant 256 : i32
        %add3A_1643 = arith.addi %add3A_1642, %mul3A_1641 : i32
        %add3A_1644 = arith.constant 3 : i32
        %add3A_1645 = arith.addi %add3A_1643, %add3A_1644 : i32
        %broadcast_in_dim3A_1646 = vector.broadcast %add3A_1645 : i32 to vector<16xi32>
        %get3A_1647 = arith.index_cast %add3A_1639 : i32 to index
        %get3A_1648 = arith.constant 0 : index
        %get3A_1649 = tpu.vector_load %arg10[%get3A_1647, %get3A_1648] {strides = array<i32>} : memref<512x32xf32, #tpu.memory_space<vmem>>, vector<16xf32>,
        %add3A_1650 = arith.addf %get3A_1649, %get3A_759 : vector<16xf32>
        %get3A_1651 = arith.index_cast %add3A_1639 : i32 to index
        %get3A_1652 = arith.constant 16 : index
        %get3A_1653 = tpu.vector_load %arg10[%get3A_1651, %get3A_1652] {strides = array<i32>} : memref<512x32xf32, #tpu.memory_space<vmem>>, vector<16xf32>,
        %add3A_1654 = arith.addf %get3A_1653, %get3A_762 : vector<16xf32>
        tpu.vector_store_idx %arg12[%iota3A, %broadcast_in_dim3A_1646], %add3A_1650 : memref<32x513xf32, #tpu.memory_space<vmem>>[vector<16xi32>, vector<16xi32>], vector<16xf32>,
        tpu.vector_store_idx %arg12[%add3A_5, %broadcast_in_dim3A_1646], %add3A_1654 : memref<32x513xf32, #tpu.memory_space<vmem>>[vector<16xi32>, vector<16xi32>], vector<16xf32>,
        %mul3A_1655 = arith.constant 4 : i32
        %mul3A_1656 = arith.muli %scan3A_1402, %mul3A_1655 : i32
        %add3A_1657 = arith.constant 384 : i32
        %add3A_1658 = arith.addi %add3A_1657, %mul3A_1656 : i32
        %add3A_1659 = arith.constant 0 : i32
        %add3A_1660 = arith.addi %add3A_1658, %add3A_1659 : i32
        %mul3A_1661 = arith.constant 4 : i32
        %mul3A_1662 = arith.muli %scan3A_1402, %mul3A_1661 : i32
        %add3A_1663 = arith.constant 384 : i32
        %add3A_1664 = arith.addi %add3A_1663, %mul3A_1662 : i32
        %add3A_1665 = arith.constant 0 : i32
        %add3A_1666 = arith.addi %add3A_1664, %add3A_1665 : i32
        %broadcast_in_dim3A_1667 = vector.broadcast %add3A_1666 : i32 to vector<16xi32>
        %get3A_1668 = arith.index_cast %add3A_1660 : i32 to index
        %get3A_1669 = arith.constant 0 : index
        %get3A_1670 = tpu.vector_load %arg10[%get3A_1668, %get3A_1669] {strides = array<i32>} : memref<512x32xf32, #tpu.memory_space<vmem>>, vector<16xf32>,
        %add3A_1671 = arith.addf %get3A_1670, %get3A_759 : vector<16xf32>
        %get3A_1672 = arith.index_cast %add3A_1660 : i32 to index
        %get3A_1673 = arith.constant 16 : index
        %get3A_1674 = tpu.vector_load %arg10[%get3A_1672, %get3A_1673] {strides = array<i32>} : memref<512x32xf32, #tpu.memory_space<vmem>>, vector<16xf32>,
        %add3A_1675 = arith.addf %get3A_1674, %get3A_762 : vector<16xf32>
        tpu.vector_store_idx %arg12[%iota3A, %broadcast_in_dim3A_1667], %add3A_1671 : memref<32x513xf32, #tpu.memory_space<vmem>>[vector<16xi32>, vector<16xi32>], vector<16xf32>,
        tpu.vector_store_idx %arg12[%add3A_5, %broadcast_in_dim3A_1667], %add3A_1675 : memref<32x513xf32, #tpu.memory_space<vmem>>[vector<16xi32>, vector<16xi32>], vector<16xf32>,
        %mul3A_1676 = arith.constant 4 : i32
        %mul3A_1677 = arith.muli %scan3A_1402, %mul3A_1676 : i32
        %add3A_1678 = arith.constant 384 : i32
        %add3A_1679 = arith.addi %add3A_1678, %mul3A_1677 : i32
        %add3A_1680 = arith.constant 1 : i32
        %add3A_1681 = arith.addi %add3A_1679, %add3A_1680 : i32
        %mul3A_1682 = arith.constant 4 : i32
        %mul3A_1683 = arith.muli %scan3A_1402, %mul3A_1682 : i32
        %add3A_1684 = arith.constant 384 : i32
        %add3A_1685 = arith.addi %add3A_1684, %mul3A_1683 : i32
        %add3A_1686 = arith.constant 1 : i32
        %add3A_1687 = arith.addi %add3A_1685, %add3A_1686 : i32
        %broadcast_in_dim3A_1688 = vector.broadcast %add3A_1687 : i32 to vector<16xi32>
        %get3A_1689 = arith.index_cast %add3A_1681 : i32 to index
        %get3A_1690 = arith.constant 0 : index
        %get3A_1691 = tpu.vector_load %arg10[%get3A_1689, %get3A_1690] {strides = array<i32>} : memref<512x32xf32, #tpu.memory_space<vmem>>, vector<16xf32>,
        %add3A_1692 = arith.addf %get3A_1691, %get3A_759 : vector<16xf32>
        %get3A_1693 = arith.index_cast %add3A_1681 : i32 to index
        %get3A_1694 = arith.constant 16 : index
        %get3A_1695 = tpu.vector_load %arg10[%get3A_1693, %get3A_1694] {strides = array<i32>} : memref<512x32xf32, #tpu.memory_space<vmem>>, vector<16xf32>,
        %add3A_1696 = arith.addf %get3A_1695, %get3A_762 : vector<16xf32>
        tpu.vector_store_idx %arg12[%iota3A, %broadcast_in_dim3A_1688], %add3A_1692 : memref<32x513xf32, #tpu.memory_space<vmem>>[vector<16xi32>, vector<16xi32>], vector<16xf32>,
        tpu.vector_store_idx %arg12[%add3A_5, %broadcast_in_dim3A_1688], %add3A_1696 : memref<32x513xf32, #tpu.memory_space<vmem>>[vector<16xi32>, vector<16xi32>], vector<16xf32>,
        %mul3A_1697 = arith.constant 4 : i32
        %mul3A_1698 = arith.muli %scan3A_1402, %mul3A_1697 : i32
        %add3A_1699 = arith.constant 384 : i32
        %add3A_1700 = arith.addi %add3A_1699, %mul3A_1698 : i32
        %add3A_1701 = arith.constant 2 : i32
        %add3A_1702 = arith.addi %add3A_1700, %add3A_1701 : i32
        %mul3A_1703 = arith.constant 4 : i32
        %mul3A_1704 = arith.muli %scan3A_1402, %mul3A_1703 : i32
        %add3A_1705 = arith.constant 384 : i32
        %add3A_1706 = arith.addi %add3A_1705, %mul3A_1704 : i32
        %add3A_1707 = arith.constant 2 : i32
        %add3A_1708 = arith.addi %add3A_1706, %add3A_1707 : i32
        %broadcast_in_dim3A_1709 = vector.broadcast %add3A_1708 : i32 to vector<16xi32>
        %get3A_1710 = arith.index_cast %add3A_1702 : i32 to index
        %get3A_1711 = arith.constant 0 : index
        %get3A_1712 = tpu.vector_load %arg10[%get3A_1710, %get3A_1711] {strides = array<i32>} : memref<512x32xf32, #tpu.memory_space<vmem>>, vector<16xf32>,
        %add3A_1713 = arith.addf %get3A_1712, %get3A_759 : vector<16xf32>
        %get3A_1714 = arith.index_cast %add3A_1702 : i32 to index
        %get3A_1715 = arith.constant 16 : index
        %get3A_1716 = tpu.vector_load %arg10[%get3A_1714, %get3A_1715] {strides = array<i32>} : memref<512x32xf32, #tpu.memory_space<vmem>>, vector<16xf32>,
        %add3A_1717 = arith.addf %get3A_1716, %get3A_762 : vector<16xf32>
        tpu.vector_store_idx %arg12[%iota3A, %broadcast_in_dim3A_1709], %add3A_1713 : memref<32x513xf32, #tpu.memory_space<vmem>>[vector<16xi32>, vector<16xi32>], vector<16xf32>,
        tpu.vector_store_idx %arg12[%add3A_5, %broadcast_in_dim3A_1709], %add3A_1717 : memref<32x513xf32, #tpu.memory_space<vmem>>[vector<16xi32>, vector<16xi32>], vector<16xf32>,
        %mul3A_1718 = arith.constant 4 : i32
        %mul3A_1719 = arith.muli %scan3A_1402, %mul3A_1718 : i32
        %add3A_1720 = arith.constant 384 : i32
        %add3A_1721 = arith.addi %add3A_1720, %mul3A_1719 : i32
        %add3A_1722 = arith.constant 3 : i32
        %add3A_1723 = arith.addi %add3A_1721, %add3A_1722 : i32
        %mul3A_1724 = arith.constant 4 : i32
        %mul3A_1725 = arith.muli %scan3A_1402, %mul3A_1724 : i32
        %add3A_1726 = arith.constant 384 : i32
        %add3A_1727 = arith.addi %add3A_1726, %mul3A_1725 : i32
        %add3A_1728 = arith.constant 3 : i32
        %add3A_1729 = arith.addi %add3A_1727, %add3A_1728 : i32
        %broadcast_in_dim3A_1730 = vector.broadcast %add3A_1729 : i32 to vector<16xi32>
        %get3A_1731 = arith.index_cast %add3A_1723 : i32 to index
        %get3A_1732 = arith.constant 0 : index
        %get3A_1733 = tpu.vector_load %arg10[%get3A_1731, %get3A_1732] {strides = array<i32>} : memref<512x32xf32, #tpu.memory_space<vmem>>, vector<16xf32>,
        %add3A_1734 = arith.addf %get3A_1733, %get3A_759 : vector<16xf32>
        %get3A_1735 = arith.index_cast %add3A_1723 : i32 to index
        %get3A_1736 = arith.constant 16 : index
        %get3A_1737 = tpu.vector_load %arg10[%get3A_1735, %get3A_1736] {strides = array<i32>} : memref<512x32xf32, #tpu.memory_space<vmem>>, vector<16xf32>,
        %add3A_1738 = arith.addf %get3A_1737, %get3A_762 : vector<16xf32>
        tpu.vector_store_idx %arg12[%iota3A, %broadcast_in_dim3A_1730], %add3A_1734 : memref<32x513xf32, #tpu.memory_space<vmem>>[vector<16xi32>, vector<16xi32>], vector<16xf32>,
        tpu.vector_store_idx %arg12[%add3A_5, %broadcast_in_dim3A_1730], %add3A_1738 : memref<32x513xf32, #tpu.memory_space<vmem>>[vector<16xi32>, vector<16xi32>], vector<16xf32>,
        %scan3A_1739 = arith.constant 0 : i32
        scf.yield %scan3A_1739 : i32
      }
      %scan3A_769 = arith.constant 32 : i32
      %mul3A_770 = arith.constant 4 : i32
      %mul3A_771 = arith.muli %add3A, %mul3A_770 : i32
      %add3A_772 = arith.constant 0 : i32
      %add3A_773 = arith.addi %mul3A_771, %add3A_772 : i32
      %dma_start3A_774 = arith.constant 0 : i32
      %dma_start3A_775 = arith.constant 0 : i32
      %dma_start3A_776 = arith.constant 0 : i32
      %dma_start3A_777 = tpu.memref_slice %arg12[%dma_start3A_775, %dma_start3A_776] : memref<32x513xf32, #tpu.memory_space<vmem>> -> memref<8x128xf32, #tpu.memory_space<vmem>>
      %dma_start3A_778 = arith.constant 0 : i32
      %dma_start3A_779 = arith.constant 0 : i32
      %dma_start3A_780 = tpu.memref_slice %arg5[%mul3A_700, %dma_start3A_774, %add3A_773, %dma_start3A_778, %dma_start3A_779] : memref<26x4x128x8x128xf32, #tpu.memory_space<hbm>> -> memref<1x1x1x8x128xf32, #tpu.memory_space<hbm>>
      %dma_start3A_781 = tpu.memref_squeeze %dma_start3A_780 : memref<1x1x1x8x128xf32, #tpu.memory_space<hbm>> -> memref<8x128xf32, #tpu.memory_space<hbm>>
      %dma_start3A_782 = arith.constant 0 : i32
      %dma_start3A_783 = arith.constant 0 : i32
      %dma_start3A_784 = tpu.memref_slice %arg5[%mul3A_700, %dma_start3A_774, %add3A_773, %dma_start3A_782, %dma_start3A_783] : memref<26x4x128x8x128xf32, #tpu.memory_space<hbm>> -> memref<1x1x1x8x128xf32, #tpu.memory_space<hbm>>
      %dma_start3A_785 = tpu.memref_squeeze %dma_start3A_784 : memref<1x1x1x8x128xf32, #tpu.memory_space<hbm>> -> memref<8x128xf32, #tpu.memory_space<hbm>>
      %dma_start3A_786 = arith.constant 0 : i32
      %dma_start3A_787 = arith.constant 0 : i32
      %dma_start3A_788 = tpu.memref_slice %arg12[%dma_start3A_786, %dma_start3A_787] : memref<32x513xf32, #tpu.memory_space<vmem>> -> memref<8x128xf32, #tpu.memory_space<vmem>>
      tpu.enqueue_dma source(%dma_start3A_788 : memref<8x128xf32, #tpu.memory_space<vmem>>) target(%dma_start3A_785 : memref<8x128xf32, #tpu.memory_space<hbm>>) target_semaphore(%arg16 : memref<!tpu.dma_semaphore, #tpu.memory_space<semaphore_mem>>)
      %mul3A_789 = arith.constant 4 : i32
      %mul3A_790 = arith.muli %add3A, %mul3A_789 : i32
      %add3A_791 = arith.constant 1 : i32
      %add3A_792 = arith.addi %mul3A_790, %add3A_791 : i32
      %dma_start3A_793 = arith.constant 0 : i32
      %dma_start3A_794 = arith.constant 0 : i32
      %dma_start3A_795 = arith.constant 128 : i32
      %dma_start3A_796 = tpu.memref_slice %arg12[%dma_start3A_794, %dma_start3A_795] : memref<32x513xf32, #tpu.memory_space<vmem>> -> memref<8x128xf32, #tpu.memory_space<vmem>>
      %dma_start3A_797 = arith.constant 0 : i32
      %dma_start3A_798 = arith.constant 0 : i32
      %dma_start3A_799 = tpu.memref_slice %arg5[%mul3A_700, %dma_start3A_793, %add3A_792, %dma_start3A_797, %dma_start3A_798] : memref<26x4x128x8x128xf32, #tpu.memory_space<hbm>> -> memref<1x1x1x8x128xf32, #tpu.memory_space<hbm>>
      %dma_start3A_800 = tpu.memref_squeeze %dma_start3A_799 : memref<1x1x1x8x128xf32, #tpu.memory_space<hbm>> -> memref<8x128xf32, #tpu.memory_space<hbm>>
      %dma_start3A_801 = arith.constant 0 : i32
      %dma_start3A_802 = arith.constant 0 : i32
      %dma_start3A_803 = tpu.memref_slice %arg5[%mul3A_700, %dma_start3A_793, %add3A_792, %dma_start3A_801, %dma_start3A_802] : memref<26x4x128x8x128xf32, #tpu.memory_space<hbm>> -> memref<1x1x1x8x128xf32, #tpu.memory_space<hbm>>
      %dma_start3A_804 = tpu.memref_squeeze %dma_start3A_803 : memref<1x1x1x8x128xf32, #tpu.memory_space<hbm>> -> memref<8x128xf32, #tpu.memory_space<hbm>>
      %dma_start3A_805 = arith.constant 0 : i32
      %dma_start3A_806 = arith.constant 128 : i32
      %dma_start3A_807 = tpu.memref_slice %arg12[%dma_start3A_805, %dma_start3A_806] : memref<32x513xf32, #tpu.memory_space<vmem>> -> memref<8x128xf32, #tpu.memory_space<vmem>>
      tpu.enqueue_dma source(%dma_start3A_807 : memref<8x128xf32, #tpu.memory_space<vmem>>) target(%dma_start3A_804 : memref<8x128xf32, #tpu.memory_space<hbm>>) target_semaphore(%arg16 : memref<!tpu.dma_semaphore, #tpu.memory_space<semaphore_mem>>)
      %mul3A_808 = arith.constant 4 : i32
      %mul3A_809 = arith.muli %add3A, %mul3A_808 : i32
      %add3A_810 = arith.constant 2 : i32
      %add3A_811 = arith.addi %mul3A_809, %add3A_810 : i32
      %dma_start3A_812 = arith.constant 0 : i32
      %dma_start3A_813 = arith.constant 0 : i32
      %dma_start3A_814 = arith.constant 256 : i32
      %dma_start3A_815 = tpu.memref_slice %arg12[%dma_start3A_813, %dma_start3A_814] : memref<32x513xf32, #tpu.memory_space<vmem>> -> memref<8x128xf32, #tpu.memory_space<vmem>>
      %dma_start3A_816 = arith.constant 0 : i32
      %dma_start3A_817 = arith.constant 0 : i32
      %dma_start3A_818 = tpu.memref_slice %arg5[%mul3A_700, %dma_start3A_812, %add3A_811, %dma_start3A_816, %dma_start3A_817] : memref<26x4x128x8x128xf32, #tpu.memory_space<hbm>> -> memref<1x1x1x8x128xf32, #tpu.memory_space<hbm>>
      %dma_start3A_819 = tpu.memref_squeeze %dma_start3A_818 : memref<1x1x1x8x128xf32, #tpu.memory_space<hbm>> -> memref<8x128xf32, #tpu.memory_space<hbm>>
      %dma_start3A_820 = arith.constant 0 : i32
      %dma_start3A_821 = arith.constant 0 : i32
      %dma_start3A_822 = tpu.memref_slice %arg5[%mul3A_700, %dma_start3A_812, %add3A_811, %dma_start3A_820, %dma_start3A_821] : memref<26x4x128x8x128xf32, #tpu.memory_space<hbm>> -> memref<1x1x1x8x128xf32, #tpu.memory_space<hbm>>
      %dma_start3A_823 = tpu.memref_squeeze %dma_start3A_822 : memref<1x1x1x8x128xf32, #tpu.memory_space<hbm>> -> memref<8x128xf32, #tpu.memory_space<hbm>>
      %dma_start3A_824 = arith.constant 0 : i32
      %dma_start3A_825 = arith.constant 256 : i32
      %dma_start3A_826 = tpu.memref_slice %arg12[%dma_start3A_824, %dma_start3A_825] : memref<32x513xf32, #tpu.memory_space<vmem>> -> memref<8x128xf32, #tpu.memory_space<vmem>>
      tpu.enqueue_dma source(%dma_start3A_826 : memref<8x128xf32, #tpu.memory_space<vmem>>) target(%dma_start3A_823 : memref<8x128xf32, #tpu.memory_space<hbm>>) target_semaphore(%arg16 : memref<!tpu.dma_semaphore, #tpu.memory_space<semaphore_mem>>)
      %mul3A_827 = arith.constant 4 : i32
      %mul3A_828 = arith.muli %add3A, %mul3A_827 : i32
      %add3A_829 = arith.constant 3 : i32
      %add3A_830 = arith.addi %mul3A_828, %add3A_829 : i32
      %dma_start3A_831 = arith.constant 0 : i32
      %dma_start3A_832 = arith.constant 0 : i32
      %dma_start3A_833 = arith.constant 384 : i32
      %dma_start3A_834 = tpu.memref_slice %arg12[%dma_start3A_832, %dma_start3A_833] : memref<32x513xf32, #tpu.memory_space<vmem>> -> memref<8x128xf32, #tpu.memory_space<vmem>>
      %dma_start3A_835 = arith.constant 0 : i32
      %dma_start3A_836 = arith.constant 0 : i32
      %dma_start3A_837 = tpu.memref_slice %arg5[%mul3A_700, %dma_start3A_831, %add3A_830, %dma_start3A_835, %dma_start3A_836] : memref<26x4x128x8x128xf32, #tpu.memory_space<hbm>> -> memref<1x1x1x8x128xf32, #tpu.memory_space<hbm>>
      %dma_start3A_838 = tpu.memref_squeeze %dma_start3A_837 : memref<1x1x1x8x128xf32, #tpu.memory_space<hbm>> -> memref<8x128xf32, #tpu.memory_space<hbm>>
      %dma_start3A_839 = arith.constant 0 : i32
      %dma_start3A_840 = arith.constant 0 : i32
      %dma_start3A_841 = tpu.memref_slice %arg5[%mul3A_700, %dma_start3A_831, %add3A_830, %dma_start3A_839, %dma_start3A_840] : memref<26x4x128x8x128xf32, #tpu.memory_space<hbm>> -> memref<1x1x1x8x128xf32, #tpu.memory_space<hbm>>
      %dma_start3A_842 = tpu.memref_squeeze %dma_start3A_841 : memref<1x1x1x8x128xf32, #tpu.memory_space<hbm>> -> memref<8x128xf32, #tpu.memory_space<hbm>>
      %dma_start3A_843 = arith.constant 0 : i32
      %dma_start3A_844 = arith.constant 384 : i32
      %dma_start3A_845 = tpu.memref_slice %arg12[%dma_start3A_843, %dma_start3A_844] : memref<32x513xf32, #tpu.memory_space<vmem>> -> memref<8x128xf32, #tpu.memory_space<vmem>>
      tpu.enqueue_dma source(%dma_start3A_845 : memref<8x128xf32, #tpu.memory_space<vmem>>) target(%dma_start3A_842 : memref<8x128xf32, #tpu.memory_space<hbm>>) target_semaphore(%arg16 : memref<!tpu.dma_semaphore, #tpu.memory_space<semaphore_mem>>)
      %mul3A_846 = arith.constant 4 : i32
      %mul3A_847 = arith.muli %add3A, %mul3A_846 : i32
      %add3A_848 = arith.constant 0 : i32
      %add3A_849 = arith.addi %mul3A_847, %add3A_848 : i32
      %dma_start3A_850 = arith.constant 1 : i32
      %dma_start3A_851 = arith.constant 8 : i32
      %dma_start3A_852 = arith.constant 0 : i32
      %dma_start3A_853 = tpu.memref_slice %arg12[%dma_start3A_851, %dma_start3A_852] : memref<32x513xf32, #tpu.memory_space<vmem>> -> memref<8x128xf32, #tpu.memory_space<vmem>>
      %dma_start3A_854 = arith.constant 0 : i32
      %dma_start3A_855 = arith.constant 0 : i32
      %dma_start3A_856 = tpu.memref_slice %arg5[%mul3A_700, %dma_start3A_850, %add3A_849, %dma_start3A_854, %dma_start3A_855] : memref<26x4x128x8x128xf32, #tpu.memory_space<hbm>> -> memref<1x1x1x8x128xf32, #tpu.memory_space<hbm>>
      %dma_start3A_857 = tpu.memref_squeeze %dma_start3A_856 : memref<1x1x1x8x128xf32, #tpu.memory_space<hbm>> -> memref<8x128xf32, #tpu.memory_space<hbm>>
      %dma_start3A_858 = arith.constant 0 : i32
      %dma_start3A_859 = arith.constant 0 : i32
      %dma_start3A_860 = tpu.memref_slice %arg5[%mul3A_700, %dma_start3A_850, %add3A_849, %dma_start3A_858, %dma_start3A_859] : memref<26x4x128x8x128xf32, #tpu.memory_space<hbm>> -> memref<1x1x1x8x128xf32, #tpu.memory_space<hbm>>
      %dma_start3A_861 = tpu.memref_squeeze %dma_start3A_860 : memref<1x1x1x8x128xf32, #tpu.memory_space<hbm>> -> memref<8x128xf32, #tpu.memory_space<hbm>>
      %dma_start3A_862 = arith.constant 8 : i32
      %dma_start3A_863 = arith.constant 0 : i32
      %dma_start3A_864 = tpu.memref_slice %arg12[%dma_start3A_862, %dma_start3A_863] : memref<32x513xf32, #tpu.memory_space<vmem>> -> memref<8x128xf32, #tpu.memory_space<vmem>>
      tpu.enqueue_dma source(%dma_start3A_864 : memref<8x128xf32, #tpu.memory_space<vmem>>) target(%dma_start3A_861 : memref<8x128xf32, #tpu.memory_space<hbm>>) target_semaphore(%arg16 : memref<!tpu.dma_semaphore, #tpu.memory_space<semaphore_mem>>)
      %mul3A_865 = arith.constant 4 : i32
      %mul3A_866 = arith.muli %add3A, %mul3A_865 : i32
      %add3A_867 = arith.constant 1 : i32
      %add3A_868 = arith.addi %mul3A_866, %add3A_867 : i32
      %dma_start3A_869 = arith.constant 1 : i32
      %dma_start3A_870 = arith.constant 8 : i32
      %dma_start3A_871 = arith.constant 128 : i32
      %dma_start3A_872 = tpu.memref_slice %arg12[%dma_start3A_870, %dma_start3A_871] : memref<32x513xf32, #tpu.memory_space<vmem>> -> memref<8x128xf32, #tpu.memory_space<vmem>>
      %dma_start3A_873 = arith.constant 0 : i32
      %dma_start3A_874 = arith.constant 0 : i32
      %dma_start3A_875 = tpu.memref_slice %arg5[%mul3A_700, %dma_start3A_869, %add3A_868, %dma_start3A_873, %dma_start3A_874] : memref<26x4x128x8x128xf32, #tpu.memory_space<hbm>> -> memref<1x1x1x8x128xf32, #tpu.memory_space<hbm>>
      %dma_start3A_876 = tpu.memref_squeeze %dma_start3A_875 : memref<1x1x1x8x128xf32, #tpu.memory_space<hbm>> -> memref<8x128xf32, #tpu.memory_space<hbm>>
      %dma_start3A_877 = arith.constant 0 : i32
      %dma_start3A_878 = arith.constant 0 : i32
      %dma_start3A_879 = tpu.memref_slice %arg5[%mul3A_700, %dma_start3A_869, %add3A_868, %dma_start3A_877, %dma_start3A_878] : memref<26x4x128x8x128xf32, #tpu.memory_space<hbm>> -> memref<1x1x1x8x128xf32, #tpu.memory_space<hbm>>
      %dma_start3A_880 = tpu.memref_squeeze %dma_start3A_879 : memref<1x1x1x8x128xf32, #tpu.memory_space<hbm>> -> memref<8x128xf32, #tpu.memory_space<hbm>>
      %dma_start3A_881 = arith.constant 8 : i32
      %dma_start3A_882 = arith.constant 128 : i32
      %dma_start3A_883 = tpu.memref_slice %arg12[%dma_start3A_881, %dma_start3A_882] : memref<32x513xf32, #tpu.memory_space<vmem>> -> memref<8x128xf32, #tpu.memory_space<vmem>>
      tpu.enqueue_dma source(%dma_start3A_883 : memref<8x128xf32, #tpu.memory_space<vmem>>) target(%dma_start3A_880 : memref<8x128xf32, #tpu.memory_space<hbm>>) target_semaphore(%arg16 : memref<!tpu.dma_semaphore, #tpu.memory_space<semaphore_mem>>)
      %mul3A_884 = arith.constant 4 : i32
      %mul3A_885 = arith.muli %add3A, %mul3A_884 : i32
      %add3A_886 = arith.constant 2 : i32
      %add3A_887 = arith.addi %mul3A_885, %add3A_886 : i32
      %dma_start3A_888 = arith.constant 1 : i32
      %dma_start3A_889 = arith.constant 8 : i32
      %dma_start3A_890 = arith.constant 256 : i32
      %dma_start3A_891 = tpu.memref_slice %arg12[%dma_start3A_889, %dma_start3A_890] : memref<32x513xf32, #tpu.memory_space<vmem>> -> memref<8x128xf32, #tpu.memory_space<vmem>>
      %dma_start3A_892 = arith.constant 0 : i32
      %dma_start3A_893 = arith.constant 0 : i32
      %dma_start3A_894 = tpu.memref_slice %arg5[%mul3A_700, %dma_start3A_888, %add3A_887, %dma_start3A_892, %dma_start3A_893] : memref<26x4x128x8x128xf32, #tpu.memory_space<hbm>> -> memref<1x1x1x8x128xf32, #tpu.memory_space<hbm>>
      %dma_start3A_895 = tpu.memref_squeeze %dma_start3A_894 : memref<1x1x1x8x128xf32, #tpu.memory_space<hbm>> -> memref<8x128xf32, #tpu.memory_space<hbm>>
      %dma_start3A_896 = arith.constant 0 : i32
      %dma_start3A_897 = arith.constant 0 : i32
      %dma_start3A_898 = tpu.memref_slice %arg5[%mul3A_700, %dma_start3A_888, %add3A_887, %dma_start3A_896, %dma_start3A_897] : memref<26x4x128x8x128xf32, #tpu.memory_space<hbm>> -> memref<1x1x1x8x128xf32, #tpu.memory_space<hbm>>
      %dma_start3A_899 = tpu.memref_squeeze %dma_start3A_898 : memref<1x1x1x8x128xf32, #tpu.memory_space<hbm>> -> memref<8x128xf32, #tpu.memory_space<hbm>>
      %dma_start3A_900 = arith.constant 8 : i32
      %dma_start3A_901 = arith.constant 256 : i32
      %dma_start3A_902 = tpu.memref_slice %arg12[%dma_start3A_900, %dma_start3A_901] : memref<32x513xf32, #tpu.memory_space<vmem>> -> memref<8x128xf32, #tpu.memory_space<vmem>>
      tpu.enqueue_dma source(%dma_start3A_902 : memref<8x128xf32, #tpu.memory_space<vmem>>) target(%dma_start3A_899 : memref<8x128xf32, #tpu.memory_space<hbm>>) target_semaphore(%arg16 : memref<!tpu.dma_semaphore, #tpu.memory_space<semaphore_mem>>)
      %mul3A_903 = arith.constant 4 : i32
      %mul3A_904 = arith.muli %add3A, %mul3A_903 : i32
      %add3A_905 = arith.constant 3 : i32
      %add3A_906 = arith.addi %mul3A_904, %add3A_905 : i32
      %dma_start3A_907 = arith.constant 1 : i32
      %dma_start3A_908 = arith.constant 8 : i32
      %dma_start3A_909 = arith.constant 384 : i32
      %dma_start3A_910 = tpu.memref_slice %arg12[%dma_start3A_908, %dma_start3A_909] : memref<32x513xf32, #tpu.memory_space<vmem>> -> memref<8x128xf32, #tpu.memory_space<vmem>>
      %dma_start3A_911 = arith.constant 0 : i32
      %dma_start3A_912 = arith.constant 0 : i32
      %dma_start3A_913 = tpu.memref_slice %arg5[%mul3A_700, %dma_start3A_907, %add3A_906, %dma_start3A_911, %dma_start3A_912] : memref<26x4x128x8x128xf32, #tpu.memory_space<hbm>> -> memref<1x1x1x8x128xf32, #tpu.memory_space<hbm>>
      %dma_start3A_914 = tpu.memref_squeeze %dma_start3A_913 : memref<1x1x1x8x128xf32, #tpu.memory_space<hbm>> -> memref<8x128xf32, #tpu.memory_space<hbm>>
      %dma_start3A_915 = arith.constant 0 : i32
      %dma_start3A_916 = arith.constant 0 : i32
      %dma_start3A_917 = tpu.memref_slice %arg5[%mul3A_700, %dma_start3A_907, %add3A_906, %dma_start3A_915, %dma_start3A_916] : memref<26x4x128x8x128xf32, #tpu.memory_space<hbm>> -> memref<1x1x1x8x128xf32, #tpu.memory_space<hbm>>
      %dma_start3A_918 = tpu.memref_squeeze %dma_start3A_917 : memref<1x1x1x8x128xf32, #tpu.memory_space<hbm>> -> memref<8x128xf32, #tpu.memory_space<hbm>>
      %dma_start3A_919 = arith.constant 8 : i32
      %dma_start3A_920 = arith.constant 384 : i32
      %dma_start3A_921 = tpu.memref_slice %arg12[%dma_start3A_919, %dma_start3A_920] : memref<32x513xf32, #tpu.memory_space<vmem>> -> memref<8x128xf32, #tpu.memory_space<vmem>>
      tpu.enqueue_dma source(%dma_start3A_921 : memref<8x128xf32, #tpu.memory_space<vmem>>) target(%dma_start3A_918 : memref<8x128xf32, #tpu.memory_space<hbm>>) target_semaphore(%arg16 : memref<!tpu.dma_semaphore, #tpu.memory_space<semaphore_mem>>)
      %mul3A_922 = arith.constant 4 : i32
      %mul3A_923 = arith.muli %add3A, %mul3A_922 : i32
      %add3A_924 = arith.constant 0 : i32
      %add3A_925 = arith.addi %mul3A_923, %add3A_924 : i32
      %dma_start3A_926 = arith.constant 2 : i32
      %dma_start3A_927 = arith.constant 16 : i32
      %dma_start3A_928 = arith.constant 0 : i32
      %dma_start3A_929 = tpu.memref_slice %arg12[%dma_start3A_927, %dma_start3A_928] : memref<32x513xf32, #tpu.memory_space<vmem>> -> memref<8x128xf32, #tpu.memory_space<vmem>>
      %dma_start3A_930 = arith.constant 0 : i32
      %dma_start3A_931 = arith.constant 0 : i32
      %dma_start3A_932 = tpu.memref_slice %arg5[%mul3A_700, %dma_start3A_926, %add3A_925, %dma_start3A_930, %dma_start3A_931] : memref<26x4x128x8x128xf32, #tpu.memory_space<hbm>> -> memref<1x1x1x8x128xf32, #tpu.memory_space<hbm>>
      %dma_start3A_933 = tpu.memref_squeeze %dma_start3A_932 : memref<1x1x1x8x128xf32, #tpu.memory_space<hbm>> -> memref<8x128xf32, #tpu.memory_space<hbm>>
      %dma_start3A_934 = arith.constant 0 : i32
      %dma_start3A_935 = arith.constant 0 : i32
      %dma_start3A_936 = tpu.memref_slice %arg5[%mul3A_700, %dma_start3A_926, %add3A_925, %dma_start3A_934, %dma_start3A_935] : memref<26x4x128x8x128xf32, #tpu.memory_space<hbm>> -> memref<1x1x1x8x128xf32, #tpu.memory_space<hbm>>
      %dma_start3A_937 = tpu.memref_squeeze %dma_start3A_936 : memref<1x1x1x8x128xf32, #tpu.memory_space<hbm>> -> memref<8x128xf32, #tpu.memory_space<hbm>>
      %dma_start3A_938 = arith.constant 16 : i32
      %dma_start3A_939 = arith.constant 0 : i32
      %dma_start3A_940 = tpu.memref_slice %arg12[%dma_start3A_938, %dma_start3A_939] : memref<32x513xf32, #tpu.memory_space<vmem>> -> memref<8x128xf32, #tpu.memory_space<vmem>>
      tpu.enqueue_dma source(%dma_start3A_940 : memref<8x128xf32, #tpu.memory_space<vmem>>) target(%dma_start3A_937 : memref<8x128xf32, #tpu.memory_space<hbm>>) target_semaphore(%arg16 : memref<!tpu.dma_semaphore, #tpu.memory_space<semaphore_mem>>)
      %mul3A_941 = arith.constant 4 : i32
      %mul3A_942 = arith.muli %add3A, %mul3A_941 : i32
      %add3A_943 = arith.constant 1 : i32
      %add3A_944 = arith.addi %mul3A_942, %add3A_943 : i32
      %dma_start3A_945 = arith.constant 2 : i32
      %dma_start3A_946 = arith.constant 16 : i32
      %dma_start3A_947 = arith.constant 128 : i32
      %dma_start3A_948 = tpu.memref_slice %arg12[%dma_start3A_946, %dma_start3A_947] : memref<32x513xf32, #tpu.memory_space<vmem>> -> memref<8x128xf32, #tpu.memory_space<vmem>>
      %dma_start3A_949 = arith.constant 0 : i32
      %dma_start3A_950 = arith.constant 0 : i32
      %dma_start3A_951 = tpu.memref_slice %arg5[%mul3A_700, %dma_start3A_945, %add3A_944, %dma_start3A_949, %dma_start3A_950] : memref<26x4x128x8x128xf32, #tpu.memory_space<hbm>> -> memref<1x1x1x8x128xf32, #tpu.memory_space<hbm>>
      %dma_start3A_952 = tpu.memref_squeeze %dma_start3A_951 : memref<1x1x1x8x128xf32, #tpu.memory_space<hbm>> -> memref<8x128xf32, #tpu.memory_space<hbm>>
      %dma_start3A_953 = arith.constant 0 : i32
      %dma_start3A_954 = arith.constant 0 : i32
      %dma_start3A_955 = tpu.memref_slice %arg5[%mul3A_700, %dma_start3A_945, %add3A_944, %dma_start3A_953, %dma_start3A_954] : memref<26x4x128x8x128xf32, #tpu.memory_space<hbm>> -> memref<1x1x1x8x128xf32, #tpu.memory_space<hbm>>
      %dma_start3A_956 = tpu.memref_squeeze %dma_start3A_955 : memref<1x1x1x8x128xf32, #tpu.memory_space<hbm>> -> memref<8x128xf32, #tpu.memory_space<hbm>>
      %dma_start3A_957 = arith.constant 16 : i32
      %dma_start3A_958 = arith.constant 128 : i32
      %dma_start3A_959 = tpu.memref_slice %arg12[%dma_start3A_957, %dma_start3A_958] : memref<32x513xf32, #tpu.memory_space<vmem>> -> memref<8x128xf32, #tpu.memory_space<vmem>>
      tpu.enqueue_dma source(%dma_start3A_959 : memref<8x128xf32, #tpu.memory_space<vmem>>) target(%dma_start3A_956 : memref<8x128xf32, #tpu.memory_space<hbm>>) target_semaphore(%arg16 : memref<!tpu.dma_semaphore, #tpu.memory_space<semaphore_mem>>)
      %mul3A_960 = arith.constant 4 : i32
      %mul3A_961 = arith.muli %add3A, %mul3A_960 : i32
      %add3A_962 = arith.constant 2 : i32
      %add3A_963 = arith.addi %mul3A_961, %add3A_962 : i32
      %dma_start3A_964 = arith.constant 2 : i32
      %dma_start3A_965 = arith.constant 16 : i32
      %dma_start3A_966 = arith.constant 256 : i32
      %dma_start3A_967 = tpu.memref_slice %arg12[%dma_start3A_965, %dma_start3A_966] : memref<32x513xf32, #tpu.memory_space<vmem>> -> memref<8x128xf32, #tpu.memory_space<vmem>>
      %dma_start3A_968 = arith.constant 0 : i32
      %dma_start3A_969 = arith.constant 0 : i32
      %dma_start3A_970 = tpu.memref_slice %arg5[%mul3A_700, %dma_start3A_964, %add3A_963, %dma_start3A_968, %dma_start3A_969] : memref<26x4x128x8x128xf32, #tpu.memory_space<hbm>> -> memref<1x1x1x8x128xf32, #tpu.memory_space<hbm>>
      %dma_start3A_971 = tpu.memref_squeeze %dma_start3A_970 : memref<1x1x1x8x128xf32, #tpu.memory_space<hbm>> -> memref<8x128xf32, #tpu.memory_space<hbm>>
      %dma_start3A_972 = arith.constant 0 : i32
      %dma_start3A_973 = arith.constant 0 : i32
      %dma_start3A_974 = tpu.memref_slice %arg5[%mul3A_700, %dma_start3A_964, %add3A_963, %dma_start3A_972, %dma_start3A_973] : memref<26x4x128x8x128xf32, #tpu.memory_space<hbm>> -> memref<1x1x1x8x128xf32, #tpu.memory_space<hbm>>
      %dma_start3A_975 = tpu.memref_squeeze %dma_start3A_974 : memref<1x1x1x8x128xf32, #tpu.memory_space<hbm>> -> memref<8x128xf32, #tpu.memory_space<hbm>>
      %dma_start3A_976 = arith.constant 16 : i32
      %dma_start3A_977 = arith.constant 256 : i32
      %dma_start3A_978 = tpu.memref_slice %arg12[%dma_start3A_976, %dma_start3A_977] : memref<32x513xf32, #tpu.memory_space<vmem>> -> memref<8x128xf32, #tpu.memory_space<vmem>>
      tpu.enqueue_dma source(%dma_start3A_978 : memref<8x128xf32, #tpu.memory_space<vmem>>) target(%dma_start3A_975 : memref<8x128xf32, #tpu.memory_space<hbm>>) target_semaphore(%arg16 : memref<!tpu.dma_semaphore, #tpu.memory_space<semaphore_mem>>)
      %mul3A_979 = arith.constant 4 : i32
      %mul3A_980 = arith.muli %add3A, %mul3A_979 : i32
      %add3A_981 = arith.constant 3 : i32
      %add3A_982 = arith.addi %mul3A_980, %add3A_981 : i32
      %dma_start3A_983 = arith.constant 2 : i32
      %dma_start3A_984 = arith.constant 16 : i32
      %dma_start3A_985 = arith.constant 384 : i32
      %dma_start3A_986 = tpu.memref_slice %arg12[%dma_start3A_984, %dma_start3A_985] : memref<32x513xf32, #tpu.memory_space<vmem>> -> memref<8x128xf32, #tpu.memory_space<vmem>>
      %dma_start3A_987 = arith.constant 0 : i32
      %dma_start3A_988 = arith.constant 0 : i32
      %dma_start3A_989 = tpu.memref_slice %arg5[%mul3A_700, %dma_start3A_983, %add3A_982, %dma_start3A_987, %dma_start3A_988] : memref<26x4x128x8x128xf32, #tpu.memory_space<hbm>> -> memref<1x1x1x8x128xf32, #tpu.memory_space<hbm>>
      %dma_start3A_990 = tpu.memref_squeeze %dma_start3A_989 : memref<1x1x1x8x128xf32, #tpu.memory_space<hbm>> -> memref<8x128xf32, #tpu.memory_space<hbm>>
      %dma_start3A_991 = arith.constant 0 : i32
      %dma_start3A_992 = arith.constant 0 : i32
      %dma_start3A_993 = tpu.memref_slice %arg5[%mul3A_700, %dma_start3A_983, %add3A_982, %dma_start3A_991, %dma_start3A_992] : memref<26x4x128x8x128xf32, #tpu.memory_space<hbm>> -> memref<1x1x1x8x128xf32, #tpu.memory_space<hbm>>
      %dma_start3A_994 = tpu.memref_squeeze %dma_start3A_993 : memref<1x1x1x8x128xf32, #tpu.memory_space<hbm>> -> memref<8x128xf32, #tpu.memory_space<hbm>>
      %dma_start3A_995 = arith.constant 16 : i32
      %dma_start3A_996 = arith.constant 384 : i32
      %dma_start3A_997 = tpu.memref_slice %arg12[%dma_start3A_995, %dma_start3A_996] : memref<32x513xf32, #tpu.memory_space<vmem>> -> memref<8x128xf32, #tpu.memory_space<vmem>>
      tpu.enqueue_dma source(%dma_start3A_997 : memref<8x128xf32, #tpu.memory_space<vmem>>) target(%dma_start3A_994 : memref<8x128xf32, #tpu.memory_space<hbm>>) target_semaphore(%arg16 : memref<!tpu.dma_semaphore, #tpu.memory_space<semaphore_mem>>)
      %mul3A_998 = arith.constant 4 : i32
      %mul3A_999 = arith.muli %add3A, %mul3A_998 : i32
      %add3A_1000 = arith.constant 0 : i32
      %add3A_1001 = arith.addi %mul3A_999, %add3A_1000 : i32
      %dma_start3A_1002 = arith.constant 3 : i32
      %dma_start3A_1003 = arith.constant 24 : i32
      %dma_start3A_1004 = arith.constant 0 : i32
      %dma_start3A_1005 = tpu.memref_slice %arg12[%dma_start3A_1003, %dma_start3A_1004] : memref<32x513xf32, #tpu.memory_space<vmem>> -> memref<8x128xf32, #tpu.memory_space<vmem>>
      %dma_start3A_1006 = arith.constant 0 : i32
      %dma_start3A_1007 = arith.constant 0 : i32
      %dma_start3A_1008 = tpu.memref_slice %arg5[%mul3A_700, %dma_start3A_1002, %add3A_1001, %dma_start3A_1006, %dma_start3A_1007] : memref<26x4x128x8x128xf32, #tpu.memory_space<hbm>> -> memref<1x1x1x8x128xf32, #tpu.memory_space<hbm>>
      %dma_start3A_1009 = tpu.memref_squeeze %dma_start3A_1008 : memref<1x1x1x8x128xf32, #tpu.memory_space<hbm>> -> memref<8x128xf32, #tpu.memory_space<hbm>>
      %dma_start3A_1010 = arith.constant 0 : i32
      %dma_start3A_1011 = arith.constant 0 : i32
      %dma_start3A_1012 = tpu.memref_slice %arg5[%mul3A_700, %dma_start3A_1002, %add3A_1001, %dma_start3A_1010, %dma_start3A_1011] : memref<26x4x128x8x128xf32, #tpu.memory_space<hbm>> -> memref<1x1x1x8x128xf32, #tpu.memory_space<hbm>>
      %dma_start3A_1013 = tpu.memref_squeeze %dma_start3A_1012 : memref<1x1x1x8x128xf32, #tpu.memory_space<hbm>> -> memref<8x128xf32, #tpu.memory_space<hbm>>
      %dma_start3A_1014 = arith.constant 24 : i32
      %dma_start3A_1015 = arith.constant 0 : i32
      %dma_start3A_1016 = tpu.memref_slice %arg12[%dma_start3A_1014, %dma_start3A_1015] : memref<32x513xf32, #tpu.memory_space<vmem>> -> memref<8x128xf32, #tpu.memory_space<vmem>>
      tpu.enqueue_dma source(%dma_start3A_1016 : memref<8x128xf32, #tpu.memory_space<vmem>>) target(%dma_start3A_1013 : memref<8x128xf32, #tpu.memory_space<hbm>>) target_semaphore(%arg16 : memref<!tpu.dma_semaphore, #tpu.memory_space<semaphore_mem>>)
      %mul3A_1017 = arith.constant 4 : i32
      %mul3A_1018 = arith.muli %add3A, %mul3A_1017 : i32
      %add3A_1019 = arith.constant 1 : i32
      %add3A_1020 = arith.addi %mul3A_1018, %add3A_1019 : i32
      %dma_start3A_1021 = arith.constant 3 : i32
      %dma_start3A_1022 = arith.constant 24 : i32
      %dma_start3A_1023 = arith.constant 128 : i32
      %dma_start3A_1024 = tpu.memref_slice %arg12[%dma_start3A_1022, %dma_start3A_1023] : memref<32x513xf32, #tpu.memory_space<vmem>> -> memref<8x128xf32, #tpu.memory_space<vmem>>
      %dma_start3A_1025 = arith.constant 0 : i32
      %dma_start3A_1026 = arith.constant 0 : i32
      %dma_start3A_1027 = tpu.memref_slice %arg5[%mul3A_700, %dma_start3A_1021, %add3A_1020, %dma_start3A_1025, %dma_start3A_1026] : memref<26x4x128x8x128xf32, #tpu.memory_space<hbm>> -> memref<1x1x1x8x128xf32, #tpu.memory_space<hbm>>
      %dma_start3A_1028 = tpu.memref_squeeze %dma_start3A_1027 : memref<1x1x1x8x128xf32, #tpu.memory_space<hbm>> -> memref<8x128xf32, #tpu.memory_space<hbm>>
      %dma_start3A_1029 = arith.constant 0 : i32
      %dma_start3A_1030 = arith.constant 0 : i32
      %dma_start3A_1031 = tpu.memref_slice %arg5[%mul3A_700, %dma_start3A_1021, %add3A_1020, %dma_start3A_1029, %dma_start3A_1030] : memref<26x4x128x8x128xf32, #tpu.memory_space<hbm>> -> memref<1x1x1x8x128xf32, #tpu.memory_space<hbm>>
      %dma_start3A_1032 = tpu.memref_squeeze %dma_start3A_1031 : memref<1x1x1x8x128xf32, #tpu.memory_space<hbm>> -> memref<8x128xf32, #tpu.memory_space<hbm>>
      %dma_start3A_1033 = arith.constant 24 : i32
      %dma_start3A_1034 = arith.constant 128 : i32
      %dma_start3A_1035 = tpu.memref_slice %arg12[%dma_start3A_1033, %dma_start3A_1034] : memref<32x513xf32, #tpu.memory_space<vmem>> -> memref<8x128xf32, #tpu.memory_space<vmem>>
      tpu.enqueue_dma source(%dma_start3A_1035 : memref<8x128xf32, #tpu.memory_space<vmem>>) target(%dma_start3A_1032 : memref<8x128xf32, #tpu.memory_space<hbm>>) target_semaphore(%arg16 : memref<!tpu.dma_semaphore, #tpu.memory_space<semaphore_mem>>)
      %mul3A_1036 = arith.constant 4 : i32
      %mul3A_1037 = arith.muli %add3A, %mul3A_1036 : i32
      %add3A_1038 = arith.constant 2 : i32
      %add3A_1039 = arith.addi %mul3A_1037, %add3A_1038 : i32
      %dma_start3A_1040 = arith.constant 3 : i32
      %dma_start3A_1041 = arith.constant 24 : i32
      %dma_start3A_1042 = arith.constant 256 : i32
      %dma_start3A_1043 = tpu.memref_slice %arg12[%dma_start3A_1041, %dma_start3A_1042] : memref<32x513xf32, #tpu.memory_space<vmem>> -> memref<8x128xf32, #tpu.memory_space<vmem>>
      %dma_start3A_1044 = arith.constant 0 : i32
      %dma_start3A_1045 = arith.constant 0 : i32
      %dma_start3A_1046 = tpu.memref_slice %arg5[%mul3A_700, %dma_start3A_1040, %add3A_1039, %dma_start3A_1044, %dma_start3A_1045] : memref<26x4x128x8x128xf32, #tpu.memory_space<hbm>> -> memref<1x1x1x8x128xf32, #tpu.memory_space<hbm>>
      %dma_start3A_1047 = tpu.memref_squeeze %dma_start3A_1046 : memref<1x1x1x8x128xf32, #tpu.memory_space<hbm>> -> memref<8x128xf32, #tpu.memory_space<hbm>>
      %dma_start3A_1048 = arith.constant 0 : i32
      %dma_start3A_1049 = arith.constant 0 : i32
      %dma_start3A_1050 = tpu.memref_slice %arg5[%mul3A_700, %dma_start3A_1040, %add3A_1039, %dma_start3A_1048, %dma_start3A_1049] : memref<26x4x128x8x128xf32, #tpu.memory_space<hbm>> -> memref<1x1x1x8x128xf32, #tpu.memory_space<hbm>>
      %dma_start3A_1051 = tpu.memref_squeeze %dma_start3A_1050 : memref<1x1x1x8x128xf32, #tpu.memory_space<hbm>> -> memref<8x128xf32, #tpu.memory_space<hbm>>
      %dma_start3A_1052 = arith.constant 24 : i32
      %dma_start3A_1053 = arith.constant 256 : i32
      %dma_start3A_1054 = tpu.memref_slice %arg12[%dma_start3A_1052, %dma_start3A_1053] : memref<32x513xf32, #tpu.memory_space<vmem>> -> memref<8x128xf32, #tpu.memory_space<vmem>>
      tpu.enqueue_dma source(%dma_start3A_1054 : memref<8x128xf32, #tpu.memory_space<vmem>>) target(%dma_start3A_1051 : memref<8x128xf32, #tpu.memory_space<hbm>>) target_semaphore(%arg16 : memref<!tpu.dma_semaphore, #tpu.memory_space<semaphore_mem>>)
      %mul3A_1055 = arith.constant 4 : i32
      %mul3A_1056 = arith.muli %add3A, %mul3A_1055 : i32
      %add3A_1057 = arith.constant 3 : i32
      %add3A_1058 = arith.addi %mul3A_1056, %add3A_1057 : i32
      %dma_start3A_1059 = arith.constant 3 : i32
      %dma_start3A_1060 = arith.constant 24 : i32
      %dma_start3A_1061 = arith.constant 384 : i32
      %dma_start3A_1062 = tpu.memref_slice %arg12[%dma_start3A_1060, %dma_start3A_1061] : memref<32x513xf32, #tpu.memory_space<vmem>> -> memref<8x128xf32, #tpu.memory_space<vmem>>
      %dma_start3A_1063 = arith.constant 0 : i32
      %dma_start3A_1064 = arith.constant 0 : i32
      %dma_start3A_1065 = tpu.memref_slice %arg5[%mul3A_700, %dma_start3A_1059, %add3A_1058, %dma_start3A_1063, %dma_start3A_1064] : memref<26x4x128x8x128xf32, #tpu.memory_space<hbm>> -> memref<1x1x1x8x128xf32, #tpu.memory_space<hbm>>
      %dma_start3A_1066 = tpu.memref_squeeze %dma_start3A_1065 : memref<1x1x1x8x128xf32, #tpu.memory_space<hbm>> -> memref<8x128xf32, #tpu.memory_space<hbm>>
      %dma_start3A_1067 = arith.constant 0 : i32
      %dma_start3A_1068 = arith.constant 0 : i32
      %dma_start3A_1069 = tpu.memref_slice %arg5[%mul3A_700, %dma_start3A_1059, %add3A_1058, %dma_start3A_1067, %dma_start3A_1068] : memref<26x4x128x8x128xf32, #tpu.memory_space<hbm>> -> memref<1x1x1x8x128xf32, #tpu.memory_space<hbm>>
      %dma_start3A_1070 = tpu.memref_squeeze %dma_start3A_1069 : memref<1x1x1x8x128xf32, #tpu.memory_space<hbm>> -> memref<8x128xf32, #tpu.memory_space<hbm>>
      %dma_start3A_1071 = arith.constant 24 : i32
      %dma_start3A_1072 = arith.constant 384 : i32
      %dma_start3A_1073 = tpu.memref_slice %arg12[%dma_start3A_1071, %dma_start3A_1072] : memref<32x513xf32, #tpu.memory_space<vmem>> -> memref<8x128xf32, #tpu.memory_space<vmem>>
      tpu.enqueue_dma source(%dma_start3A_1073 : memref<8x128xf32, #tpu.memory_space<vmem>>) target(%dma_start3A_1070 : memref<8x128xf32, #tpu.memory_space<hbm>>) target_semaphore(%arg16 : memref<!tpu.dma_semaphore, #tpu.memory_space<semaphore_mem>>)
      %lt3A = arith.constant 12 : i32
      %lt3A_1074 = arith.cmpi slt, %scan3A_697, %lt3A : i32
      %convert_element_type3A_1075 = arith.extui %lt3A_1074 : i1 to i32
      %cond3A_1076 = arith.constant 0 : i32
      %cond3A_1077 = arith.cmpi ne, %convert_element_type3A_1075, %cond3A_1076 : i32
      scf.if %cond3A_1077 {
        %mul3A_1402 = arith.constant 4 : i32
        %mul3A_1403 = arith.muli %add3A, %mul3A_1402 : i32
        %add3A_1404 = arith.constant 0 : i32
        %add3A_1405 = arith.addi %mul3A_1403, %add3A_1404 : i32
        %dma_wait3A_1406 = arith.constant 0 : i32
        %dma_wait3A_1407 = arith.constant 0 : i32
        %dma_wait3A_1408 = arith.constant 0 : i32
        %dma_wait3A_1409 = tpu.memref_slice %arg12[%dma_wait3A_1407, %dma_wait3A_1408] : memref<32x513xf32, #tpu.memory_space<vmem>> -> memref<8x128xf32, #tpu.memory_space<vmem>>
        %dma_wait3A_1410 = arith.constant 0 : i32
        %dma_wait3A_1411 = arith.constant 0 : i32
        %dma_wait3A_1412 = tpu.memref_slice %arg5[%mul3A_700, %dma_wait3A_1406, %add3A_1405, %dma_wait3A_1410, %dma_wait3A_1411] : memref<26x4x128x8x128xf32, #tpu.memory_space<hbm>> -> memref<1x1x1x8x128xf32, #tpu.memory_space<hbm>>
        %dma_wait3A_1413 = tpu.memref_squeeze %dma_wait3A_1412 : memref<1x1x1x8x128xf32, #tpu.memory_space<hbm>> -> memref<8x128xf32, #tpu.memory_space<hbm>>
        %dma_wait3A_1414 = arith.constant 0 : i32
        %dma_wait3A_1415 = arith.constant 0 : i32
        %dma_wait3A_1416 = tpu.memref_slice %arg5[%mul3A_700, %dma_wait3A_1406, %add3A_1405, %dma_wait3A_1414, %dma_wait3A_1415] : memref<26x4x128x8x128xf32, #tpu.memory_space<hbm>> -> memref<1x1x1x8x128xf32, #tpu.memory_space<hbm>>
        %dma_wait3A_1417 = tpu.memref_squeeze %dma_wait3A_1416 : memref<1x1x1x8x128xf32, #tpu.memory_space<hbm>> -> memref<8x128xf32, #tpu.memory_space<hbm>>
        %dma_wait3A_1418 = arith.constant 0 : i32
        %dma_wait3A_1419 = arith.constant 0 : i32
        %dma_wait3A_1420 = tpu.memref_slice %arg12[%dma_wait3A_1418, %dma_wait3A_1419] : memref<32x513xf32, #tpu.memory_space<vmem>> -> memref<8x128xf32, #tpu.memory_space<vmem>>
        tpu.wait_dma2 semaphore(%arg16 : memref<!tpu.dma_semaphore, #tpu.memory_space<semaphore_mem>>) src(%dma_wait3A_1420 : memref<8x128xf32, #tpu.memory_space<vmem>>) dst(%dma_wait3A_1417 : memref<8x128xf32, #tpu.memory_space<hbm>>)
        %mul3A_1421 = arith.constant 4 : i32
        %mul3A_1422 = arith.muli %add3A, %mul3A_1421 : i32
        %add3A_1423 = arith.constant 1 : i32
        %add3A_1424 = arith.addi %mul3A_1422, %add3A_1423 : i32
        %dma_wait3A_1425 = arith.constant 0 : i32
        %dma_wait3A_1426 = arith.constant 0 : i32
        %dma_wait3A_1427 = arith.constant 128 : i32
        %dma_wait3A_1428 = tpu.memref_slice %arg12[%dma_wait3A_1426, %dma_wait3A_1427] : memref<32x513xf32, #tpu.memory_space<vmem>> -> memref<8x128xf32, #tpu.memory_space<vmem>>
        %dma_wait3A_1429 = arith.constant 0 : i32
        %dma_wait3A_1430 = arith.constant 0 : i32
        %dma_wait3A_1431 = tpu.memref_slice %arg5[%mul3A_700, %dma_wait3A_1425, %add3A_1424, %dma_wait3A_1429, %dma_wait3A_1430] : memref<26x4x128x8x128xf32, #tpu.memory_space<hbm>> -> memref<1x1x1x8x128xf32, #tpu.memory_space<hbm>>
        %dma_wait3A_1432 = tpu.memref_squeeze %dma_wait3A_1431 : memref<1x1x1x8x128xf32, #tpu.memory_space<hbm>> -> memref<8x128xf32, #tpu.memory_space<hbm>>
        %dma_wait3A_1433 = arith.constant 0 : i32
        %dma_wait3A_1434 = arith.constant 0 : i32
        %dma_wait3A_1435 = tpu.memref_slice %arg5[%mul3A_700, %dma_wait3A_1425, %add3A_1424, %dma_wait3A_1433, %dma_wait3A_1434] : memref<26x4x128x8x128xf32, #tpu.memory_space<hbm>> -> memref<1x1x1x8x128xf32, #tpu.memory_space<hbm>>
        %dma_wait3A_1436 = tpu.memref_squeeze %dma_wait3A_1435 : memref<1x1x1x8x128xf32, #tpu.memory_space<hbm>> -> memref<8x128xf32, #tpu.memory_space<hbm>>
        %dma_wait3A_1437 = arith.constant 0 : i32
        %dma_wait3A_1438 = arith.constant 128 : i32
        %dma_wait3A_1439 = tpu.memref_slice %arg12[%dma_wait3A_1437, %dma_wait3A_1438] : memref<32x513xf32, #tpu.memory_space<vmem>> -> memref<8x128xf32, #tpu.memory_space<vmem>>
        tpu.wait_dma2 semaphore(%arg16 : memref<!tpu.dma_semaphore, #tpu.memory_space<semaphore_mem>>) src(%dma_wait3A_1439 : memref<8x128xf32, #tpu.memory_space<vmem>>) dst(%dma_wait3A_1436 : memref<8x128xf32, #tpu.memory_space<hbm>>)
        %mul3A_1440 = arith.constant 4 : i32
        %mul3A_1441 = arith.muli %add3A, %mul3A_1440 : i32
        %add3A_1442 = arith.constant 2 : i32
        %add3A_1443 = arith.addi %mul3A_1441, %add3A_1442 : i32
        %dma_wait3A_1444 = arith.constant 0 : i32
        %dma_wait3A_1445 = arith.constant 0 : i32
        %dma_wait3A_1446 = arith.constant 256 : i32
        %dma_wait3A_1447 = tpu.memref_slice %arg12[%dma_wait3A_1445, %dma_wait3A_1446] : memref<32x513xf32, #tpu.memory_space<vmem>> -> memref<8x128xf32, #tpu.memory_space<vmem>>
        %dma_wait3A_1448 = arith.constant 0 : i32
        %dma_wait3A_1449 = arith.constant 0 : i32
        %dma_wait3A_1450 = tpu.memref_slice %arg5[%mul3A_700, %dma_wait3A_1444, %add3A_1443, %dma_wait3A_1448, %dma_wait3A_1449] : memref<26x4x128x8x128xf32, #tpu.memory_space<hbm>> -> memref<1x1x1x8x128xf32, #tpu.memory_space<hbm>>
        %dma_wait3A_1451 = tpu.memref_squeeze %dma_wait3A_1450 : memref<1x1x1x8x128xf32, #tpu.memory_space<hbm>> -> memref<8x128xf32, #tpu.memory_space<hbm>>
        %dma_wait3A_1452 = arith.constant 0 : i32
        %dma_wait3A_1453 = arith.constant 0 : i32
        %dma_wait3A_1454 = tpu.memref_slice %arg5[%mul3A_700, %dma_wait3A_1444, %add3A_1443, %dma_wait3A_1452, %dma_wait3A_1453] : memref<26x4x128x8x128xf32, #tpu.memory_space<hbm>> -> memref<1x1x1x8x128xf32, #tpu.memory_space<hbm>>
        %dma_wait3A_1455 = tpu.memref_squeeze %dma_wait3A_1454 : memref<1x1x1x8x128xf32, #tpu.memory_space<hbm>> -> memref<8x128xf32, #tpu.memory_space<hbm>>
        %dma_wait3A_1456 = arith.constant 0 : i32
        %dma_wait3A_1457 = arith.constant 256 : i32
        %dma_wait3A_1458 = tpu.memref_slice %arg12[%dma_wait3A_1456, %dma_wait3A_1457] : memref<32x513xf32, #tpu.memory_space<vmem>> -> memref<8x128xf32, #tpu.memory_space<vmem>>
        tpu.wait_dma2 semaphore(%arg16 : memref<!tpu.dma_semaphore, #tpu.memory_space<semaphore_mem>>) src(%dma_wait3A_1458 : memref<8x128xf32, #tpu.memory_space<vmem>>) dst(%dma_wait3A_1455 : memref<8x128xf32, #tpu.memory_space<hbm>>)
        %mul3A_1459 = arith.constant 4 : i32
        %mul3A_1460 = arith.muli %add3A, %mul3A_1459 : i32
        %add3A_1461 = arith.constant 3 : i32
        %add3A_1462 = arith.addi %mul3A_1460, %add3A_1461 : i32
        %dma_wait3A_1463 = arith.constant 0 : i32
        %dma_wait3A_1464 = arith.constant 0 : i32
        %dma_wait3A_1465 = arith.constant 384 : i32
        %dma_wait3A_1466 = tpu.memref_slice %arg12[%dma_wait3A_1464, %dma_wait3A_1465] : memref<32x513xf32, #tpu.memory_space<vmem>> -> memref<8x128xf32, #tpu.memory_space<vmem>>
        %dma_wait3A_1467 = arith.constant 0 : i32
        %dma_wait3A_1468 = arith.constant 0 : i32
        %dma_wait3A_1469 = tpu.memref_slice %arg5[%mul3A_700, %dma_wait3A_1463, %add3A_1462, %dma_wait3A_1467, %dma_wait3A_1468] : memref<26x4x128x8x128xf32, #tpu.memory_space<hbm>> -> memref<1x1x1x8x128xf32, #tpu.memory_space<hbm>>
        %dma_wait3A_1470 = tpu.memref_squeeze %dma_wait3A_1469 : memref<1x1x1x8x128xf32, #tpu.memory_space<hbm>> -> memref<8x128xf32, #tpu.memory_space<hbm>>
        %dma_wait3A_1471 = arith.constant 0 : i32
        %dma_wait3A_1472 = arith.constant 0 : i32
        %dma_wait3A_1473 = tpu.memref_slice %arg5[%mul3A_700, %dma_wait3A_1463, %add3A_1462, %dma_wait3A_1471, %dma_wait3A_1472] : memref<26x4x128x8x128xf32, #tpu.memory_space<hbm>> -> memref<1x1x1x8x128xf32, #tpu.memory_space<hbm>>
        %dma_wait3A_1474 = tpu.memref_squeeze %dma_wait3A_1473 : memref<1x1x1x8x128xf32, #tpu.memory_space<hbm>> -> memref<8x128xf32, #tpu.memory_space<hbm>>
        %dma_wait3A_1475 = arith.constant 0 : i32
        %dma_wait3A_1476 = arith.constant 384 : i32
        %dma_wait3A_1477 = tpu.memref_slice %arg12[%dma_wait3A_1475, %dma_wait3A_1476] : memref<32x513xf32, #tpu.memory_space<vmem>> -> memref<8x128xf32, #tpu.memory_space<vmem>>
        tpu.wait_dma2 semaphore(%arg16 : memref<!tpu.dma_semaphore, #tpu.memory_space<semaphore_mem>>) src(%dma_wait3A_1477 : memref<8x128xf32, #tpu.memory_space<vmem>>) dst(%dma_wait3A_1474 : memref<8x128xf32, #tpu.memory_space<hbm>>)
        %mul3A_1478 = arith.constant 4 : i32
        %mul3A_1479 = arith.muli %add3A, %mul3A_1478 : i32
        %add3A_1480 = arith.constant 0 : i32
        %add3A_1481 = arith.addi %mul3A_1479, %add3A_1480 : i32
        %dma_wait3A_1482 = arith.constant 1 : i32
        %dma_wait3A_1483 = arith.constant 8 : i32
        %dma_wait3A_1484 = arith.constant 0 : i32
        %dma_wait3A_1485 = tpu.memref_slice %arg12[%dma_wait3A_1483, %dma_wait3A_1484] : memref<32x513xf32, #tpu.memory_space<vmem>> -> memref<8x128xf32, #tpu.memory_space<vmem>>
        %dma_wait3A_1486 = arith.constant 0 : i32
        %dma_wait3A_1487 = arith.constant 0 : i32
        %dma_wait3A_1488 = tpu.memref_slice %arg5[%mul3A_700, %dma_wait3A_1482, %add3A_1481, %dma_wait3A_1486, %dma_wait3A_1487] : memref<26x4x128x8x128xf32, #tpu.memory_space<hbm>> -> memref<1x1x1x8x128xf32, #tpu.memory_space<hbm>>
        %dma_wait3A_1489 = tpu.memref_squeeze %dma_wait3A_1488 : memref<1x1x1x8x128xf32, #tpu.memory_space<hbm>> -> memref<8x128xf32, #tpu.memory_space<hbm>>
        %dma_wait3A_1490 = arith.constant 0 : i32
        %dma_wait3A_1491 = arith.constant 0 : i32
        %dma_wait3A_1492 = tpu.memref_slice %arg5[%mul3A_700, %dma_wait3A_1482, %add3A_1481, %dma_wait3A_1490, %dma_wait3A_1491] : memref<26x4x128x8x128xf32, #tpu.memory_space<hbm>> -> memref<1x1x1x8x128xf32, #tpu.memory_space<hbm>>
        %dma_wait3A_1493 = tpu.memref_squeeze %dma_wait3A_1492 : memref<1x1x1x8x128xf32, #tpu.memory_space<hbm>> -> memref<8x128xf32, #tpu.memory_space<hbm>>
        %dma_wait3A_1494 = arith.constant 8 : i32
        %dma_wait3A_1495 = arith.constant 0 : i32
        %dma_wait3A_1496 = tpu.memref_slice %arg12[%dma_wait3A_1494, %dma_wait3A_1495] : memref<32x513xf32, #tpu.memory_space<vmem>> -> memref<8x128xf32, #tpu.memory_space<vmem>>
        tpu.wait_dma2 semaphore(%arg16 : memref<!tpu.dma_semaphore, #tpu.memory_space<semaphore_mem>>) src(%dma_wait3A_1496 : memref<8x128xf32, #tpu.memory_space<vmem>>) dst(%dma_wait3A_1493 : memref<8x128xf32, #tpu.memory_space<hbm>>)
        %mul3A_1497 = arith.constant 4 : i32
        %mul3A_1498 = arith.muli %add3A, %mul3A_1497 : i32
        %add3A_1499 = arith.constant 1 : i32
        %add3A_1500 = arith.addi %mul3A_1498, %add3A_1499 : i32
        %dma_wait3A_1501 = arith.constant 1 : i32
        %dma_wait3A_1502 = arith.constant 8 : i32
        %dma_wait3A_1503 = arith.constant 128 : i32
        %dma_wait3A_1504 = tpu.memref_slice %arg12[%dma_wait3A_1502, %dma_wait3A_1503] : memref<32x513xf32, #tpu.memory_space<vmem>> -> memref<8x128xf32, #tpu.memory_space<vmem>>
        %dma_wait3A_1505 = arith.constant 0 : i32
        %dma_wait3A_1506 = arith.constant 0 : i32
        %dma_wait3A_1507 = tpu.memref_slice %arg5[%mul3A_700, %dma_wait3A_1501, %add3A_1500, %dma_wait3A_1505, %dma_wait3A_1506] : memref<26x4x128x8x128xf32, #tpu.memory_space<hbm>> -> memref<1x1x1x8x128xf32, #tpu.memory_space<hbm>>
        %dma_wait3A_1508 = tpu.memref_squeeze %dma_wait3A_1507 : memref<1x1x1x8x128xf32, #tpu.memory_space<hbm>> -> memref<8x128xf32, #tpu.memory_space<hbm>>
        %dma_wait3A_1509 = arith.constant 0 : i32
        %dma_wait3A_1510 = arith.constant 0 : i32
        %dma_wait3A_1511 = tpu.memref_slice %arg5[%mul3A_700, %dma_wait3A_1501, %add3A_1500, %dma_wait3A_1509, %dma_wait3A_1510] : memref<26x4x128x8x128xf32, #tpu.memory_space<hbm>> -> memref<1x1x1x8x128xf32, #tpu.memory_space<hbm>>
        %dma_wait3A_1512 = tpu.memref_squeeze %dma_wait3A_1511 : memref<1x1x1x8x128xf32, #tpu.memory_space<hbm>> -> memref<8x128xf32, #tpu.memory_space<hbm>>
        %dma_wait3A_1513 = arith.constant 8 : i32
        %dma_wait3A_1514 = arith.constant 128 : i32
        %dma_wait3A_1515 = tpu.memref_slice %arg12[%dma_wait3A_1513, %dma_wait3A_1514] : memref<32x513xf32, #tpu.memory_space<vmem>> -> memref<8x128xf32, #tpu.memory_space<vmem>>
        tpu.wait_dma2 semaphore(%arg16 : memref<!tpu.dma_semaphore, #tpu.memory_space<semaphore_mem>>) src(%dma_wait3A_1515 : memref<8x128xf32, #tpu.memory_space<vmem>>) dst(%dma_wait3A_1512 : memref<8x128xf32, #tpu.memory_space<hbm>>)
        %mul3A_1516 = arith.constant 4 : i32
        %mul3A_1517 = arith.muli %add3A, %mul3A_1516 : i32
        %add3A_1518 = arith.constant 2 : i32
        %add3A_1519 = arith.addi %mul3A_1517, %add3A_1518 : i32
        %dma_wait3A_1520 = arith.constant 1 : i32
        %dma_wait3A_1521 = arith.constant 8 : i32
        %dma_wait3A_1522 = arith.constant 256 : i32
        %dma_wait3A_1523 = tpu.memref_slice %arg12[%dma_wait3A_1521, %dma_wait3A_1522] : memref<32x513xf32, #tpu.memory_space<vmem>> -> memref<8x128xf32, #tpu.memory_space<vmem>>
        %dma_wait3A_1524 = arith.constant 0 : i32
        %dma_wait3A_1525 = arith.constant 0 : i32
        %dma_wait3A_1526 = tpu.memref_slice %arg5[%mul3A_700, %dma_wait3A_1520, %add3A_1519, %dma_wait3A_1524, %dma_wait3A_1525] : memref<26x4x128x8x128xf32, #tpu.memory_space<hbm>> -> memref<1x1x1x8x128xf32, #tpu.memory_space<hbm>>
        %dma_wait3A_1527 = tpu.memref_squeeze %dma_wait3A_1526 : memref<1x1x1x8x128xf32, #tpu.memory_space<hbm>> -> memref<8x128xf32, #tpu.memory_space<hbm>>
        %dma_wait3A_1528 = arith.constant 0 : i32
        %dma_wait3A_1529 = arith.constant 0 : i32
        %dma_wait3A_1530 = tpu.memref_slice %arg5[%mul3A_700, %dma_wait3A_1520, %add3A_1519, %dma_wait3A_1528, %dma_wait3A_1529] : memref<26x4x128x8x128xf32, #tpu.memory_space<hbm>> -> memref<1x1x1x8x128xf32, #tpu.memory_space<hbm>>
        %dma_wait3A_1531 = tpu.memref_squeeze %dma_wait3A_1530 : memref<1x1x1x8x128xf32, #tpu.memory_space<hbm>> -> memref<8x128xf32, #tpu.memory_space<hbm>>
        %dma_wait3A_1532 = arith.constant 8 : i32
        %dma_wait3A_1533 = arith.constant 256 : i32
        %dma_wait3A_1534 = tpu.memref_slice %arg12[%dma_wait3A_1532, %dma_wait3A_1533] : memref<32x513xf32, #tpu.memory_space<vmem>> -> memref<8x128xf32, #tpu.memory_space<vmem>>
        tpu.wait_dma2 semaphore(%arg16 : memref<!tpu.dma_semaphore, #tpu.memory_space<semaphore_mem>>) src(%dma_wait3A_1534 : memref<8x128xf32, #tpu.memory_space<vmem>>) dst(%dma_wait3A_1531 : memref<8x128xf32, #tpu.memory_space<hbm>>)
        %mul3A_1535 = arith.constant 4 : i32
        %mul3A_1536 = arith.muli %add3A, %mul3A_1535 : i32
        %add3A_1537 = arith.constant 3 : i32
        %add3A_1538 = arith.addi %mul3A_1536, %add3A_1537 : i32
        %dma_wait3A_1539 = arith.constant 1 : i32
        %dma_wait3A_1540 = arith.constant 8 : i32
        %dma_wait3A_1541 = arith.constant 384 : i32
        %dma_wait3A_1542 = tpu.memref_slice %arg12[%dma_wait3A_1540, %dma_wait3A_1541] : memref<32x513xf32, #tpu.memory_space<vmem>> -> memref<8x128xf32, #tpu.memory_space<vmem>>
        %dma_wait3A_1543 = arith.constant 0 : i32
        %dma_wait3A_1544 = arith.constant 0 : i32
        %dma_wait3A_1545 = tpu.memref_slice %arg5[%mul3A_700, %dma_wait3A_1539, %add3A_1538, %dma_wait3A_1543, %dma_wait3A_1544] : memref<26x4x128x8x128xf32, #tpu.memory_space<hbm>> -> memref<1x1x1x8x128xf32, #tpu.memory_space<hbm>>
        %dma_wait3A_1546 = tpu.memref_squeeze %dma_wait3A_1545 : memref<1x1x1x8x128xf32, #tpu.memory_space<hbm>> -> memref<8x128xf32, #tpu.memory_space<hbm>>
        %dma_wait3A_1547 = arith.constant 0 : i32
        %dma_wait3A_1548 = arith.constant 0 : i32
        %dma_wait3A_1549 = tpu.memref_slice %arg5[%mul3A_700, %dma_wait3A_1539, %add3A_1538, %dma_wait3A_1547, %dma_wait3A_1548] : memref<26x4x128x8x128xf32, #tpu.memory_space<hbm>> -> memref<1x1x1x8x128xf32, #tpu.memory_space<hbm>>
        %dma_wait3A_1550 = tpu.memref_squeeze %dma_wait3A_1549 : memref<1x1x1x8x128xf32, #tpu.memory_space<hbm>> -> memref<8x128xf32, #tpu.memory_space<hbm>>
        %dma_wait3A_1551 = arith.constant 8 : i32
        %dma_wait3A_1552 = arith.constant 384 : i32
        %dma_wait3A_1553 = tpu.memref_slice %arg12[%dma_wait3A_1551, %dma_wait3A_1552] : memref<32x513xf32, #tpu.memory_space<vmem>> -> memref<8x128xf32, #tpu.memory_space<vmem>>
        tpu.wait_dma2 semaphore(%arg16 : memref<!tpu.dma_semaphore, #tpu.memory_space<semaphore_mem>>) src(%dma_wait3A_1553 : memref<8x128xf32, #tpu.memory_space<vmem>>) dst(%dma_wait3A_1550 : memref<8x128xf32, #tpu.memory_space<hbm>>)
        %mul3A_1554 = arith.constant 4 : i32
        %mul3A_1555 = arith.muli %add3A, %mul3A_1554 : i32
        %add3A_1556 = arith.constant 0 : i32
        %add3A_1557 = arith.addi %mul3A_1555, %add3A_1556 : i32
        %dma_wait3A_1558 = arith.constant 2 : i32
        %dma_wait3A_1559 = arith.constant 16 : i32
        %dma_wait3A_1560 = arith.constant 0 : i32
        %dma_wait3A_1561 = tpu.memref_slice %arg12[%dma_wait3A_1559, %dma_wait3A_1560] : memref<32x513xf32, #tpu.memory_space<vmem>> -> memref<8x128xf32, #tpu.memory_space<vmem>>
        %dma_wait3A_1562 = arith.constant 0 : i32
        %dma_wait3A_1563 = arith.constant 0 : i32
        %dma_wait3A_1564 = tpu.memref_slice %arg5[%mul3A_700, %dma_wait3A_1558, %add3A_1557, %dma_wait3A_1562, %dma_wait3A_1563] : memref<26x4x128x8x128xf32, #tpu.memory_space<hbm>> -> memref<1x1x1x8x128xf32, #tpu.memory_space<hbm>>
        %dma_wait3A_1565 = tpu.memref_squeeze %dma_wait3A_1564 : memref<1x1x1x8x128xf32, #tpu.memory_space<hbm>> -> memref<8x128xf32, #tpu.memory_space<hbm>>
        %dma_wait3A_1566 = arith.constant 0 : i32
        %dma_wait3A_1567 = arith.constant 0 : i32
        %dma_wait3A_1568 = tpu.memref_slice %arg5[%mul3A_700, %dma_wait3A_1558, %add3A_1557, %dma_wait3A_1566, %dma_wait3A_1567] : memref<26x4x128x8x128xf32, #tpu.memory_space<hbm>> -> memref<1x1x1x8x128xf32, #tpu.memory_space<hbm>>
        %dma_wait3A_1569 = tpu.memref_squeeze %dma_wait3A_1568 : memref<1x1x1x8x128xf32, #tpu.memory_space<hbm>> -> memref<8x128xf32, #tpu.memory_space<hbm>>
        %dma_wait3A_1570 = arith.constant 16 : i32
        %dma_wait3A_1571 = arith.constant 0 : i32
        %dma_wait3A_1572 = tpu.memref_slice %arg12[%dma_wait3A_1570, %dma_wait3A_1571] : memref<32x513xf32, #tpu.memory_space<vmem>> -> memref<8x128xf32, #tpu.memory_space<vmem>>
        tpu.wait_dma2 semaphore(%arg16 : memref<!tpu.dma_semaphore, #tpu.memory_space<semaphore_mem>>) src(%dma_wait3A_1572 : memref<8x128xf32, #tpu.memory_space<vmem>>) dst(%dma_wait3A_1569 : memref<8x128xf32, #tpu.memory_space<hbm>>)
        %mul3A_1573 = arith.constant 4 : i32
        %mul3A_1574 = arith.muli %add3A, %mul3A_1573 : i32
        %add3A_1575 = arith.constant 1 : i32
        %add3A_1576 = arith.addi %mul3A_1574, %add3A_1575 : i32
        %dma_wait3A_1577 = arith.constant 2 : i32
        %dma_wait3A_1578 = arith.constant 16 : i32
        %dma_wait3A_1579 = arith.constant 128 : i32
        %dma_wait3A_1580 = tpu.memref_slice %arg12[%dma_wait3A_1578, %dma_wait3A_1579] : memref<32x513xf32, #tpu.memory_space<vmem>> -> memref<8x128xf32, #tpu.memory_space<vmem>>
        %dma_wait3A_1581 = arith.constant 0 : i32
        %dma_wait3A_1582 = arith.constant 0 : i32
        %dma_wait3A_1583 = tpu.memref_slice %arg5[%mul3A_700, %dma_wait3A_1577, %add3A_1576, %dma_wait3A_1581, %dma_wait3A_1582] : memref<26x4x128x8x128xf32, #tpu.memory_space<hbm>> -> memref<1x1x1x8x128xf32, #tpu.memory_space<hbm>>
        %dma_wait3A_1584 = tpu.memref_squeeze %dma_wait3A_1583 : memref<1x1x1x8x128xf32, #tpu.memory_space<hbm>> -> memref<8x128xf32, #tpu.memory_space<hbm>>
        %dma_wait3A_1585 = arith.constant 0 : i32
        %dma_wait3A_1586 = arith.constant 0 : i32
        %dma_wait3A_1587 = tpu.memref_slice %arg5[%mul3A_700, %dma_wait3A_1577, %add3A_1576, %dma_wait3A_1585, %dma_wait3A_1586] : memref<26x4x128x8x128xf32, #tpu.memory_space<hbm>> -> memref<1x1x1x8x128xf32, #tpu.memory_space<hbm>>
        %dma_wait3A_1588 = tpu.memref_squeeze %dma_wait3A_1587 : memref<1x1x1x8x128xf32, #tpu.memory_space<hbm>> -> memref<8x128xf32, #tpu.memory_space<hbm>>
        %dma_wait3A_1589 = arith.constant 16 : i32
        %dma_wait3A_1590 = arith.constant 128 : i32
        %dma_wait3A_1591 = tpu.memref_slice %arg12[%dma_wait3A_1589, %dma_wait3A_1590] : memref<32x513xf32, #tpu.memory_space<vmem>> -> memref<8x128xf32, #tpu.memory_space<vmem>>
        tpu.wait_dma2 semaphore(%arg16 : memref<!tpu.dma_semaphore, #tpu.memory_space<semaphore_mem>>) src(%dma_wait3A_1591 : memref<8x128xf32, #tpu.memory_space<vmem>>) dst(%dma_wait3A_1588 : memref<8x128xf32, #tpu.memory_space<hbm>>)
        %mul3A_1592 = arith.constant 4 : i32
        %mul3A_1593 = arith.muli %add3A, %mul3A_1592 : i32
        %add3A_1594 = arith.constant 2 : i32
        %add3A_1595 = arith.addi %mul3A_1593, %add3A_1594 : i32
        %dma_wait3A_1596 = arith.constant 2 : i32
        %dma_wait3A_1597 = arith.constant 16 : i32
        %dma_wait3A_1598 = arith.constant 256 : i32
        %dma_wait3A_1599 = tpu.memref_slice %arg12[%dma_wait3A_1597, %dma_wait3A_1598] : memref<32x513xf32, #tpu.memory_space<vmem>> -> memref<8x128xf32, #tpu.memory_space<vmem>>
        %dma_wait3A_1600 = arith.constant 0 : i32
        %dma_wait3A_1601 = arith.constant 0 : i32
        %dma_wait3A_1602 = tpu.memref_slice %arg5[%mul3A_700, %dma_wait3A_1596, %add3A_1595, %dma_wait3A_1600, %dma_wait3A_1601] : memref<26x4x128x8x128xf32, #tpu.memory_space<hbm>> -> memref<1x1x1x8x128xf32, #tpu.memory_space<hbm>>
        %dma_wait3A_1603 = tpu.memref_squeeze %dma_wait3A_1602 : memref<1x1x1x8x128xf32, #tpu.memory_space<hbm>> -> memref<8x128xf32, #tpu.memory_space<hbm>>
        %dma_wait3A_1604 = arith.constant 0 : i32
        %dma_wait3A_1605 = arith.constant 0 : i32
        %dma_wait3A_1606 = tpu.memref_slice %arg5[%mul3A_700, %dma_wait3A_1596, %add3A_1595, %dma_wait3A_1604, %dma_wait3A_1605] : memref<26x4x128x8x128xf32, #tpu.memory_space<hbm>> -> memref<1x1x1x8x128xf32, #tpu.memory_space<hbm>>
        %dma_wait3A_1607 = tpu.memref_squeeze %dma_wait3A_1606 : memref<1x1x1x8x128xf32, #tpu.memory_space<hbm>> -> memref<8x128xf32, #tpu.memory_space<hbm>>
        %dma_wait3A_1608 = arith.constant 16 : i32
        %dma_wait3A_1609 = arith.constant 256 : i32
        %dma_wait3A_1610 = tpu.memref_slice %arg12[%dma_wait3A_1608, %dma_wait3A_1609] : memref<32x513xf32, #tpu.memory_space<vmem>> -> memref<8x128xf32, #tpu.memory_space<vmem>>
        tpu.wait_dma2 semaphore(%arg16 : memref<!tpu.dma_semaphore, #tpu.memory_space<semaphore_mem>>) src(%dma_wait3A_1610 : memref<8x128xf32, #tpu.memory_space<vmem>>) dst(%dma_wait3A_1607 : memref<8x128xf32, #tpu.memory_space<hbm>>)
        %mul3A_1611 = arith.constant 4 : i32
        %mul3A_1612 = arith.muli %add3A, %mul3A_1611 : i32
        %add3A_1613 = arith.constant 3 : i32
        %add3A_1614 = arith.addi %mul3A_1612, %add3A_1613 : i32
        %dma_wait3A_1615 = arith.constant 2 : i32
        %dma_wait3A_1616 = arith.constant 16 : i32
        %dma_wait3A_1617 = arith.constant 384 : i32
        %dma_wait3A_1618 = tpu.memref_slice %arg12[%dma_wait3A_1616, %dma_wait3A_1617] : memref<32x513xf32, #tpu.memory_space<vmem>> -> memref<8x128xf32, #tpu.memory_space<vmem>>
        %dma_wait3A_1619 = arith.constant 0 : i32
        %dma_wait3A_1620 = arith.constant 0 : i32
        %dma_wait3A_1621 = tpu.memref_slice %arg5[%mul3A_700, %dma_wait3A_1615, %add3A_1614, %dma_wait3A_1619, %dma_wait3A_1620] : memref<26x4x128x8x128xf32, #tpu.memory_space<hbm>> -> memref<1x1x1x8x128xf32, #tpu.memory_space<hbm>>
        %dma_wait3A_1622 = tpu.memref_squeeze %dma_wait3A_1621 : memref<1x1x1x8x128xf32, #tpu.memory_space<hbm>> -> memref<8x128xf32, #tpu.memory_space<hbm>>
        %dma_wait3A_1623 = arith.constant 0 : i32
        %dma_wait3A_1624 = arith.constant 0 : i32
        %dma_wait3A_1625 = tpu.memref_slice %arg5[%mul3A_700, %dma_wait3A_1615, %add3A_1614, %dma_wait3A_1623, %dma_wait3A_1624] : memref<26x4x128x8x128xf32, #tpu.memory_space<hbm>> -> memref<1x1x1x8x128xf32, #tpu.memory_space<hbm>>
        %dma_wait3A_1626 = tpu.memref_squeeze %dma_wait3A_1625 : memref<1x1x1x8x128xf32, #tpu.memory_space<hbm>> -> memref<8x128xf32, #tpu.memory_space<hbm>>
        %dma_wait3A_1627 = arith.constant 16 : i32
        %dma_wait3A_1628 = arith.constant 384 : i32
        %dma_wait3A_1629 = tpu.memref_slice %arg12[%dma_wait3A_1627, %dma_wait3A_1628] : memref<32x513xf32, #tpu.memory_space<vmem>> -> memref<8x128xf32, #tpu.memory_space<vmem>>
        tpu.wait_dma2 semaphore(%arg16 : memref<!tpu.dma_semaphore, #tpu.memory_space<semaphore_mem>>) src(%dma_wait3A_1629 : memref<8x128xf32, #tpu.memory_space<vmem>>) dst(%dma_wait3A_1626 : memref<8x128xf32, #tpu.memory_space<hbm>>)
        %mul3A_1630 = arith.constant 4 : i32
        %mul3A_1631 = arith.muli %add3A, %mul3A_1630 : i32
        %add3A_1632 = arith.constant 0 : i32
        %add3A_1633 = arith.addi %mul3A_1631, %add3A_1632 : i32
        %dma_wait3A_1634 = arith.constant 3 : i32
        %dma_wait3A_1635 = arith.constant 24 : i32
        %dma_wait3A_1636 = arith.constant 0 : i32
        %dma_wait3A_1637 = tpu.memref_slice %arg12[%dma_wait3A_1635, %dma_wait3A_1636] : memref<32x513xf32, #tpu.memory_space<vmem>> -> memref<8x128xf32, #tpu.memory_space<vmem>>
        %dma_wait3A_1638 = arith.constant 0 : i32
        %dma_wait3A_1639 = arith.constant 0 : i32
        %dma_wait3A_1640 = tpu.memref_slice %arg5[%mul3A_700, %dma_wait3A_1634, %add3A_1633, %dma_wait3A_1638, %dma_wait3A_1639] : memref<26x4x128x8x128xf32, #tpu.memory_space<hbm>> -> memref<1x1x1x8x128xf32, #tpu.memory_space<hbm>>
        %dma_wait3A_1641 = tpu.memref_squeeze %dma_wait3A_1640 : memref<1x1x1x8x128xf32, #tpu.memory_space<hbm>> -> memref<8x128xf32, #tpu.memory_space<hbm>>
        %dma_wait3A_1642 = arith.constant 0 : i32
        %dma_wait3A_1643 = arith.constant 0 : i32
        %dma_wait3A_1644 = tpu.memref_slice %arg5[%mul3A_700, %dma_wait3A_1634, %add3A_1633, %dma_wait3A_1642, %dma_wait3A_1643] : memref<26x4x128x8x128xf32, #tpu.memory_space<hbm>> -> memref<1x1x1x8x128xf32, #tpu.memory_space<hbm>>
        %dma_wait3A_1645 = tpu.memref_squeeze %dma_wait3A_1644 : memref<1x1x1x8x128xf32, #tpu.memory_space<hbm>> -> memref<8x128xf32, #tpu.memory_space<hbm>>
        %dma_wait3A_1646 = arith.constant 24 : i32
        %dma_wait3A_1647 = arith.constant 0 : i32
        %dma_wait3A_1648 = tpu.memref_slice %arg12[%dma_wait3A_1646, %dma_wait3A_1647] : memref<32x513xf32, #tpu.memory_space<vmem>> -> memref<8x128xf32, #tpu.memory_space<vmem>>
        tpu.wait_dma2 semaphore(%arg16 : memref<!tpu.dma_semaphore, #tpu.memory_space<semaphore_mem>>) src(%dma_wait3A_1648 : memref<8x128xf32, #tpu.memory_space<vmem>>) dst(%dma_wait3A_1645 : memref<8x128xf32, #tpu.memory_space<hbm>>)
        %mul3A_1649 = arith.constant 4 : i32
        %mul3A_1650 = arith.muli %add3A, %mul3A_1649 : i32
        %add3A_1651 = arith.constant 1 : i32
        %add3A_1652 = arith.addi %mul3A_1650, %add3A_1651 : i32
        %dma_wait3A_1653 = arith.constant 3 : i32
        %dma_wait3A_1654 = arith.constant 24 : i32
        %dma_wait3A_1655 = arith.constant 128 : i32
        %dma_wait3A_1656 = tpu.memref_slice %arg12[%dma_wait3A_1654, %dma_wait3A_1655] : memref<32x513xf32, #tpu.memory_space<vmem>> -> memref<8x128xf32, #tpu.memory_space<vmem>>
        %dma_wait3A_1657 = arith.constant 0 : i32
        %dma_wait3A_1658 = arith.constant 0 : i32
        %dma_wait3A_1659 = tpu.memref_slice %arg5[%mul3A_700, %dma_wait3A_1653, %add3A_1652, %dma_wait3A_1657, %dma_wait3A_1658] : memref<26x4x128x8x128xf32, #tpu.memory_space<hbm>> -> memref<1x1x1x8x128xf32, #tpu.memory_space<hbm>>
        %dma_wait3A_1660 = tpu.memref_squeeze %dma_wait3A_1659 : memref<1x1x1x8x128xf32, #tpu.memory_space<hbm>> -> memref<8x128xf32, #tpu.memory_space<hbm>>
        %dma_wait3A_1661 = arith.constant 0 : i32
        %dma_wait3A_1662 = arith.constant 0 : i32
        %dma_wait3A_1663 = tpu.memref_slice %arg5[%mul3A_700, %dma_wait3A_1653, %add3A_1652, %dma_wait3A_1661, %dma_wait3A_1662] : memref<26x4x128x8x128xf32, #tpu.memory_space<hbm>> -> memref<1x1x1x8x128xf32, #tpu.memory_space<hbm>>
        %dma_wait3A_1664 = tpu.memref_squeeze %dma_wait3A_1663 : memref<1x1x1x8x128xf32, #tpu.memory_space<hbm>> -> memref<8x128xf32, #tpu.memory_space<hbm>>
        %dma_wait3A_1665 = arith.constant 24 : i32
        %dma_wait3A_1666 = arith.constant 128 : i32
        %dma_wait3A_1667 = tpu.memref_slice %arg12[%dma_wait3A_1665, %dma_wait3A_1666] : memref<32x513xf32, #tpu.memory_space<vmem>> -> memref<8x128xf32, #tpu.memory_space<vmem>>
        tpu.wait_dma2 semaphore(%arg16 : memref<!tpu.dma_semaphore, #tpu.memory_space<semaphore_mem>>) src(%dma_wait3A_1667 : memref<8x128xf32, #tpu.memory_space<vmem>>) dst(%dma_wait3A_1664 : memref<8x128xf32, #tpu.memory_space<hbm>>)
        %mul3A_1668 = arith.constant 4 : i32
        %mul3A_1669 = arith.muli %add3A, %mul3A_1668 : i32
        %add3A_1670 = arith.constant 2 : i32
        %add3A_1671 = arith.addi %mul3A_1669, %add3A_1670 : i32
        %dma_wait3A_1672 = arith.constant 3 : i32
        %dma_wait3A_1673 = arith.constant 24 : i32
        %dma_wait3A_1674 = arith.constant 256 : i32
        %dma_wait3A_1675 = tpu.memref_slice %arg12[%dma_wait3A_1673, %dma_wait3A_1674] : memref<32x513xf32, #tpu.memory_space<vmem>> -> memref<8x128xf32, #tpu.memory_space<vmem>>
        %dma_wait3A_1676 = arith.constant 0 : i32
        %dma_wait3A_1677 = arith.constant 0 : i32
        %dma_wait3A_1678 = tpu.memref_slice %arg5[%mul3A_700, %dma_wait3A_1672, %add3A_1671, %dma_wait3A_1676, %dma_wait3A_1677] : memref<26x4x128x8x128xf32, #tpu.memory_space<hbm>> -> memref<1x1x1x8x128xf32, #tpu.memory_space<hbm>>
        %dma_wait3A_1679 = tpu.memref_squeeze %dma_wait3A_1678 : memref<1x1x1x8x128xf32, #tpu.memory_space<hbm>> -> memref<8x128xf32, #tpu.memory_space<hbm>>
        %dma_wait3A_1680 = arith.constant 0 : i32
        %dma_wait3A_1681 = arith.constant 0 : i32
        %dma_wait3A_1682 = tpu.memref_slice %arg5[%mul3A_700, %dma_wait3A_1672, %add3A_1671, %dma_wait3A_1680, %dma_wait3A_1681] : memref<26x4x128x8x128xf32, #tpu.memory_space<hbm>> -> memref<1x1x1x8x128xf32, #tpu.memory_space<hbm>>
        %dma_wait3A_1683 = tpu.memref_squeeze %dma_wait3A_1682 : memref<1x1x1x8x128xf32, #tpu.memory_space<hbm>> -> memref<8x128xf32, #tpu.memory_space<hbm>>
        %dma_wait3A_1684 = arith.constant 24 : i32
        %dma_wait3A_1685 = arith.constant 256 : i32
        %dma_wait3A_1686 = tpu.memref_slice %arg12[%dma_wait3A_1684, %dma_wait3A_1685] : memref<32x513xf32, #tpu.memory_space<vmem>> -> memref<8x128xf32, #tpu.memory_space<vmem>>
        tpu.wait_dma2 semaphore(%arg16 : memref<!tpu.dma_semaphore, #tpu.memory_space<semaphore_mem>>) src(%dma_wait3A_1686 : memref<8x128xf32, #tpu.memory_space<vmem>>) dst(%dma_wait3A_1683 : memref<8x128xf32, #tpu.memory_space<hbm>>)
        %mul3A_1687 = arith.constant 4 : i32
        %mul3A_1688 = arith.muli %add3A, %mul3A_1687 : i32
        %add3A_1689 = arith.constant 3 : i32
        %add3A_1690 = arith.addi %mul3A_1688, %add3A_1689 : i32
        %dma_wait3A_1691 = arith.constant 3 : i32
        %dma_wait3A_1692 = arith.constant 24 : i32
        %dma_wait3A_1693 = arith.constant 384 : i32
        %dma_wait3A_1694 = tpu.memref_slice %arg12[%dma_wait3A_1692, %dma_wait3A_1693] : memref<32x513xf32, #tpu.memory_space<vmem>> -> memref<8x128xf32, #tpu.memory_space<vmem>>
        %dma_wait3A_1695 = arith.constant 0 : i32
        %dma_wait3A_1696 = arith.constant 0 : i32
        %dma_wait3A_1697 = tpu.memref_slice %arg5[%mul3A_700, %dma_wait3A_1691, %add3A_1690, %dma_wait3A_1695, %dma_wait3A_1696] : memref<26x4x128x8x128xf32, #tpu.memory_space<hbm>> -> memref<1x1x1x8x128xf32, #tpu.memory_space<hbm>>
        %dma_wait3A_1698 = tpu.memref_squeeze %dma_wait3A_1697 : memref<1x1x1x8x128xf32, #tpu.memory_space<hbm>> -> memref<8x128xf32, #tpu.memory_space<hbm>>
        %dma_wait3A_1699 = arith.constant 0 : i32
        %dma_wait3A_1700 = arith.constant 0 : i32
        %dma_wait3A_1701 = tpu.memref_slice %arg5[%mul3A_700, %dma_wait3A_1691, %add3A_1690, %dma_wait3A_1699, %dma_wait3A_1700] : memref<26x4x128x8x128xf32, #tpu.memory_space<hbm>> -> memref<1x1x1x8x128xf32, #tpu.memory_space<hbm>>
        %dma_wait3A_1702 = tpu.memref_squeeze %dma_wait3A_1701 : memref<1x1x1x8x128xf32, #tpu.memory_space<hbm>> -> memref<8x128xf32, #tpu.memory_space<hbm>>
        %dma_wait3A_1703 = arith.constant 24 : i32
        %dma_wait3A_1704 = arith.constant 384 : i32
        %dma_wait3A_1705 = tpu.memref_slice %arg12[%dma_wait3A_1703, %dma_wait3A_1704] : memref<32x513xf32, #tpu.memory_space<vmem>> -> memref<8x128xf32, #tpu.memory_space<vmem>>
        tpu.wait_dma2 semaphore(%arg16 : memref<!tpu.dma_semaphore, #tpu.memory_space<semaphore_mem>>) src(%dma_wait3A_1705 : memref<8x128xf32, #tpu.memory_space<vmem>>) dst(%dma_wait3A_1702 : memref<8x128xf32, #tpu.memory_space<hbm>>)
        %add3A_1706 = arith.constant 2 : i32
        %add3A_1707 = arith.addi %mul3A_700, %add3A_1706 : i32
        %scan3A_1708 = arith.constant 0 : i32
        %scan3A_1709 = arith.constant 0 : i32
        %scan3A_1710 = arith.constant 4 : i32
        %scan3A_1711 = arith.addi %scan3A_1709, %scan3A_1710 : i32
        %scan3A_1712 = arith.constant 1 : i32
        %scan3A_1713 = scf.for %scan3A_1755 = %scan3A_1709 to %scan3A_1711 step %scan3A_1712 iter_args(%scan3A_1756 = %scan3A_1708) -> (i32)  : i32 {
          %mul3A_1757 = arith.constant 128 : i32
          %mul3A_1758 = arith.muli %scan3A_1755, %mul3A_1757 : i32
          %add3A_1759 = arith.constant 0 : i32
          %add3A_1760 = arith.addi %mul3A_1758, %add3A_1759 : i32
          %add3A_1761 = vector.broadcast %add3A_1760 : i32 to vector<16xi32>
          %add3A_1762 = arith.addi %add3A_1761, %iota3A : vector<16xi32>
          %broadcast_in_dim3A = vector.broadcast %add3A_1707 : i32 to vector<16xi32>
          %gather3A = tpu.vector_load_idx %arg6[%add3A_1762, %broadcast_in_dim3A] : memref<512x26xi32, #tpu.memory_space<vmem>>[vector<16xi32>, vector<16xi32>], vector<16xi32>,
          %swap3A = arith.index_cast %scan3A_1755 : i32 to index
          %swap3A_1763 = arith.constant 0 : index
          %swap3A_1764 = tpu.vector_load %arg8[%swap3A, %swap3A_1763] {strides = array<i32>} : memref<4x128xi32, #tpu.memory_space<vmem>>, vector<16xi32>,
          tpu.vector_store %arg8[%swap3A, %swap3A_1763], %gather3A {strides = array<i32>} : memref<4x128xi32, #tpu.memory_space<vmem>>, vector<16xi32>,
          %mul3A_1765 = arith.constant 128 : i32
          %mul3A_1766 = arith.muli %scan3A_1755, %mul3A_1765 : i32
          %add3A_1767 = arith.constant 16 : i32
          %add3A_1768 = arith.addi %mul3A_1766, %add3A_1767 : i32
          %add3A_1769 = vector.broadcast %add3A_1768 : i32 to vector<16xi32>
          %add3A_1770 = arith.addi %add3A_1769, %iota3A : vector<16xi32>
          %broadcast_in_dim3A_1771 = vector.broadcast %add3A_1707 : i32 to vector<16xi32>
          %gather3A_1772 = tpu.vector_load_idx %arg6[%add3A_1770, %broadcast_in_dim3A_1771] : memref<512x26xi32, #tpu.memory_space<vmem>>[vector<16xi32>, vector<16xi32>], vector<16xi32>,
          %swap3A_1773 = arith.index_cast %scan3A_1755 : i32 to index
          %swap3A_1774 = arith.constant 16 : index
          %swap3A_1775 = tpu.vector_load %arg8[%swap3A_1773, %swap3A_1774] {strides = array<i32>} : memref<4x128xi32, #tpu.memory_space<vmem>>, vector<16xi32>,
          tpu.vector_store %arg8[%swap3A_1773, %swap3A_1774], %gather3A_1772 {strides = array<i32>} : memref<4x128xi32, #tpu.memory_space<vmem>>, vector<16xi32>,
          %mul3A_1776 = arith.constant 128 : i32
          %mul3A_1777 = arith.muli %scan3A_1755, %mul3A_1776 : i32
          %add3A_1778 = arith.constant 32 : i32
          %add3A_1779 = arith.addi %mul3A_1777, %add3A_1778 : i32
          %add3A_1780 = vector.broadcast %add3A_1779 : i32 to vector<16xi32>
          %add3A_1781 = arith.addi %add3A_1780, %iota3A : vector<16xi32>
          %broadcast_in_dim3A_1782 = vector.broadcast %add3A_1707 : i32 to vector<16xi32>
          %gather3A_1783 = tpu.vector_load_idx %arg6[%add3A_1781, %broadcast_in_dim3A_1782] : memref<512x26xi32, #tpu.memory_space<vmem>>[vector<16xi32>, vector<16xi32>], vector<16xi32>,
          %swap3A_1784 = arith.index_cast %scan3A_1755 : i32 to index
          %swap3A_1785 = arith.constant 32 : index
          %swap3A_1786 = tpu.vector_load %arg8[%swap3A_1784, %swap3A_1785] {strides = array<i32>} : memref<4x128xi32, #tpu.memory_space<vmem>>, vector<16xi32>,
          tpu.vector_store %arg8[%swap3A_1784, %swap3A_1785], %gather3A_1783 {strides = array<i32>} : memref<4x128xi32, #tpu.memory_space<vmem>>, vector<16xi32>,
          %mul3A_1787 = arith.constant 128 : i32
          %mul3A_1788 = arith.muli %scan3A_1755, %mul3A_1787 : i32
          %add3A_1789 = arith.constant 48 : i32
          %add3A_1790 = arith.addi %mul3A_1788, %add3A_1789 : i32
          %add3A_1791 = vector.broadcast %add3A_1790 : i32 to vector<16xi32>
          %add3A_1792 = arith.addi %add3A_1791, %iota3A : vector<16xi32>
          %broadcast_in_dim3A_1793 = vector.broadcast %add3A_1707 : i32 to vector<16xi32>
          %gather3A_1794 = tpu.vector_load_idx %arg6[%add3A_1792, %broadcast_in_dim3A_1793] : memref<512x26xi32, #tpu.memory_space<vmem>>[vector<16xi32>, vector<16xi32>], vector<16xi32>,
          %swap3A_1795 = arith.index_cast %scan3A_1755 : i32 to index
          %swap3A_1796 = arith.constant 48 : index
          %swap3A_1797 = tpu.vector_load %arg8[%swap3A_1795, %swap3A_1796] {strides = array<i32>} : memref<4x128xi32, #tpu.memory_space<vmem>>, vector<16xi32>,
          tpu.vector_store %arg8[%swap3A_1795, %swap3A_1796], %gather3A_1794 {strides = array<i32>} : memref<4x128xi32, #tpu.memory_space<vmem>>, vector<16xi32>,
          %mul3A_1798 = arith.constant 128 : i32
          %mul3A_1799 = arith.muli %scan3A_1755, %mul3A_1798 : i32
          %add3A_1800 = arith.constant 64 : i32
          %add3A_1801 = arith.addi %mul3A_1799, %add3A_1800 : i32
          %add3A_1802 = vector.broadcast %add3A_1801 : i32 to vector<16xi32>
          %add3A_1803 = arith.addi %add3A_1802, %iota3A : vector<16xi32>
          %broadcast_in_dim3A_1804 = vector.broadcast %add3A_1707 : i32 to vector<16xi32>
          %gather3A_1805 = tpu.vector_load_idx %arg6[%add3A_1803, %broadcast_in_dim3A_1804] : memref<512x26xi32, #tpu.memory_space<vmem>>[vector<16xi32>, vector<16xi32>], vector<16xi32>,
          %swap3A_1806 = arith.index_cast %scan3A_1755 : i32 to index
          %swap3A_1807 = arith.constant 64 : index
          %swap3A_1808 = tpu.vector_load %arg8[%swap3A_1806, %swap3A_1807] {strides = array<i32>} : memref<4x128xi32, #tpu.memory_space<vmem>>, vector<16xi32>,
          tpu.vector_store %arg8[%swap3A_1806, %swap3A_1807], %gather3A_1805 {strides = array<i32>} : memref<4x128xi32, #tpu.memory_space<vmem>>, vector<16xi32>,
          %mul3A_1809 = arith.constant 128 : i32
          %mul3A_1810 = arith.muli %scan3A_1755, %mul3A_1809 : i32
          %add3A_1811 = arith.constant 80 : i32
          %add3A_1812 = arith.addi %mul3A_1810, %add3A_1811 : i32
          %add3A_1813 = vector.broadcast %add3A_1812 : i32 to vector<16xi32>
          %add3A_1814 = arith.addi %add3A_1813, %iota3A : vector<16xi32>
          %broadcast_in_dim3A_1815 = vector.broadcast %add3A_1707 : i32 to vector<16xi32>
          %gather3A_1816 = tpu.vector_load_idx %arg6[%add3A_1814, %broadcast_in_dim3A_1815] : memref<512x26xi32, #tpu.memory_space<vmem>>[vector<16xi32>, vector<16xi32>], vector<16xi32>,
          %swap3A_1817 = arith.index_cast %scan3A_1755 : i32 to index
          %swap3A_1818 = arith.constant 80 : index
          %swap3A_1819 = tpu.vector_load %arg8[%swap3A_1817, %swap3A_1818] {strides = array<i32>} : memref<4x128xi32, #tpu.memory_space<vmem>>, vector<16xi32>,
          tpu.vector_store %arg8[%swap3A_1817, %swap3A_1818], %gather3A_1816 {strides = array<i32>} : memref<4x128xi32, #tpu.memory_space<vmem>>, vector<16xi32>,
          %mul3A_1820 = arith.constant 128 : i32
          %mul3A_1821 = arith.muli %scan3A_1755, %mul3A_1820 : i32
          %add3A_1822 = arith.constant 96 : i32
          %add3A_1823 = arith.addi %mul3A_1821, %add3A_1822 : i32
          %add3A_1824 = vector.broadcast %add3A_1823 : i32 to vector<16xi32>
          %add3A_1825 = arith.addi %add3A_1824, %iota3A : vector<16xi32>
          %broadcast_in_dim3A_1826 = vector.broadcast %add3A_1707 : i32 to vector<16xi32>
          %gather3A_1827 = tpu.vector_load_idx %arg6[%add3A_1825, %broadcast_in_dim3A_1826] : memref<512x26xi32, #tpu.memory_space<vmem>>[vector<16xi32>, vector<16xi32>], vector<16xi32>,
          %swap3A_1828 = arith.index_cast %scan3A_1755 : i32 to index
          %swap3A_1829 = arith.constant 96 : index
          %swap3A_1830 = tpu.vector_load %arg8[%swap3A_1828, %swap3A_1829] {strides = array<i32>} : memref<4x128xi32, #tpu.memory_space<vmem>>, vector<16xi32>,
          tpu.vector_store %arg8[%swap3A_1828, %swap3A_1829], %gather3A_1827 {strides = array<i32>} : memref<4x128xi32, #tpu.memory_space<vmem>>, vector<16xi32>,
          %mul3A_1831 = arith.constant 128 : i32
          %mul3A_1832 = arith.muli %scan3A_1755, %mul3A_1831 : i32
          %add3A_1833 = arith.constant 112 : i32
          %add3A_1834 = arith.addi %mul3A_1832, %add3A_1833 : i32
          %add3A_1835 = vector.broadcast %add3A_1834 : i32 to vector<16xi32>
          %add3A_1836 = arith.addi %add3A_1835, %iota3A : vector<16xi32>
          %broadcast_in_dim3A_1837 = vector.broadcast %add3A_1707 : i32 to vector<16xi32>
          %gather3A_1838 = tpu.vector_load_idx %arg6[%add3A_1836, %broadcast_in_dim3A_1837] : memref<512x26xi32, #tpu.memory_space<vmem>>[vector<16xi32>, vector<16xi32>], vector<16xi32>,
          %swap3A_1839 = arith.index_cast %scan3A_1755 : i32 to index
          %swap3A_1840 = arith.constant 112 : index
          %swap3A_1841 = tpu.vector_load %arg8[%swap3A_1839, %swap3A_1840] {strides = array<i32>} : memref<4x128xi32, #tpu.memory_space<vmem>>, vector<16xi32>,
          tpu.vector_store %arg8[%swap3A_1839, %swap3A_1840], %gather3A_1838 {strides = array<i32>} : memref<4x128xi32, #tpu.memory_space<vmem>>, vector<16xi32>,
          %scan3A_1842 = arith.constant 0 : i32
          scf.yield %scan3A_1842 : i32
        }
        %scan3A_1714 = arith.constant 4 : i32
        %dma_start3A_1715 = arith.constant 0 : i32
        %dma_start3A_1716 = arith.constant 0 : i32
        %dma_start3A_1717 = arith.constant 0 : i32
        %dma_start3A_1718 = tpu.memref_slice %arg10[%dma_start3A_1716, %dma_start3A_1717] : memref<512x32xf32, #tpu.memory_space<vmem>> -> memref<128x32xf32, #tpu.memory_space<vmem>>
        %dma_start3A_1719 = arith.constant 0 : i32
        %dma_start3A_1720 = tpu.memref_slice %arg8[%dma_start3A_1715, %dma_start3A_1719] : memref<4x128xi32, #tpu.memory_space<vmem>> -> memref<1x128xi32, #tpu.memory_space<vmem>>
        %dma_start3A_1721 = tpu.memref_squeeze %dma_start3A_1720 : memref<1x128xi32, #tpu.memory_space<vmem>> -> memref<128xi32, #tpu.memory_space<vmem>>
        %dma_start3A_1722 = arith.constant 0 : i32
        %dma_start3A_1723 = arith.constant 0 : i32
        %dma_start3A_1724 = tpu.memref_slice %arg2[%dma_start3A_1722, %dma_start3A_1723] : memref<999987x32xf32, #tpu.memory_space<hbm>> -> memref<999987x32xf32, #tpu.memory_space<hbm>>
        tpu.enqueue_indirect_dma source(%dma_start3A_1724 : memref<999987x32xf32, #tpu.memory_space<hbm>>) target(%dma_start3A_1718 : memref<128x32xf32, #tpu.memory_space<vmem>>) offsets(%dma_start3A_1721 : memref<128xi32, #tpu.memory_space<vmem>>) semaphore(%arg14 : memref<!tpu.dma_semaphore, #tpu.memory_space<semaphore_mem>>)
        %dma_start3A_1725 = arith.constant 1 : i32
        %dma_start3A_1726 = arith.constant 128 : i32
        %dma_start3A_1727 = arith.constant 0 : i32
        %dma_start3A_1728 = tpu.memref_slice %arg10[%dma_start3A_1726, %dma_start3A_1727] : memref<512x32xf32, #tpu.memory_space<vmem>> -> memref<128x32xf32, #tpu.memory_space<vmem>>
        %dma_start3A_1729 = arith.constant 0 : i32
        %dma_start3A_1730 = tpu.memref_slice %arg8[%dma_start3A_1725, %dma_start3A_1729] : memref<4x128xi32, #tpu.memory_space<vmem>> -> memref<1x128xi32, #tpu.memory_space<vmem>>
        %dma_start3A_1731 = tpu.memref_squeeze %dma_start3A_1730 : memref<1x128xi32, #tpu.memory_space<vmem>> -> memref<128xi32, #tpu.memory_space<vmem>>
        %dma_start3A_1732 = arith.constant 0 : i32
        %dma_start3A_1733 = arith.constant 0 : i32
        %dma_start3A_1734 = tpu.memref_slice %arg2[%dma_start3A_1732, %dma_start3A_1733] : memref<999987x32xf32, #tpu.memory_space<hbm>> -> memref<999987x32xf32, #tpu.memory_space<hbm>>
        tpu.enqueue_indirect_dma source(%dma_start3A_1734 : memref<999987x32xf32, #tpu.memory_space<hbm>>) target(%dma_start3A_1728 : memref<128x32xf32, #tpu.memory_space<vmem>>) offsets(%dma_start3A_1731 : memref<128xi32, #tpu.memory_space<vmem>>) semaphore(%arg14 : memref<!tpu.dma_semaphore, #tpu.memory_space<semaphore_mem>>)
        %dma_start3A_1735 = arith.constant 2 : i32
        %dma_start3A_1736 = arith.constant 256 : i32
        %dma_start3A_1737 = arith.constant 0 : i32
        %dma_start3A_1738 = tpu.memref_slice %arg10[%dma_start3A_1736, %dma_start3A_1737] : memref<512x32xf32, #tpu.memory_space<vmem>> -> memref<128x32xf32, #tpu.memory_space<vmem>>
        %dma_start3A_1739 = arith.constant 0 : i32
        %dma_start3A_1740 = tpu.memref_slice %arg8[%dma_start3A_1735, %dma_start3A_1739] : memref<4x128xi32, #tpu.memory_space<vmem>> -> memref<1x128xi32, #tpu.memory_space<vmem>>
        %dma_start3A_1741 = tpu.memref_squeeze %dma_start3A_1740 : memref<1x128xi32, #tpu.memory_space<vmem>> -> memref<128xi32, #tpu.memory_space<vmem>>
        %dma_start3A_1742 = arith.constant 0 : i32
        %dma_start3A_1743 = arith.constant 0 : i32
        %dma_start3A_1744 = tpu.memref_slice %arg2[%dma_start3A_1742, %dma_start3A_1743] : memref<999987x32xf32, #tpu.memory_space<hbm>> -> memref<999987x32xf32, #tpu.memory_space<hbm>>
        tpu.enqueue_indirect_dma source(%dma_start3A_1744 : memref<999987x32xf32, #tpu.memory_space<hbm>>) target(%dma_start3A_1738 : memref<128x32xf32, #tpu.memory_space<vmem>>) offsets(%dma_start3A_1741 : memref<128xi32, #tpu.memory_space<vmem>>) semaphore(%arg14 : memref<!tpu.dma_semaphore, #tpu.memory_space<semaphore_mem>>)
        %dma_start3A_1745 = arith.constant 3 : i32
        %dma_start3A_1746 = arith.constant 384 : i32
        %dma_start3A_1747 = arith.constant 0 : i32
        %dma_start3A_1748 = tpu.memref_slice %arg10[%dma_start3A_1746, %dma_start3A_1747] : memref<512x32xf32, #tpu.memory_space<vmem>> -> memref<128x32xf32, #tpu.memory_space<vmem>>
        %dma_start3A_1749 = arith.constant 0 : i32
        %dma_start3A_1750 = tpu.memref_slice %arg8[%dma_start3A_1745, %dma_start3A_1749] : memref<4x128xi32, #tpu.memory_space<vmem>> -> memref<1x128xi32, #tpu.memory_space<vmem>>
        %dma_start3A_1751 = tpu.memref_squeeze %dma_start3A_1750 : memref<1x128xi32, #tpu.memory_space<vmem>> -> memref<128xi32, #tpu.memory_space<vmem>>
        %dma_start3A_1752 = arith.constant 0 : i32
        %dma_start3A_1753 = arith.constant 0 : i32
        %dma_start3A_1754 = tpu.memref_slice %arg2[%dma_start3A_1752, %dma_start3A_1753] : memref<999987x32xf32, #tpu.memory_space<hbm>> -> memref<999987x32xf32, #tpu.memory_space<hbm>>
        tpu.enqueue_indirect_dma source(%dma_start3A_1754 : memref<999987x32xf32, #tpu.memory_space<hbm>>) target(%dma_start3A_1748 : memref<128x32xf32, #tpu.memory_space<vmem>>) offsets(%dma_start3A_1751 : memref<128xi32, #tpu.memory_space<vmem>>) semaphore(%arg14 : memref<!tpu.dma_semaphore, #tpu.memory_space<semaphore_mem>>)
      } else {
      }
      %dma_wait3A_1078 = arith.constant 0 : i32
      %dma_wait3A_1079 = arith.constant 0 : i32
      %dma_wait3A_1080 = tpu.memref_slice %arg2[%dma_wait3A_1078, %dma_wait3A_1079] : memref<999987x32xf32, #tpu.memory_space<hbm>> -> memref<512x32xf32, #tpu.memory_space<hbm>>
      %dma_wait3A_1081 = arith.constant 0 : i32
      %dma_wait3A_1082 = arith.constant 0 : i32
      %dma_wait3A_1083 = tpu.memref_slice %arg2[%dma_wait3A_1081, %dma_wait3A_1082] : memref<999987x32xf32, #tpu.memory_space<hbm>> -> memref<512x32xf32, #tpu.memory_space<hbm>>
      tpu.wait_dma2 semaphore(%arg15 : memref<!tpu.dma_semaphore, #tpu.memory_space<semaphore_mem>>) src(%dma_wait3A_1083 : memref<512x32xf32, #tpu.memory_space<hbm>>) dst(%arg11 : memref<512x32xf32, #tpu.memory_space<vmem>>)
      %get3A_1084 = arith.index_cast %add3A_702 : i32 to index
      %get3A_1085 = arith.constant 0 : index
      %get3A_1086 = tpu.vector_load %arg7[%get3A_1084, %get3A_1085] {strides = array<i32>} : memref<26x32xf32, #tpu.memory_space<vmem>>, vector<16xf32>,
      %get3A_1087 = arith.index_cast %add3A_702 : i32 to index
      %get3A_1088 = arith.constant 16 : index
      %get3A_1089 = tpu.vector_load %arg7[%get3A_1087, %get3A_1088] {strides = array<i32>} : memref<26x32xf32, #tpu.memory_space<vmem>>, vector<16xf32>,
      %scan3A_1090 = arith.constant 0 : i32
      %scan3A_1091 = arith.constant 0 : i32
      %scan3A_1092 = arith.constant 32 : i32
      %scan3A_1093 = arith.addi %scan3A_1091, %scan3A_1092 : i32
      %scan3A_1094 = arith.constant 1 : i32
      %scan3A_1095 = scf.for %scan3A_1402 = %scan3A_1091 to %scan3A_1093 step %scan3A_1094 iter_args(%scan3A_1403 = %scan3A_1090) -> (i32)  : i32 {
        %mul3A_1404 = arith.constant 4 : i32
        %mul3A_1405 = arith.muli %scan3A_1402, %mul3A_1404 : i32
        %add3A_1406 = arith.constant 0 : i32
        %add3A_1407 = arith.addi %add3A_1406, %mul3A_1405 : i32
        %add3A_1408 = arith.constant 0 : i32
        %add3A_1409 = arith.addi %add3A_1407, %add3A_1408 : i32
        %mul3A_1410 = arith.constant 4 : i32
        %mul3A_1411 = arith.muli %scan3A_1402, %mul3A_1410 : i32
        %add3A_1412 = arith.constant 0 : i32
        %add3A_1413 = arith.addi %add3A_1412, %mul3A_1411 : i32
        %add3A_1414 = arith.constant 0 : i32
        %add3A_1415 = arith.addi %add3A_1413, %add3A_1414 : i32
        %broadcast_in_dim3A = vector.broadcast %add3A_1415 : i32 to vector<16xi32>
        %get3A_1416 = arith.index_cast %add3A_1409 : i32 to index
        %get3A_1417 = arith.constant 0 : index
        %get3A_1418 = tpu.vector_load %arg11[%get3A_1416, %get3A_1417] {strides = array<i32>} : memref<512x32xf32, #tpu.memory_space<vmem>>, vector<16xf32>,
        %add3A_1419 = arith.addf %get3A_1418, %get3A_1086 : vector<16xf32>
        %get3A_1420 = arith.index_cast %add3A_1409 : i32 to index
        %get3A_1421 = arith.constant 16 : index
        %get3A_1422 = tpu.vector_load %arg11[%get3A_1420, %get3A_1421] {strides = array<i32>} : memref<512x32xf32, #tpu.memory_space<vmem>>, vector<16xf32>,
        %add3A_1423 = arith.addf %get3A_1422, %get3A_1089 : vector<16xf32>
        tpu.vector_store_idx %arg13[%iota3A, %broadcast_in_dim3A], %add3A_1419 : memref<32x513xf32, #tpu.memory_space<vmem>>[vector<16xi32>, vector<16xi32>], vector<16xf32>,
        tpu.vector_store_idx %arg13[%add3A_5, %broadcast_in_dim3A], %add3A_1423 : memref<32x513xf32, #tpu.memory_space<vmem>>[vector<16xi32>, vector<16xi32>], vector<16xf32>,
        %mul3A_1424 = arith.constant 4 : i32
        %mul3A_1425 = arith.muli %scan3A_1402, %mul3A_1424 : i32
        %add3A_1426 = arith.constant 0 : i32
        %add3A_1427 = arith.addi %add3A_1426, %mul3A_1425 : i32
        %add3A_1428 = arith.constant 1 : i32
        %add3A_1429 = arith.addi %add3A_1427, %add3A_1428 : i32
        %mul3A_1430 = arith.constant 4 : i32
        %mul3A_1431 = arith.muli %scan3A_1402, %mul3A_1430 : i32
        %add3A_1432 = arith.constant 0 : i32
        %add3A_1433 = arith.addi %add3A_1432, %mul3A_1431 : i32
        %add3A_1434 = arith.constant 1 : i32
        %add3A_1435 = arith.addi %add3A_1433, %add3A_1434 : i32
        %broadcast_in_dim3A_1436 = vector.broadcast %add3A_1435 : i32 to vector<16xi32>
        %get3A_1437 = arith.index_cast %add3A_1429 : i32 to index
        %get3A_1438 = arith.constant 0 : index
        %get3A_1439 = tpu.vector_load %arg11[%get3A_1437, %get3A_1438] {strides = array<i32>} : memref<512x32xf32, #tpu.memory_space<vmem>>, vector<16xf32>,
        %add3A_1440 = arith.addf %get3A_1439, %get3A_1086 : vector<16xf32>
        %get3A_1441 = arith.index_cast %add3A_1429 : i32 to index
        %get3A_1442 = arith.constant 16 : index
        %get3A_1443 = tpu.vector_load %arg11[%get3A_1441, %get3A_1442] {strides = array<i32>} : memref<512x32xf32, #tpu.memory_space<vmem>>, vector<16xf32>,
        %add3A_1444 = arith.addf %get3A_1443, %get3A_1089 : vector<16xf32>
        tpu.vector_store_idx %arg13[%iota3A, %broadcast_in_dim3A_1436], %add3A_1440 : memref<32x513xf32, #tpu.memory_space<vmem>>[vector<16xi32>, vector<16xi32>], vector<16xf32>,
        tpu.vector_store_idx %arg13[%add3A_5, %broadcast_in_dim3A_1436], %add3A_1444 : memref<32x513xf32, #tpu.memory_space<vmem>>[vector<16xi32>, vector<16xi32>], vector<16xf32>,
        %mul3A_1445 = arith.constant 4 : i32
        %mul3A_1446 = arith.muli %scan3A_1402, %mul3A_1445 : i32
        %add3A_1447 = arith.constant 0 : i32
        %add3A_1448 = arith.addi %add3A_1447, %mul3A_1446 : i32
        %add3A_1449 = arith.constant 2 : i32
        %add3A_1450 = arith.addi %add3A_1448, %add3A_1449 : i32
        %mul3A_1451 = arith.constant 4 : i32
        %mul3A_1452 = arith.muli %scan3A_1402, %mul3A_1451 : i32
        %add3A_1453 = arith.constant 0 : i32
        %add3A_1454 = arith.addi %add3A_1453, %mul3A_1452 : i32
        %add3A_1455 = arith.constant 2 : i32
        %add3A_1456 = arith.addi %add3A_1454, %add3A_1455 : i32
        %broadcast_in_dim3A_1457 = vector.broadcast %add3A_1456 : i32 to vector<16xi32>
        %get3A_1458 = arith.index_cast %add3A_1450 : i32 to index
        %get3A_1459 = arith.constant 0 : index
        %get3A_1460 = tpu.vector_load %arg11[%get3A_1458, %get3A_1459] {strides = array<i32>} : memref<512x32xf32, #tpu.memory_space<vmem>>, vector<16xf32>,
        %add3A_1461 = arith.addf %get3A_1460, %get3A_1086 : vector<16xf32>
        %get3A_1462 = arith.index_cast %add3A_1450 : i32 to index
        %get3A_1463 = arith.constant 16 : index
        %get3A_1464 = tpu.vector_load %arg11[%get3A_1462, %get3A_1463] {strides = array<i32>} : memref<512x32xf32, #tpu.memory_space<vmem>>, vector<16xf32>,
        %add3A_1465 = arith.addf %get3A_1464, %get3A_1089 : vector<16xf32>
        tpu.vector_store_idx %arg13[%iota3A, %broadcast_in_dim3A_1457], %add3A_1461 : memref<32x513xf32, #tpu.memory_space<vmem>>[vector<16xi32>, vector<16xi32>], vector<16xf32>,
        tpu.vector_store_idx %arg13[%add3A_5, %broadcast_in_dim3A_1457], %add3A_1465 : memref<32x513xf32, #tpu.memory_space<vmem>>[vector<16xi32>, vector<16xi32>], vector<16xf32>,
        %mul3A_1466 = arith.constant 4 : i32
        %mul3A_1467 = arith.muli %scan3A_1402, %mul3A_1466 : i32
        %add3A_1468 = arith.constant 0 : i32
        %add3A_1469 = arith.addi %add3A_1468, %mul3A_1467 : i32
        %add3A_1470 = arith.constant 3 : i32
        %add3A_1471 = arith.addi %add3A_1469, %add3A_1470 : i32
        %mul3A_1472 = arith.constant 4 : i32
        %mul3A_1473 = arith.muli %scan3A_1402, %mul3A_1472 : i32
        %add3A_1474 = arith.constant 0 : i32
        %add3A_1475 = arith.addi %add3A_1474, %mul3A_1473 : i32
        %add3A_1476 = arith.constant 3 : i32
        %add3A_1477 = arith.addi %add3A_1475, %add3A_1476 : i32
        %broadcast_in_dim3A_1478 = vector.broadcast %add3A_1477 : i32 to vector<16xi32>
        %get3A_1479 = arith.index_cast %add3A_1471 : i32 to index
        %get3A_1480 = arith.constant 0 : index
        %get3A_1481 = tpu.vector_load %arg11[%get3A_1479, %get3A_1480] {strides = array<i32>} : memref<512x32xf32, #tpu.memory_space<vmem>>, vector<16xf32>,
        %add3A_1482 = arith.addf %get3A_1481, %get3A_1086 : vector<16xf32>
        %get3A_1483 = arith.index_cast %add3A_1471 : i32 to index
        %get3A_1484 = arith.constant 16 : index
        %get3A_1485 = tpu.vector_load %arg11[%get3A_1483, %get3A_1484] {strides = array<i32>} : memref<512x32xf32, #tpu.memory_space<vmem>>, vector<16xf32>,
        %add3A_1486 = arith.addf %get3A_1485, %get3A_1089 : vector<16xf32>
        tpu.vector_store_idx %arg13[%iota3A, %broadcast_in_dim3A_1478], %add3A_1482 : memref<32x513xf32, #tpu.memory_space<vmem>>[vector<16xi32>, vector<16xi32>], vector<16xf32>,
        tpu.vector_store_idx %arg13[%add3A_5, %broadcast_in_dim3A_1478], %add3A_1486 : memref<32x513xf32, #tpu.memory_space<vmem>>[vector<16xi32>, vector<16xi32>], vector<16xf32>,
        %mul3A_1487 = arith.constant 4 : i32
        %mul3A_1488 = arith.muli %scan3A_1402, %mul3A_1487 : i32
        %add3A_1489 = arith.constant 128 : i32
        %add3A_1490 = arith.addi %add3A_1489, %mul3A_1488 : i32
        %add3A_1491 = arith.constant 0 : i32
        %add3A_1492 = arith.addi %add3A_1490, %add3A_1491 : i32
        %mul3A_1493 = arith.constant 4 : i32
        %mul3A_1494 = arith.muli %scan3A_1402, %mul3A_1493 : i32
        %add3A_1495 = arith.constant 128 : i32
        %add3A_1496 = arith.addi %add3A_1495, %mul3A_1494 : i32
        %add3A_1497 = arith.constant 0 : i32
        %add3A_1498 = arith.addi %add3A_1496, %add3A_1497 : i32
        %broadcast_in_dim3A_1499 = vector.broadcast %add3A_1498 : i32 to vector<16xi32>
        %get3A_1500 = arith.index_cast %add3A_1492 : i32 to index
        %get3A_1501 = arith.constant 0 : index
        %get3A_1502 = tpu.vector_load %arg11[%get3A_1500, %get3A_1501] {strides = array<i32>} : memref<512x32xf32, #tpu.memory_space<vmem>>, vector<16xf32>,
        %add3A_1503 = arith.addf %get3A_1502, %get3A_1086 : vector<16xf32>
        %get3A_1504 = arith.index_cast %add3A_1492 : i32 to index
        %get3A_1505 = arith.constant 16 : index
        %get3A_1506 = tpu.vector_load %arg11[%get3A_1504, %get3A_1505] {strides = array<i32>} : memref<512x32xf32, #tpu.memory_space<vmem>>, vector<16xf32>,
        %add3A_1507 = arith.addf %get3A_1506, %get3A_1089 : vector<16xf32>
        tpu.vector_store_idx %arg13[%iota3A, %broadcast_in_dim3A_1499], %add3A_1503 : memref<32x513xf32, #tpu.memory_space<vmem>>[vector<16xi32>, vector<16xi32>], vector<16xf32>,
        tpu.vector_store_idx %arg13[%add3A_5, %broadcast_in_dim3A_1499], %add3A_1507 : memref<32x513xf32, #tpu.memory_space<vmem>>[vector<16xi32>, vector<16xi32>], vector<16xf32>,
        %mul3A_1508 = arith.constant 4 : i32
        %mul3A_1509 = arith.muli %scan3A_1402, %mul3A_1508 : i32
        %add3A_1510 = arith.constant 128 : i32
        %add3A_1511 = arith.addi %add3A_1510, %mul3A_1509 : i32
        %add3A_1512 = arith.constant 1 : i32
        %add3A_1513 = arith.addi %add3A_1511, %add3A_1512 : i32
        %mul3A_1514 = arith.constant 4 : i32
        %mul3A_1515 = arith.muli %scan3A_1402, %mul3A_1514 : i32
        %add3A_1516 = arith.constant 128 : i32
        %add3A_1517 = arith.addi %add3A_1516, %mul3A_1515 : i32
        %add3A_1518 = arith.constant 1 : i32
        %add3A_1519 = arith.addi %add3A_1517, %add3A_1518 : i32
        %broadcast_in_dim3A_1520 = vector.broadcast %add3A_1519 : i32 to vector<16xi32>
        %get3A_1521 = arith.index_cast %add3A_1513 : i32 to index
        %get3A_1522 = arith.constant 0 : index
        %get3A_1523 = tpu.vector_load %arg11[%get3A_1521, %get3A_1522] {strides = array<i32>} : memref<512x32xf32, #tpu.memory_space<vmem>>, vector<16xf32>,
        %add3A_1524 = arith.addf %get3A_1523, %get3A_1086 : vector<16xf32>
        %get3A_1525 = arith.index_cast %add3A_1513 : i32 to index
        %get3A_1526 = arith.constant 16 : index
        %get3A_1527 = tpu.vector_load %arg11[%get3A_1525, %get3A_1526] {strides = array<i32>} : memref<512x32xf32, #tpu.memory_space<vmem>>, vector<16xf32>,
        %add3A_1528 = arith.addf %get3A_1527, %get3A_1089 : vector<16xf32>
        tpu.vector_store_idx %arg13[%iota3A, %broadcast_in_dim3A_1520], %add3A_1524 : memref<32x513xf32, #tpu.memory_space<vmem>>[vector<16xi32>, vector<16xi32>], vector<16xf32>,
        tpu.vector_store_idx %arg13[%add3A_5, %broadcast_in_dim3A_1520], %add3A_1528 : memref<32x513xf32, #tpu.memory_space<vmem>>[vector<16xi32>, vector<16xi32>], vector<16xf32>,
        %mul3A_1529 = arith.constant 4 : i32
        %mul3A_1530 = arith.muli %scan3A_1402, %mul3A_1529 : i32
        %add3A_1531 = arith.constant 128 : i32
        %add3A_1532 = arith.addi %add3A_1531, %mul3A_1530 : i32
        %add3A_1533 = arith.constant 2 : i32
        %add3A_1534 = arith.addi %add3A_1532, %add3A_1533 : i32
        %mul3A_1535 = arith.constant 4 : i32
        %mul3A_1536 = arith.muli %scan3A_1402, %mul3A_1535 : i32
        %add3A_1537 = arith.constant 128 : i32
        %add3A_1538 = arith.addi %add3A_1537, %mul3A_1536 : i32
        %add3A_1539 = arith.constant 2 : i32
        %add3A_1540 = arith.addi %add3A_1538, %add3A_1539 : i32
        %broadcast_in_dim3A_1541 = vector.broadcast %add3A_1540 : i32 to vector<16xi32>
        %get3A_1542 = arith.index_cast %add3A_1534 : i32 to index
        %get3A_1543 = arith.constant 0 : index
        %get3A_1544 = tpu.vector_load %arg11[%get3A_1542, %get3A_1543] {strides = array<i32>} : memref<512x32xf32, #tpu.memory_space<vmem>>, vector<16xf32>,
        %add3A_1545 = arith.addf %get3A_1544, %get3A_1086 : vector<16xf32>
        %get3A_1546 = arith.index_cast %add3A_1534 : i32 to index
        %get3A_1547 = arith.constant 16 : index
        %get3A_1548 = tpu.vector_load %arg11[%get3A_1546, %get3A_1547] {strides = array<i32>} : memref<512x32xf32, #tpu.memory_space<vmem>>, vector<16xf32>,
        %add3A_1549 = arith.addf %get3A_1548, %get3A_1089 : vector<16xf32>
        tpu.vector_store_idx %arg13[%iota3A, %broadcast_in_dim3A_1541], %add3A_1545 : memref<32x513xf32, #tpu.memory_space<vmem>>[vector<16xi32>, vector<16xi32>], vector<16xf32>,
        tpu.vector_store_idx %arg13[%add3A_5, %broadcast_in_dim3A_1541], %add3A_1549 : memref<32x513xf32, #tpu.memory_space<vmem>>[vector<16xi32>, vector<16xi32>], vector<16xf32>,
        %mul3A_1550 = arith.constant 4 : i32
        %mul3A_1551 = arith.muli %scan3A_1402, %mul3A_1550 : i32
        %add3A_1552 = arith.constant 128 : i32
        %add3A_1553 = arith.addi %add3A_1552, %mul3A_1551 : i32
        %add3A_1554 = arith.constant 3 : i32
        %add3A_1555 = arith.addi %add3A_1553, %add3A_1554 : i32
        %mul3A_1556 = arith.constant 4 : i32
        %mul3A_1557 = arith.muli %scan3A_1402, %mul3A_1556 : i32
        %add3A_1558 = arith.constant 128 : i32
        %add3A_1559 = arith.addi %add3A_1558, %mul3A_1557 : i32
        %add3A_1560 = arith.constant 3 : i32
        %add3A_1561 = arith.addi %add3A_1559, %add3A_1560 : i32
        %broadcast_in_dim3A_1562 = vector.broadcast %add3A_1561 : i32 to vector<16xi32>
        %get3A_1563 = arith.index_cast %add3A_1555 : i32 to index
        %get3A_1564 = arith.constant 0 : index
        %get3A_1565 = tpu.vector_load %arg11[%get3A_1563, %get3A_1564] {strides = array<i32>} : memref<512x32xf32, #tpu.memory_space<vmem>>, vector<16xf32>,
        %add3A_1566 = arith.addf %get3A_1565, %get3A_1086 : vector<16xf32>
        %get3A_1567 = arith.index_cast %add3A_1555 : i32 to index
        %get3A_1568 = arith.constant 16 : index
        %get3A_1569 = tpu.vector_load %arg11[%get3A_1567, %get3A_1568] {strides = array<i32>} : memref<512x32xf32, #tpu.memory_space<vmem>>, vector<16xf32>,
        %add3A_1570 = arith.addf %get3A_1569, %get3A_1089 : vector<16xf32>
        tpu.vector_store_idx %arg13[%iota3A, %broadcast_in_dim3A_1562], %add3A_1566 : memref<32x513xf32, #tpu.memory_space<vmem>>[vector<16xi32>, vector<16xi32>], vector<16xf32>,
        tpu.vector_store_idx %arg13[%add3A_5, %broadcast_in_dim3A_1562], %add3A_1570 : memref<32x513xf32, #tpu.memory_space<vmem>>[vector<16xi32>, vector<16xi32>], vector<16xf32>,
        %mul3A_1571 = arith.constant 4 : i32
        %mul3A_1572 = arith.muli %scan3A_1402, %mul3A_1571 : i32
        %add3A_1573 = arith.constant 256 : i32
        %add3A_1574 = arith.addi %add3A_1573, %mul3A_1572 : i32
        %add3A_1575 = arith.constant 0 : i32
        %add3A_1576 = arith.addi %add3A_1574, %add3A_1575 : i32
        %mul3A_1577 = arith.constant 4 : i32
        %mul3A_1578 = arith.muli %scan3A_1402, %mul3A_1577 : i32
        %add3A_1579 = arith.constant 256 : i32
        %add3A_1580 = arith.addi %add3A_1579, %mul3A_1578 : i32
        %add3A_1581 = arith.constant 0 : i32
        %add3A_1582 = arith.addi %add3A_1580, %add3A_1581 : i32
        %broadcast_in_dim3A_1583 = vector.broadcast %add3A_1582 : i32 to vector<16xi32>
        %get3A_1584 = arith.index_cast %add3A_1576 : i32 to index
        %get3A_1585 = arith.constant 0 : index
        %get3A_1586 = tpu.vector_load %arg11[%get3A_1584, %get3A_1585] {strides = array<i32>} : memref<512x32xf32, #tpu.memory_space<vmem>>, vector<16xf32>,
        %add3A_1587 = arith.addf %get3A_1586, %get3A_1086 : vector<16xf32>
        %get3A_1588 = arith.index_cast %add3A_1576 : i32 to index
        %get3A_1589 = arith.constant 16 : index
        %get3A_1590 = tpu.vector_load %arg11[%get3A_1588, %get3A_1589] {strides = array<i32>} : memref<512x32xf32, #tpu.memory_space<vmem>>, vector<16xf32>,
        %add3A_1591 = arith.addf %get3A_1590, %get3A_1089 : vector<16xf32>
        tpu.vector_store_idx %arg13[%iota3A, %broadcast_in_dim3A_1583], %add3A_1587 : memref<32x513xf32, #tpu.memory_space<vmem>>[vector<16xi32>, vector<16xi32>], vector<16xf32>,
        tpu.vector_store_idx %arg13[%add3A_5, %broadcast_in_dim3A_1583], %add3A_1591 : memref<32x513xf32, #tpu.memory_space<vmem>>[vector<16xi32>, vector<16xi32>], vector<16xf32>,
        %mul3A_1592 = arith.constant 4 : i32
        %mul3A_1593 = arith.muli %scan3A_1402, %mul3A_1592 : i32
        %add3A_1594 = arith.constant 256 : i32
        %add3A_1595 = arith.addi %add3A_1594, %mul3A_1593 : i32
        %add3A_1596 = arith.constant 1 : i32
        %add3A_1597 = arith.addi %add3A_1595, %add3A_1596 : i32
        %mul3A_1598 = arith.constant 4 : i32
        %mul3A_1599 = arith.muli %scan3A_1402, %mul3A_1598 : i32
        %add3A_1600 = arith.constant 256 : i32
        %add3A_1601 = arith.addi %add3A_1600, %mul3A_1599 : i32
        %add3A_1602 = arith.constant 1 : i32
        %add3A_1603 = arith.addi %add3A_1601, %add3A_1602 : i32
        %broadcast_in_dim3A_1604 = vector.broadcast %add3A_1603 : i32 to vector<16xi32>
        %get3A_1605 = arith.index_cast %add3A_1597 : i32 to index
        %get3A_1606 = arith.constant 0 : index
        %get3A_1607 = tpu.vector_load %arg11[%get3A_1605, %get3A_1606] {strides = array<i32>} : memref<512x32xf32, #tpu.memory_space<vmem>>, vector<16xf32>,
        %add3A_1608 = arith.addf %get3A_1607, %get3A_1086 : vector<16xf32>
        %get3A_1609 = arith.index_cast %add3A_1597 : i32 to index
        %get3A_1610 = arith.constant 16 : index
        %get3A_1611 = tpu.vector_load %arg11[%get3A_1609, %get3A_1610] {strides = array<i32>} : memref<512x32xf32, #tpu.memory_space<vmem>>, vector<16xf32>,
        %add3A_1612 = arith.addf %get3A_1611, %get3A_1089 : vector<16xf32>
        tpu.vector_store_idx %arg13[%iota3A, %broadcast_in_dim3A_1604], %add3A_1608 : memref<32x513xf32, #tpu.memory_space<vmem>>[vector<16xi32>, vector<16xi32>], vector<16xf32>,
        tpu.vector_store_idx %arg13[%add3A_5, %broadcast_in_dim3A_1604], %add3A_1612 : memref<32x513xf32, #tpu.memory_space<vmem>>[vector<16xi32>, vector<16xi32>], vector<16xf32>,
        %mul3A_1613 = arith.constant 4 : i32
        %mul3A_1614 = arith.muli %scan3A_1402, %mul3A_1613 : i32
        %add3A_1615 = arith.constant 256 : i32
        %add3A_1616 = arith.addi %add3A_1615, %mul3A_1614 : i32
        %add3A_1617 = arith.constant 2 : i32
        %add3A_1618 = arith.addi %add3A_1616, %add3A_1617 : i32
        %mul3A_1619 = arith.constant 4 : i32
        %mul3A_1620 = arith.muli %scan3A_1402, %mul3A_1619 : i32
        %add3A_1621 = arith.constant 256 : i32
        %add3A_1622 = arith.addi %add3A_1621, %mul3A_1620 : i32
        %add3A_1623 = arith.constant 2 : i32
        %add3A_1624 = arith.addi %add3A_1622, %add3A_1623 : i32
        %broadcast_in_dim3A_1625 = vector.broadcast %add3A_1624 : i32 to vector<16xi32>
        %get3A_1626 = arith.index_cast %add3A_1618 : i32 to index
        %get3A_1627 = arith.constant 0 : index
        %get3A_1628 = tpu.vector_load %arg11[%get3A_1626, %get3A_1627] {strides = array<i32>} : memref<512x32xf32, #tpu.memory_space<vmem>>, vector<16xf32>,
        %add3A_1629 = arith.addf %get3A_1628, %get3A_1086 : vector<16xf32>
        %get3A_1630 = arith.index_cast %add3A_1618 : i32 to index
        %get3A_1631 = arith.constant 16 : index
        %get3A_1632 = tpu.vector_load %arg11[%get3A_1630, %get3A_1631] {strides = array<i32>} : memref<512x32xf32, #tpu.memory_space<vmem>>, vector<16xf32>,
        %add3A_1633 = arith.addf %get3A_1632, %get3A_1089 : vector<16xf32>
        tpu.vector_store_idx %arg13[%iota3A, %broadcast_in_dim3A_1625], %add3A_1629 : memref<32x513xf32, #tpu.memory_space<vmem>>[vector<16xi32>, vector<16xi32>], vector<16xf32>,
        tpu.vector_store_idx %arg13[%add3A_5, %broadcast_in_dim3A_1625], %add3A_1633 : memref<32x513xf32, #tpu.memory_space<vmem>>[vector<16xi32>, vector<16xi32>], vector<16xf32>,
        %mul3A_1634 = arith.constant 4 : i32
        %mul3A_1635 = arith.muli %scan3A_1402, %mul3A_1634 : i32
        %add3A_1636 = arith.constant 256 : i32
        %add3A_1637 = arith.addi %add3A_1636, %mul3A_1635 : i32
        %add3A_1638 = arith.constant 3 : i32
        %add3A_1639 = arith.addi %add3A_1637, %add3A_1638 : i32
        %mul3A_1640 = arith.constant 4 : i32
        %mul3A_1641 = arith.muli %scan3A_1402, %mul3A_1640 : i32
        %add3A_1642 = arith.constant 256 : i32
        %add3A_1643 = arith.addi %add3A_1642, %mul3A_1641 : i32
        %add3A_1644 = arith.constant 3 : i32
        %add3A_1645 = arith.addi %add3A_1643, %add3A_1644 : i32
        %broadcast_in_dim3A_1646 = vector.broadcast %add3A_1645 : i32 to vector<16xi32>
        %get3A_1647 = arith.index_cast %add3A_1639 : i32 to index
        %get3A_1648 = arith.constant 0 : index
        %get3A_1649 = tpu.vector_load %arg11[%get3A_1647, %get3A_1648] {strides = array<i32>} : memref<512x32xf32, #tpu.memory_space<vmem>>, vector<16xf32>,
        %add3A_1650 = arith.addf %get3A_1649, %get3A_1086 : vector<16xf32>
        %get3A_1651 = arith.index_cast %add3A_1639 : i32 to index
        %get3A_1652 = arith.constant 16 : index
        %get3A_1653 = tpu.vector_load %arg11[%get3A_1651, %get3A_1652] {strides = array<i32>} : memref<512x32xf32, #tpu.memory_space<vmem>>, vector<16xf32>,
        %add3A_1654 = arith.addf %get3A_1653, %get3A_1089 : vector<16xf32>
        tpu.vector_store_idx %arg13[%iota3A, %broadcast_in_dim3A_1646], %add3A_1650 : memref<32x513xf32, #tpu.memory_space<vmem>>[vector<16xi32>, vector<16xi32>], vector<16xf32>,
        tpu.vector_store_idx %arg13[%add3A_5, %broadcast_in_dim3A_1646], %add3A_1654 : memref<32x513xf32, #tpu.memory_space<vmem>>[vector<16xi32>, vector<16xi32>], vector<16xf32>,
        %mul3A_1655 = arith.constant 4 : i32
        %mul3A_1656 = arith.muli %scan3A_1402, %mul3A_1655 : i32
        %add3A_1657 = arith.constant 384 : i32
        %add3A_1658 = arith.addi %add3A_1657, %mul3A_1656 : i32
        %add3A_1659 = arith.constant 0 : i32
        %add3A_1660 = arith.addi %add3A_1658, %add3A_1659 : i32
        %mul3A_1661 = arith.constant 4 : i32
        %mul3A_1662 = arith.muli %scan3A_1402, %mul3A_1661 : i32
        %add3A_1663 = arith.constant 384 : i32
        %add3A_1664 = arith.addi %add3A_1663, %mul3A_1662 : i32
        %add3A_1665 = arith.constant 0 : i32
        %add3A_1666 = arith.addi %add3A_1664, %add3A_1665 : i32
        %broadcast_in_dim3A_1667 = vector.broadcast %add3A_1666 : i32 to vector<16xi32>
        %get3A_1668 = arith.index_cast %add3A_1660 : i32 to index
        %get3A_1669 = arith.constant 0 : index
        %get3A_1670 = tpu.vector_load %arg11[%get3A_1668, %get3A_1669] {strides = array<i32>} : memref<512x32xf32, #tpu.memory_space<vmem>>, vector<16xf32>,
        %add3A_1671 = arith.addf %get3A_1670, %get3A_1086 : vector<16xf32>
        %get3A_1672 = arith.index_cast %add3A_1660 : i32 to index
        %get3A_1673 = arith.constant 16 : index
        %get3A_1674 = tpu.vector_load %arg11[%get3A_1672, %get3A_1673] {strides = array<i32>} : memref<512x32xf32, #tpu.memory_space<vmem>>, vector<16xf32>,
        %add3A_1675 = arith.addf %get3A_1674, %get3A_1089 : vector<16xf32>
        tpu.vector_store_idx %arg13[%iota3A, %broadcast_in_dim3A_1667], %add3A_1671 : memref<32x513xf32, #tpu.memory_space<vmem>>[vector<16xi32>, vector<16xi32>], vector<16xf32>,
        tpu.vector_store_idx %arg13[%add3A_5, %broadcast_in_dim3A_1667], %add3A_1675 : memref<32x513xf32, #tpu.memory_space<vmem>>[vector<16xi32>, vector<16xi32>], vector<16xf32>,
        %mul3A_1676 = arith.constant 4 : i32
        %mul3A_1677 = arith.muli %scan3A_1402, %mul3A_1676 : i32
        %add3A_1678 = arith.constant 384 : i32
        %add3A_1679 = arith.addi %add3A_1678, %mul3A_1677 : i32
        %add3A_1680 = arith.constant 1 : i32
        %add3A_1681 = arith.addi %add3A_1679, %add3A_1680 : i32
        %mul3A_1682 = arith.constant 4 : i32
        %mul3A_1683 = arith.muli %scan3A_1402, %mul3A_1682 : i32
        %add3A_1684 = arith.constant 384 : i32
        %add3A_1685 = arith.addi %add3A_1684, %mul3A_1683 : i32
        %add3A_1686 = arith.constant 1 : i32
        %add3A_1687 = arith.addi %add3A_1685, %add3A_1686 : i32
        %broadcast_in_dim3A_1688 = vector.broadcast %add3A_1687 : i32 to vector<16xi32>
        %get3A_1689 = arith.index_cast %add3A_1681 : i32 to index
        %get3A_1690 = arith.constant 0 : index
        %get3A_1691 = tpu.vector_load %arg11[%get3A_1689, %get3A_1690] {strides = array<i32>} : memref<512x32xf32, #tpu.memory_space<vmem>>, vector<16xf32>,
        %add3A_1692 = arith.addf %get3A_1691, %get3A_1086 : vector<16xf32>
        %get3A_1693 = arith.index_cast %add3A_1681 : i32 to index
        %get3A_1694 = arith.constant 16 : index
        %get3A_1695 = tpu.vector_load %arg11[%get3A_1693, %get3A_1694] {strides = array<i32>} : memref<512x32xf32, #tpu.memory_space<vmem>>, vector<16xf32>,
        %add3A_1696 = arith.addf %get3A_1695, %get3A_1089 : vector<16xf32>
        tpu.vector_store_idx %arg13[%iota3A, %broadcast_in_dim3A_1688], %add3A_1692 : memref<32x513xf32, #tpu.memory_space<vmem>>[vector<16xi32>, vector<16xi32>], vector<16xf32>,
        tpu.vector_store_idx %arg13[%add3A_5, %broadcast_in_dim3A_1688], %add3A_1696 : memref<32x513xf32, #tpu.memory_space<vmem>>[vector<16xi32>, vector<16xi32>], vector<16xf32>,
        %mul3A_1697 = arith.constant 4 : i32
        %mul3A_1698 = arith.muli %scan3A_1402, %mul3A_1697 : i32
        %add3A_1699 = arith.constant 384 : i32
        %add3A_1700 = arith.addi %add3A_1699, %mul3A_1698 : i32
        %add3A_1701 = arith.constant 2 : i32
        %add3A_1702 = arith.addi %add3A_1700, %add3A_1701 : i32
        %mul3A_1703 = arith.constant 4 : i32
        %mul3A_1704 = arith.muli %scan3A_1402, %mul3A_1703 : i32
        %add3A_1705 = arith.constant 384 : i32
        %add3A_1706 = arith.addi %add3A_1705, %mul3A_1704 : i32
        %add3A_1707 = arith.constant 2 : i32
        %add3A_1708 = arith.addi %add3A_1706, %add3A_1707 : i32
        %broadcast_in_dim3A_1709 = vector.broadcast %add3A_1708 : i32 to vector<16xi32>
        %get3A_1710 = arith.index_cast %add3A_1702 : i32 to index
        %get3A_1711 = arith.constant 0 : index
        %get3A_1712 = tpu.vector_load %arg11[%get3A_1710, %get3A_1711] {strides = array<i32>} : memref<512x32xf32, #tpu.memory_space<vmem>>, vector<16xf32>,
        %add3A_1713 = arith.addf %get3A_1712, %get3A_1086 : vector<16xf32>
        %get3A_1714 = arith.index_cast %add3A_1702 : i32 to index
        %get3A_1715 = arith.constant 16 : index
        %get3A_1716 = tpu.vector_load %arg11[%get3A_1714, %get3A_1715] {strides = array<i32>} : memref<512x32xf32, #tpu.memory_space<vmem>>, vector<16xf32>,
        %add3A_1717 = arith.addf %get3A_1716, %get3A_1089 : vector<16xf32>
        tpu.vector_store_idx %arg13[%iota3A, %broadcast_in_dim3A_1709], %add3A_1713 : memref<32x513xf32, #tpu.memory_space<vmem>>[vector<16xi32>, vector<16xi32>], vector<16xf32>,
        tpu.vector_store_idx %arg13[%add3A_5, %broadcast_in_dim3A_1709], %add3A_1717 : memref<32x513xf32, #tpu.memory_space<vmem>>[vector<16xi32>, vector<16xi32>], vector<16xf32>,
        %mul3A_1718 = arith.constant 4 : i32
        %mul3A_1719 = arith.muli %scan3A_1402, %mul3A_1718 : i32
        %add3A_1720 = arith.constant 384 : i32
        %add3A_1721 = arith.addi %add3A_1720, %mul3A_1719 : i32
        %add3A_1722 = arith.constant 3 : i32
        %add3A_1723 = arith.addi %add3A_1721, %add3A_1722 : i32
        %mul3A_1724 = arith.constant 4 : i32
        %mul3A_1725 = arith.muli %scan3A_1402, %mul3A_1724 : i32
        %add3A_1726 = arith.constant 384 : i32
        %add3A_1727 = arith.addi %add3A_1726, %mul3A_1725 : i32
        %add3A_1728 = arith.constant 3 : i32
        %add3A_1729 = arith.addi %add3A_1727, %add3A_1728 : i32
        %broadcast_in_dim3A_1730 = vector.broadcast %add3A_1729 : i32 to vector<16xi32>
        %get3A_1731 = arith.index_cast %add3A_1723 : i32 to index
        %get3A_1732 = arith.constant 0 : index
        %get3A_1733 = tpu.vector_load %arg11[%get3A_1731, %get3A_1732] {strides = array<i32>} : memref<512x32xf32, #tpu.memory_space<vmem>>, vector<16xf32>,
        %add3A_1734 = arith.addf %get3A_1733, %get3A_1086 : vector<16xf32>
        %get3A_1735 = arith.index_cast %add3A_1723 : i32 to index
        %get3A_1736 = arith.constant 16 : index
        %get3A_1737 = tpu.vector_load %arg11[%get3A_1735, %get3A_1736] {strides = array<i32>} : memref<512x32xf32, #tpu.memory_space<vmem>>, vector<16xf32>,
        %add3A_1738 = arith.addf %get3A_1737, %get3A_1089 : vector<16xf32>
        tpu.vector_store_idx %arg13[%iota3A, %broadcast_in_dim3A_1730], %add3A_1734 : memref<32x513xf32, #tpu.memory_space<vmem>>[vector<16xi32>, vector<16xi32>], vector<16xf32>,
        tpu.vector_store_idx %arg13[%add3A_5, %broadcast_in_dim3A_1730], %add3A_1738 : memref<32x513xf32, #tpu.memory_space<vmem>>[vector<16xi32>, vector<16xi32>], vector<16xf32>,
        %scan3A_1739 = arith.constant 0 : i32
        scf.yield %scan3A_1739 : i32
      }
      %scan3A_1096 = arith.constant 32 : i32
      %mul3A_1097 = arith.constant 4 : i32
      %mul3A_1098 = arith.muli %add3A, %mul3A_1097 : i32
      %add3A_1099 = arith.constant 0 : i32
      %add3A_1100 = arith.addi %mul3A_1098, %add3A_1099 : i32
      %dma_start3A_1101 = arith.constant 0 : i32
      %dma_start3A_1102 = arith.constant 0 : i32
      %dma_start3A_1103 = arith.constant 0 : i32
      %dma_start3A_1104 = tpu.memref_slice %arg13[%dma_start3A_1102, %dma_start3A_1103] : memref<32x513xf32, #tpu.memory_space<vmem>> -> memref<8x128xf32, #tpu.memory_space<vmem>>
      %dma_start3A_1105 = arith.constant 0 : i32
      %dma_start3A_1106 = arith.constant 0 : i32
      %dma_start3A_1107 = tpu.memref_slice %arg5[%add3A_702, %dma_start3A_1101, %add3A_1100, %dma_start3A_1105, %dma_start3A_1106] : memref<26x4x128x8x128xf32, #tpu.memory_space<hbm>> -> memref<1x1x1x8x128xf32, #tpu.memory_space<hbm>>
      %dma_start3A_1108 = tpu.memref_squeeze %dma_start3A_1107 : memref<1x1x1x8x128xf32, #tpu.memory_space<hbm>> -> memref<8x128xf32, #tpu.memory_space<hbm>>
      %dma_start3A_1109 = arith.constant 0 : i32
      %dma_start3A_1110 = arith.constant 0 : i32
      %dma_start3A_1111 = tpu.memref_slice %arg5[%add3A_702, %dma_start3A_1101, %add3A_1100, %dma_start3A_1109, %dma_start3A_1110] : memref<26x4x128x8x128xf32, #tpu.memory_space<hbm>> -> memref<1x1x1x8x128xf32, #tpu.memory_space<hbm>>
      %dma_start3A_1112 = tpu.memref_squeeze %dma_start3A_1111 : memref<1x1x1x8x128xf32, #tpu.memory_space<hbm>> -> memref<8x128xf32, #tpu.memory_space<hbm>>
      %dma_start3A_1113 = arith.constant 0 : i32
      %dma_start3A_1114 = arith.constant 0 : i32
      %dma_start3A_1115 = tpu.memref_slice %arg13[%dma_start3A_1113, %dma_start3A_1114] : memref<32x513xf32, #tpu.memory_space<vmem>> -> memref<8x128xf32, #tpu.memory_space<vmem>>
      tpu.enqueue_dma source(%dma_start3A_1115 : memref<8x128xf32, #tpu.memory_space<vmem>>) target(%dma_start3A_1112 : memref<8x128xf32, #tpu.memory_space<hbm>>) target_semaphore(%arg17 : memref<!tpu.dma_semaphore, #tpu.memory_space<semaphore_mem>>)
      %mul3A_1116 = arith.constant 4 : i32
      %mul3A_1117 = arith.muli %add3A, %mul3A_1116 : i32
      %add3A_1118 = arith.constant 1 : i32
      %add3A_1119 = arith.addi %mul3A_1117, %add3A_1118 : i32
      %dma_start3A_1120 = arith.constant 0 : i32
      %dma_start3A_1121 = arith.constant 0 : i32
      %dma_start3A_1122 = arith.constant 128 : i32
      %dma_start3A_1123 = tpu.memref_slice %arg13[%dma_start3A_1121, %dma_start3A_1122] : memref<32x513xf32, #tpu.memory_space<vmem>> -> memref<8x128xf32, #tpu.memory_space<vmem>>
      %dma_start3A_1124 = arith.constant 0 : i32
      %dma_start3A_1125 = arith.constant 0 : i32
      %dma_start3A_1126 = tpu.memref_slice %arg5[%add3A_702, %dma_start3A_1120, %add3A_1119, %dma_start3A_1124, %dma_start3A_1125] : memref<26x4x128x8x128xf32, #tpu.memory_space<hbm>> -> memref<1x1x1x8x128xf32, #tpu.memory_space<hbm>>
      %dma_start3A_1127 = tpu.memref_squeeze %dma_start3A_1126 : memref<1x1x1x8x128xf32, #tpu.memory_space<hbm>> -> memref<8x128xf32, #tpu.memory_space<hbm>>
      %dma_start3A_1128 = arith.constant 0 : i32
      %dma_start3A_1129 = arith.constant 0 : i32
      %dma_start3A_1130 = tpu.memref_slice %arg5[%add3A_702, %dma_start3A_1120, %add3A_1119, %dma_start3A_1128, %dma_start3A_1129] : memref<26x4x128x8x128xf32, #tpu.memory_space<hbm>> -> memref<1x1x1x8x128xf32, #tpu.memory_space<hbm>>
      %dma_start3A_1131 = tpu.memref_squeeze %dma_start3A_1130 : memref<1x1x1x8x128xf32, #tpu.memory_space<hbm>> -> memref<8x128xf32, #tpu.memory_space<hbm>>
      %dma_start3A_1132 = arith.constant 0 : i32
      %dma_start3A_1133 = arith.constant 128 : i32
      %dma_start3A_1134 = tpu.memref_slice %arg13[%dma_start3A_1132, %dma_start3A_1133] : memref<32x513xf32, #tpu.memory_space<vmem>> -> memref<8x128xf32, #tpu.memory_space<vmem>>
      tpu.enqueue_dma source(%dma_start3A_1134 : memref<8x128xf32, #tpu.memory_space<vmem>>) target(%dma_start3A_1131 : memref<8x128xf32, #tpu.memory_space<hbm>>) target_semaphore(%arg17 : memref<!tpu.dma_semaphore, #tpu.memory_space<semaphore_mem>>)
      %mul3A_1135 = arith.constant 4 : i32
      %mul3A_1136 = arith.muli %add3A, %mul3A_1135 : i32
      %add3A_1137 = arith.constant 2 : i32
      %add3A_1138 = arith.addi %mul3A_1136, %add3A_1137 : i32
      %dma_start3A_1139 = arith.constant 0 : i32
      %dma_start3A_1140 = arith.constant 0 : i32
      %dma_start3A_1141 = arith.constant 256 : i32
      %dma_start3A_1142 = tpu.memref_slice %arg13[%dma_start3A_1140, %dma_start3A_1141] : memref<32x513xf32, #tpu.memory_space<vmem>> -> memref<8x128xf32, #tpu.memory_space<vmem>>
      %dma_start3A_1143 = arith.constant 0 : i32
      %dma_start3A_1144 = arith.constant 0 : i32
      %dma_start3A_1145 = tpu.memref_slice %arg5[%add3A_702, %dma_start3A_1139, %add3A_1138, %dma_start3A_1143, %dma_start3A_1144] : memref<26x4x128x8x128xf32, #tpu.memory_space<hbm>> -> memref<1x1x1x8x128xf32, #tpu.memory_space<hbm>>
      %dma_start3A_1146 = tpu.memref_squeeze %dma_start3A_1145 : memref<1x1x1x8x128xf32, #tpu.memory_space<hbm>> -> memref<8x128xf32, #tpu.memory_space<hbm>>
      %dma_start3A_1147 = arith.constant 0 : i32
      %dma_start3A_1148 = arith.constant 0 : i32
      %dma_start3A_1149 = tpu.memref_slice %arg5[%add3A_702, %dma_start3A_1139, %add3A_1138, %dma_start3A_1147, %dma_start3A_1148] : memref<26x4x128x8x128xf32, #tpu.memory_space<hbm>> -> memref<1x1x1x8x128xf32, #tpu.memory_space<hbm>>
      %dma_start3A_1150 = tpu.memref_squeeze %dma_start3A_1149 : memref<1x1x1x8x128xf32, #tpu.memory_space<hbm>> -> memref<8x128xf32, #tpu.memory_space<hbm>>
      %dma_start3A_1151 = arith.constant 0 : i32
      %dma_start3A_1152 = arith.constant 256 : i32
      %dma_start3A_1153 = tpu.memref_slice %arg13[%dma_start3A_1151, %dma_start3A_1152] : memref<32x513xf32, #tpu.memory_space<vmem>> -> memref<8x128xf32, #tpu.memory_space<vmem>>
      tpu.enqueue_dma source(%dma_start3A_1153 : memref<8x128xf32, #tpu.memory_space<vmem>>) target(%dma_start3A_1150 : memref<8x128xf32, #tpu.memory_space<hbm>>) target_semaphore(%arg17 : memref<!tpu.dma_semaphore, #tpu.memory_space<semaphore_mem>>)
      %mul3A_1154 = arith.constant 4 : i32
      %mul3A_1155 = arith.muli %add3A, %mul3A_1154 : i32
      %add3A_1156 = arith.constant 3 : i32
      %add3A_1157 = arith.addi %mul3A_1155, %add3A_1156 : i32
      %dma_start3A_1158 = arith.constant 0 : i32
      %dma_start3A_1159 = arith.constant 0 : i32
      %dma_start3A_1160 = arith.constant 384 : i32
      %dma_start3A_1161 = tpu.memref_slice %arg13[%dma_start3A_1159, %dma_start3A_1160] : memref<32x513xf32, #tpu.memory_space<vmem>> -> memref<8x128xf32, #tpu.memory_space<vmem>>
      %dma_start3A_1162 = arith.constant 0 : i32
      %dma_start3A_1163 = arith.constant 0 : i32
      %dma_start3A_1164 = tpu.memref_slice %arg5[%add3A_702, %dma_start3A_1158, %add3A_1157, %dma_start3A_1162, %dma_start3A_1163] : memref<26x4x128x8x128xf32, #tpu.memory_space<hbm>> -> memref<1x1x1x8x128xf32, #tpu.memory_space<hbm>>
      %dma_start3A_1165 = tpu.memref_squeeze %dma_start3A_1164 : memref<1x1x1x8x128xf32, #tpu.memory_space<hbm>> -> memref<8x128xf32, #tpu.memory_space<hbm>>
      %dma_start3A_1166 = arith.constant 0 : i32
      %dma_start3A_1167 = arith.constant 0 : i32
      %dma_start3A_1168 = tpu.memref_slice %arg5[%add3A_702, %dma_start3A_1158, %add3A_1157, %dma_start3A_1166, %dma_start3A_1167] : memref<26x4x128x8x128xf32, #tpu.memory_space<hbm>> -> memref<1x1x1x8x128xf32, #tpu.memory_space<hbm>>
      %dma_start3A_1169 = tpu.memref_squeeze %dma_start3A_1168 : memref<1x1x1x8x128xf32, #tpu.memory_space<hbm>> -> memref<8x128xf32, #tpu.memory_space<hbm>>
      %dma_start3A_1170 = arith.constant 0 : i32
      %dma_start3A_1171 = arith.constant 384 : i32
      %dma_start3A_1172 = tpu.memref_slice %arg13[%dma_start3A_1170, %dma_start3A_1171] : memref<32x513xf32, #tpu.memory_space<vmem>> -> memref<8x128xf32, #tpu.memory_space<vmem>>
      tpu.enqueue_dma source(%dma_start3A_1172 : memref<8x128xf32, #tpu.memory_space<vmem>>) target(%dma_start3A_1169 : memref<8x128xf32, #tpu.memory_space<hbm>>) target_semaphore(%arg17 : memref<!tpu.dma_semaphore, #tpu.memory_space<semaphore_mem>>)
      %mul3A_1173 = arith.constant 4 : i32
      %mul3A_1174 = arith.muli %add3A, %mul3A_1173 : i32
      %add3A_1175 = arith.constant 0 : i32
      %add3A_1176 = arith.addi %mul3A_1174, %add3A_1175 : i32
      %dma_start3A_1177 = arith.constant 1 : i32
      %dma_start3A_1178 = arith.constant 8 : i32
      %dma_start3A_1179 = arith.constant 0 : i32
      %dma_start3A_1180 = tpu.memref_slice %arg13[%dma_start3A_1178, %dma_start3A_1179] : memref<32x513xf32, #tpu.memory_space<vmem>> -> memref<8x128xf32, #tpu.memory_space<vmem>>
      %dma_start3A_1181 = arith.constant 0 : i32
      %dma_start3A_1182 = arith.constant 0 : i32
      %dma_start3A_1183 = tpu.memref_slice %arg5[%add3A_702, %dma_start3A_1177, %add3A_1176, %dma_start3A_1181, %dma_start3A_1182] : memref<26x4x128x8x128xf32, #tpu.memory_space<hbm>> -> memref<1x1x1x8x128xf32, #tpu.memory_space<hbm>>
      %dma_start3A_1184 = tpu.memref_squeeze %dma_start3A_1183 : memref<1x1x1x8x128xf32, #tpu.memory_space<hbm>> -> memref<8x128xf32, #tpu.memory_space<hbm>>
      %dma_start3A_1185 = arith.constant 0 : i32
      %dma_start3A_1186 = arith.constant 0 : i32
      %dma_start3A_1187 = tpu.memref_slice %arg5[%add3A_702, %dma_start3A_1177, %add3A_1176, %dma_start3A_1185, %dma_start3A_1186] : memref<26x4x128x8x128xf32, #tpu.memory_space<hbm>> -> memref<1x1x1x8x128xf32, #tpu.memory_space<hbm>>
      %dma_start3A_1188 = tpu.memref_squeeze %dma_start3A_1187 : memref<1x1x1x8x128xf32, #tpu.memory_space<hbm>> -> memref<8x128xf32, #tpu.memory_space<hbm>>
      %dma_start3A_1189 = arith.constant 8 : i32
      %dma_start3A_1190 = arith.constant 0 : i32
      %dma_start3A_1191 = tpu.memref_slice %arg13[%dma_start3A_1189, %dma_start3A_1190] : memref<32x513xf32, #tpu.memory_space<vmem>> -> memref<8x128xf32, #tpu.memory_space<vmem>>
      tpu.enqueue_dma source(%dma_start3A_1191 : memref<8x128xf32, #tpu.memory_space<vmem>>) target(%dma_start3A_1188 : memref<8x128xf32, #tpu.memory_space<hbm>>) target_semaphore(%arg17 : memref<!tpu.dma_semaphore, #tpu.memory_space<semaphore_mem>>)
      %mul3A_1192 = arith.constant 4 : i32
      %mul3A_1193 = arith.muli %add3A, %mul3A_1192 : i32
      %add3A_1194 = arith.constant 1 : i32
      %add3A_1195 = arith.addi %mul3A_1193, %add3A_1194 : i32
      %dma_start3A_1196 = arith.constant 1 : i32
      %dma_start3A_1197 = arith.constant 8 : i32
      %dma_start3A_1198 = arith.constant 128 : i32
      %dma_start3A_1199 = tpu.memref_slice %arg13[%dma_start3A_1197, %dma_start3A_1198] : memref<32x513xf32, #tpu.memory_space<vmem>> -> memref<8x128xf32, #tpu.memory_space<vmem>>
      %dma_start3A_1200 = arith.constant 0 : i32
      %dma_start3A_1201 = arith.constant 0 : i32
      %dma_start3A_1202 = tpu.memref_slice %arg5[%add3A_702, %dma_start3A_1196, %add3A_1195, %dma_start3A_1200, %dma_start3A_1201] : memref<26x4x128x8x128xf32, #tpu.memory_space<hbm>> -> memref<1x1x1x8x128xf32, #tpu.memory_space<hbm>>
      %dma_start3A_1203 = tpu.memref_squeeze %dma_start3A_1202 : memref<1x1x1x8x128xf32, #tpu.memory_space<hbm>> -> memref<8x128xf32, #tpu.memory_space<hbm>>
      %dma_start3A_1204 = arith.constant 0 : i32
      %dma_start3A_1205 = arith.constant 0 : i32
      %dma_start3A_1206 = tpu.memref_slice %arg5[%add3A_702, %dma_start3A_1196, %add3A_1195, %dma_start3A_1204, %dma_start3A_1205] : memref<26x4x128x8x128xf32, #tpu.memory_space<hbm>> -> memref<1x1x1x8x128xf32, #tpu.memory_space<hbm>>
      %dma_start3A_1207 = tpu.memref_squeeze %dma_start3A_1206 : memref<1x1x1x8x128xf32, #tpu.memory_space<hbm>> -> memref<8x128xf32, #tpu.memory_space<hbm>>
      %dma_start3A_1208 = arith.constant 8 : i32
      %dma_start3A_1209 = arith.constant 128 : i32
      %dma_start3A_1210 = tpu.memref_slice %arg13[%dma_start3A_1208, %dma_start3A_1209] : memref<32x513xf32, #tpu.memory_space<vmem>> -> memref<8x128xf32, #tpu.memory_space<vmem>>
      tpu.enqueue_dma source(%dma_start3A_1210 : memref<8x128xf32, #tpu.memory_space<vmem>>) target(%dma_start3A_1207 : memref<8x128xf32, #tpu.memory_space<hbm>>) target_semaphore(%arg17 : memref<!tpu.dma_semaphore, #tpu.memory_space<semaphore_mem>>)
      %mul3A_1211 = arith.constant 4 : i32
      %mul3A_1212 = arith.muli %add3A, %mul3A_1211 : i32
      %add3A_1213 = arith.constant 2 : i32
      %add3A_1214 = arith.addi %mul3A_1212, %add3A_1213 : i32
      %dma_start3A_1215 = arith.constant 1 : i32
      %dma_start3A_1216 = arith.constant 8 : i32
      %dma_start3A_1217 = arith.constant 256 : i32
      %dma_start3A_1218 = tpu.memref_slice %arg13[%dma_start3A_1216, %dma_start3A_1217] : memref<32x513xf32, #tpu.memory_space<vmem>> -> memref<8x128xf32, #tpu.memory_space<vmem>>
      %dma_start3A_1219 = arith.constant 0 : i32
      %dma_start3A_1220 = arith.constant 0 : i32
      %dma_start3A_1221 = tpu.memref_slice %arg5[%add3A_702, %dma_start3A_1215, %add3A_1214, %dma_start3A_1219, %dma_start3A_1220] : memref<26x4x128x8x128xf32, #tpu.memory_space<hbm>> -> memref<1x1x1x8x128xf32, #tpu.memory_space<hbm>>
      %dma_start3A_1222 = tpu.memref_squeeze %dma_start3A_1221 : memref<1x1x1x8x128xf32, #tpu.memory_space<hbm>> -> memref<8x128xf32, #tpu.memory_space<hbm>>
      %dma_start3A_1223 = arith.constant 0 : i32
      %dma_start3A_1224 = arith.constant 0 : i32
      %dma_start3A_1225 = tpu.memref_slice %arg5[%add3A_702, %dma_start3A_1215, %add3A_1214, %dma_start3A_1223, %dma_start3A_1224] : memref<26x4x128x8x128xf32, #tpu.memory_space<hbm>> -> memref<1x1x1x8x128xf32, #tpu.memory_space<hbm>>
      %dma_start3A_1226 = tpu.memref_squeeze %dma_start3A_1225 : memref<1x1x1x8x128xf32, #tpu.memory_space<hbm>> -> memref<8x128xf32, #tpu.memory_space<hbm>>
      %dma_start3A_1227 = arith.constant 8 : i32
      %dma_start3A_1228 = arith.constant 256 : i32
      %dma_start3A_1229 = tpu.memref_slice %arg13[%dma_start3A_1227, %dma_start3A_1228] : memref<32x513xf32, #tpu.memory_space<vmem>> -> memref<8x128xf32, #tpu.memory_space<vmem>>
      tpu.enqueue_dma source(%dma_start3A_1229 : memref<8x128xf32, #tpu.memory_space<vmem>>) target(%dma_start3A_1226 : memref<8x128xf32, #tpu.memory_space<hbm>>) target_semaphore(%arg17 : memref<!tpu.dma_semaphore, #tpu.memory_space<semaphore_mem>>)
      %mul3A_1230 = arith.constant 4 : i32
      %mul3A_1231 = arith.muli %add3A, %mul3A_1230 : i32
      %add3A_1232 = arith.constant 3 : i32
      %add3A_1233 = arith.addi %mul3A_1231, %add3A_1232 : i32
      %dma_start3A_1234 = arith.constant 1 : i32
      %dma_start3A_1235 = arith.constant 8 : i32
      %dma_start3A_1236 = arith.constant 384 : i32
      %dma_start3A_1237 = tpu.memref_slice %arg13[%dma_start3A_1235, %dma_start3A_1236] : memref<32x513xf32, #tpu.memory_space<vmem>> -> memref<8x128xf32, #tpu.memory_space<vmem>>
      %dma_start3A_1238 = arith.constant 0 : i32
      %dma_start3A_1239 = arith.constant 0 : i32
      %dma_start3A_1240 = tpu.memref_slice %arg5[%add3A_702, %dma_start3A_1234, %add3A_1233, %dma_start3A_1238, %dma_start3A_1239] : memref<26x4x128x8x128xf32, #tpu.memory_space<hbm>> -> memref<1x1x1x8x128xf32, #tpu.memory_space<hbm>>
      %dma_start3A_1241 = tpu.memref_squeeze %dma_start3A_1240 : memref<1x1x1x8x128xf32, #tpu.memory_space<hbm>> -> memref<8x128xf32, #tpu.memory_space<hbm>>
      %dma_start3A_1242 = arith.constant 0 : i32
      %dma_start3A_1243 = arith.constant 0 : i32
      %dma_start3A_1244 = tpu.memref_slice %arg5[%add3A_702, %dma_start3A_1234, %add3A_1233, %dma_start3A_1242, %dma_start3A_1243] : memref<26x4x128x8x128xf32, #tpu.memory_space<hbm>> -> memref<1x1x1x8x128xf32, #tpu.memory_space<hbm>>
      %dma_start3A_1245 = tpu.memref_squeeze %dma_start3A_1244 : memref<1x1x1x8x128xf32, #tpu.memory_space<hbm>> -> memref<8x128xf32, #tpu.memory_space<hbm>>
      %dma_start3A_1246 = arith.constant 8 : i32
      %dma_start3A_1247 = arith.constant 384 : i32
      %dma_start3A_1248 = tpu.memref_slice %arg13[%dma_start3A_1246, %dma_start3A_1247] : memref<32x513xf32, #tpu.memory_space<vmem>> -> memref<8x128xf32, #tpu.memory_space<vmem>>
      tpu.enqueue_dma source(%dma_start3A_1248 : memref<8x128xf32, #tpu.memory_space<vmem>>) target(%dma_start3A_1245 : memref<8x128xf32, #tpu.memory_space<hbm>>) target_semaphore(%arg17 : memref<!tpu.dma_semaphore, #tpu.memory_space<semaphore_mem>>)
      %mul3A_1249 = arith.constant 4 : i32
      %mul3A_1250 = arith.muli %add3A, %mul3A_1249 : i32
      %add3A_1251 = arith.constant 0 : i32
      %add3A_1252 = arith.addi %mul3A_1250, %add3A_1251 : i32
      %dma_start3A_1253 = arith.constant 2 : i32
      %dma_start3A_1254 = arith.constant 16 : i32
      %dma_start3A_1255 = arith.constant 0 : i32
      %dma_start3A_1256 = tpu.memref_slice %arg13[%dma_start3A_1254, %dma_start3A_1255] : memref<32x513xf32, #tpu.memory_space<vmem>> -> memref<8x128xf32, #tpu.memory_space<vmem>>
      %dma_start3A_1257 = arith.constant 0 : i32
      %dma_start3A_1258 = arith.constant 0 : i32
      %dma_start3A_1259 = tpu.memref_slice %arg5[%add3A_702, %dma_start3A_1253, %add3A_1252, %dma_start3A_1257, %dma_start3A_1258] : memref<26x4x128x8x128xf32, #tpu.memory_space<hbm>> -> memref<1x1x1x8x128xf32, #tpu.memory_space<hbm>>
      %dma_start3A_1260 = tpu.memref_squeeze %dma_start3A_1259 : memref<1x1x1x8x128xf32, #tpu.memory_space<hbm>> -> memref<8x128xf32, #tpu.memory_space<hbm>>
      %dma_start3A_1261 = arith.constant 0 : i32
      %dma_start3A_1262 = arith.constant 0 : i32
      %dma_start3A_1263 = tpu.memref_slice %arg5[%add3A_702, %dma_start3A_1253, %add3A_1252, %dma_start3A_1261, %dma_start3A_1262] : memref<26x4x128x8x128xf32, #tpu.memory_space<hbm>> -> memref<1x1x1x8x128xf32, #tpu.memory_space<hbm>>
      %dma_start3A_1264 = tpu.memref_squeeze %dma_start3A_1263 : memref<1x1x1x8x128xf32, #tpu.memory_space<hbm>> -> memref<8x128xf32, #tpu.memory_space<hbm>>
      %dma_start3A_1265 = arith.constant 16 : i32
      %dma_start3A_1266 = arith.constant 0 : i32
      %dma_start3A_1267 = tpu.memref_slice %arg13[%dma_start3A_1265, %dma_start3A_1266] : memref<32x513xf32, #tpu.memory_space<vmem>> -> memref<8x128xf32, #tpu.memory_space<vmem>>
      tpu.enqueue_dma source(%dma_start3A_1267 : memref<8x128xf32, #tpu.memory_space<vmem>>) target(%dma_start3A_1264 : memref<8x128xf32, #tpu.memory_space<hbm>>) target_semaphore(%arg17 : memref<!tpu.dma_semaphore, #tpu.memory_space<semaphore_mem>>)
      %mul3A_1268 = arith.constant 4 : i32
      %mul3A_1269 = arith.muli %add3A, %mul3A_1268 : i32
      %add3A_1270 = arith.constant 1 : i32
      %add3A_1271 = arith.addi %mul3A_1269, %add3A_1270 : i32
      %dma_start3A_1272 = arith.constant 2 : i32
      %dma_start3A_1273 = arith.constant 16 : i32
      %dma_start3A_1274 = arith.constant 128 : i32
      %dma_start3A_1275 = tpu.memref_slice %arg13[%dma_start3A_1273, %dma_start3A_1274] : memref<32x513xf32, #tpu.memory_space<vmem>> -> memref<8x128xf32, #tpu.memory_space<vmem>>
      %dma_start3A_1276 = arith.constant 0 : i32
      %dma_start3A_1277 = arith.constant 0 : i32
      %dma_start3A_1278 = tpu.memref_slice %arg5[%add3A_702, %dma_start3A_1272, %add3A_1271, %dma_start3A_1276, %dma_start3A_1277] : memref<26x4x128x8x128xf32, #tpu.memory_space<hbm>> -> memref<1x1x1x8x128xf32, #tpu.memory_space<hbm>>
      %dma_start3A_1279 = tpu.memref_squeeze %dma_start3A_1278 : memref<1x1x1x8x128xf32, #tpu.memory_space<hbm>> -> memref<8x128xf32, #tpu.memory_space<hbm>>
      %dma_start3A_1280 = arith.constant 0 : i32
      %dma_start3A_1281 = arith.constant 0 : i32
      %dma_start3A_1282 = tpu.memref_slice %arg5[%add3A_702, %dma_start3A_1272, %add3A_1271, %dma_start3A_1280, %dma_start3A_1281] : memref<26x4x128x8x128xf32, #tpu.memory_space<hbm>> -> memref<1x1x1x8x128xf32, #tpu.memory_space<hbm>>
      %dma_start3A_1283 = tpu.memref_squeeze %dma_start3A_1282 : memref<1x1x1x8x128xf32, #tpu.memory_space<hbm>> -> memref<8x128xf32, #tpu.memory_space<hbm>>
      %dma_start3A_1284 = arith.constant 16 : i32
      %dma_start3A_1285 = arith.constant 128 : i32
      %dma_start3A_1286 = tpu.memref_slice %arg13[%dma_start3A_1284, %dma_start3A_1285] : memref<32x513xf32, #tpu.memory_space<vmem>> -> memref<8x128xf32, #tpu.memory_space<vmem>>
      tpu.enqueue_dma source(%dma_start3A_1286 : memref<8x128xf32, #tpu.memory_space<vmem>>) target(%dma_start3A_1283 : memref<8x128xf32, #tpu.memory_space<hbm>>) target_semaphore(%arg17 : memref<!tpu.dma_semaphore, #tpu.memory_space<semaphore_mem>>)
      %mul3A_1287 = arith.constant 4 : i32
      %mul3A_1288 = arith.muli %add3A, %mul3A_1287 : i32
      %add3A_1289 = arith.constant 2 : i32
      %add3A_1290 = arith.addi %mul3A_1288, %add3A_1289 : i32
      %dma_start3A_1291 = arith.constant 2 : i32
      %dma_start3A_1292 = arith.constant 16 : i32
      %dma_start3A_1293 = arith.constant 256 : i32
      %dma_start3A_1294 = tpu.memref_slice %arg13[%dma_start3A_1292, %dma_start3A_1293] : memref<32x513xf32, #tpu.memory_space<vmem>> -> memref<8x128xf32, #tpu.memory_space<vmem>>
      %dma_start3A_1295 = arith.constant 0 : i32
      %dma_start3A_1296 = arith.constant 0 : i32
      %dma_start3A_1297 = tpu.memref_slice %arg5[%add3A_702, %dma_start3A_1291, %add3A_1290, %dma_start3A_1295, %dma_start3A_1296] : memref<26x4x128x8x128xf32, #tpu.memory_space<hbm>> -> memref<1x1x1x8x128xf32, #tpu.memory_space<hbm>>
      %dma_start3A_1298 = tpu.memref_squeeze %dma_start3A_1297 : memref<1x1x1x8x128xf32, #tpu.memory_space<hbm>> -> memref<8x128xf32, #tpu.memory_space<hbm>>
      %dma_start3A_1299 = arith.constant 0 : i32
      %dma_start3A_1300 = arith.constant 0 : i32
      %dma_start3A_1301 = tpu.memref_slice %arg5[%add3A_702, %dma_start3A_1291, %add3A_1290, %dma_start3A_1299, %dma_start3A_1300] : memref<26x4x128x8x128xf32, #tpu.memory_space<hbm>> -> memref<1x1x1x8x128xf32, #tpu.memory_space<hbm>>
      %dma_start3A_1302 = tpu.memref_squeeze %dma_start3A_1301 : memref<1x1x1x8x128xf32, #tpu.memory_space<hbm>> -> memref<8x128xf32, #tpu.memory_space<hbm>>
      %dma_start3A_1303 = arith.constant 16 : i32
      %dma_start3A_1304 = arith.constant 256 : i32
      %dma_start3A_1305 = tpu.memref_slice %arg13[%dma_start3A_1303, %dma_start3A_1304] : memref<32x513xf32, #tpu.memory_space<vmem>> -> memref<8x128xf32, #tpu.memory_space<vmem>>
      tpu.enqueue_dma source(%dma_start3A_1305 : memref<8x128xf32, #tpu.memory_space<vmem>>) target(%dma_start3A_1302 : memref<8x128xf32, #tpu.memory_space<hbm>>) target_semaphore(%arg17 : memref<!tpu.dma_semaphore, #tpu.memory_space<semaphore_mem>>)
      %mul3A_1306 = arith.constant 4 : i32
      %mul3A_1307 = arith.muli %add3A, %mul3A_1306 : i32
      %add3A_1308 = arith.constant 3 : i32
      %add3A_1309 = arith.addi %mul3A_1307, %add3A_1308 : i32
      %dma_start3A_1310 = arith.constant 2 : i32
      %dma_start3A_1311 = arith.constant 16 : i32
      %dma_start3A_1312 = arith.constant 384 : i32
      %dma_start3A_1313 = tpu.memref_slice %arg13[%dma_start3A_1311, %dma_start3A_1312] : memref<32x513xf32, #tpu.memory_space<vmem>> -> memref<8x128xf32, #tpu.memory_space<vmem>>
      %dma_start3A_1314 = arith.constant 0 : i32
      %dma_start3A_1315 = arith.constant 0 : i32
      %dma_start3A_1316 = tpu.memref_slice %arg5[%add3A_702, %dma_start3A_1310, %add3A_1309, %dma_start3A_1314, %dma_start3A_1315] : memref<26x4x128x8x128xf32, #tpu.memory_space<hbm>> -> memref<1x1x1x8x128xf32, #tpu.memory_space<hbm>>
      %dma_start3A_1317 = tpu.memref_squeeze %dma_start3A_1316 : memref<1x1x1x8x128xf32, #tpu.memory_space<hbm>> -> memref<8x128xf32, #tpu.memory_space<hbm>>
      %dma_start3A_1318 = arith.constant 0 : i32
      %dma_start3A_1319 = arith.constant 0 : i32
      %dma_start3A_1320 = tpu.memref_slice %arg5[%add3A_702, %dma_start3A_1310, %add3A_1309, %dma_start3A_1318, %dma_start3A_1319] : memref<26x4x128x8x128xf32, #tpu.memory_space<hbm>> -> memref<1x1x1x8x128xf32, #tpu.memory_space<hbm>>
      %dma_start3A_1321 = tpu.memref_squeeze %dma_start3A_1320 : memref<1x1x1x8x128xf32, #tpu.memory_space<hbm>> -> memref<8x128xf32, #tpu.memory_space<hbm>>
      %dma_start3A_1322 = arith.constant 16 : i32
      %dma_start3A_1323 = arith.constant 384 : i32
      %dma_start3A_1324 = tpu.memref_slice %arg13[%dma_start3A_1322, %dma_start3A_1323] : memref<32x513xf32, #tpu.memory_space<vmem>> -> memref<8x128xf32, #tpu.memory_space<vmem>>
      tpu.enqueue_dma source(%dma_start3A_1324 : memref<8x128xf32, #tpu.memory_space<vmem>>) target(%dma_start3A_1321 : memref<8x128xf32, #tpu.memory_space<hbm>>) target_semaphore(%arg17 : memref<!tpu.dma_semaphore, #tpu.memory_space<semaphore_mem>>)
      %mul3A_1325 = arith.constant 4 : i32
      %mul3A_1326 = arith.muli %add3A, %mul3A_1325 : i32
      %add3A_1327 = arith.constant 0 : i32
      %add3A_1328 = arith.addi %mul3A_1326, %add3A_1327 : i32
      %dma_start3A_1329 = arith.constant 3 : i32
      %dma_start3A_1330 = arith.constant 24 : i32
      %dma_start3A_1331 = arith.constant 0 : i32
      %dma_start3A_1332 = tpu.memref_slice %arg13[%dma_start3A_1330, %dma_start3A_1331] : memref<32x513xf32, #tpu.memory_space<vmem>> -> memref<8x128xf32, #tpu.memory_space<vmem>>
      %dma_start3A_1333 = arith.constant 0 : i32
      %dma_start3A_1334 = arith.constant 0 : i32
      %dma_start3A_1335 = tpu.memref_slice %arg5[%add3A_702, %dma_start3A_1329, %add3A_1328, %dma_start3A_1333, %dma_start3A_1334] : memref<26x4x128x8x128xf32, #tpu.memory_space<hbm>> -> memref<1x1x1x8x128xf32, #tpu.memory_space<hbm>>
      %dma_start3A_1336 = tpu.memref_squeeze %dma_start3A_1335 : memref<1x1x1x8x128xf32, #tpu.memory_space<hbm>> -> memref<8x128xf32, #tpu.memory_space<hbm>>
      %dma_start3A_1337 = arith.constant 0 : i32
      %dma_start3A_1338 = arith.constant 0 : i32
      %dma_start3A_1339 = tpu.memref_slice %arg5[%add3A_702, %dma_start3A_1329, %add3A_1328, %dma_start3A_1337, %dma_start3A_1338] : memref<26x4x128x8x128xf32, #tpu.memory_space<hbm>> -> memref<1x1x1x8x128xf32, #tpu.memory_space<hbm>>
      %dma_start3A_1340 = tpu.memref_squeeze %dma_start3A_1339 : memref<1x1x1x8x128xf32, #tpu.memory_space<hbm>> -> memref<8x128xf32, #tpu.memory_space<hbm>>
      %dma_start3A_1341 = arith.constant 24 : i32
      %dma_start3A_1342 = arith.constant 0 : i32
      %dma_start3A_1343 = tpu.memref_slice %arg13[%dma_start3A_1341, %dma_start3A_1342] : memref<32x513xf32, #tpu.memory_space<vmem>> -> memref<8x128xf32, #tpu.memory_space<vmem>>
      tpu.enqueue_dma source(%dma_start3A_1343 : memref<8x128xf32, #tpu.memory_space<vmem>>) target(%dma_start3A_1340 : memref<8x128xf32, #tpu.memory_space<hbm>>) target_semaphore(%arg17 : memref<!tpu.dma_semaphore, #tpu.memory_space<semaphore_mem>>)
      %mul3A_1344 = arith.constant 4 : i32
      %mul3A_1345 = arith.muli %add3A, %mul3A_1344 : i32
      %add3A_1346 = arith.constant 1 : i32
      %add3A_1347 = arith.addi %mul3A_1345, %add3A_1346 : i32
      %dma_start3A_1348 = arith.constant 3 : i32
      %dma_start3A_1349 = arith.constant 24 : i32
      %dma_start3A_1350 = arith.constant 128 : i32
      %dma_start3A_1351 = tpu.memref_slice %arg13[%dma_start3A_1349, %dma_start3A_1350] : memref<32x513xf32, #tpu.memory_space<vmem>> -> memref<8x128xf32, #tpu.memory_space<vmem>>
      %dma_start3A_1352 = arith.constant 0 : i32
      %dma_start3A_1353 = arith.constant 0 : i32
      %dma_start3A_1354 = tpu.memref_slice %arg5[%add3A_702, %dma_start3A_1348, %add3A_1347, %dma_start3A_1352, %dma_start3A_1353] : memref<26x4x128x8x128xf32, #tpu.memory_space<hbm>> -> memref<1x1x1x8x128xf32, #tpu.memory_space<hbm>>
      %dma_start3A_1355 = tpu.memref_squeeze %dma_start3A_1354 : memref<1x1x1x8x128xf32, #tpu.memory_space<hbm>> -> memref<8x128xf32, #tpu.memory_space<hbm>>
      %dma_start3A_1356 = arith.constant 0 : i32
      %dma_start3A_1357 = arith.constant 0 : i32
      %dma_start3A_1358 = tpu.memref_slice %arg5[%add3A_702, %dma_start3A_1348, %add3A_1347, %dma_start3A_1356, %dma_start3A_1357] : memref<26x4x128x8x128xf32, #tpu.memory_space<hbm>> -> memref<1x1x1x8x128xf32, #tpu.memory_space<hbm>>
      %dma_start3A_1359 = tpu.memref_squeeze %dma_start3A_1358 : memref<1x1x1x8x128xf32, #tpu.memory_space<hbm>> -> memref<8x128xf32, #tpu.memory_space<hbm>>
      %dma_start3A_1360 = arith.constant 24 : i32
      %dma_start3A_1361 = arith.constant 128 : i32
      %dma_start3A_1362 = tpu.memref_slice %arg13[%dma_start3A_1360, %dma_start3A_1361] : memref<32x513xf32, #tpu.memory_space<vmem>> -> memref<8x128xf32, #tpu.memory_space<vmem>>
      tpu.enqueue_dma source(%dma_start3A_1362 : memref<8x128xf32, #tpu.memory_space<vmem>>) target(%dma_start3A_1359 : memref<8x128xf32, #tpu.memory_space<hbm>>) target_semaphore(%arg17 : memref<!tpu.dma_semaphore, #tpu.memory_space<semaphore_mem>>)
      %mul3A_1363 = arith.constant 4 : i32
      %mul3A_1364 = arith.muli %add3A, %mul3A_1363 : i32
      %add3A_1365 = arith.constant 2 : i32
      %add3A_1366 = arith.addi %mul3A_1364, %add3A_1365 : i32
      %dma_start3A_1367 = arith.constant 3 : i32
      %dma_start3A_1368 = arith.constant 24 : i32
      %dma_start3A_1369 = arith.constant 256 : i32
      %dma_start3A_1370 = tpu.memref_slice %arg13[%dma_start3A_1368, %dma_start3A_1369] : memref<32x513xf32, #tpu.memory_space<vmem>> -> memref<8x128xf32, #tpu.memory_space<vmem>>
      %dma_start3A_1371 = arith.constant 0 : i32
      %dma_start3A_1372 = arith.constant 0 : i32
      %dma_start3A_1373 = tpu.memref_slice %arg5[%add3A_702, %dma_start3A_1367, %add3A_1366, %dma_start3A_1371, %dma_start3A_1372] : memref<26x4x128x8x128xf32, #tpu.memory_space<hbm>> -> memref<1x1x1x8x128xf32, #tpu.memory_space<hbm>>
      %dma_start3A_1374 = tpu.memref_squeeze %dma_start3A_1373 : memref<1x1x1x8x128xf32, #tpu.memory_space<hbm>> -> memref<8x128xf32, #tpu.memory_space<hbm>>
      %dma_start3A_1375 = arith.constant 0 : i32
      %dma_start3A_1376 = arith.constant 0 : i32
      %dma_start3A_1377 = tpu.memref_slice %arg5[%add3A_702, %dma_start3A_1367, %add3A_1366, %dma_start3A_1375, %dma_start3A_1376] : memref<26x4x128x8x128xf32, #tpu.memory_space<hbm>> -> memref<1x1x1x8x128xf32, #tpu.memory_space<hbm>>
      %dma_start3A_1378 = tpu.memref_squeeze %dma_start3A_1377 : memref<1x1x1x8x128xf32, #tpu.memory_space<hbm>> -> memref<8x128xf32, #tpu.memory_space<hbm>>
      %dma_start3A_1379 = arith.constant 24 : i32
      %dma_start3A_1380 = arith.constant 256 : i32
      %dma_start3A_1381 = tpu.memref_slice %arg13[%dma_start3A_1379, %dma_start3A_1380] : memref<32x513xf32, #tpu.memory_space<vmem>> -> memref<8x128xf32, #tpu.memory_space<vmem>>
      tpu.enqueue_dma source(%dma_start3A_1381 : memref<8x128xf32, #tpu.memory_space<vmem>>) target(%dma_start3A_1378 : memref<8x128xf32, #tpu.memory_space<hbm>>) target_semaphore(%arg17 : memref<!tpu.dma_semaphore, #tpu.memory_space<semaphore_mem>>)
      %mul3A_1382 = arith.constant 4 : i32
      %mul3A_1383 = arith.muli %add3A, %mul3A_1382 : i32
      %add3A_1384 = arith.constant 3 : i32
      %add3A_1385 = arith.addi %mul3A_1383, %add3A_1384 : i32
      %dma_start3A_1386 = arith.constant 3 : i32
      %dma_start3A_1387 = arith.constant 24 : i32
      %dma_start3A_1388 = arith.constant 384 : i32
      %dma_start3A_1389 = tpu.memref_slice %arg13[%dma_start3A_1387, %dma_start3A_1388] : memref<32x513xf32, #tpu.memory_space<vmem>> -> memref<8x128xf32, #tpu.memory_space<vmem>>
      %dma_start3A_1390 = arith.constant 0 : i32
      %dma_start3A_1391 = arith.constant 0 : i32
      %dma_start3A_1392 = tpu.memref_slice %arg5[%add3A_702, %dma_start3A_1386, %add3A_1385, %dma_start3A_1390, %dma_start3A_1391] : memref<26x4x128x8x128xf32, #tpu.memory_space<hbm>> -> memref<1x1x1x8x128xf32, #tpu.memory_space<hbm>>
      %dma_start3A_1393 = tpu.memref_squeeze %dma_start3A_1392 : memref<1x1x1x8x128xf32, #tpu.memory_space<hbm>> -> memref<8x128xf32, #tpu.memory_space<hbm>>
      %dma_start3A_1394 = arith.constant 0 : i32
      %dma_start3A_1395 = arith.constant 0 : i32
      %dma_start3A_1396 = tpu.memref_slice %arg5[%add3A_702, %dma_start3A_1386, %add3A_1385, %dma_start3A_1394, %dma_start3A_1395] : memref<26x4x128x8x128xf32, #tpu.memory_space<hbm>> -> memref<1x1x1x8x128xf32, #tpu.memory_space<hbm>>
      %dma_start3A_1397 = tpu.memref_squeeze %dma_start3A_1396 : memref<1x1x1x8x128xf32, #tpu.memory_space<hbm>> -> memref<8x128xf32, #tpu.memory_space<hbm>>
      %dma_start3A_1398 = arith.constant 24 : i32
      %dma_start3A_1399 = arith.constant 384 : i32
      %dma_start3A_1400 = tpu.memref_slice %arg13[%dma_start3A_1398, %dma_start3A_1399] : memref<32x513xf32, #tpu.memory_space<vmem>> -> memref<8x128xf32, #tpu.memory_space<vmem>>
      tpu.enqueue_dma source(%dma_start3A_1400 : memref<8x128xf32, #tpu.memory_space<vmem>>) target(%dma_start3A_1397 : memref<8x128xf32, #tpu.memory_space<hbm>>) target_semaphore(%arg17 : memref<!tpu.dma_semaphore, #tpu.memory_space<semaphore_mem>>)
      %scan3A_1401 = arith.constant 0 : i32
      scf.yield %scan3A_1401 : i32
    }
    %scan3A_57 = arith.constant 13 : i32
    %mul3A_58 = arith.constant 4 : i32
    %mul3A_59 = arith.muli %add3A, %mul3A_58 : i32
    %add3A_60 = arith.constant 0 : i32
    %add3A_61 = arith.addi %mul3A_59, %add3A_60 : i32
    %dma_wait3A = arith.constant 24 : i32
    %dma_wait3A_62 = arith.constant 0 : i32
    %dma_wait3A_63 = arith.constant 0 : i32
    %dma_wait3A_64 = arith.constant 0 : i32
    %dma_wait3A_65 = tpu.memref_slice %arg12[%dma_wait3A_63, %dma_wait3A_64] : memref<32x513xf32, #tpu.memory_space<vmem>> -> memref<8x128xf32, #tpu.memory_space<vmem>>
    %dma_wait3A_66 = arith.constant 0 : i32
    %dma_wait3A_67 = arith.constant 0 : i32
    %dma_wait3A_68 = tpu.memref_slice %arg5[%dma_wait3A, %dma_wait3A_62, %add3A_61, %dma_wait3A_66, %dma_wait3A_67] : memref<26x4x128x8x128xf32, #tpu.memory_space<hbm>> -> memref<1x1x1x8x128xf32, #tpu.memory_space<hbm>>
    %dma_wait3A_69 = tpu.memref_squeeze %dma_wait3A_68 : memref<1x1x1x8x128xf32, #tpu.memory_space<hbm>> -> memref<8x128xf32, #tpu.memory_space<hbm>>
    %dma_wait3A_70 = arith.constant 0 : i32
    %dma_wait3A_71 = arith.constant 0 : i32
    %dma_wait3A_72 = tpu.memref_slice %arg5[%dma_wait3A, %dma_wait3A_62, %add3A_61, %dma_wait3A_70, %dma_wait3A_71] : memref<26x4x128x8x128xf32, #tpu.memory_space<hbm>> -> memref<1x1x1x8x128xf32, #tpu.memory_space<hbm>>
    %dma_wait3A_73 = tpu.memref_squeeze %dma_wait3A_72 : memref<1x1x1x8x128xf32, #tpu.memory_space<hbm>> -> memref<8x128xf32, #tpu.memory_space<hbm>>
    %dma_wait3A_74 = arith.constant 0 : i32
    %dma_wait3A_75 = arith.constant 0 : i32
    %dma_wait3A_76 = tpu.memref_slice %arg12[%dma_wait3A_74, %dma_wait3A_75] : memref<32x513xf32, #tpu.memory_space<vmem>> -> memref<8x128xf32, #tpu.memory_space<vmem>>
    tpu.wait_dma2 semaphore(%arg16 : memref<!tpu.dma_semaphore, #tpu.memory_space<semaphore_mem>>) src(%dma_wait3A_76 : memref<8x128xf32, #tpu.memory_space<vmem>>) dst(%dma_wait3A_73 : memref<8x128xf32, #tpu.memory_space<hbm>>)
    %mul3A_77 = arith.constant 4 : i32
    %mul3A_78 = arith.muli %add3A, %mul3A_77 : i32
    %add3A_79 = arith.constant 1 : i32
    %add3A_80 = arith.addi %mul3A_78, %add3A_79 : i32
    %dma_wait3A_81 = arith.constant 24 : i32
    %dma_wait3A_82 = arith.constant 0 : i32
    %dma_wait3A_83 = arith.constant 0 : i32
    %dma_wait3A_84 = arith.constant 128 : i32
    %dma_wait3A_85 = tpu.memref_slice %arg12[%dma_wait3A_83, %dma_wait3A_84] : memref<32x513xf32, #tpu.memory_space<vmem>> -> memref<8x128xf32, #tpu.memory_space<vmem>>
    %dma_wait3A_86 = arith.constant 0 : i32
    %dma_wait3A_87 = arith.constant 0 : i32
    %dma_wait3A_88 = tpu.memref_slice %arg5[%dma_wait3A_81, %dma_wait3A_82, %add3A_80, %dma_wait3A_86, %dma_wait3A_87] : memref<26x4x128x8x128xf32, #tpu.memory_space<hbm>> -> memref<1x1x1x8x128xf32, #tpu.memory_space<hbm>>
    %dma_wait3A_89 = tpu.memref_squeeze %dma_wait3A_88 : memref<1x1x1x8x128xf32, #tpu.memory_space<hbm>> -> memref<8x128xf32, #tpu.memory_space<hbm>>
    %dma_wait3A_90 = arith.constant 0 : i32
    %dma_wait3A_91 = arith.constant 0 : i32
    %dma_wait3A_92 = tpu.memref_slice %arg5[%dma_wait3A_81, %dma_wait3A_82, %add3A_80, %dma_wait3A_90, %dma_wait3A_91] : memref<26x4x128x8x128xf32, #tpu.memory_space<hbm>> -> memref<1x1x1x8x128xf32, #tpu.memory_space<hbm>>
    %dma_wait3A_93 = tpu.memref_squeeze %dma_wait3A_92 : memref<1x1x1x8x128xf32, #tpu.memory_space<hbm>> -> memref<8x128xf32, #tpu.memory_space<hbm>>
    %dma_wait3A_94 = arith.constant 0 : i32
    %dma_wait3A_95 = arith.constant 128 : i32
    %dma_wait3A_96 = tpu.memref_slice %arg12[%dma_wait3A_94, %dma_wait3A_95] : memref<32x513xf32, #tpu.memory_space<vmem>> -> memref<8x128xf32, #tpu.memory_space<vmem>>
    tpu.wait_dma2 semaphore(%arg16 : memref<!tpu.dma_semaphore, #tpu.memory_space<semaphore_mem>>) src(%dma_wait3A_96 : memref<8x128xf32, #tpu.memory_space<vmem>>) dst(%dma_wait3A_93 : memref<8x128xf32, #tpu.memory_space<hbm>>)
    %mul3A_97 = arith.constant 4 : i32
    %mul3A_98 = arith.muli %add3A, %mul3A_97 : i32
    %add3A_99 = arith.constant 2 : i32
    %add3A_100 = arith.addi %mul3A_98, %add3A_99 : i32
    %dma_wait3A_101 = arith.constant 24 : i32
    %dma_wait3A_102 = arith.constant 0 : i32
    %dma_wait3A_103 = arith.constant 0 : i32
    %dma_wait3A_104 = arith.constant 256 : i32
    %dma_wait3A_105 = tpu.memref_slice %arg12[%dma_wait3A_103, %dma_wait3A_104] : memref<32x513xf32, #tpu.memory_space<vmem>> -> memref<8x128xf32, #tpu.memory_space<vmem>>
    %dma_wait3A_106 = arith.constant 0 : i32
    %dma_wait3A_107 = arith.constant 0 : i32
    %dma_wait3A_108 = tpu.memref_slice %arg5[%dma_wait3A_101, %dma_wait3A_102, %add3A_100, %dma_wait3A_106, %dma_wait3A_107] : memref<26x4x128x8x128xf32, #tpu.memory_space<hbm>> -> memref<1x1x1x8x128xf32, #tpu.memory_space<hbm>>
    %dma_wait3A_109 = tpu.memref_squeeze %dma_wait3A_108 : memref<1x1x1x8x128xf32, #tpu.memory_space<hbm>> -> memref<8x128xf32, #tpu.memory_space<hbm>>
    %dma_wait3A_110 = arith.constant 0 : i32
    %dma_wait3A_111 = arith.constant 0 : i32
    %dma_wait3A_112 = tpu.memref_slice %arg5[%dma_wait3A_101, %dma_wait3A_102, %add3A_100, %dma_wait3A_110, %dma_wait3A_111] : memref<26x4x128x8x128xf32, #tpu.memory_space<hbm>> -> memref<1x1x1x8x128xf32, #tpu.memory_space<hbm>>
    %dma_wait3A_113 = tpu.memref_squeeze %dma_wait3A_112 : memref<1x1x1x8x128xf32, #tpu.memory_space<hbm>> -> memref<8x128xf32, #tpu.memory_space<hbm>>
    %dma_wait3A_114 = arith.constant 0 : i32
    %dma_wait3A_115 = arith.constant 256 : i32
    %dma_wait3A_116 = tpu.memref_slice %arg12[%dma_wait3A_114, %dma_wait3A_115] : memref<32x513xf32, #tpu.memory_space<vmem>> -> memref<8x128xf32, #tpu.memory_space<vmem>>
    tpu.wait_dma2 semaphore(%arg16 : memref<!tpu.dma_semaphore, #tpu.memory_space<semaphore_mem>>) src(%dma_wait3A_116 : memref<8x128xf32, #tpu.memory_space<vmem>>) dst(%dma_wait3A_113 : memref<8x128xf32, #tpu.memory_space<hbm>>)
    %mul3A_117 = arith.constant 4 : i32
    %mul3A_118 = arith.muli %add3A, %mul3A_117 : i32
    %add3A_119 = arith.constant 3 : i32
    %add3A_120 = arith.addi %mul3A_118, %add3A_119 : i32
    %dma_wait3A_121 = arith.constant 24 : i32
    %dma_wait3A_122 = arith.constant 0 : i32
    %dma_wait3A_123 = arith.constant 0 : i32
    %dma_wait3A_124 = arith.constant 384 : i32
    %dma_wait3A_125 = tpu.memref_slice %arg12[%dma_wait3A_123, %dma_wait3A_124] : memref<32x513xf32, #tpu.memory_space<vmem>> -> memref<8x128xf32, #tpu.memory_space<vmem>>
    %dma_wait3A_126 = arith.constant 0 : i32
    %dma_wait3A_127 = arith.constant 0 : i32
    %dma_wait3A_128 = tpu.memref_slice %arg5[%dma_wait3A_121, %dma_wait3A_122, %add3A_120, %dma_wait3A_126, %dma_wait3A_127] : memref<26x4x128x8x128xf32, #tpu.memory_space<hbm>> -> memref<1x1x1x8x128xf32, #tpu.memory_space<hbm>>
    %dma_wait3A_129 = tpu.memref_squeeze %dma_wait3A_128 : memref<1x1x1x8x128xf32, #tpu.memory_space<hbm>> -> memref<8x128xf32, #tpu.memory_space<hbm>>
    %dma_wait3A_130 = arith.constant 0 : i32
    %dma_wait3A_131 = arith.constant 0 : i32
    %dma_wait3A_132 = tpu.memref_slice %arg5[%dma_wait3A_121, %dma_wait3A_122, %add3A_120, %dma_wait3A_130, %dma_wait3A_131] : memref<26x4x128x8x128xf32, #tpu.memory_space<hbm>> -> memref<1x1x1x8x128xf32, #tpu.memory_space<hbm>>
    %dma_wait3A_133 = tpu.memref_squeeze %dma_wait3A_132 : memref<1x1x1x8x128xf32, #tpu.memory_space<hbm>> -> memref<8x128xf32, #tpu.memory_space<hbm>>
    %dma_wait3A_134 = arith.constant 0 : i32
    %dma_wait3A_135 = arith.constant 384 : i32
    %dma_wait3A_136 = tpu.memref_slice %arg12[%dma_wait3A_134, %dma_wait3A_135] : memref<32x513xf32, #tpu.memory_space<vmem>> -> memref<8x128xf32, #tpu.memory_space<vmem>>
    tpu.wait_dma2 semaphore(%arg16 : memref<!tpu.dma_semaphore, #tpu.memory_space<semaphore_mem>>) src(%dma_wait3A_136 : memref<8x128xf32, #tpu.memory_space<vmem>>) dst(%dma_wait3A_133 : memref<8x128xf32, #tpu.memory_space<hbm>>)
    %mul3A_137 = arith.constant 4 : i32
    %mul3A_138 = arith.muli %add3A, %mul3A_137 : i32
    %add3A_139 = arith.constant 0 : i32
    %add3A_140 = arith.addi %mul3A_138, %add3A_139 : i32
    %dma_wait3A_141 = arith.constant 24 : i32
    %dma_wait3A_142 = arith.constant 1 : i32
    %dma_wait3A_143 = arith.constant 8 : i32
    %dma_wait3A_144 = arith.constant 0 : i32
    %dma_wait3A_145 = tpu.memref_slice %arg12[%dma_wait3A_143, %dma_wait3A_144] : memref<32x513xf32, #tpu.memory_space<vmem>> -> memref<8x128xf32, #tpu.memory_space<vmem>>
    %dma_wait3A_146 = arith.constant 0 : i32
    %dma_wait3A_147 = arith.constant 0 : i32
    %dma_wait3A_148 = tpu.memref_slice %arg5[%dma_wait3A_141, %dma_wait3A_142, %add3A_140, %dma_wait3A_146, %dma_wait3A_147] : memref<26x4x128x8x128xf32, #tpu.memory_space<hbm>> -> memref<1x1x1x8x128xf32, #tpu.memory_space<hbm>>
    %dma_wait3A_149 = tpu.memref_squeeze %dma_wait3A_148 : memref<1x1x1x8x128xf32, #tpu.memory_space<hbm>> -> memref<8x128xf32, #tpu.memory_space<hbm>>
    %dma_wait3A_150 = arith.constant 0 : i32
    %dma_wait3A_151 = arith.constant 0 : i32
    %dma_wait3A_152 = tpu.memref_slice %arg5[%dma_wait3A_141, %dma_wait3A_142, %add3A_140, %dma_wait3A_150, %dma_wait3A_151] : memref<26x4x128x8x128xf32, #tpu.memory_space<hbm>> -> memref<1x1x1x8x128xf32, #tpu.memory_space<hbm>>
    %dma_wait3A_153 = tpu.memref_squeeze %dma_wait3A_152 : memref<1x1x1x8x128xf32, #tpu.memory_space<hbm>> -> memref<8x128xf32, #tpu.memory_space<hbm>>
    %dma_wait3A_154 = arith.constant 8 : i32
    %dma_wait3A_155 = arith.constant 0 : i32
    %dma_wait3A_156 = tpu.memref_slice %arg12[%dma_wait3A_154, %dma_wait3A_155] : memref<32x513xf32, #tpu.memory_space<vmem>> -> memref<8x128xf32, #tpu.memory_space<vmem>>
    tpu.wait_dma2 semaphore(%arg16 : memref<!tpu.dma_semaphore, #tpu.memory_space<semaphore_mem>>) src(%dma_wait3A_156 : memref<8x128xf32, #tpu.memory_space<vmem>>) dst(%dma_wait3A_153 : memref<8x128xf32, #tpu.memory_space<hbm>>)
    %mul3A_157 = arith.constant 4 : i32
    %mul3A_158 = arith.muli %add3A, %mul3A_157 : i32
    %add3A_159 = arith.constant 1 : i32
    %add3A_160 = arith.addi %mul3A_158, %add3A_159 : i32
    %dma_wait3A_161 = arith.constant 24 : i32
    %dma_wait3A_162 = arith.constant 1 : i32
    %dma_wait3A_163 = arith.constant 8 : i32
    %dma_wait3A_164 = arith.constant 128 : i32
    %dma_wait3A_165 = tpu.memref_slice %arg12[%dma_wait3A_163, %dma_wait3A_164] : memref<32x513xf32, #tpu.memory_space<vmem>> -> memref<8x128xf32, #tpu.memory_space<vmem>>
    %dma_wait3A_166 = arith.constant 0 : i32
    %dma_wait3A_167 = arith.constant 0 : i32
    %dma_wait3A_168 = tpu.memref_slice %arg5[%dma_wait3A_161, %dma_wait3A_162, %add3A_160, %dma_wait3A_166, %dma_wait3A_167] : memref<26x4x128x8x128xf32, #tpu.memory_space<hbm>> -> memref<1x1x1x8x128xf32, #tpu.memory_space<hbm>>
    %dma_wait3A_169 = tpu.memref_squeeze %dma_wait3A_168 : memref<1x1x1x8x128xf32, #tpu.memory_space<hbm>> -> memref<8x128xf32, #tpu.memory_space<hbm>>
    %dma_wait3A_170 = arith.constant 0 : i32
    %dma_wait3A_171 = arith.constant 0 : i32
    %dma_wait3A_172 = tpu.memref_slice %arg5[%dma_wait3A_161, %dma_wait3A_162, %add3A_160, %dma_wait3A_170, %dma_wait3A_171] : memref<26x4x128x8x128xf32, #tpu.memory_space<hbm>> -> memref<1x1x1x8x128xf32, #tpu.memory_space<hbm>>
    %dma_wait3A_173 = tpu.memref_squeeze %dma_wait3A_172 : memref<1x1x1x8x128xf32, #tpu.memory_space<hbm>> -> memref<8x128xf32, #tpu.memory_space<hbm>>
    %dma_wait3A_174 = arith.constant 8 : i32
    %dma_wait3A_175 = arith.constant 128 : i32
    %dma_wait3A_176 = tpu.memref_slice %arg12[%dma_wait3A_174, %dma_wait3A_175] : memref<32x513xf32, #tpu.memory_space<vmem>> -> memref<8x128xf32, #tpu.memory_space<vmem>>
    tpu.wait_dma2 semaphore(%arg16 : memref<!tpu.dma_semaphore, #tpu.memory_space<semaphore_mem>>) src(%dma_wait3A_176 : memref<8x128xf32, #tpu.memory_space<vmem>>) dst(%dma_wait3A_173 : memref<8x128xf32, #tpu.memory_space<hbm>>)
    %mul3A_177 = arith.constant 4 : i32
    %mul3A_178 = arith.muli %add3A, %mul3A_177 : i32
    %add3A_179 = arith.constant 2 : i32
    %add3A_180 = arith.addi %mul3A_178, %add3A_179 : i32
    %dma_wait3A_181 = arith.constant 24 : i32
    %dma_wait3A_182 = arith.constant 1 : i32
    %dma_wait3A_183 = arith.constant 8 : i32
    %dma_wait3A_184 = arith.constant 256 : i32
    %dma_wait3A_185 = tpu.memref_slice %arg12[%dma_wait3A_183, %dma_wait3A_184] : memref<32x513xf32, #tpu.memory_space<vmem>> -> memref<8x128xf32, #tpu.memory_space<vmem>>
    %dma_wait3A_186 = arith.constant 0 : i32
    %dma_wait3A_187 = arith.constant 0 : i32
    %dma_wait3A_188 = tpu.memref_slice %arg5[%dma_wait3A_181, %dma_wait3A_182, %add3A_180, %dma_wait3A_186, %dma_wait3A_187] : memref<26x4x128x8x128xf32, #tpu.memory_space<hbm>> -> memref<1x1x1x8x128xf32, #tpu.memory_space<hbm>>
    %dma_wait3A_189 = tpu.memref_squeeze %dma_wait3A_188 : memref<1x1x1x8x128xf32, #tpu.memory_space<hbm>> -> memref<8x128xf32, #tpu.memory_space<hbm>>
    %dma_wait3A_190 = arith.constant 0 : i32
    %dma_wait3A_191 = arith.constant 0 : i32
    %dma_wait3A_192 = tpu.memref_slice %arg5[%dma_wait3A_181, %dma_wait3A_182, %add3A_180, %dma_wait3A_190, %dma_wait3A_191] : memref<26x4x128x8x128xf32, #tpu.memory_space<hbm>> -> memref<1x1x1x8x128xf32, #tpu.memory_space<hbm>>
    %dma_wait3A_193 = tpu.memref_squeeze %dma_wait3A_192 : memref<1x1x1x8x128xf32, #tpu.memory_space<hbm>> -> memref<8x128xf32, #tpu.memory_space<hbm>>
    %dma_wait3A_194 = arith.constant 8 : i32
    %dma_wait3A_195 = arith.constant 256 : i32
    %dma_wait3A_196 = tpu.memref_slice %arg12[%dma_wait3A_194, %dma_wait3A_195] : memref<32x513xf32, #tpu.memory_space<vmem>> -> memref<8x128xf32, #tpu.memory_space<vmem>>
    tpu.wait_dma2 semaphore(%arg16 : memref<!tpu.dma_semaphore, #tpu.memory_space<semaphore_mem>>) src(%dma_wait3A_196 : memref<8x128xf32, #tpu.memory_space<vmem>>) dst(%dma_wait3A_193 : memref<8x128xf32, #tpu.memory_space<hbm>>)
    %mul3A_197 = arith.constant 4 : i32
    %mul3A_198 = arith.muli %add3A, %mul3A_197 : i32
    %add3A_199 = arith.constant 3 : i32
    %add3A_200 = arith.addi %mul3A_198, %add3A_199 : i32
    %dma_wait3A_201 = arith.constant 24 : i32
    %dma_wait3A_202 = arith.constant 1 : i32
    %dma_wait3A_203 = arith.constant 8 : i32
    %dma_wait3A_204 = arith.constant 384 : i32
    %dma_wait3A_205 = tpu.memref_slice %arg12[%dma_wait3A_203, %dma_wait3A_204] : memref<32x513xf32, #tpu.memory_space<vmem>> -> memref<8x128xf32, #tpu.memory_space<vmem>>
    %dma_wait3A_206 = arith.constant 0 : i32
    %dma_wait3A_207 = arith.constant 0 : i32
    %dma_wait3A_208 = tpu.memref_slice %arg5[%dma_wait3A_201, %dma_wait3A_202, %add3A_200, %dma_wait3A_206, %dma_wait3A_207] : memref<26x4x128x8x128xf32, #tpu.memory_space<hbm>> -> memref<1x1x1x8x128xf32, #tpu.memory_space<hbm>>
    %dma_wait3A_209 = tpu.memref_squeeze %dma_wait3A_208 : memref<1x1x1x8x128xf32, #tpu.memory_space<hbm>> -> memref<8x128xf32, #tpu.memory_space<hbm>>
    %dma_wait3A_210 = arith.constant 0 : i32
    %dma_wait3A_211 = arith.constant 0 : i32
    %dma_wait3A_212 = tpu.memref_slice %arg5[%dma_wait3A_201, %dma_wait3A_202, %add3A_200, %dma_wait3A_210, %dma_wait3A_211] : memref<26x4x128x8x128xf32, #tpu.memory_space<hbm>> -> memref<1x1x1x8x128xf32, #tpu.memory_space<hbm>>
    %dma_wait3A_213 = tpu.memref_squeeze %dma_wait3A_212 : memref<1x1x1x8x128xf32, #tpu.memory_space<hbm>> -> memref<8x128xf32, #tpu.memory_space<hbm>>
    %dma_wait3A_214 = arith.constant 8 : i32
    %dma_wait3A_215 = arith.constant 384 : i32
    %dma_wait3A_216 = tpu.memref_slice %arg12[%dma_wait3A_214, %dma_wait3A_215] : memref<32x513xf32, #tpu.memory_space<vmem>> -> memref<8x128xf32, #tpu.memory_space<vmem>>
    tpu.wait_dma2 semaphore(%arg16 : memref<!tpu.dma_semaphore, #tpu.memory_space<semaphore_mem>>) src(%dma_wait3A_216 : memref<8x128xf32, #tpu.memory_space<vmem>>) dst(%dma_wait3A_213 : memref<8x128xf32, #tpu.memory_space<hbm>>)
    %mul3A_217 = arith.constant 4 : i32
    %mul3A_218 = arith.muli %add3A, %mul3A_217 : i32
    %add3A_219 = arith.constant 0 : i32
    %add3A_220 = arith.addi %mul3A_218, %add3A_219 : i32
    %dma_wait3A_221 = arith.constant 24 : i32
    %dma_wait3A_222 = arith.constant 2 : i32
    %dma_wait3A_223 = arith.constant 16 : i32
    %dma_wait3A_224 = arith.constant 0 : i32
    %dma_wait3A_225 = tpu.memref_slice %arg12[%dma_wait3A_223, %dma_wait3A_224] : memref<32x513xf32, #tpu.memory_space<vmem>> -> memref<8x128xf32, #tpu.memory_space<vmem>>
    %dma_wait3A_226 = arith.constant 0 : i32
    %dma_wait3A_227 = arith.constant 0 : i32
    %dma_wait3A_228 = tpu.memref_slice %arg5[%dma_wait3A_221, %dma_wait3A_222, %add3A_220, %dma_wait3A_226, %dma_wait3A_227] : memref<26x4x128x8x128xf32, #tpu.memory_space<hbm>> -> memref<1x1x1x8x128xf32, #tpu.memory_space<hbm>>
    %dma_wait3A_229 = tpu.memref_squeeze %dma_wait3A_228 : memref<1x1x1x8x128xf32, #tpu.memory_space<hbm>> -> memref<8x128xf32, #tpu.memory_space<hbm>>
    %dma_wait3A_230 = arith.constant 0 : i32
    %dma_wait3A_231 = arith.constant 0 : i32
    %dma_wait3A_232 = tpu.memref_slice %arg5[%dma_wait3A_221, %dma_wait3A_222, %add3A_220, %dma_wait3A_230, %dma_wait3A_231] : memref<26x4x128x8x128xf32, #tpu.memory_space<hbm>> -> memref<1x1x1x8x128xf32, #tpu.memory_space<hbm>>
    %dma_wait3A_233 = tpu.memref_squeeze %dma_wait3A_232 : memref<1x1x1x8x128xf32, #tpu.memory_space<hbm>> -> memref<8x128xf32, #tpu.memory_space<hbm>>
    %dma_wait3A_234 = arith.constant 16 : i32
    %dma_wait3A_235 = arith.constant 0 : i32
    %dma_wait3A_236 = tpu.memref_slice %arg12[%dma_wait3A_234, %dma_wait3A_235] : memref<32x513xf32, #tpu.memory_space<vmem>> -> memref<8x128xf32, #tpu.memory_space<vmem>>
    tpu.wait_dma2 semaphore(%arg16 : memref<!tpu.dma_semaphore, #tpu.memory_space<semaphore_mem>>) src(%dma_wait3A_236 : memref<8x128xf32, #tpu.memory_space<vmem>>) dst(%dma_wait3A_233 : memref<8x128xf32, #tpu.memory_space<hbm>>)
    %mul3A_237 = arith.constant 4 : i32
    %mul3A_238 = arith.muli %add3A, %mul3A_237 : i32
    %add3A_239 = arith.constant 1 : i32
    %add3A_240 = arith.addi %mul3A_238, %add3A_239 : i32
    %dma_wait3A_241 = arith.constant 24 : i32
    %dma_wait3A_242 = arith.constant 2 : i32
    %dma_wait3A_243 = arith.constant 16 : i32
    %dma_wait3A_244 = arith.constant 128 : i32
    %dma_wait3A_245 = tpu.memref_slice %arg12[%dma_wait3A_243, %dma_wait3A_244] : memref<32x513xf32, #tpu.memory_space<vmem>> -> memref<8x128xf32, #tpu.memory_space<vmem>>
    %dma_wait3A_246 = arith.constant 0 : i32
    %dma_wait3A_247 = arith.constant 0 : i32
    %dma_wait3A_248 = tpu.memref_slice %arg5[%dma_wait3A_241, %dma_wait3A_242, %add3A_240, %dma_wait3A_246, %dma_wait3A_247] : memref<26x4x128x8x128xf32, #tpu.memory_space<hbm>> -> memref<1x1x1x8x128xf32, #tpu.memory_space<hbm>>
    %dma_wait3A_249 = tpu.memref_squeeze %dma_wait3A_248 : memref<1x1x1x8x128xf32, #tpu.memory_space<hbm>> -> memref<8x128xf32, #tpu.memory_space<hbm>>
    %dma_wait3A_250 = arith.constant 0 : i32
    %dma_wait3A_251 = arith.constant 0 : i32
    %dma_wait3A_252 = tpu.memref_slice %arg5[%dma_wait3A_241, %dma_wait3A_242, %add3A_240, %dma_wait3A_250, %dma_wait3A_251] : memref<26x4x128x8x128xf32, #tpu.memory_space<hbm>> -> memref<1x1x1x8x128xf32, #tpu.memory_space<hbm>>
    %dma_wait3A_253 = tpu.memref_squeeze %dma_wait3A_252 : memref<1x1x1x8x128xf32, #tpu.memory_space<hbm>> -> memref<8x128xf32, #tpu.memory_space<hbm>>
    %dma_wait3A_254 = arith.constant 16 : i32
    %dma_wait3A_255 = arith.constant 128 : i32
    %dma_wait3A_256 = tpu.memref_slice %arg12[%dma_wait3A_254, %dma_wait3A_255] : memref<32x513xf32, #tpu.memory_space<vmem>> -> memref<8x128xf32, #tpu.memory_space<vmem>>
    tpu.wait_dma2 semaphore(%arg16 : memref<!tpu.dma_semaphore, #tpu.memory_space<semaphore_mem>>) src(%dma_wait3A_256 : memref<8x128xf32, #tpu.memory_space<vmem>>) dst(%dma_wait3A_253 : memref<8x128xf32, #tpu.memory_space<hbm>>)
    %mul3A_257 = arith.constant 4 : i32
    %mul3A_258 = arith.muli %add3A, %mul3A_257 : i32
    %add3A_259 = arith.constant 2 : i32
    %add3A_260 = arith.addi %mul3A_258, %add3A_259 : i32
    %dma_wait3A_261 = arith.constant 24 : i32
    %dma_wait3A_262 = arith.constant 2 : i32
    %dma_wait3A_263 = arith.constant 16 : i32
    %dma_wait3A_264 = arith.constant 256 : i32
    %dma_wait3A_265 = tpu.memref_slice %arg12[%dma_wait3A_263, %dma_wait3A_264] : memref<32x513xf32, #tpu.memory_space<vmem>> -> memref<8x128xf32, #tpu.memory_space<vmem>>
    %dma_wait3A_266 = arith.constant 0 : i32
    %dma_wait3A_267 = arith.constant 0 : i32
    %dma_wait3A_268 = tpu.memref_slice %arg5[%dma_wait3A_261, %dma_wait3A_262, %add3A_260, %dma_wait3A_266, %dma_wait3A_267] : memref<26x4x128x8x128xf32, #tpu.memory_space<hbm>> -> memref<1x1x1x8x128xf32, #tpu.memory_space<hbm>>
    %dma_wait3A_269 = tpu.memref_squeeze %dma_wait3A_268 : memref<1x1x1x8x128xf32, #tpu.memory_space<hbm>> -> memref<8x128xf32, #tpu.memory_space<hbm>>
    %dma_wait3A_270 = arith.constant 0 : i32
    %dma_wait3A_271 = arith.constant 0 : i32
    %dma_wait3A_272 = tpu.memref_slice %arg5[%dma_wait3A_261, %dma_wait3A_262, %add3A_260, %dma_wait3A_270, %dma_wait3A_271] : memref<26x4x128x8x128xf32, #tpu.memory_space<hbm>> -> memref<1x1x1x8x128xf32, #tpu.memory_space<hbm>>
    %dma_wait3A_273 = tpu.memref_squeeze %dma_wait3A_272 : memref<1x1x1x8x128xf32, #tpu.memory_space<hbm>> -> memref<8x128xf32, #tpu.memory_space<hbm>>
    %dma_wait3A_274 = arith.constant 16 : i32
    %dma_wait3A_275 = arith.constant 256 : i32
    %dma_wait3A_276 = tpu.memref_slice %arg12[%dma_wait3A_274, %dma_wait3A_275] : memref<32x513xf32, #tpu.memory_space<vmem>> -> memref<8x128xf32, #tpu.memory_space<vmem>>
    tpu.wait_dma2 semaphore(%arg16 : memref<!tpu.dma_semaphore, #tpu.memory_space<semaphore_mem>>) src(%dma_wait3A_276 : memref<8x128xf32, #tpu.memory_space<vmem>>) dst(%dma_wait3A_273 : memref<8x128xf32, #tpu.memory_space<hbm>>)
    %mul3A_277 = arith.constant 4 : i32
    %mul3A_278 = arith.muli %add3A, %mul3A_277 : i32
    %add3A_279 = arith.constant 3 : i32
    %add3A_280 = arith.addi %mul3A_278, %add3A_279 : i32
    %dma_wait3A_281 = arith.constant 24 : i32
    %dma_wait3A_282 = arith.constant 2 : i32
    %dma_wait3A_283 = arith.constant 16 : i32
    %dma_wait3A_284 = arith.constant 384 : i32
    %dma_wait3A_285 = tpu.memref_slice %arg12[%dma_wait3A_283, %dma_wait3A_284] : memref<32x513xf32, #tpu.memory_space<vmem>> -> memref<8x128xf32, #tpu.memory_space<vmem>>
    %dma_wait3A_286 = arith.constant 0 : i32
    %dma_wait3A_287 = arith.constant 0 : i32
    %dma_wait3A_288 = tpu.memref_slice %arg5[%dma_wait3A_281, %dma_wait3A_282, %add3A_280, %dma_wait3A_286, %dma_wait3A_287] : memref<26x4x128x8x128xf32, #tpu.memory_space<hbm>> -> memref<1x1x1x8x128xf32, #tpu.memory_space<hbm>>
    %dma_wait3A_289 = tpu.memref_squeeze %dma_wait3A_288 : memref<1x1x1x8x128xf32, #tpu.memory_space<hbm>> -> memref<8x128xf32, #tpu.memory_space<hbm>>
    %dma_wait3A_290 = arith.constant 0 : i32
    %dma_wait3A_291 = arith.constant 0 : i32
    %dma_wait3A_292 = tpu.memref_slice %arg5[%dma_wait3A_281, %dma_wait3A_282, %add3A_280, %dma_wait3A_290, %dma_wait3A_291] : memref<26x4x128x8x128xf32, #tpu.memory_space<hbm>> -> memref<1x1x1x8x128xf32, #tpu.memory_space<hbm>>
    %dma_wait3A_293 = tpu.memref_squeeze %dma_wait3A_292 : memref<1x1x1x8x128xf32, #tpu.memory_space<hbm>> -> memref<8x128xf32, #tpu.memory_space<hbm>>
    %dma_wait3A_294 = arith.constant 16 : i32
    %dma_wait3A_295 = arith.constant 384 : i32
    %dma_wait3A_296 = tpu.memref_slice %arg12[%dma_wait3A_294, %dma_wait3A_295] : memref<32x513xf32, #tpu.memory_space<vmem>> -> memref<8x128xf32, #tpu.memory_space<vmem>>
    tpu.wait_dma2 semaphore(%arg16 : memref<!tpu.dma_semaphore, #tpu.memory_space<semaphore_mem>>) src(%dma_wait3A_296 : memref<8x128xf32, #tpu.memory_space<vmem>>) dst(%dma_wait3A_293 : memref<8x128xf32, #tpu.memory_space<hbm>>)
    %mul3A_297 = arith.constant 4 : i32
    %mul3A_298 = arith.muli %add3A, %mul3A_297 : i32
    %add3A_299 = arith.constant 0 : i32
    %add3A_300 = arith.addi %mul3A_298, %add3A_299 : i32
    %dma_wait3A_301 = arith.constant 24 : i32
    %dma_wait3A_302 = arith.constant 3 : i32
    %dma_wait3A_303 = arith.constant 24 : i32
    %dma_wait3A_304 = arith.constant 0 : i32
    %dma_wait3A_305 = tpu.memref_slice %arg12[%dma_wait3A_303, %dma_wait3A_304] : memref<32x513xf32, #tpu.memory_space<vmem>> -> memref<8x128xf32, #tpu.memory_space<vmem>>
    %dma_wait3A_306 = arith.constant 0 : i32
    %dma_wait3A_307 = arith.constant 0 : i32
    %dma_wait3A_308 = tpu.memref_slice %arg5[%dma_wait3A_301, %dma_wait3A_302, %add3A_300, %dma_wait3A_306, %dma_wait3A_307] : memref<26x4x128x8x128xf32, #tpu.memory_space<hbm>> -> memref<1x1x1x8x128xf32, #tpu.memory_space<hbm>>
    %dma_wait3A_309 = tpu.memref_squeeze %dma_wait3A_308 : memref<1x1x1x8x128xf32, #tpu.memory_space<hbm>> -> memref<8x128xf32, #tpu.memory_space<hbm>>
    %dma_wait3A_310 = arith.constant 0 : i32
    %dma_wait3A_311 = arith.constant 0 : i32
    %dma_wait3A_312 = tpu.memref_slice %arg5[%dma_wait3A_301, %dma_wait3A_302, %add3A_300, %dma_wait3A_310, %dma_wait3A_311] : memref<26x4x128x8x128xf32, #tpu.memory_space<hbm>> -> memref<1x1x1x8x128xf32, #tpu.memory_space<hbm>>
    %dma_wait3A_313 = tpu.memref_squeeze %dma_wait3A_312 : memref<1x1x1x8x128xf32, #tpu.memory_space<hbm>> -> memref<8x128xf32, #tpu.memory_space<hbm>>
    %dma_wait3A_314 = arith.constant 24 : i32
    %dma_wait3A_315 = arith.constant 0 : i32
    %dma_wait3A_316 = tpu.memref_slice %arg12[%dma_wait3A_314, %dma_wait3A_315] : memref<32x513xf32, #tpu.memory_space<vmem>> -> memref<8x128xf32, #tpu.memory_space<vmem>>
    tpu.wait_dma2 semaphore(%arg16 : memref<!tpu.dma_semaphore, #tpu.memory_space<semaphore_mem>>) src(%dma_wait3A_316 : memref<8x128xf32, #tpu.memory_space<vmem>>) dst(%dma_wait3A_313 : memref<8x128xf32, #tpu.memory_space<hbm>>)
    %mul3A_317 = arith.constant 4 : i32
    %mul3A_318 = arith.muli %add3A, %mul3A_317 : i32
    %add3A_319 = arith.constant 1 : i32
    %add3A_320 = arith.addi %mul3A_318, %add3A_319 : i32
    %dma_wait3A_321 = arith.constant 24 : i32
    %dma_wait3A_322 = arith.constant 3 : i32
    %dma_wait3A_323 = arith.constant 24 : i32
    %dma_wait3A_324 = arith.constant 128 : i32
    %dma_wait3A_325 = tpu.memref_slice %arg12[%dma_wait3A_323, %dma_wait3A_324] : memref<32x513xf32, #tpu.memory_space<vmem>> -> memref<8x128xf32, #tpu.memory_space<vmem>>
    %dma_wait3A_326 = arith.constant 0 : i32
    %dma_wait3A_327 = arith.constant 0 : i32
    %dma_wait3A_328 = tpu.memref_slice %arg5[%dma_wait3A_321, %dma_wait3A_322, %add3A_320, %dma_wait3A_326, %dma_wait3A_327] : memref<26x4x128x8x128xf32, #tpu.memory_space<hbm>> -> memref<1x1x1x8x128xf32, #tpu.memory_space<hbm>>
    %dma_wait3A_329 = tpu.memref_squeeze %dma_wait3A_328 : memref<1x1x1x8x128xf32, #tpu.memory_space<hbm>> -> memref<8x128xf32, #tpu.memory_space<hbm>>
    %dma_wait3A_330 = arith.constant 0 : i32
    %dma_wait3A_331 = arith.constant 0 : i32
    %dma_wait3A_332 = tpu.memref_slice %arg5[%dma_wait3A_321, %dma_wait3A_322, %add3A_320, %dma_wait3A_330, %dma_wait3A_331] : memref<26x4x128x8x128xf32, #tpu.memory_space<hbm>> -> memref<1x1x1x8x128xf32, #tpu.memory_space<hbm>>
    %dma_wait3A_333 = tpu.memref_squeeze %dma_wait3A_332 : memref<1x1x1x8x128xf32, #tpu.memory_space<hbm>> -> memref<8x128xf32, #tpu.memory_space<hbm>>
    %dma_wait3A_334 = arith.constant 24 : i32
    %dma_wait3A_335 = arith.constant 128 : i32
    %dma_wait3A_336 = tpu.memref_slice %arg12[%dma_wait3A_334, %dma_wait3A_335] : memref<32x513xf32, #tpu.memory_space<vmem>> -> memref<8x128xf32, #tpu.memory_space<vmem>>
    tpu.wait_dma2 semaphore(%arg16 : memref<!tpu.dma_semaphore, #tpu.memory_space<semaphore_mem>>) src(%dma_wait3A_336 : memref<8x128xf32, #tpu.memory_space<vmem>>) dst(%dma_wait3A_333 : memref<8x128xf32, #tpu.memory_space<hbm>>)
    %mul3A_337 = arith.constant 4 : i32
    %mul3A_338 = arith.muli %add3A, %mul3A_337 : i32
    %add3A_339 = arith.constant 2 : i32
    %add3A_340 = arith.addi %mul3A_338, %add3A_339 : i32
    %dma_wait3A_341 = arith.constant 24 : i32
    %dma_wait3A_342 = arith.constant 3 : i32
    %dma_wait3A_343 = arith.constant 24 : i32
    %dma_wait3A_344 = arith.constant 256 : i32
    %dma_wait3A_345 = tpu.memref_slice %arg12[%dma_wait3A_343, %dma_wait3A_344] : memref<32x513xf32, #tpu.memory_space<vmem>> -> memref<8x128xf32, #tpu.memory_space<vmem>>
    %dma_wait3A_346 = arith.constant 0 : i32
    %dma_wait3A_347 = arith.constant 0 : i32
    %dma_wait3A_348 = tpu.memref_slice %arg5[%dma_wait3A_341, %dma_wait3A_342, %add3A_340, %dma_wait3A_346, %dma_wait3A_347] : memref<26x4x128x8x128xf32, #tpu.memory_space<hbm>> -> memref<1x1x1x8x128xf32, #tpu.memory_space<hbm>>
    %dma_wait3A_349 = tpu.memref_squeeze %dma_wait3A_348 : memref<1x1x1x8x128xf32, #tpu.memory_space<hbm>> -> memref<8x128xf32, #tpu.memory_space<hbm>>
    %dma_wait3A_350 = arith.constant 0 : i32
    %dma_wait3A_351 = arith.constant 0 : i32
    %dma_wait3A_352 = tpu.memref_slice %arg5[%dma_wait3A_341, %dma_wait3A_342, %add3A_340, %dma_wait3A_350, %dma_wait3A_351] : memref<26x4x128x8x128xf32, #tpu.memory_space<hbm>> -> memref<1x1x1x8x128xf32, #tpu.memory_space<hbm>>
    %dma_wait3A_353 = tpu.memref_squeeze %dma_wait3A_352 : memref<1x1x1x8x128xf32, #tpu.memory_space<hbm>> -> memref<8x128xf32, #tpu.memory_space<hbm>>
    %dma_wait3A_354 = arith.constant 24 : i32
    %dma_wait3A_355 = arith.constant 256 : i32
    %dma_wait3A_356 = tpu.memref_slice %arg12[%dma_wait3A_354, %dma_wait3A_355] : memref<32x513xf32, #tpu.memory_space<vmem>> -> memref<8x128xf32, #tpu.memory_space<vmem>>
    tpu.wait_dma2 semaphore(%arg16 : memref<!tpu.dma_semaphore, #tpu.memory_space<semaphore_mem>>) src(%dma_wait3A_356 : memref<8x128xf32, #tpu.memory_space<vmem>>) dst(%dma_wait3A_353 : memref<8x128xf32, #tpu.memory_space<hbm>>)
    %mul3A_357 = arith.constant 4 : i32
    %mul3A_358 = arith.muli %add3A, %mul3A_357 : i32
    %add3A_359 = arith.constant 3 : i32
    %add3A_360 = arith.addi %mul3A_358, %add3A_359 : i32
    %dma_wait3A_361 = arith.constant 24 : i32
    %dma_wait3A_362 = arith.constant 3 : i32
    %dma_wait3A_363 = arith.constant 24 : i32
    %dma_wait3A_364 = arith.constant 384 : i32
    %dma_wait3A_365 = tpu.memref_slice %arg12[%dma_wait3A_363, %dma_wait3A_364] : memref<32x513xf32, #tpu.memory_space<vmem>> -> memref<8x128xf32, #tpu.memory_space<vmem>>
    %dma_wait3A_366 = arith.constant 0 : i32
    %dma_wait3A_367 = arith.constant 0 : i32
    %dma_wait3A_368 = tpu.memref_slice %arg5[%dma_wait3A_361, %dma_wait3A_362, %add3A_360, %dma_wait3A_366, %dma_wait3A_367] : memref<26x4x128x8x128xf32, #tpu.memory_space<hbm>> -> memref<1x1x1x8x128xf32, #tpu.memory_space<hbm>>
    %dma_wait3A_369 = tpu.memref_squeeze %dma_wait3A_368 : memref<1x1x1x8x128xf32, #tpu.memory_space<hbm>> -> memref<8x128xf32, #tpu.memory_space<hbm>>
    %dma_wait3A_370 = arith.constant 0 : i32
    %dma_wait3A_371 = arith.constant 0 : i32
    %dma_wait3A_372 = tpu.memref_slice %arg5[%dma_wait3A_361, %dma_wait3A_362, %add3A_360, %dma_wait3A_370, %dma_wait3A_371] : memref<26x4x128x8x128xf32, #tpu.memory_space<hbm>> -> memref<1x1x1x8x128xf32, #tpu.memory_space<hbm>>
    %dma_wait3A_373 = tpu.memref_squeeze %dma_wait3A_372 : memref<1x1x1x8x128xf32, #tpu.memory_space<hbm>> -> memref<8x128xf32, #tpu.memory_space<hbm>>
    %dma_wait3A_374 = arith.constant 24 : i32
    %dma_wait3A_375 = arith.constant 384 : i32
    %dma_wait3A_376 = tpu.memref_slice %arg12[%dma_wait3A_374, %dma_wait3A_375] : memref<32x513xf32, #tpu.memory_space<vmem>> -> memref<8x128xf32, #tpu.memory_space<vmem>>
    tpu.wait_dma2 semaphore(%arg16 : memref<!tpu.dma_semaphore, #tpu.memory_space<semaphore_mem>>) src(%dma_wait3A_376 : memref<8x128xf32, #tpu.memory_space<vmem>>) dst(%dma_wait3A_373 : memref<8x128xf32, #tpu.memory_space<hbm>>)
    %mul3A_377 = arith.constant 4 : i32
    %mul3A_378 = arith.muli %add3A, %mul3A_377 : i32
    %add3A_379 = arith.constant 0 : i32
    %add3A_380 = arith.addi %mul3A_378, %add3A_379 : i32
    %dma_wait3A_381 = arith.constant 25 : i32
    %dma_wait3A_382 = arith.constant 0 : i32
    %dma_wait3A_383 = arith.constant 0 : i32
    %dma_wait3A_384 = arith.constant 0 : i32
    %dma_wait3A_385 = tpu.memref_slice %arg13[%dma_wait3A_383, %dma_wait3A_384] : memref<32x513xf32, #tpu.memory_space<vmem>> -> memref<8x128xf32, #tpu.memory_space<vmem>>
    %dma_wait3A_386 = arith.constant 0 : i32
    %dma_wait3A_387 = arith.constant 0 : i32
    %dma_wait3A_388 = tpu.memref_slice %arg5[%dma_wait3A_381, %dma_wait3A_382, %add3A_380, %dma_wait3A_386, %dma_wait3A_387] : memref<26x4x128x8x128xf32, #tpu.memory_space<hbm>> -> memref<1x1x1x8x128xf32, #tpu.memory_space<hbm>>
    %dma_wait3A_389 = tpu.memref_squeeze %dma_wait3A_388 : memref<1x1x1x8x128xf32, #tpu.memory_space<hbm>> -> memref<8x128xf32, #tpu.memory_space<hbm>>
    %dma_wait3A_390 = arith.constant 0 : i32
    %dma_wait3A_391 = arith.constant 0 : i32
    %dma_wait3A_392 = tpu.memref_slice %arg5[%dma_wait3A_381, %dma_wait3A_382, %add3A_380, %dma_wait3A_390, %dma_wait3A_391] : memref<26x4x128x8x128xf32, #tpu.memory_space<hbm>> -> memref<1x1x1x8x128xf32, #tpu.memory_space<hbm>>
    %dma_wait3A_393 = tpu.memref_squeeze %dma_wait3A_392 : memref<1x1x1x8x128xf32, #tpu.memory_space<hbm>> -> memref<8x128xf32, #tpu.memory_space<hbm>>
    %dma_wait3A_394 = arith.constant 0 : i32
    %dma_wait3A_395 = arith.constant 0 : i32
    %dma_wait3A_396 = tpu.memref_slice %arg13[%dma_wait3A_394, %dma_wait3A_395] : memref<32x513xf32, #tpu.memory_space<vmem>> -> memref<8x128xf32, #tpu.memory_space<vmem>>
    tpu.wait_dma2 semaphore(%arg17 : memref<!tpu.dma_semaphore, #tpu.memory_space<semaphore_mem>>) src(%dma_wait3A_396 : memref<8x128xf32, #tpu.memory_space<vmem>>) dst(%dma_wait3A_393 : memref<8x128xf32, #tpu.memory_space<hbm>>)
    %mul3A_397 = arith.constant 4 : i32
    %mul3A_398 = arith.muli %add3A, %mul3A_397 : i32
    %add3A_399 = arith.constant 1 : i32
    %add3A_400 = arith.addi %mul3A_398, %add3A_399 : i32
    %dma_wait3A_401 = arith.constant 25 : i32
    %dma_wait3A_402 = arith.constant 0 : i32
    %dma_wait3A_403 = arith.constant 0 : i32
    %dma_wait3A_404 = arith.constant 128 : i32
    %dma_wait3A_405 = tpu.memref_slice %arg13[%dma_wait3A_403, %dma_wait3A_404] : memref<32x513xf32, #tpu.memory_space<vmem>> -> memref<8x128xf32, #tpu.memory_space<vmem>>
    %dma_wait3A_406 = arith.constant 0 : i32
    %dma_wait3A_407 = arith.constant 0 : i32
    %dma_wait3A_408 = tpu.memref_slice %arg5[%dma_wait3A_401, %dma_wait3A_402, %add3A_400, %dma_wait3A_406, %dma_wait3A_407] : memref<26x4x128x8x128xf32, #tpu.memory_space<hbm>> -> memref<1x1x1x8x128xf32, #tpu.memory_space<hbm>>
    %dma_wait3A_409 = tpu.memref_squeeze %dma_wait3A_408 : memref<1x1x1x8x128xf32, #tpu.memory_space<hbm>> -> memref<8x128xf32, #tpu.memory_space<hbm>>
    %dma_wait3A_410 = arith.constant 0 : i32
    %dma_wait3A_411 = arith.constant 0 : i32
    %dma_wait3A_412 = tpu.memref_slice %arg5[%dma_wait3A_401, %dma_wait3A_402, %add3A_400, %dma_wait3A_410, %dma_wait3A_411] : memref<26x4x128x8x128xf32, #tpu.memory_space<hbm>> -> memref<1x1x1x8x128xf32, #tpu.memory_space<hbm>>
    %dma_wait3A_413 = tpu.memref_squeeze %dma_wait3A_412 : memref<1x1x1x8x128xf32, #tpu.memory_space<hbm>> -> memref<8x128xf32, #tpu.memory_space<hbm>>
    %dma_wait3A_414 = arith.constant 0 : i32
    %dma_wait3A_415 = arith.constant 128 : i32
    %dma_wait3A_416 = tpu.memref_slice %arg13[%dma_wait3A_414, %dma_wait3A_415] : memref<32x513xf32, #tpu.memory_space<vmem>> -> memref<8x128xf32, #tpu.memory_space<vmem>>
    tpu.wait_dma2 semaphore(%arg17 : memref<!tpu.dma_semaphore, #tpu.memory_space<semaphore_mem>>) src(%dma_wait3A_416 : memref<8x128xf32, #tpu.memory_space<vmem>>) dst(%dma_wait3A_413 : memref<8x128xf32, #tpu.memory_space<hbm>>)
    %mul3A_417 = arith.constant 4 : i32
    %mul3A_418 = arith.muli %add3A, %mul3A_417 : i32
    %add3A_419 = arith.constant 2 : i32
    %add3A_420 = arith.addi %mul3A_418, %add3A_419 : i32
    %dma_wait3A_421 = arith.constant 25 : i32
    %dma_wait3A_422 = arith.constant 0 : i32
    %dma_wait3A_423 = arith.constant 0 : i32
    %dma_wait3A_424 = arith.constant 256 : i32
    %dma_wait3A_425 = tpu.memref_slice %arg13[%dma_wait3A_423, %dma_wait3A_424] : memref<32x513xf32, #tpu.memory_space<vmem>> -> memref<8x128xf32, #tpu.memory_space<vmem>>
    %dma_wait3A_426 = arith.constant 0 : i32
    %dma_wait3A_427 = arith.constant 0 : i32
    %dma_wait3A_428 = tpu.memref_slice %arg5[%dma_wait3A_421, %dma_wait3A_422, %add3A_420, %dma_wait3A_426, %dma_wait3A_427] : memref<26x4x128x8x128xf32, #tpu.memory_space<hbm>> -> memref<1x1x1x8x128xf32, #tpu.memory_space<hbm>>
    %dma_wait3A_429 = tpu.memref_squeeze %dma_wait3A_428 : memref<1x1x1x8x128xf32, #tpu.memory_space<hbm>> -> memref<8x128xf32, #tpu.memory_space<hbm>>
    %dma_wait3A_430 = arith.constant 0 : i32
    %dma_wait3A_431 = arith.constant 0 : i32
    %dma_wait3A_432 = tpu.memref_slice %arg5[%dma_wait3A_421, %dma_wait3A_422, %add3A_420, %dma_wait3A_430, %dma_wait3A_431] : memref<26x4x128x8x128xf32, #tpu.memory_space<hbm>> -> memref<1x1x1x8x128xf32, #tpu.memory_space<hbm>>
    %dma_wait3A_433 = tpu.memref_squeeze %dma_wait3A_432 : memref<1x1x1x8x128xf32, #tpu.memory_space<hbm>> -> memref<8x128xf32, #tpu.memory_space<hbm>>
    %dma_wait3A_434 = arith.constant 0 : i32
    %dma_wait3A_435 = arith.constant 256 : i32
    %dma_wait3A_436 = tpu.memref_slice %arg13[%dma_wait3A_434, %dma_wait3A_435] : memref<32x513xf32, #tpu.memory_space<vmem>> -> memref<8x128xf32, #tpu.memory_space<vmem>>
    tpu.wait_dma2 semaphore(%arg17 : memref<!tpu.dma_semaphore, #tpu.memory_space<semaphore_mem>>) src(%dma_wait3A_436 : memref<8x128xf32, #tpu.memory_space<vmem>>) dst(%dma_wait3A_433 : memref<8x128xf32, #tpu.memory_space<hbm>>)
    %mul3A_437 = arith.constant 4 : i32
    %mul3A_438 = arith.muli %add3A, %mul3A_437 : i32
    %add3A_439 = arith.constant 3 : i32
    %add3A_440 = arith.addi %mul3A_438, %add3A_439 : i32
    %dma_wait3A_441 = arith.constant 25 : i32
    %dma_wait3A_442 = arith.constant 0 : i32
    %dma_wait3A_443 = arith.constant 0 : i32
    %dma_wait3A_444 = arith.constant 384 : i32
    %dma_wait3A_445 = tpu.memref_slice %arg13[%dma_wait3A_443, %dma_wait3A_444] : memref<32x513xf32, #tpu.memory_space<vmem>> -> memref<8x128xf32, #tpu.memory_space<vmem>>
    %dma_wait3A_446 = arith.constant 0 : i32
    %dma_wait3A_447 = arith.constant 0 : i32
    %dma_wait3A_448 = tpu.memref_slice %arg5[%dma_wait3A_441, %dma_wait3A_442, %add3A_440, %dma_wait3A_446, %dma_wait3A_447] : memref<26x4x128x8x128xf32, #tpu.memory_space<hbm>> -> memref<1x1x1x8x128xf32, #tpu.memory_space<hbm>>
    %dma_wait3A_449 = tpu.memref_squeeze %dma_wait3A_448 : memref<1x1x1x8x128xf32, #tpu.memory_space<hbm>> -> memref<8x128xf32, #tpu.memory_space<hbm>>
    %dma_wait3A_450 = arith.constant 0 : i32
    %dma_wait3A_451 = arith.constant 0 : i32
    %dma_wait3A_452 = tpu.memref_slice %arg5[%dma_wait3A_441, %dma_wait3A_442, %add3A_440, %dma_wait3A_450, %dma_wait3A_451] : memref<26x4x128x8x128xf32, #tpu.memory_space<hbm>> -> memref<1x1x1x8x128xf32, #tpu.memory_space<hbm>>
    %dma_wait3A_453 = tpu.memref_squeeze %dma_wait3A_452 : memref<1x1x1x8x128xf32, #tpu.memory_space<hbm>> -> memref<8x128xf32, #tpu.memory_space<hbm>>
    %dma_wait3A_454 = arith.constant 0 : i32
    %dma_wait3A_455 = arith.constant 384 : i32
    %dma_wait3A_456 = tpu.memref_slice %arg13[%dma_wait3A_454, %dma_wait3A_455] : memref<32x513xf32, #tpu.memory_space<vmem>> -> memref<8x128xf32, #tpu.memory_space<vmem>>
    tpu.wait_dma2 semaphore(%arg17 : memref<!tpu.dma_semaphore, #tpu.memory_space<semaphore_mem>>) src(%dma_wait3A_456 : memref<8x128xf32, #tpu.memory_space<vmem>>) dst(%dma_wait3A_453 : memref<8x128xf32, #tpu.memory_space<hbm>>)
    %mul3A_457 = arith.constant 4 : i32
    %mul3A_458 = arith.muli %add3A, %mul3A_457 : i32
    %add3A_459 = arith.constant 0 : i32
    %add3A_460 = arith.addi %mul3A_458, %add3A_459 : i32
    %dma_wait3A_461 = arith.constant 25 : i32
    %dma_wait3A_462 = arith.constant 1 : i32
    %dma_wait3A_463 = arith.constant 8 : i32
    %dma_wait3A_464 = arith.constant 0 : i32
    %dma_wait3A_465 = tpu.memref_slice %arg13[%dma_wait3A_463, %dma_wait3A_464] : memref<32x513xf32, #tpu.memory_space<vmem>> -> memref<8x128xf32, #tpu.memory_space<vmem>>
    %dma_wait3A_466 = arith.constant 0 : i32
    %dma_wait3A_467 = arith.constant 0 : i32
    %dma_wait3A_468 = tpu.memref_slice %arg5[%dma_wait3A_461, %dma_wait3A_462, %add3A_460, %dma_wait3A_466, %dma_wait3A_467] : memref<26x4x128x8x128xf32, #tpu.memory_space<hbm>> -> memref<1x1x1x8x128xf32, #tpu.memory_space<hbm>>
    %dma_wait3A_469 = tpu.memref_squeeze %dma_wait3A_468 : memref<1x1x1x8x128xf32, #tpu.memory_space<hbm>> -> memref<8x128xf32, #tpu.memory_space<hbm>>
    %dma_wait3A_470 = arith.constant 0 : i32
    %dma_wait3A_471 = arith.constant 0 : i32
    %dma_wait3A_472 = tpu.memref_slice %arg5[%dma_wait3A_461, %dma_wait3A_462, %add3A_460, %dma_wait3A_470, %dma_wait3A_471] : memref<26x4x128x8x128xf32, #tpu.memory_space<hbm>> -> memref<1x1x1x8x128xf32, #tpu.memory_space<hbm>>
    %dma_wait3A_473 = tpu.memref_squeeze %dma_wait3A_472 : memref<1x1x1x8x128xf32, #tpu.memory_space<hbm>> -> memref<8x128xf32, #tpu.memory_space<hbm>>
    %dma_wait3A_474 = arith.constant 8 : i32
    %dma_wait3A_475 = arith.constant 0 : i32
    %dma_wait3A_476 = tpu.memref_slice %arg13[%dma_wait3A_474, %dma_wait3A_475] : memref<32x513xf32, #tpu.memory_space<vmem>> -> memref<8x128xf32, #tpu.memory_space<vmem>>
    tpu.wait_dma2 semaphore(%arg17 : memref<!tpu.dma_semaphore, #tpu.memory_space<semaphore_mem>>) src(%dma_wait3A_476 : memref<8x128xf32, #tpu.memory_space<vmem>>) dst(%dma_wait3A_473 : memref<8x128xf32, #tpu.memory_space<hbm>>)
    %mul3A_477 = arith.constant 4 : i32
    %mul3A_478 = arith.muli %add3A, %mul3A_477 : i32
    %add3A_479 = arith.constant 1 : i32
    %add3A_480 = arith.addi %mul3A_478, %add3A_479 : i32
    %dma_wait3A_481 = arith.constant 25 : i32
    %dma_wait3A_482 = arith.constant 1 : i32
    %dma_wait3A_483 = arith.constant 8 : i32
    %dma_wait3A_484 = arith.constant 128 : i32
    %dma_wait3A_485 = tpu.memref_slice %arg13[%dma_wait3A_483, %dma_wait3A_484] : memref<32x513xf32, #tpu.memory_space<vmem>> -> memref<8x128xf32, #tpu.memory_space<vmem>>
    %dma_wait3A_486 = arith.constant 0 : i32
    %dma_wait3A_487 = arith.constant 0 : i32
    %dma_wait3A_488 = tpu.memref_slice %arg5[%dma_wait3A_481, %dma_wait3A_482, %add3A_480, %dma_wait3A_486, %dma_wait3A_487] : memref<26x4x128x8x128xf32, #tpu.memory_space<hbm>> -> memref<1x1x1x8x128xf32, #tpu.memory_space<hbm>>
    %dma_wait3A_489 = tpu.memref_squeeze %dma_wait3A_488 : memref<1x1x1x8x128xf32, #tpu.memory_space<hbm>> -> memref<8x128xf32, #tpu.memory_space<hbm>>
    %dma_wait3A_490 = arith.constant 0 : i32
    %dma_wait3A_491 = arith.constant 0 : i32
    %dma_wait3A_492 = tpu.memref_slice %arg5[%dma_wait3A_481, %dma_wait3A_482, %add3A_480, %dma_wait3A_490, %dma_wait3A_491] : memref<26x4x128x8x128xf32, #tpu.memory_space<hbm>> -> memref<1x1x1x8x128xf32, #tpu.memory_space<hbm>>
    %dma_wait3A_493 = tpu.memref_squeeze %dma_wait3A_492 : memref<1x1x1x8x128xf32, #tpu.memory_space<hbm>> -> memref<8x128xf32, #tpu.memory_space<hbm>>
    %dma_wait3A_494 = arith.constant 8 : i32
    %dma_wait3A_495 = arith.constant 128 : i32
    %dma_wait3A_496 = tpu.memref_slice %arg13[%dma_wait3A_494, %dma_wait3A_495] : memref<32x513xf32, #tpu.memory_space<vmem>> -> memref<8x128xf32, #tpu.memory_space<vmem>>
    tpu.wait_dma2 semaphore(%arg17 : memref<!tpu.dma_semaphore, #tpu.memory_space<semaphore_mem>>) src(%dma_wait3A_496 : memref<8x128xf32, #tpu.memory_space<vmem>>) dst(%dma_wait3A_493 : memref<8x128xf32, #tpu.memory_space<hbm>>)
    %mul3A_497 = arith.constant 4 : i32
    %mul3A_498 = arith.muli %add3A, %mul3A_497 : i32
    %add3A_499 = arith.constant 2 : i32
    %add3A_500 = arith.addi %mul3A_498, %add3A_499 : i32
    %dma_wait3A_501 = arith.constant 25 : i32
    %dma_wait3A_502 = arith.constant 1 : i32
    %dma_wait3A_503 = arith.constant 8 : i32
    %dma_wait3A_504 = arith.constant 256 : i32
    %dma_wait3A_505 = tpu.memref_slice %arg13[%dma_wait3A_503, %dma_wait3A_504] : memref<32x513xf32, #tpu.memory_space<vmem>> -> memref<8x128xf32, #tpu.memory_space<vmem>>
    %dma_wait3A_506 = arith.constant 0 : i32
    %dma_wait3A_507 = arith.constant 0 : i32
    %dma_wait3A_508 = tpu.memref_slice %arg5[%dma_wait3A_501, %dma_wait3A_502, %add3A_500, %dma_wait3A_506, %dma_wait3A_507] : memref<26x4x128x8x128xf32, #tpu.memory_space<hbm>> -> memref<1x1x1x8x128xf32, #tpu.memory_space<hbm>>
    %dma_wait3A_509 = tpu.memref_squeeze %dma_wait3A_508 : memref<1x1x1x8x128xf32, #tpu.memory_space<hbm>> -> memref<8x128xf32, #tpu.memory_space<hbm>>
    %dma_wait3A_510 = arith.constant 0 : i32
    %dma_wait3A_511 = arith.constant 0 : i32
    %dma_wait3A_512 = tpu.memref_slice %arg5[%dma_wait3A_501, %dma_wait3A_502, %add3A_500, %dma_wait3A_510, %dma_wait3A_511] : memref<26x4x128x8x128xf32, #tpu.memory_space<hbm>> -> memref<1x1x1x8x128xf32, #tpu.memory_space<hbm>>
    %dma_wait3A_513 = tpu.memref_squeeze %dma_wait3A_512 : memref<1x1x1x8x128xf32, #tpu.memory_space<hbm>> -> memref<8x128xf32, #tpu.memory_space<hbm>>
    %dma_wait3A_514 = arith.constant 8 : i32
    %dma_wait3A_515 = arith.constant 256 : i32
    %dma_wait3A_516 = tpu.memref_slice %arg13[%dma_wait3A_514, %dma_wait3A_515] : memref<32x513xf32, #tpu.memory_space<vmem>> -> memref<8x128xf32, #tpu.memory_space<vmem>>
    tpu.wait_dma2 semaphore(%arg17 : memref<!tpu.dma_semaphore, #tpu.memory_space<semaphore_mem>>) src(%dma_wait3A_516 : memref<8x128xf32, #tpu.memory_space<vmem>>) dst(%dma_wait3A_513 : memref<8x128xf32, #tpu.memory_space<hbm>>)
    %mul3A_517 = arith.constant 4 : i32
    %mul3A_518 = arith.muli %add3A, %mul3A_517 : i32
    %add3A_519 = arith.constant 3 : i32
    %add3A_520 = arith.addi %mul3A_518, %add3A_519 : i32
    %dma_wait3A_521 = arith.constant 25 : i32
    %dma_wait3A_522 = arith.constant 1 : i32
    %dma_wait3A_523 = arith.constant 8 : i32
    %dma_wait3A_524 = arith.constant 384 : i32
    %dma_wait3A_525 = tpu.memref_slice %arg13[%dma_wait3A_523, %dma_wait3A_524] : memref<32x513xf32, #tpu.memory_space<vmem>> -> memref<8x128xf32, #tpu.memory_space<vmem>>
    %dma_wait3A_526 = arith.constant 0 : i32
    %dma_wait3A_527 = arith.constant 0 : i32
    %dma_wait3A_528 = tpu.memref_slice %arg5[%dma_wait3A_521, %dma_wait3A_522, %add3A_520, %dma_wait3A_526, %dma_wait3A_527] : memref<26x4x128x8x128xf32, #tpu.memory_space<hbm>> -> memref<1x1x1x8x128xf32, #tpu.memory_space<hbm>>
    %dma_wait3A_529 = tpu.memref_squeeze %dma_wait3A_528 : memref<1x1x1x8x128xf32, #tpu.memory_space<hbm>> -> memref<8x128xf32, #tpu.memory_space<hbm>>
    %dma_wait3A_530 = arith.constant 0 : i32
    %dma_wait3A_531 = arith.constant 0 : i32
    %dma_wait3A_532 = tpu.memref_slice %arg5[%dma_wait3A_521, %dma_wait3A_522, %add3A_520, %dma_wait3A_530, %dma_wait3A_531] : memref<26x4x128x8x128xf32, #tpu.memory_space<hbm>> -> memref<1x1x1x8x128xf32, #tpu.memory_space<hbm>>
    %dma_wait3A_533 = tpu.memref_squeeze %dma_wait3A_532 : memref<1x1x1x8x128xf32, #tpu.memory_space<hbm>> -> memref<8x128xf32, #tpu.memory_space<hbm>>
    %dma_wait3A_534 = arith.constant 8 : i32
    %dma_wait3A_535 = arith.constant 384 : i32
    %dma_wait3A_536 = tpu.memref_slice %arg13[%dma_wait3A_534, %dma_wait3A_535] : memref<32x513xf32, #tpu.memory_space<vmem>> -> memref<8x128xf32, #tpu.memory_space<vmem>>
    tpu.wait_dma2 semaphore(%arg17 : memref<!tpu.dma_semaphore, #tpu.memory_space<semaphore_mem>>) src(%dma_wait3A_536 : memref<8x128xf32, #tpu.memory_space<vmem>>) dst(%dma_wait3A_533 : memref<8x128xf32, #tpu.memory_space<hbm>>)
    %mul3A_537 = arith.constant 4 : i32
    %mul3A_538 = arith.muli %add3A, %mul3A_537 : i32
    %add3A_539 = arith.constant 0 : i32
    %add3A_540 = arith.addi %mul3A_538, %add3A_539 : i32
    %dma_wait3A_541 = arith.constant 25 : i32
    %dma_wait3A_542 = arith.constant 2 : i32
    %dma_wait3A_543 = arith.constant 16 : i32
    %dma_wait3A_544 = arith.constant 0 : i32
    %dma_wait3A_545 = tpu.memref_slice %arg13[%dma_wait3A_543, %dma_wait3A_544] : memref<32x513xf32, #tpu.memory_space<vmem>> -> memref<8x128xf32, #tpu.memory_space<vmem>>
    %dma_wait3A_546 = arith.constant 0 : i32
    %dma_wait3A_547 = arith.constant 0 : i32
    %dma_wait3A_548 = tpu.memref_slice %arg5[%dma_wait3A_541, %dma_wait3A_542, %add3A_540, %dma_wait3A_546, %dma_wait3A_547] : memref<26x4x128x8x128xf32, #tpu.memory_space<hbm>> -> memref<1x1x1x8x128xf32, #tpu.memory_space<hbm>>
    %dma_wait3A_549 = tpu.memref_squeeze %dma_wait3A_548 : memref<1x1x1x8x128xf32, #tpu.memory_space<hbm>> -> memref<8x128xf32, #tpu.memory_space<hbm>>
    %dma_wait3A_550 = arith.constant 0 : i32
    %dma_wait3A_551 = arith.constant 0 : i32
    %dma_wait3A_552 = tpu.memref_slice %arg5[%dma_wait3A_541, %dma_wait3A_542, %add3A_540, %dma_wait3A_550, %dma_wait3A_551] : memref<26x4x128x8x128xf32, #tpu.memory_space<hbm>> -> memref<1x1x1x8x128xf32, #tpu.memory_space<hbm>>
    %dma_wait3A_553 = tpu.memref_squeeze %dma_wait3A_552 : memref<1x1x1x8x128xf32, #tpu.memory_space<hbm>> -> memref<8x128xf32, #tpu.memory_space<hbm>>
    %dma_wait3A_554 = arith.constant 16 : i32
    %dma_wait3A_555 = arith.constant 0 : i32
    %dma_wait3A_556 = tpu.memref_slice %arg13[%dma_wait3A_554, %dma_wait3A_555] : memref<32x513xf32, #tpu.memory_space<vmem>> -> memref<8x128xf32, #tpu.memory_space<vmem>>
    tpu.wait_dma2 semaphore(%arg17 : memref<!tpu.dma_semaphore, #tpu.memory_space<semaphore_mem>>) src(%dma_wait3A_556 : memref<8x128xf32, #tpu.memory_space<vmem>>) dst(%dma_wait3A_553 : memref<8x128xf32, #tpu.memory_space<hbm>>)
    %mul3A_557 = arith.constant 4 : i32
    %mul3A_558 = arith.muli %add3A, %mul3A_557 : i32
    %add3A_559 = arith.constant 1 : i32
    %add3A_560 = arith.addi %mul3A_558, %add3A_559 : i32
    %dma_wait3A_561 = arith.constant 25 : i32
    %dma_wait3A_562 = arith.constant 2 : i32
    %dma_wait3A_563 = arith.constant 16 : i32
    %dma_wait3A_564 = arith.constant 128 : i32
    %dma_wait3A_565 = tpu.memref_slice %arg13[%dma_wait3A_563, %dma_wait3A_564] : memref<32x513xf32, #tpu.memory_space<vmem>> -> memref<8x128xf32, #tpu.memory_space<vmem>>
    %dma_wait3A_566 = arith.constant 0 : i32
    %dma_wait3A_567 = arith.constant 0 : i32
    %dma_wait3A_568 = tpu.memref_slice %arg5[%dma_wait3A_561, %dma_wait3A_562, %add3A_560, %dma_wait3A_566, %dma_wait3A_567] : memref<26x4x128x8x128xf32, #tpu.memory_space<hbm>> -> memref<1x1x1x8x128xf32, #tpu.memory_space<hbm>>
    %dma_wait3A_569 = tpu.memref_squeeze %dma_wait3A_568 : memref<1x1x1x8x128xf32, #tpu.memory_space<hbm>> -> memref<8x128xf32, #tpu.memory_space<hbm>>
    %dma_wait3A_570 = arith.constant 0 : i32
    %dma_wait3A_571 = arith.constant 0 : i32
    %dma_wait3A_572 = tpu.memref_slice %arg5[%dma_wait3A_561, %dma_wait3A_562, %add3A_560, %dma_wait3A_570, %dma_wait3A_571] : memref<26x4x128x8x128xf32, #tpu.memory_space<hbm>> -> memref<1x1x1x8x128xf32, #tpu.memory_space<hbm>>
    %dma_wait3A_573 = tpu.memref_squeeze %dma_wait3A_572 : memref<1x1x1x8x128xf32, #tpu.memory_space<hbm>> -> memref<8x128xf32, #tpu.memory_space<hbm>>
    %dma_wait3A_574 = arith.constant 16 : i32
    %dma_wait3A_575 = arith.constant 128 : i32
    %dma_wait3A_576 = tpu.memref_slice %arg13[%dma_wait3A_574, %dma_wait3A_575] : memref<32x513xf32, #tpu.memory_space<vmem>> -> memref<8x128xf32, #tpu.memory_space<vmem>>
    tpu.wait_dma2 semaphore(%arg17 : memref<!tpu.dma_semaphore, #tpu.memory_space<semaphore_mem>>) src(%dma_wait3A_576 : memref<8x128xf32, #tpu.memory_space<vmem>>) dst(%dma_wait3A_573 : memref<8x128xf32, #tpu.memory_space<hbm>>)
    %mul3A_577 = arith.constant 4 : i32
    %mul3A_578 = arith.muli %add3A, %mul3A_577 : i32
    %add3A_579 = arith.constant 2 : i32
    %add3A_580 = arith.addi %mul3A_578, %add3A_579 : i32
    %dma_wait3A_581 = arith.constant 25 : i32
    %dma_wait3A_582 = arith.constant 2 : i32
    %dma_wait3A_583 = arith.constant 16 : i32
    %dma_wait3A_584 = arith.constant 256 : i32
    %dma_wait3A_585 = tpu.memref_slice %arg13[%dma_wait3A_583, %dma_wait3A_584] : memref<32x513xf32, #tpu.memory_space<vmem>> -> memref<8x128xf32, #tpu.memory_space<vmem>>
    %dma_wait3A_586 = arith.constant 0 : i32
    %dma_wait3A_587 = arith.constant 0 : i32
    %dma_wait3A_588 = tpu.memref_slice %arg5[%dma_wait3A_581, %dma_wait3A_582, %add3A_580, %dma_wait3A_586, %dma_wait3A_587] : memref<26x4x128x8x128xf32, #tpu.memory_space<hbm>> -> memref<1x1x1x8x128xf32, #tpu.memory_space<hbm>>
    %dma_wait3A_589 = tpu.memref_squeeze %dma_wait3A_588 : memref<1x1x1x8x128xf32, #tpu.memory_space<hbm>> -> memref<8x128xf32, #tpu.memory_space<hbm>>
    %dma_wait3A_590 = arith.constant 0 : i32
    %dma_wait3A_591 = arith.constant 0 : i32
    %dma_wait3A_592 = tpu.memref_slice %arg5[%dma_wait3A_581, %dma_wait3A_582, %add3A_580, %dma_wait3A_590, %dma_wait3A_591] : memref<26x4x128x8x128xf32, #tpu.memory_space<hbm>> -> memref<1x1x1x8x128xf32, #tpu.memory_space<hbm>>
    %dma_wait3A_593 = tpu.memref_squeeze %dma_wait3A_592 : memref<1x1x1x8x128xf32, #tpu.memory_space<hbm>> -> memref<8x128xf32, #tpu.memory_space<hbm>>
    %dma_wait3A_594 = arith.constant 16 : i32
    %dma_wait3A_595 = arith.constant 256 : i32
    %dma_wait3A_596 = tpu.memref_slice %arg13[%dma_wait3A_594, %dma_wait3A_595] : memref<32x513xf32, #tpu.memory_space<vmem>> -> memref<8x128xf32, #tpu.memory_space<vmem>>
    tpu.wait_dma2 semaphore(%arg17 : memref<!tpu.dma_semaphore, #tpu.memory_space<semaphore_mem>>) src(%dma_wait3A_596 : memref<8x128xf32, #tpu.memory_space<vmem>>) dst(%dma_wait3A_593 : memref<8x128xf32, #tpu.memory_space<hbm>>)
    %mul3A_597 = arith.constant 4 : i32
    %mul3A_598 = arith.muli %add3A, %mul3A_597 : i32
    %add3A_599 = arith.constant 3 : i32
    %add3A_600 = arith.addi %mul3A_598, %add3A_599 : i32
    %dma_wait3A_601 = arith.constant 25 : i32
    %dma_wait3A_602 = arith.constant 2 : i32
    %dma_wait3A_603 = arith.constant 16 : i32
    %dma_wait3A_604 = arith.constant 384 : i32
    %dma_wait3A_605 = tpu.memref_slice %arg13[%dma_wait3A_603, %dma_wait3A_604] : memref<32x513xf32, #tpu.memory_space<vmem>> -> memref<8x128xf32, #tpu.memory_space<vmem>>
    %dma_wait3A_606 = arith.constant 0 : i32
    %dma_wait3A_607 = arith.constant 0 : i32
    %dma_wait3A_608 = tpu.memref_slice %arg5[%dma_wait3A_601, %dma_wait3A_602, %add3A_600, %dma_wait3A_606, %dma_wait3A_607] : memref<26x4x128x8x128xf32, #tpu.memory_space<hbm>> -> memref<1x1x1x8x128xf32, #tpu.memory_space<hbm>>
    %dma_wait3A_609 = tpu.memref_squeeze %dma_wait3A_608 : memref<1x1x1x8x128xf32, #tpu.memory_space<hbm>> -> memref<8x128xf32, #tpu.memory_space<hbm>>
    %dma_wait3A_610 = arith.constant 0 : i32
    %dma_wait3A_611 = arith.constant 0 : i32
    %dma_wait3A_612 = tpu.memref_slice %arg5[%dma_wait3A_601, %dma_wait3A_602, %add3A_600, %dma_wait3A_610, %dma_wait3A_611] : memref<26x4x128x8x128xf32, #tpu.memory_space<hbm>> -> memref<1x1x1x8x128xf32, #tpu.memory_space<hbm>>
    %dma_wait3A_613 = tpu.memref_squeeze %dma_wait3A_612 : memref<1x1x1x8x128xf32, #tpu.memory_space<hbm>> -> memref<8x128xf32, #tpu.memory_space<hbm>>
    %dma_wait3A_614 = arith.constant 16 : i32
    %dma_wait3A_615 = arith.constant 384 : i32
    %dma_wait3A_616 = tpu.memref_slice %arg13[%dma_wait3A_614, %dma_wait3A_615] : memref<32x513xf32, #tpu.memory_space<vmem>> -> memref<8x128xf32, #tpu.memory_space<vmem>>
    tpu.wait_dma2 semaphore(%arg17 : memref<!tpu.dma_semaphore, #tpu.memory_space<semaphore_mem>>) src(%dma_wait3A_616 : memref<8x128xf32, #tpu.memory_space<vmem>>) dst(%dma_wait3A_613 : memref<8x128xf32, #tpu.memory_space<hbm>>)
    %mul3A_617 = arith.constant 4 : i32
    %mul3A_618 = arith.muli %add3A, %mul3A_617 : i32
    %add3A_619 = arith.constant 0 : i32
    %add3A_620 = arith.addi %mul3A_618, %add3A_619 : i32
    %dma_wait3A_621 = arith.constant 25 : i32
    %dma_wait3A_622 = arith.constant 3 : i32
    %dma_wait3A_623 = arith.constant 24 : i32
    %dma_wait3A_624 = arith.constant 0 : i32
    %dma_wait3A_625 = tpu.memref_slice %arg13[%dma_wait3A_623, %dma_wait3A_624] : memref<32x513xf32, #tpu.memory_space<vmem>> -> memref<8x128xf32, #tpu.memory_space<vmem>>
    %dma_wait3A_626 = arith.constant 0 : i32
    %dma_wait3A_627 = arith.constant 0 : i32
    %dma_wait3A_628 = tpu.memref_slice %arg5[%dma_wait3A_621, %dma_wait3A_622, %add3A_620, %dma_wait3A_626, %dma_wait3A_627] : memref<26x4x128x8x128xf32, #tpu.memory_space<hbm>> -> memref<1x1x1x8x128xf32, #tpu.memory_space<hbm>>
    %dma_wait3A_629 = tpu.memref_squeeze %dma_wait3A_628 : memref<1x1x1x8x128xf32, #tpu.memory_space<hbm>> -> memref<8x128xf32, #tpu.memory_space<hbm>>
    %dma_wait3A_630 = arith.constant 0 : i32
    %dma_wait3A_631 = arith.constant 0 : i32
    %dma_wait3A_632 = tpu.memref_slice %arg5[%dma_wait3A_621, %dma_wait3A_622, %add3A_620, %dma_wait3A_630, %dma_wait3A_631] : memref<26x4x128x8x128xf32, #tpu.memory_space<hbm>> -> memref<1x1x1x8x128xf32, #tpu.memory_space<hbm>>
    %dma_wait3A_633 = tpu.memref_squeeze %dma_wait3A_632 : memref<1x1x1x8x128xf32, #tpu.memory_space<hbm>> -> memref<8x128xf32, #tpu.memory_space<hbm>>
    %dma_wait3A_634 = arith.constant 24 : i32
    %dma_wait3A_635 = arith.constant 0 : i32
    %dma_wait3A_636 = tpu.memref_slice %arg13[%dma_wait3A_634, %dma_wait3A_635] : memref<32x513xf32, #tpu.memory_space<vmem>> -> memref<8x128xf32, #tpu.memory_space<vmem>>
    tpu.wait_dma2 semaphore(%arg17 : memref<!tpu.dma_semaphore, #tpu.memory_space<semaphore_mem>>) src(%dma_wait3A_636 : memref<8x128xf32, #tpu.memory_space<vmem>>) dst(%dma_wait3A_633 : memref<8x128xf32, #tpu.memory_space<hbm>>)
    %mul3A_637 = arith.constant 4 : i32
    %mul3A_638 = arith.muli %add3A, %mul3A_637 : i32
    %add3A_639 = arith.constant 1 : i32
    %add3A_640 = arith.addi %mul3A_638, %add3A_639 : i32
    %dma_wait3A_641 = arith.constant 25 : i32
    %dma_wait3A_642 = arith.constant 3 : i32
    %dma_wait3A_643 = arith.constant 24 : i32
    %dma_wait3A_644 = arith.constant 128 : i32
    %dma_wait3A_645 = tpu.memref_slice %arg13[%dma_wait3A_643, %dma_wait3A_644] : memref<32x513xf32, #tpu.memory_space<vmem>> -> memref<8x128xf32, #tpu.memory_space<vmem>>
    %dma_wait3A_646 = arith.constant 0 : i32
    %dma_wait3A_647 = arith.constant 0 : i32
    %dma_wait3A_648 = tpu.memref_slice %arg5[%dma_wait3A_641, %dma_wait3A_642, %add3A_640, %dma_wait3A_646, %dma_wait3A_647] : memref<26x4x128x8x128xf32, #tpu.memory_space<hbm>> -> memref<1x1x1x8x128xf32, #tpu.memory_space<hbm>>
    %dma_wait3A_649 = tpu.memref_squeeze %dma_wait3A_648 : memref<1x1x1x8x128xf32, #tpu.memory_space<hbm>> -> memref<8x128xf32, #tpu.memory_space<hbm>>
    %dma_wait3A_650 = arith.constant 0 : i32
    %dma_wait3A_651 = arith.constant 0 : i32
    %dma_wait3A_652 = tpu.memref_slice %arg5[%dma_wait3A_641, %dma_wait3A_642, %add3A_640, %dma_wait3A_650, %dma_wait3A_651] : memref<26x4x128x8x128xf32, #tpu.memory_space<hbm>> -> memref<1x1x1x8x128xf32, #tpu.memory_space<hbm>>
    %dma_wait3A_653 = tpu.memref_squeeze %dma_wait3A_652 : memref<1x1x1x8x128xf32, #tpu.memory_space<hbm>> -> memref<8x128xf32, #tpu.memory_space<hbm>>
    %dma_wait3A_654 = arith.constant 24 : i32
    %dma_wait3A_655 = arith.constant 128 : i32
    %dma_wait3A_656 = tpu.memref_slice %arg13[%dma_wait3A_654, %dma_wait3A_655] : memref<32x513xf32, #tpu.memory_space<vmem>> -> memref<8x128xf32, #tpu.memory_space<vmem>>
    tpu.wait_dma2 semaphore(%arg17 : memref<!tpu.dma_semaphore, #tpu.memory_space<semaphore_mem>>) src(%dma_wait3A_656 : memref<8x128xf32, #tpu.memory_space<vmem>>) dst(%dma_wait3A_653 : memref<8x128xf32, #tpu.memory_space<hbm>>)
    %mul3A_657 = arith.constant 4 : i32
    %mul3A_658 = arith.muli %add3A, %mul3A_657 : i32
    %add3A_659 = arith.constant 2 : i32
    %add3A_660 = arith.addi %mul3A_658, %add3A_659 : i32
    %dma_wait3A_661 = arith.constant 25 : i32
    %dma_wait3A_662 = arith.constant 3 : i32
    %dma_wait3A_663 = arith.constant 24 : i32
    %dma_wait3A_664 = arith.constant 256 : i32
    %dma_wait3A_665 = tpu.memref_slice %arg13[%dma_wait3A_663, %dma_wait3A_664] : memref<32x513xf32, #tpu.memory_space<vmem>> -> memref<8x128xf32, #tpu.memory_space<vmem>>
    %dma_wait3A_666 = arith.constant 0 : i32
    %dma_wait3A_667 = arith.constant 0 : i32
    %dma_wait3A_668 = tpu.memref_slice %arg5[%dma_wait3A_661, %dma_wait3A_662, %add3A_660, %dma_wait3A_666, %dma_wait3A_667] : memref<26x4x128x8x128xf32, #tpu.memory_space<hbm>> -> memref<1x1x1x8x128xf32, #tpu.memory_space<hbm>>
    %dma_wait3A_669 = tpu.memref_squeeze %dma_wait3A_668 : memref<1x1x1x8x128xf32, #tpu.memory_space<hbm>> -> memref<8x128xf32, #tpu.memory_space<hbm>>
    %dma_wait3A_670 = arith.constant 0 : i32
    %dma_wait3A_671 = arith.constant 0 : i32
    %dma_wait3A_672 = tpu.memref_slice %arg5[%dma_wait3A_661, %dma_wait3A_662, %add3A_660, %dma_wait3A_670, %dma_wait3A_671] : memref<26x4x128x8x128xf32, #tpu.memory_space<hbm>> -> memref<1x1x1x8x128xf32, #tpu.memory_space<hbm>>
    %dma_wait3A_673 = tpu.memref_squeeze %dma_wait3A_672 : memref<1x1x1x8x128xf32, #tpu.memory_space<hbm>> -> memref<8x128xf32, #tpu.memory_space<hbm>>
    %dma_wait3A_674 = arith.constant 24 : i32
    %dma_wait3A_675 = arith.constant 256 : i32
    %dma_wait3A_676 = tpu.memref_slice %arg13[%dma_wait3A_674, %dma_wait3A_675] : memref<32x513xf32, #tpu.memory_space<vmem>> -> memref<8x128xf32, #tpu.memory_space<vmem>>
    tpu.wait_dma2 semaphore(%arg17 : memref<!tpu.dma_semaphore, #tpu.memory_space<semaphore_mem>>) src(%dma_wait3A_676 : memref<8x128xf32, #tpu.memory_space<vmem>>) dst(%dma_wait3A_673 : memref<8x128xf32, #tpu.memory_space<hbm>>)
    %mul3A_677 = arith.constant 4 : i32
    %mul3A_678 = arith.muli %add3A, %mul3A_677 : i32
    %add3A_679 = arith.constant 3 : i32
    %add3A_680 = arith.addi %mul3A_678, %add3A_679 : i32
    %dma_wait3A_681 = arith.constant 25 : i32
    %dma_wait3A_682 = arith.constant 3 : i32
    %dma_wait3A_683 = arith.constant 24 : i32
    %dma_wait3A_684 = arith.constant 384 : i32
    %dma_wait3A_685 = tpu.memref_slice %arg13[%dma_wait3A_683, %dma_wait3A_684] : memref<32x513xf32, #tpu.memory_space<vmem>> -> memref<8x128xf32, #tpu.memory_space<vmem>>
    %dma_wait3A_686 = arith.constant 0 : i32
    %dma_wait3A_687 = arith.constant 0 : i32
    %dma_wait3A_688 = tpu.memref_slice %arg5[%dma_wait3A_681, %dma_wait3A_682, %add3A_680, %dma_wait3A_686, %dma_wait3A_687] : memref<26x4x128x8x128xf32, #tpu.memory_space<hbm>> -> memref<1x1x1x8x128xf32, #tpu.memory_space<hbm>>
    %dma_wait3A_689 = tpu.memref_squeeze %dma_wait3A_688 : memref<1x1x1x8x128xf32, #tpu.memory_space<hbm>> -> memref<8x128xf32, #tpu.memory_space<hbm>>
    %dma_wait3A_690 = arith.constant 0 : i32
    %dma_wait3A_691 = arith.constant 0 : i32
    %dma_wait3A_692 = tpu.memref_slice %arg5[%dma_wait3A_681, %dma_wait3A_682, %add3A_680, %dma_wait3A_690, %dma_wait3A_691] : memref<26x4x128x8x128xf32, #tpu.memory_space<hbm>> -> memref<1x1x1x8x128xf32, #tpu.memory_space<hbm>>
    %dma_wait3A_693 = tpu.memref_squeeze %dma_wait3A_692 : memref<1x1x1x8x128xf32, #tpu.memory_space<hbm>> -> memref<8x128xf32, #tpu.memory_space<hbm>>
    %dma_wait3A_694 = arith.constant 24 : i32
    %dma_wait3A_695 = arith.constant 384 : i32
    %dma_wait3A_696 = tpu.memref_slice %arg13[%dma_wait3A_694, %dma_wait3A_695] : memref<32x513xf32, #tpu.memory_space<vmem>> -> memref<8x128xf32, #tpu.memory_space<vmem>>
    tpu.wait_dma2 semaphore(%arg17 : memref<!tpu.dma_semaphore, #tpu.memory_space<semaphore_mem>>) src(%dma_wait3A_696 : memref<8x128xf32, #tpu.memory_space<vmem>>) dst(%dma_wait3A_693 : memref<8x128xf32, #tpu.memory_space<hbm>>)
    return
  }
}

</mosaic_0001>

<sc_bundles>
// kernel: kernel.3.cloned.1.call-start
scs
__scs_entry_jumppad:
0x0: {  	(pc) =	sbr.rel $0x88, $3  }
0x1: {  	(tag) =	ssettag $0x0;
	lr =	simm.s32 $0x1  }
0x2: {  	[smem:$0x3F9E] =	sst lr;
	_ =	strace $0xD0000000  }
0x3: {  	_ = 	snop  }
0x4: {  	_ = 	snop  }
0x5: {  	_ = 	snop  }
0x6: {  	_ = 	snop  }
0x7: {  	_ = 	snop  }
__scs_overlays_trampoline_lowered:
0x8: {  	[smem:$0x3FAD] =	sst s0  }
0x9: {  	[smem:$0x3FAE] =	sst s1  }
0xa: {  	[smem:$0x3FAF] =	sst s2  }
0xb: {  	[smem:$0x3FB0] =	sst s3  }
0xc: {  	[smem:$0x3FB1] =	sst s4  }
0xd: {  	[smem:$0x3FB2] =	sst s5  }
0xe: {  	[smem:$0x3FB3] =	sst s6  }
0xf: {  	[smem:$0x3FB4] =	sst s7  }
0x10: {  	[smem:$0x3FB5] =	sst s8  }
0x11: {  	[smem:$0x3FB6] =	sst s9;
	s0 =	simm.s32 @!p0 $0x0  }
0x12: {  	s1 =	sld [smem:$0x3F9C];
	s0 =	simm.s32 @p0 $0x1  }
0x13: {  	[smem:$0x3FB7] =	sst s0;
	s0 =	simm.s32 @!p1 $0x0  }
0x14: {  	s2 =	sld [smem:$0x3F9B];
	s0 =	simm.s32 @p1 $0x1  }
0x15: {  	[smem:$0x3FB8] =	sst s0;
	s0 =	simm.s32 @!p2 $0x0  }
0x16: {  	s3 =	sld [smem:$0x3FDB];
	s0 =	simm.s32 @p2 $0x1  }
0x17: {  	s4 =	simm.s32 $0x1BF5;
	[smem:$0x3FBA] =	sst s0  }
0x18: {  	s0 =	sld [smem:$0x3F9D];
	_ =	swait.ge [sflag:s4], $0x0  }
0x19: {  	s7 =	sld [smem:$0x3F9E]  }
0x1a: {  	s8 =	sadd.s32 $0xFFFFE003, lr  }
0x1b: {  	s9 =	sadd.s32 $0xFFFFFEF7, lr;
	s5 =	simm.s32 $0xFFFFFFFF;
	p2 =	slt.u32 s8, $0xFFFFF086  }
0x1c: {  	p1 =	slt.u32 s9, $0xF7A;
	s5 =	simm.s32 @!p2 $0x0  }
0x1d: {  	s5 =	simm.s32 @p1 $0x1;
	p0 =	seq.s32 s7, s2  }
0x1e: {  	s7 =	smul.u32 @!p0 $0xF7A, s2;
	p2 =	seq.s32 @!p0 s5, $0x0  }
0x1f: {  	s9 =	smul.u32 $0xF7A, s1;
	s8 =	simm.s32 @!p0 $0x1BF5;
	p2 =	por !p2, p0  }
0x20: {  	[sflag:s8] =	ssyncset.s32 @!p0 $0xFFFFF086;
	s6 =	sadd.s32 @!p0 s3, s7;
	s7 =	simm.s32 @!p0 $0x108  }
0x21: {  	s3 =	sadd.s32 s3, s9;
	s6 =	sadd.s32 @!p0 $0x88, s6;
	s7 =	simm.s32 @p2 $0x1082  }
0x22: {  	[simem:s7], [sflag:s8] =	dma.local @!p0 [hbm:s6], $0xF7A  }
0x23: {  	s9 =	sor.u32 $0xD0000000, s2;
	s6 =	simm.s32 $0x108;
	_ =	swait.ge @!p0 [sflag:s8], $0x0  }
0x24: {  	s3 =	sadd.s32 $0x88, s3;
	s6 =	simm.s32 @!p1 $0x1082;
	[sflag:s4] =	ssyncset.s32 $0xFFFFF086  }
0x25: {  	[simem:s6], [sflag:s4] =	dma.local [hbm:s3], $0xF7A  }
0x26: {  	[smem:$0x3F9E] =	sst s1;
	(tag) =	ssettag s2;
	_ =	strace s9  }
0x27: {  	s1 =	sld [smem:$0x3FAE]  }
0x28: {  	s2 =	sld [smem:$0x3FAF]  }
0x29: {  	s4 =	sld [smem:$0x3FB1]  }
0x2a: {  	p0 =	seq.s32 s5, $0x0;
	s5 =	sld [smem:$0x3FB2]  }
0x2b: {  	s6 =	sld [smem:$0x3FB3]  }
0x2c: {  	s7 =	sld [smem:$0x3FB4]  }
0x2d: {  	s3 =	simm.s32 $0x108;
	s8 =	sld [smem:$0x3FB5]  }
0x2e: {  	s3 =	simm.s32 @!p0 $0x1082;
	s9 =	sld [smem:$0x3FB6]  }
0x2f: {  	lr =	sadd.s32 s0, s3;
	s0 =	sld [smem:$0x3FAD]  }
0x30: {  	s3 =	sld [smem:$0x3FB0]  }
0x31: {  	[smem:$0x3FB9] =	sst s10  }
0x32: {  	s10 =	sld [smem:$0x3FB7];
	_ =	sdelay $0x3  }
0x33: {  	p0 =	seq.s32 s10, $0x1;
	s10 =	sld [smem:$0x3FB9];
	_ =	sdelay $0x3  }
0x34: {  	[smem:$0x3FB9] =	sst s10  }
0x35: {  	s10 =	sld [smem:$0x3FB8];
	_ =	sdelay $0x3  }
0x36: {  	p1 =	seq.s32 s10, $0x1;
	s10 =	sld [smem:$0x3FB9];
	_ =	sdelay $0x3  }
0x37: {  	[smem:$0x3FB9] =	sst s10  }
0x38: {  	s10 =	sld [smem:$0x3FBA]  }
0x39: {  	_ = 	snop;
	(pc) =	sbr.ind lr, $3  }
0x3a: {  	_ = 	snop  }
0x3b: {  	_ = 	snop  }
0x3c: {  	p2 =	seq.s32 s10, $0x1;
	s10 =	sld [smem:$0x3FB9]  }
0x3d: {  	_ =	shalt  }
0x3e: {  	_ =	shalt  }
0x3f: {  	_ =	shalt  }
0x40: {  	_ =	shalt  }
0x41: {  	_ =	shalt  }
0x42: {  	_ =	shalt  }
0x43: {  	_ =	shalt  }
0x44: {  	_ =	shalt  }
0x45: {  	_ =	shalt  }
0x46: {  	_ =	shalt  }
0x47: {  	_ =	shalt  }
0x48: {  	_ =	shalt  }
0x49: {  	_ =	shalt  }
0x4a: {  	_ =	shalt  }
0x4b: {  	_ =	shalt  }
0x4c: {  	_ =	shalt  }
0x4d: {  	_ =	shalt  }
0x4e: {  	_ =	shalt  }
0x4f: {  	_ =	shalt  }
0x50: {  	_ =	shalt  }
0x51: {  	_ =	shalt  }
0x52: {  	_ =	shalt  }
0x53: {  	_ =	shalt  }
0x54: {  	_ =	shalt  }
0x55: {  	_ =	shalt  }
0x56: {  	_ =	shalt  }
0x57: {  	_ =	shalt  }
0x58: {  	_ =	shalt  }
0x59: {  	_ =	shalt  }
0x5a: {  	_ =	shalt  }
0x5b: {  	_ =	shalt  }
0x5c: {  	_ =	shalt  }
0x5d: {  	_ =	shalt  }
0x5e: {  	_ =	shalt  }
0x5f: {  	_ =	shalt  }
0x60: {  	_ =	shalt  }
0x61: {  	_ =	shalt  }
0x62: {  	_ =	shalt  }
0x63: {  	_ =	shalt  }
0x64: {  	_ =	shalt  }
0x65: {  	_ =	shalt  }
0x66: {  	_ =	shalt  }
0x67: {  	_ =	shalt  }
0x68: {  	_ =	shalt  }
0x69: {  	_ =	shalt  }
0x6a: {  	_ =	shalt  }
0x6b: {  	_ =	shalt  }
0x6c: {  	_ =	shalt  }
0x6d: {  	_ =	shalt  }
0x6e: {  	_ =	shalt  }
0x6f: {  	_ =	shalt  }
0x70: {  	_ =	shalt  }
0x71: {  	_ =	shalt  }
0x72: {  	_ =	shalt  }
0x73: {  	_ =	shalt  }
0x74: {  	_ =	shalt  }
0x75: {  	_ =	shalt  }
0x76: {  	_ =	shalt  }
0x77: {  	_ =	shalt  }
0x78: {  	_ =	shalt  }
0x79: {  	_ =	shalt  }
0x7a: {  	_ =	shalt  }
0x7b: {  	_ =	shalt  }
0x7c: {  	_ =	shalt  }
0x7d: {  	_ =	shalt  }
0x7e: {  	_ =	shalt  }
0x7f: {  	_ =	shalt  }
0x80: {  	_ =	shalt  }
0x81: {  	_ =	shalt  }
0x82: {  	_ =	shalt  }
0x83: {  	_ =	shalt  }
0x84: {  	_ =	shalt  }
0x85: {  	_ =	shalt  }
0x86: {  	_ =	shalt  }
0x87: {  	_ =	shalt  }
.Lfunc_end0:
.L_simem_size_0:
called_computation_lowered:
.L_overlay_start_0:
0x88: {  	s2 =	sld [smem:$0x3FD9]  }
0x89: {  	s3 =	sld [smem:$0x3FFE];
	_ =	sdelay $0x1  }
0x8a: {  	s1 =	srdreg.scid  }
0x8b: {  	s0 =	sand.u32 $0x1, s1  }
0x8c: {  	s17 =	sshll.u32 s0, $0xA;
	s2 =	sadd.s32 s3, s2  }
0x8d: {  	s2 =	sadd.s32 s2, s17  }
0x8e: {  	[smem:$0x3FC5] =	sst s2  }
0x8f: {  	_ = 	snop  }
0x90: {  	s2 =	sld [smem:$0x3FD0];
	(tm) =	ssettm $0x1  }
0x91: {  	s18 =	sld [smem:$0x3FFB];
	_ =	sdelay $0x3  }
0x92: {  	_ =	strace s18  }
0x93: {  	s3 =	sld [smem:$0x3FFC];
	_ =	sdelay $0x3  }
0x94: {  	_ =	strace s3  }
0x95: {  	s3 =	sld [smem:$0x3FFD];
	_ =	sdelay $0x3  }
0x96: {  	_ =	strace s3  }
0x97: {  	_ =	strace $0x8FFFFFFF  }
0x98: {  	s19 =	sld [smem:$0x3FDB];
	_ =	sdelay $0x1  }
0x99: {  	s4 =	simm.s32 $_scs_section_size  }
0x9a: {  	s5 =	simm.s32 $_size__tile_overlayer_lowered;
	s6 =	simm.s32 $_tile_overlayer_lowered  }
0x9b: {  	s22 =	simm.s32 $0x1BFF;
	s21 =	sshll.u32 s6, $0x1;
	s3 =	sadd.s32 s4, s19  }
0x9c: {  	s7 =	simm.s32 $0x0;
	s20 =	sshll.u32 s5, $0x1;
	s5 =	sadd.s32 s21, s3  }
0x9d: {  	[timem:s7], [sflag:s22] =	dma.local [hbm:s5], s20  }
0x9e: {  	_ =	swait.ge [sflag:s22], s20  }
0x9f: {  	s4 =	ssub.s32 $0x0, s20;
	[sflag:s22] =	ssyncset.done $0x0  }
0xa0: {  	[sflag:s22] =	ssyncadd.s32 s4;
	_ =	sdelay $0x1  }
0xa1: {  	s23 =	simm.s32 $0x1B8B  }
0xa2: {  	_ =	swait.ge [sflag:s23], $0x1  }
0xa3: {  	[sflag:s23] =	ssyncset.done $0x0  }
0xa4: {  	s25 =	simm.s32 $0x1B8E;
	s24 =	sld [smem:$0x3FFE];
	[sflag:s23] =	ssyncadd.s32 $0xFFFFFFFF  }
0xa5: {  	s26 =	simm.s32 $execute0_lowered;
	[smem:$0x3FD2] =	sst s25  }
0xa6: {  	s5 =	sshll.u32 s26, $0x1;
	_ =	strace $0x80000046;
	[dreg:$0x1] =	wrdreg $0xFFFFFFFF  }
0xa7: {  	s28 =	simm.s32 $_size_execute0_lowered;
	s3 =	sadd.s32 s3, s5;
	[dreg:$0x0] =	wrdreg $0x0  }
0xa8: {  	s5 =	sshll.u32 s28, $0x1;
	[dreg:$0x2] =	wrdreg s3  }
0xa9: {  	[dreg:$0x3] =	wrdreg s5  }
0xaa: {  	[dreg:$0x4] =	wrdreg $0xC0  }
0xab: {  	_ =	task [dreg:s7], $0x5FFFF  }
0xac: {  	[dreg:$0x1] =	wrdreg $0xFFFFFFFF  }
0xad: {  	[dreg:$0x0] =	wrdreg $0x60  }
0xae: {  	[dreg:$0x2] =	wrdreg s24  }
0xaf: {  	[dreg:$0x3] =	wrdreg s2  }
0xb0: {  	[dreg:$0x4] =	wrdreg $0x9  }
0xb1: {  	_ =	task.clear_ibuf [dreg:s7], $0x5FFFF;
	_ =	strace $0x90000046  }
0xb2: {  	s29 =	simm.s32 $0x9;
	_ =	strace $0x80000048  }
0xb3: {  	_ =	swait.ge [sflag:s29], $0x1  }
0xb4: {  	[sflag:s29] =	ssyncadd.s32 $0xFFFFFFFF  }
0xb5: {  	_ =	strace $0x90000048  }
0xb6: {  	_ =	sfence  }
0xb7: {  	s30 =	sld [smem:$0x0];
	_ =	sdelay $0x2  }
0xb8: {  	s31 =	sshll.u32 s1, $0xD;
	s1 =	sshrl.u32 s1, $0x2  }
0xb9: {  	s3 =	sand.u32 $0x4000, s31;
	s1 =	sadd.s32 s1, s30  }
0xba: {  	s0 =	sor.u32 s3, s0;
	s1 =	sshll.u32 s1, $0x11  }
0xbb: {  	s0 =	sor.u32 s1, s0  }
0xbc: {  	s0 =	sadd.s32 $0x8F2B, s0  }
0xbd: {  	[sflag:s0] =	ssyncadd.remote.s32 $0x1  }
0xbe: {  	_ =	sfence.sel $0xFFFF  }
0xbf: {  	[dreg:$0x0] =	wrdreg $0xFFFFFFFF;
	(pc) =	sbr.abs _section_cstart, $3  }
0xc0: {  	[dreg:$0x1] =	wrdreg $0xFFFFFFFF  }
0xc1: {  	_ =	task.clear_ibuf [dreg:s7], $0x2FFFF;
	_ =	strace $0x9FFFFFFF  }
0xc2: {  	(tm) =	ssettm $0x7FFFFFFF  }
0xc3: {  	_ =	shalt  }
tec
execute0_lowered:
.L_overlay_start_1:
0x0: {  	(tag) =	ssettag $0x1  }
0x1: {  	s0 =	rddreg [dreg:$0x0]  }
0x2: {  	s2 =	rddreg [dreg:$0x1]  }
0x3: {  	s1 =	srdreg.scid;
	s4 =	stileid.u32;
	s3 =	simm.s32 $0x0  }
0x4: {  	s17 =	simm.s32 $0x80;
	s15 =	simm.s32 $0x2;
	s18 =	simm.s32 $0x10840  }
0x5: {  	s31 =	simm.s32 $0x142A0;
	s16 =	simm.s32 $0x148B8;
	s14 =	simm.s32 $0x3  }
0x6: {  	s19 =	simm.s32 $0x4;
	s21 =	simm.s32 $0x0;
	s1 =	sand.u32 $0x1, s1  }
0x7: {  	s4 =	sshll.u32 s4, $0x1;
	[smem:$0x7FF] =	sst s3;
	s11 =	sadd.s32 $0x4000, s2  }
0x8: {  	s12 =	sadd.s32 $0x8000, s2;
	s13 =	sadd.s32 $0xC000, s2;
	s5 =	sor.u32 s1, s4  }
0x9: {  	_ =	strace $0x80000047;
	s1 =	ssub.s32 $0x2, s1;
	s6 =	sshll.u32 s5, $0xB  }
0xa: {  	s4 =	sadd.s32 $0xF42C00, s0;
	s28 =	sshrl.u32 s1, $0x1;
	s7 =	sadd.s32 s6, s0  }
0xb: {  	s0 =	sadd.s32 $0x10800, s0;
	s29 =	ssub.s32 s1, s28;
	s6 =	sshll.u32 s5, $0xC  }
0xc: {  	v1 =	vlaneseq.u32;
	s5 =	simm.s32 $0x1;
	s1 =	simm.s32 $0x146B0;
	[dreg:$0x3] =	wrdreg s0  }
0xd: {  	v0 =	vmul.u32 $0x208, v1;
	s30 =	sadd.s32 $0x800, s7;
	s8 =	sor.u32 $0x400, s6;
	s9 =	sor.u32 $0x800, s6  }
0xe: {  	s10 =	sor.u32 $0xC00, s6;
	s0 =	smax.u32 s29, $0x1;
	[dreg:$0x4] =	wrdreg s30  }
0xf: {  	v1 =	vmul.u32 $0x20, v1;
	v2 =	vadd.s32 $0x2080, v0;
	s7 =	simm.s32 $0xC740;
	[dreg:$0x5] =	wrdreg s0;
	s0 =	simm.s32 $0x144A8  }
.LBB2_1:
0x10: {  	[dreg:$0x6] =	wrdreg s21  }
0x11: {  	s20 =	rddreg [dreg:$0x4];
	s28 =	simm.s32 $0x0;
	s29 =	simm.s32 $0x5  }
0x12: {  	[tilespmem:s3], [sflag:$0x5] =	stream.linear.gather [hbm4b:s20+s3], $0x4000, $0x38;
	[tilespmem:$0x14940] =	vst v63  }
0x13: {  	v3 =	vmov s28;
	_ =	swait.ge [sflag:s29], $0x4000  }
0x14: {  	v3 =	vshll.u32 v3, $0x5;
	[sflag:s29] =	ssyncset.done $0x0  }
0x15: {  	s22 =	simm.s32 $0x4000;
	v3 =	vor.u32 v1, v3;
	s30 =	rddreg [dreg:$0x3];
	[sflag:s29] =	ssyncadd.s32 $0xFFFFC000  }
0x16: {  	[tilespmem:s22], [sflag:$0x5] =	stream.linear.gather [hbm4b:s30+s3], $0x340, $0x38;
	[tilespmem:$0x14940] =	vst v63  }
0x17: {  	_ =	swait.ge [sflag:s29], $0x340  }
0x18: {  	s23 =	simm.s32 $0x10;
	[sflag:s29] =	ssyncset.done $0x0  }
0x19: {  	v4 =	vmov s23;
	[sflag:s29] =	ssyncadd.s32 $0xFFFFFCC0  }
0x1a: {  	v4 =	vshll.u32 v4, $0x5;
	v3 =	vld.idx.msk [tilespmem:v3+s3+$0x0], $0xffff  }
0x1b: {  	v4 =	vor.u32 v1, v4;
	_ =	sdelay $0x2  }
0x1c: {  	s24 =	simm.s32 $0x20;
	s20 =	simm.s32 $0x4380  }
0x1d: {  	[tilespmem:s20+$0xFFFFFFC0] =	vst v3;
	v3 =	vmov s24  }
0x1e: {  	v4 =	vld.idx.msk [tilespmem:v4+s3+$0x0], $0xffff;
	v3 =	vshll.u32 v3, $0x5  }
0x1f: {  	v3 =	vor.u32 v1, v3;
	_ =	sdelay $0x2  }
0x20: {  	s25 =	simm.s32 $0x30  }
0x21: {  	[tilespmem:s20+$0xFFFFFFD0] =	vst v4;
	v4 =	vmov s25  }
0x22: {  	v3 =	vld.idx.msk [tilespmem:v3+s3+$0x0], $0xffff;
	v4 =	vshll.u32 v4, $0x5  }
0x23: {  	v4 =	vor.u32 v1, v4;
	_ =	sdelay $0x2  }
0x24: {  	s26 =	simm.s32 $0x40  }
0x25: {  	[tilespmem:s20+$0xFFFFFFE0] =	vst v3;
	v3 =	vmov s26  }
0x26: {  	v4 =	vld.idx.msk [tilespmem:v4+s3+$0x0], $0xffff;
	v3 =	vshll.u32 v3, $0x5  }
0x27: {  	v3 =	vor.u32 v1, v3;
	_ =	sdelay $0x2  }
0x28: {  	s28 =	simm.s32 $0x50  }
0x29: {  	[tilespmem:s20+$0xFFFFFFF0] =	vst v4;
	v4 =	vmov s28  }
0x2a: {  	v3 =	vld.idx.msk [tilespmem:v3+s3+$0x0], $0xffff;
	v4 =	vshll.u32 v4, $0x5  }
0x2b: {  	v4 =	vor.u32 v1, v4;
	_ =	sdelay $0x2  }
0x2c: {  	s29 =	simm.s32 $0x60  }
0x2d: {  	[tilespmem:s20+$0x0] =	vst v3;
	v3 =	vmov s29  }
0x2e: {  	v4 =	vld.idx.msk [tilespmem:v4+s3+$0x0], $0xffff;
	v3 =	vshll.u32 v3, $0x5  }
0x2f: {  	v3 =	vor.u32 v1, v3;
	_ =	sdelay $0x3  }
0x30: {  	s30 =	simm.s32 $0x70;
	[tilespmem:s20+$0x10] =	vst v4  }
0x31: {  	v4 =	vld.idx.msk [tilespmem:v3+s3+$0x0], $0xffff;
	v3 =	vmov s30  }
0x32: {  	v3 =	vshll.u32 v3, $0x5  }
0x33: {  	v3 =	vor.u32 v1, v3;
	_ =	sdelay $0x3  }
0x34: {  	s21 =	simm.s32 $0xF0;
	s23 =	simm.s32 $0x80;
	s22 =	simm.s32 $0x170;
	[tilespmem:s20+$0x20] =	vst v4  }
.LBB2_2:
0x35: {  	p0 =	sne.s32 s22, $0x1F0;
	v4 =	vmov s23;
	v3 =	vld.idx.msk [tilespmem:v3+s3+$0x0], $0xffff  }
0x36: {  	v4 =	vshll.u32 v4, $0x5  }
0x37: {  	v4 =	vor.u32 v1, v4;
	_ =	sdelay $0x3  }
0x38: {  	s23 =	sadd.s32 $0xFFFFFFA0, s21;
	[tilespmem:s20+$0x30] =	vst v3  }
0x39: {  	v3 =	vld.idx.msk [tilespmem:v4+s3+$0x0], $0xffff;
	v4 =	vmov s23  }
0x3a: {  	v4 =	vshll.u32 v4, $0x5  }
0x3b: {  	v4 =	vor.u32 v1, v4;
	_ =	sdelay $0x2  }
0x3c: {  	s20 =	sadd.s32 $0x80, s20  }
0x3d: {  	s23 =	sadd.s32 $0xFFFFFFB0, s21;
	[tilespmem:s20+$0xFFFFFFC0] =	vst v3  }
0x3e: {  	v3 =	vld.idx.msk [tilespmem:v4+s3+$0x0], $0xffff;
	v4 =	vmov s23  }
0x3f: {  	v4 =	vshll.u32 v4, $0x5  }
0x40: {  	v4 =	vor.u32 v1, v4;
	_ =	sdelay $0x3  }
0x41: {  	s23 =	sadd.s32 $0xFFFFFFC0, s21;
	[tilespmem:s20+$0xFFFFFFD0] =	vst v3  }
0x42: {  	v3 =	vld.idx.msk [tilespmem:v4+s3+$0x0], $0xffff;
	v4 =	vmov s23  }
0x43: {  	v4 =	vshll.u32 v4, $0x5  }
0x44: {  	v4 =	vor.u32 v1, v4;
	_ =	sdelay $0x3  }
0x45: {  	s23 =	sadd.s32 $0xFFFFFFD0, s21;
	[tilespmem:s20+$0xFFFFFFE0] =	vst v3  }
0x46: {  	v3 =	vld.idx.msk [tilespmem:v4+s3+$0x0], $0xffff;
	v4 =	vmov s23  }
0x47: {  	v4 =	vshll.u32 v4, $0x5  }
0x48: {  	v4 =	vor.u32 v1, v4;
	_ =	sdelay $0x3  }
0x49: {  	s23 =	sadd.s32 $0xFFFFFFE0, s21;
	[tilespmem:s20+$0xFFFFFFF0] =	vst v3  }
0x4a: {  	v3 =	vld.idx.msk [tilespmem:v4+s3+$0x0], $0xffff;
	v4 =	vmov s23  }
0x4b: {  	v4 =	vshll.u32 v4, $0x5  }
0x4c: {  	v4 =	vor.u32 v1, v4;
	_ =	sdelay $0x3  }
0x4d: {  	s23 =	sadd.s32 $0xFFFFFFF0, s21;
	[tilespmem:s20+$0x0] =	vst v3  }
0x4e: {  	v3 =	vld.idx.msk [tilespmem:v4+s3+$0x0], $0xffff;
	v4 =	vmov s23  }
0x4f: {  	v4 =	vshll.u32 v4, $0x5  }
0x50: {  	v4 =	vor.u32 v1, v4;
	_ =	sdelay $0x3  }
0x51: {  	[tilespmem:s20+$0x10] =	vst v3  }
0x52: {  	v3 =	vmov s21;
	s21 =	smov.u32 s22;
	v4 =	vld.idx.msk [tilespmem:v4+s3+$0x0], $0xffff  }
0x53: {  	v3 =	vshll.u32 v3, $0x5  }
.Ltmp0:
0x54: {  	v3 =	vor.u32 v1, v3;
	(pc) =	sbr.rel @p0 .LBB2_2-.Ltmp0, $2  }
0x55: {  	_ =	sdelay $0x2  }
0x56: {  	s22 =	sadd.s32 $0x80, s22;
	s23 =	sadd.s32 $0xFFFFFF90, s21;
	[tilespmem:s20+$0x20] =	vst v4  }
0x57: {  	_ =	sdelay $0x2  }
0x58: {  	v4 =	vmov s23  }
0x59: {  	v3 =	vld.idx.msk [tilespmem:v3+s3+$0x0], $0xffff;
	v4 =	vshll.u32 v4, $0x5  }
0x5a: {  	v4 =	vor.u32 v1, v4;
	_ =	sdelay $0x2  }
0x5b: {  	s22 =	sadd.s32 $0xFFFFFFA0, s21  }
0x5c: {  	[tilespmem:s20+$0x30] =	vst v3;
	v3 =	vmov s22  }
0x5d: {  	v3 =	vshll.u32 v3, $0x5;
	v4 =	vld.idx.msk [tilespmem:v4+s3+$0x0], $0xffff  }
0x5e: {  	v3 =	vor.u32 v1, v3;
	_ =	sdelay $0x2  }
0x5f: {  	s24 =	sadd.s32 $0x80, s20;
	s25 =	sadd.s32 $0xFFFFFFB0, s21  }
0x60: {  	v61 =	vmov s25;
	[tilespmem:s24+$0xFFFFFFC0] =	vst v4  }
0x61: {  	v4 =	vshll.u32 v61, $0x5;
	v3 =	vld.idx.msk [tilespmem:v3+s3+$0x0], $0xffff  }
0x62: {  	v4 =	vor.u32 v1, v4;
	_ =	sdelay $0x2  }
0x63: {  	s26 =	sadd.s32 $0xFFFFFFC0, s21  }
0x64: {  	[tilespmem:s24+$0xFFFFFFD0] =	vst v3;
	v3 =	vmov s26  }
0x65: {  	v4 =	vld.idx.msk [tilespmem:v4+s3+$0x0], $0xffff;
	v3 =	vshll.u32 v3, $0x5  }
0x66: {  	v3 =	vor.u32 v1, v3;
	_ =	sdelay $0x2  }
0x67: {  	s28 =	sadd.s32 $0xFFFFFFD0, s21  }
0x68: {  	v62 =	vmov s28;
	[tilespmem:s24+$0xFFFFFFE0] =	vst v4  }
0x69: {  	v4 =	vshll.u32 v62, $0x5;
	v3 =	vld.idx.msk [tilespmem:v3+s3+$0x0], $0xffff  }
0x6a: {  	v4 =	vor.u32 v1, v4;
	_ =	sdelay $0x2  }
0x6b: {  	s29 =	sadd.s32 $0xFFFFFFE0, s21  }
0x6c: {  	[tilespmem:s24+$0xFFFFFFF0] =	vst v3;
	v3 =	vmov s29  }
0x6d: {  	v4 =	vld.idx.msk [tilespmem:v4+s3+$0x0], $0xffff;
	v3 =	vshll.u32 v3, $0x5  }
0x6e: {  	v3 =	vor.u32 v1, v3;
	_ =	sdelay $0x2  }
0x6f: {  	s30 =	sadd.s32 $0xFFFFFFF0, s21  }
0x70: {  	v63 =	vmov s30;
	[tilespmem:s24+$0x0] =	vst v4  }
0x71: {  	v4 =	vshll.u32 v63, $0x5;
	v3 =	vld.idx.msk [tilespmem:v3+s3+$0x0], $0xffff  }
0x72: {  	v4 =	vor.u32 v1, v4;
	_ =	sdelay $0x3  }
0x73: {  	[tilespmem:s24+$0x10] =	vst v3;
	v3 =	vmov s21  }
0x74: {  	v4 =	vld.idx.msk [tilespmem:v4+s3+$0x0], $0xffff;
	v3 =	vshll.u32 v3, $0x5  }
0x75: {  	v3 =	vor.u32 v1, v3;
	_ =	sdelay $0x3  }
0x76: {  	[tilespmem:s24+$0x20] =	vst v4  }
0x77: {  	v3 =	vld.idx.msk [tilespmem:v3+s3+$0x0], $0xffff;
	_ =	sdelay $0x4  }
0x78: {  	s23 =	simm.s32 $0x4740;
	s22 =	simm.s32 $0x4340;
	[tilespmem:s24+$0x30] =	vst v3  }
0x79: {  	[tilespmem:s23], [sflag:$0x1] =	stream.indirect.gather [hbm4b:s4+s17], $0x20, s22, s17, $0xb8;
	[tilespmem:$0x14940] =	vst v63  }
0x7a: {  	s25 =	simm.s32 $0x5740;
	s24 =	simm.s32 $0x43C0  }
0x7b: {  	[tilespmem:s25], [sflag:$0x1] =	stream.indirect.gather [hbm4b:s4+s17], $0x20, s24, s17, $0xb8;
	[tilespmem:$0x14940] =	vst v63  }
0x7c: {  	s28 =	simm.s32 $0x6740;
	s26 =	simm.s32 $0x4440  }
0x7d: {  	[tilespmem:s28], [sflag:$0x1] =	stream.indirect.gather [hbm4b:s4+s17], $0x20, s26, s17, $0xb8;
	[tilespmem:$0x14940] =	vst v63  }
0x7e: {  	s30 =	simm.s32 $0x7740;
	s20 =	simm.s32 $0x0;
	s29 =	simm.s32 $0x44C0  }
0x7f: {  	[tilespmem:s30], [sflag:$0x1] =	stream.indirect.gather [hbm4b:s4+s17], $0x20, s29, s17, $0xb8;
	[tilespmem:$0x14940] =	vst v63  }
.LBB2_4:
0x80: {  	p0 =	seq.s32 s20, $0x0  }
0x81: {  	s22 =	simm.s32 @!p0 $0x4  }
0x82: {  	_ =	swait.ge @!p0 [sflag:s22], $0x400  }
0x83: {  	[sflag:s22] =	ssyncset.done @!p0 $0x0  }
0x84: {  	[sflag:s22] =	ssyncadd.s32 @!p0 $0xFFFFFC00  }
0x85: {  	_ =	swait.ge @!p0 [sflag:s22], $0x400  }
0x86: {  	[sflag:s22] =	ssyncset.done @!p0 $0x0  }
0x87: {  	[sflag:s22] =	ssyncadd.s32 @!p0 $0xFFFFFC00  }
0x88: {  	_ =	swait.ge @!p0 [sflag:s22], $0x400  }
0x89: {  	[sflag:s22] =	ssyncset.done @!p0 $0x0  }
0x8a: {  	[sflag:s22] =	ssyncadd.s32 @!p0 $0xFFFFFC00  }
0x8b: {  	_ =	swait.ge @!p0 [sflag:s22], $0x400  }
0x8c: {  	[sflag:s22] =	ssyncset.done @!p0 $0x0  }
0x8d: {  	[sflag:s22] =	ssyncadd.s32 @!p0 $0xFFFFFC00  }
0x8e: {  	_ =	swait.ge @!p0 [sflag:s22], $0x400  }
0x8f: {  	[sflag:s22] =	ssyncset.done @!p0 $0x0  }
0x90: {  	[sflag:s22] =	ssyncadd.s32 @!p0 $0xFFFFFC00  }
0x91: {  	_ =	swait.ge @!p0 [sflag:s22], $0x400  }
0x92: {  	[sflag:s22] =	ssyncset.done @!p0 $0x0  }
0x93: {  	[sflag:s22] =	ssyncadd.s32 @!p0 $0xFFFFFC00  }
0x94: {  	_ =	swait.ge @!p0 [sflag:s22], $0x400  }
0x95: {  	[sflag:s22] =	ssyncset.done @!p0 $0x0  }
0x96: {  	[sflag:s22] =	ssyncadd.s32 @!p0 $0xFFFFFC00  }
0x97: {  	_ =	swait.ge @!p0 [sflag:s22], $0x400  }
0x98: {  	[sflag:s22] =	ssyncset.done @!p0 $0x0  }
0x99: {  	[sflag:s22] =	ssyncadd.s32 @!p0 $0xFFFFFC00  }
0x9a: {  	_ =	swait.ge @!p0 [sflag:s22], $0x400  }
0x9b: {  	[sflag:s22] =	ssyncset.done @!p0 $0x0  }
0x9c: {  	[sflag:s22] =	ssyncadd.s32 @!p0 $0xFFFFFC00  }
0x9d: {  	_ =	swait.ge @!p0 [sflag:s22], $0x400  }
0x9e: {  	[sflag:s22] =	ssyncset.done @!p0 $0x0  }
0x9f: {  	[sflag:s22] =	ssyncadd.s32 @!p0 $0xFFFFFC00  }
0xa0: {  	_ =	swait.ge @!p0 [sflag:s22], $0x400  }
0xa1: {  	[sflag:s22] =	ssyncset.done @!p0 $0x0  }
0xa2: {  	[sflag:s22] =	ssyncadd.s32 @!p0 $0xFFFFFC00  }
0xa3: {  	_ =	swait.ge @!p0 [sflag:s22], $0x400  }
0xa4: {  	[sflag:s22] =	ssyncset.done @!p0 $0x0  }
0xa5: {  	[sflag:s22] =	ssyncadd.s32 @!p0 $0xFFFFFC00  }
0xa6: {  	_ =	swait.ge @!p0 [sflag:s22], $0x400  }
0xa7: {  	[sflag:s22] =	ssyncset.done @!p0 $0x0  }
0xa8: {  	s21 =	sshllo.u32 s20, $0x1;
	[sflag:s22] =	ssyncadd.s32 @!p0 $0xFFFFFC00  }
0xa9: {  	s23 =	simm.s32 $0x0;
	v3 =	vmov s21;
	_ =	swait.ge @!p0 [sflag:s22], $0x400  }
0xaa: {  	v4 =	vmov s23;
	v3 =	vand.u32 $0x1F, v3;
	[sflag:s22] =	ssyncset.done @!p0 $0x0  }
0xab: {  	v4 =	vshll.u32 v4, $0x5;
	v3 =	vbroadcast v3, $0x0;
	[sflag:s22] =	ssyncadd.s32 @!p0 $0xFFFFFC00  }
0xac: {  	v4 =	vor.u32 v1, v4;
	_ =	swait.ge @!p0 [sflag:s22], $0x400  }
0xad: {  	v4 =	vor.u32 v3, v4;
	[sflag:s22] =	ssyncset.done @!p0 $0x0  }
0xae: {  	[sflag:s22] =	ssyncadd.s32 @!p0 $0xFFFFFC00  }
0xaf: {  	s30 =	simm.s32 $0x10;
	_ =	swait.ge @!p0 [sflag:s22], $0x400  }
0xb0: {  	v5 =	vmov s30;
	[sflag:s22] =	ssyncset.done @!p0 $0x0  }
0xb1: {  	v5 =	vshll.u32 v5, $0x5;
	[sflag:s22] =	ssyncadd.s32 @!p0 $0xFFFFFC00  }
0xb2: {  	v5 =	vor.u32 v1, v5;
	v4 =	vld.idx.msk [tilespmem:v4+s3+$0x0], $0xffff  }
0xb3: {  	v5 =	vor.u32 v3, v5;
	_ =	sdelay $0x1  }
0xb4: {  	s24 =	simm.s32 $0x20  }
0xb5: {  	s23 =	simm.s32 $0x4580;
	v6 =	vmov s24  }
0xb6: {  	[tilespmem:s23+$0xFFFFFFC0] =	vst v4;
	v4 =	vshll.u32 v6, $0x5  }
0xb7: {  	v5 =	vld.idx.msk [tilespmem:v5+s3+$0x0], $0xffff;
	v4 =	vor.u32 v1, v4  }
0xb8: {  	v4 =	vor.u32 v3, v4;
	_ =	sdelay $0x1  }
0xb9: {  	s25 =	simm.s32 $0x30  }
0xba: {  	v6 =	vmov s25  }
0xbb: {  	[tilespmem:s23+$0xFFFFFFD0] =	vst v5;
	v5 =	vshll.u32 v6, $0x5  }
0xbc: {  	v4 =	vld.idx.msk [tilespmem:v4+s3+$0x0], $0xffff;
	v5 =	vor.u32 v1, v5  }
0xbd: {  	v5 =	vor.u32 v3, v5;
	_ =	sdelay $0x1  }
0xbe: {  	s26 =	simm.s32 $0x40  }
0xbf: {  	v6 =	vmov s26  }
0xc0: {  	[tilespmem:s23+$0xFFFFFFE0] =	vst v4;
	v4 =	vshll.u32 v6, $0x5  }
0xc1: {  	v5 =	vld.idx.msk [tilespmem:v5+s3+$0x0], $0xffff;
	v4 =	vor.u32 v1, v4  }
0xc2: {  	v4 =	vor.u32 v3, v4;
	_ =	sdelay $0x1  }
0xc3: {  	s28 =	simm.s32 $0x50  }
0xc4: {  	v6 =	vmov s28  }
0xc5: {  	[tilespmem:s23+$0xFFFFFFF0] =	vst v5;
	v5 =	vshll.u32 v6, $0x5  }
0xc6: {  	v4 =	vld.idx.msk [tilespmem:v4+s3+$0x0], $0xffff;
	v5 =	vor.u32 v1, v5  }
0xc7: {  	v5 =	vor.u32 v3, v5;
	_ =	sdelay $0x1  }
0xc8: {  	s29 =	simm.s32 $0x60  }
0xc9: {  	v6 =	vmov s29  }
0xca: {  	[tilespmem:s23+$0x0] =	vst v4;
	v4 =	vshll.u32 v6, $0x5  }
0xcb: {  	v5 =	vld.idx.msk [tilespmem:v5+s3+$0x0], $0xffff;
	v4 =	vor.u32 v1, v4  }
0xcc: {  	v4 =	vor.u32 v3, v4;
	_ =	sdelay $0x1  }
0xcd: {  	s30 =	simm.s32 $0x70  }
0xce: {  	v6 =	vmov s30  }
0xcf: {  	v6 =	vshll.u32 v6, $0x5;
	[tilespmem:s23+$0x10] =	vst v5  }
0xd0: {  	v5 =	vor.u32 v1, v6;
	v4 =	vld.idx.msk [tilespmem:v4+s3+$0x0], $0xffff  }
0xd1: {  	v5 =	vor.u32 v3, v5;
	_ =	sdelay $0x1  }
0xd2: {  	s24 =	simm.s32 $0xF0  }
0xd3: {  	s22 =	sshll.u32 s20, $0x1;
	s25 =	simm.s32 $0x170;
	s26 =	simm.s32 $0x80  }
.LBB2_5:
0xd4: {  	p0 =	sne.s32 s25, $0x1F0;
	v6 =	vmov s26;
	[tilespmem:s23+$0x20] =	vst v4  }
0xd5: {  	v4 =	vshll.u32 v6, $0x5;
	v5 =	vld.idx.msk [tilespmem:v5+s3+$0x0], $0xffff  }
0xd6: {  	v4 =	vor.u32 v1, v4  }
0xd7: {  	v4 =	vor.u32 v3, v4;
	_ =	sdelay $0x2  }
0xd8: {  	s26 =	sadd.s32 $0xFFFFFFA0, s24  }
0xd9: {  	v6 =	vmov s26;
	[tilespmem:s23+$0x30] =	vst v5  }
0xda: {  	v5 =	vshll.u32 v6, $0x5;
	v4 =	vld.idx.msk [tilespmem:v4+s3+$0x0], $0xffff  }
0xdb: {  	v5 =	vor.u32 v1, v5  }
0xdc: {  	v5 =	vor.u32 v3, v5;
	_ =	sdelay $0x2  }
0xdd: {  	s26 =	sadd.s32 $0xFFFFFFB0, s24;
	s23 =	sadd.s32 $0x80, s23  }
0xde: {  	[tilespmem:s23+$0xFFFFFFC0] =	vst v4;
	v4 =	vmov s26  }
0xdf: {  	v5 =	vld.idx.msk [tilespmem:v5+s3+$0x0], $0xffff;
	v4 =	vshll.u32 v4, $0x5  }
0xe0: {  	v4 =	vor.u32 v1, v4  }
0xe1: {  	v4 =	vor.u32 v3, v4;
	_ =	sdelay $0x2  }
0xe2: {  	s26 =	sadd.s32 $0xFFFFFFC0, s24  }
0xe3: {  	[tilespmem:s23+$0xFFFFFFD0] =	vst v5;
	v5 =	vmov s26  }
0xe4: {  	v4 =	vld.idx.msk [tilespmem:v4+s3+$0x0], $0xffff;
	v5 =	vshll.u32 v5, $0x5  }
0xe5: {  	v5 =	vor.u32 v1, v5  }
0xe6: {  	v5 =	vor.u32 v3, v5;
	_ =	sdelay $0x2  }
0xe7: {  	s26 =	sadd.s32 $0xFFFFFFD0, s24  }
0xe8: {  	[tilespmem:s23+$0xFFFFFFE0] =	vst v4;
	v4 =	vmov s26  }
0xe9: {  	v5 =	vld.idx.msk [tilespmem:v5+s3+$0x0], $0xffff;
	v4 =	vshll.u32 v4, $0x5  }
0xea: {  	v4 =	vor.u32 v1, v4  }
0xeb: {  	v4 =	vor.u32 v3, v4;
	_ =	sdelay $0x2  }
0xec: {  	s26 =	sadd.s32 $0xFFFFFFE0, s24  }
0xed: {  	[tilespmem:s23+$0xFFFFFFF0] =	vst v5;
	v5 =	vmov s26  }
0xee: {  	v4 =	vld.idx.msk [tilespmem:v4+s3+$0x0], $0xffff;
	v5 =	vshll.u32 v5, $0x5  }
0xef: {  	v5 =	vor.u32 v1, v5  }
0xf0: {  	v5 =	vor.u32 v3, v5;
	_ =	sdelay $0x2  }
0xf1: {  	s26 =	sadd.s32 $0xFFFFFFF0, s24  }
0xf2: {  	[tilespmem:s23+$0x0] =	vst v4;
	v4 =	vmov s26  }
0xf3: {  	v5 =	vld.idx.msk [tilespmem:v5+s3+$0x0], $0xffff;
	v4 =	vshll.u32 v4, $0x5  }
0xf4: {  	v4 =	vor.u32 v1, v4  }
0xf5: {  	v4 =	vor.u32 v3, v4;
	_ =	sdelay $0x3  }
0xf6: {  	[tilespmem:s23+$0x10] =	vst v5;
	v5 =	vmov s24;
	s24 =	smov.u32 s25  }
0xf7: {  	v4 =	vld.idx.msk [tilespmem:v4+s3+$0x0], $0xffff;
	v5 =	vshll.u32 v5, $0x5  }
.Ltmp1:
0xf8: {  	v5 =	vor.u32 v1, v5;
	(pc) =	sbr.rel @p0 .LBB2_5-.Ltmp1, $2  }
0xf9: {  	v5 =	vor.u32 v3, v5;
	_ =	sdelay $0x2  }
0xfa: {  	s25 =	sadd.s32 $0x80, s25;
	s26 =	sadd.s32 $0xFFFFFF90, s24  }
0xfb: {  	_ =	sdelay $0x1  }
0xfc: {  	v6 =	vmov s26  }
0xfd: {  	[tilespmem:s23+$0x20] =	vst v4;
	v4 =	vshll.u32 v6, $0x5  }
0xfe: {  	v5 =	vld.idx.msk [tilespmem:v5+s3+$0x0], $0xffff;
	v4 =	vor.u32 v1, v4  }
0xff: {  	v4 =	vor.u32 v3, v4;
	_ =	sdelay $0x1  }
0x100: {  	s25 =	sadd.s32 $0xFFFFFFA0, s24  }
0x101: {  	v6 =	vmov s25  }
0x102: {  	[tilespmem:s23+$0x30] =	vst v5;
	v5 =	vshll.u32 v6, $0x5  }
0x103: {  	v5 =	vor.u32 v1, v5;
	v4 =	vld.idx.msk [tilespmem:v4+s3+$0x0], $0xffff  }
0x104: {  	v5 =	vor.u32 v3, v5;
	_ =	sdelay $0x1  }
0x105: {  	s28 =	sadd.s32 $0xFFFFFFB0, s24  }
0x106: {  	s23 =	sadd.s32 $0x80, s23;
	v6 =	vmov s28  }
0x107: {  	[tilespmem:s23+$0xFFFFFFC0] =	vst v4;
	v4 =	vshll.u32 v6, $0x5  }
0x108: {  	v5 =	vld.idx.msk [tilespmem:v5+s3+$0x0], $0xffff;
	v4 =	vor.u32 v1, v4  }
0x109: {  	v4 =	vor.u32 v3, v4;
	_ =	sdelay $0x1  }
0x10a: {  	s29 =	sadd.s32 $0xFFFFFFC0, s24  }
0x10b: {  	v6 =	vmov s29  }
0x10c: {  	[tilespmem:s23+$0xFFFFFFD0] =	vst v5;
	v5 =	vshll.u32 v6, $0x5  }
0x10d: {  	v4 =	vld.idx.msk [tilespmem:v4+s3+$0x0], $0xffff;
	v5 =	vor.u32 v1, v5  }
0x10e: {  	v5 =	vor.u32 v3, v5;
	_ =	sdelay $0x1  }
0x10f: {  	s30 =	sadd.s32 $0xFFFFFFD0, s24  }
0x110: {  	v6 =	vmov s30  }
0x111: {  	[tilespmem:s23+$0xFFFFFFE0] =	vst v4;
	v4 =	vshll.u32 v6, $0x5  }
0x112: {  	v5 =	vld.idx.msk [tilespmem:v5+s3+$0x0], $0xffff;
	v4 =	vor.u32 v1, v4  }
0x113: {  	v4 =	vor.u32 v3, v4;
	_ =	sdelay $0x1  }
0x114: {  	s26 =	sadd.s32 $0xFFFFFFE0, s24  }
0x115: {  	v6 =	vmov s26  }
0x116: {  	[tilespmem:s23+$0xFFFFFFF0] =	vst v5;
	v5 =	vshll.u32 v6, $0x5  }
0x117: {  	v4 =	vld.idx.msk [tilespmem:v4+s3+$0x0], $0xffff;
	v5 =	vor.u32 v1, v5  }
0x118: {  	v5 =	vor.u32 v3, v5;
	_ =	sdelay $0x1  }
0x119: {  	s28 =	sadd.s32 $0xFFFFFFF0, s24  }
0x11a: {  	v6 =	vmov s28  }
0x11b: {  	[tilespmem:s23+$0x0] =	vst v4;
	v4 =	vshll.u32 v6, $0x5  }
0x11c: {  	v5 =	vld.idx.msk [tilespmem:v5+s3+$0x0], $0xffff;
	v4 =	vor.u32 v1, v4  }
0x11d: {  	v4 =	vor.u32 v3, v4;
	_ =	sdelay $0x2  }
0x11e: {  	v6 =	vmov s24  }
0x11f: {  	[tilespmem:s23+$0x10] =	vst v5;
	v5 =	vshll.u32 v6, $0x5  }
0x120: {  	v4 =	vld.idx.msk [tilespmem:v4+s3+$0x0], $0xffff;
	v5 =	vor.u32 v1, v5  }
0x121: {  	v3 =	vor.u32 v3, v5;
	_ =	sdelay $0x3  }
0x122: {  	[tilespmem:s23+$0x20] =	vst v4  }
0x123: {  	v3 =	vld.idx.msk [tilespmem:v3+s3+$0x0], $0xffff;
	_ =	sdelay $0x4  }
0x124: {  	s29 =	simm.s32 $0x4540;
	s30 =	simm.s32 $0x8740;
	[tilespmem:s23+$0x30] =	vst v3  }
0x125: {  	[tilespmem:s30], [sflag:$0x2] =	stream.indirect.gather [hbm4b:s4+s17], $0x20, s29, s17, $0xb8;
	[tilespmem:$0x14940] =	vst v63  }
0x126: {  	s25 =	simm.s32 $0x9740;
	s24 =	simm.s32 $0x45C0  }
0x127: {  	[tilespmem:s25], [sflag:$0x2] =	stream.indirect.gather [hbm4b:s4+s17], $0x20, s24, s17, $0xb8;
	[tilespmem:$0x14940] =	vst v63  }
0x128: {  	s26 =	simm.s32 $0x4640;
	s28 =	simm.s32 $0xA740  }
0x129: {  	[tilespmem:s28], [sflag:$0x2] =	stream.indirect.gather [hbm4b:s4+s17], $0x20, s26, s17, $0xb8;
	[tilespmem:$0x14940] =	vst v63  }
0x12a: {  	s29 =	simm.s32 $0x46C0;
	s30 =	simm.s32 $0xB740  }
0x12b: {  	[tilespmem:s30], [sflag:$0x2] =	stream.indirect.gather [hbm4b:s4+s17], $0x20, s29, s17, $0xb8;
	[tilespmem:$0x14940] =	vst v63  }
0x12c: {  	_ =	swait.ge [sflag:s5], $0x4000  }
0x12d: {  	s25 =	sshll.u32 s20, $0x6;
	[sflag:s5] =	ssyncset.done $0x0  }
0x12e: {  	s23 =	sand.u32 $0x3FFFFFC0, s25;
	[sflag:s5] =	ssyncadd.s32 $0xFFFFC000  }
0x12f: {  	v4 =	vld [tilespmem:s23+$0x4000]  }
0x130: {  	s26 =	simm.s32 $0x0;
	v3 =	vld [tilespmem:s23+$0x4010];
	s23 =	simm.s32 $0x6740  }
0x131: {  	v5 =	vmov s26;
	v6 =	vld [tilespmem:s23+$0xFFFFE000]  }
0x132: {  	v5 =	vand.u32 $0x7C, v5;
	v7 =	vld [tilespmem:s23+$0xFFFFE010]  }
0x133: {  	v8 =	vadd.s32 v0, v5  }
0x134: {  	v5 =	vadd.s32 v2, v5;
	_ =	sdelay $0x1  }
0x135: {  	v6 =	vadd.f32 v6, v4  }
0x136: {  	v7 =	vadd.f32 v7, v3  }
0x137: {  	[tilespmem:v8+s7+$0x0] =	vst.idx.msk $0xffff, v6  }
0x138: {  	s28 =	simm.s32 $0x1;
	[tilespmem:v5+s7+$0x0] =	vst.idx.msk $0xffff, v7  }
0x139: {  	v5 =	vmov s28;
	v6 =	vld [tilespmem:s23+$0xFFFFE020]  }
0x13a: {  	v7 =	vld [tilespmem:s23+$0xFFFFE030];
	v5 =	vand.u32 $0x7D, v5  }
0x13b: {  	v8 =	vadd.s32 v0, v5  }
0x13c: {  	v5 =	vadd.s32 v2, v5;
	_ =	sdelay $0x1  }
0x13d: {  	v6 =	vadd.f32 v6, v4  }
0x13e: {  	v7 =	vadd.f32 v7, v3  }
0x13f: {  	[tilespmem:v8+s7+$0x0] =	vst.idx.msk $0xffff, v6  }
0x140: {  	s29 =	simm.s32 $0x182;
	[tilespmem:v5+s7+$0x0] =	vst.idx.msk $0xffff, v7  }
0x141: {  	v5 =	vmov s29;
	v6 =	vld [tilespmem:s23+$0xFFFFE040]  }
0x142: {  	v7 =	vld [tilespmem:s23+$0xFFFFE050];
	v8 =	vand.u32 $0x7E, v5  }
0x143: {  	v9 =	vadd.s32 v0, v8  }
0x144: {  	v8 =	vadd.s32 v2, v8;
	_ =	sdelay $0x1  }
0x145: {  	v6 =	vadd.f32 v6, v4  }
0x146: {  	v7 =	vadd.f32 v7, v3  }
0x147: {  	[tilespmem:v9+s7+$0x0] =	vst.idx.msk $0xffff, v6  }
0x148: {  	s30 =	simm.s32 $0x3;
	[tilespmem:v8+s7+$0x0] =	vst.idx.msk $0xffff, v7  }
0x149: {  	v6 =	vmov s30;
	v7 =	vld [tilespmem:s23+$0xFFFFE060]  }
0x14a: {  	v6 =	vand.u32 $0x7F, v6;
	v8 =	vld [tilespmem:s23+$0xFFFFE070]  }
0x14b: {  	v52 =	vadd.s32 v0, v6  }
0x14c: {  	v6 =	vadd.s32 v2, v6;
	_ =	sdelay $0x1  }
0x14d: {  	v7 =	vadd.f32 v7, v4  }
0x14e: {  	v8 =	vadd.f32 v8, v3  }
0x14f: {  	[tilespmem:v52+s7+$0x0] =	vst.idx.msk $0xffff, v7  }
0x150: {  	s25 =	simm.s32 $0x80;
	[tilespmem:v6+s7+$0x0] =	vst.idx.msk $0xffff, v8  }
0x151: {  	v6 =	vmov s25;
	v7 =	vld [tilespmem:s23+$0xFFFFF000]  }
0x152: {  	v8 =	vld [tilespmem:s23+$0xFFFFF010];
	v6 =	vand.u32 $0xFC, v6  }
0x153: {  	v53 =	vadd.s32 v0, v6  }
0x154: {  	v6 =	vadd.s32 v2, v6;
	_ =	sdelay $0x1  }
0x155: {  	v7 =	vadd.f32 v7, v4  }
0x156: {  	v8 =	vadd.f32 v8, v3  }
0x157: {  	[tilespmem:v53+s7+$0x0] =	vst.idx.msk $0xffff, v7  }
0x158: {  	s26 =	simm.s32 $0x81;
	[tilespmem:v6+s7+$0x0] =	vst.idx.msk $0xffff, v8  }
0x159: {  	v6 =	vmov s26;
	v7 =	vld [tilespmem:s23+$0xFFFFF020]  }
0x15a: {  	v8 =	vld [tilespmem:s23+$0xFFFFF030];
	v6 =	vand.u32 $0xFD, v6  }
0x15b: {  	v54 =	vadd.s32 v0, v6  }
0x15c: {  	v6 =	vadd.s32 v2, v6;
	_ =	sdelay $0x1  }
0x15d: {  	v7 =	vadd.f32 v7, v4  }
0x15e: {  	v8 =	vadd.f32 v8, v3  }
0x15f: {  	[tilespmem:v54+s7+$0x0] =	vst.idx.msk $0xffff, v7  }
0x160: {  	[tilespmem:v6+s7+$0x0] =	vst.idx.msk $0xffff, v8  }
0x161: {  	v6 =	vld [tilespmem:s23+$0xFFFFF040]  }
0x162: {  	v8 =	vand.u32 $0xFE, v5;
	v7 =	vld [tilespmem:s23+$0xFFFFF050]  }
0x163: {  	v55 =	vadd.s32 v0, v8  }
0x164: {  	v8 =	vadd.s32 v2, v8;
	_ =	sdelay $0x1  }
0x165: {  	v6 =	vadd.f32 v6, v4  }
0x166: {  	v7 =	vadd.f32 v7, v3  }
0x167: {  	[tilespmem:v55+s7+$0x0] =	vst.idx.msk $0xffff, v6  }
0x168: {  	s28 =	simm.s32 $0x83;
	[tilespmem:v8+s7+$0x0] =	vst.idx.msk $0xffff, v7  }
0x169: {  	v6 =	vmov s28;
	v7 =	vld [tilespmem:s23+$0xFFFFF060]  }
0x16a: {  	v6 =	vand.u32 $0xFF, v6;
	v8 =	vld [tilespmem:s23+$0xFFFFF070]  }
0x16b: {  	v56 =	vadd.s32 v0, v6  }
0x16c: {  	v6 =	vadd.s32 v2, v6;
	_ =	sdelay $0x1  }
0x16d: {  	v7 =	vadd.f32 v7, v4  }
0x16e: {  	v8 =	vadd.f32 v8, v3  }
0x16f: {  	[tilespmem:v56+s7+$0x0] =	vst.idx.msk $0xffff, v7  }
0x170: {  	s29 =	simm.s32 $0x100;
	[tilespmem:v6+s7+$0x0] =	vst.idx.msk $0xffff, v8  }
0x171: {  	v6 =	vmov s29;
	v7 =	vld [tilespmem:s23+$0x0]  }
0x172: {  	v8 =	vld [tilespmem:s23+$0x10];
	v6 =	vand.u32 $0x17C, v6  }
0x173: {  	v57 =	vadd.s32 v0, v6  }
0x174: {  	v6 =	vadd.s32 v2, v6;
	_ =	sdelay $0x1  }
0x175: {  	v7 =	vadd.f32 v7, v4  }
0x176: {  	v8 =	vadd.f32 v8, v3  }
0x177: {  	[tilespmem:v57+s7+$0x0] =	vst.idx.msk $0xffff, v7  }
0x178: {  	s30 =	simm.s32 $0x101;
	[tilespmem:v6+s7+$0x0] =	vst.idx.msk $0xffff, v8  }
0x179: {  	v6 =	vmov s30;
	v7 =	vld [tilespmem:s23+$0x20]  }
0x17a: {  	v8 =	vld [tilespmem:s23+$0x30];
	v6 =	vand.u32 $0x17D, v6  }
0x17b: {  	v58 =	vadd.s32 v0, v6  }
0x17c: {  	v6 =	vadd.s32 v2, v6;
	_ =	sdelay $0x1  }
0x17d: {  	v7 =	vadd.f32 v7, v4  }
0x17e: {  	v8 =	vadd.f32 v8, v3  }
0x17f: {  	[tilespmem:v58+s7+$0x0] =	vst.idx.msk $0xffff, v7  }
0x180: {  	s25 =	simm.s32 $0x102;
	[tilespmem:v6+s7+$0x0] =	vst.idx.msk $0xffff, v8  }
0x181: {  	v6 =	vmov s25;
	v7 =	vld [tilespmem:s23+$0x40]  }
0x182: {  	v8 =	vld [tilespmem:s23+$0x50];
	v6 =	vand.u32 $0x17E, v6  }
0x183: {  	v59 =	vadd.s32 v0, v6  }
0x184: {  	v6 =	vadd.s32 v2, v6;
	_ =	sdelay $0x1  }
0x185: {  	v7 =	vadd.f32 v7, v4  }
0x186: {  	v8 =	vadd.f32 v8, v3  }
0x187: {  	[tilespmem:v59+s7+$0x0] =	vst.idx.msk $0xffff, v7  }
0x188: {  	s26 =	simm.s32 $0x103;
	[tilespmem:v6+s7+$0x0] =	vst.idx.msk $0xffff, v8  }
0x189: {  	v6 =	vmov s26;
	v7 =	vld [tilespmem:s23+$0x60]  }
0x18a: {  	v8 =	vld [tilespmem:s23+$0x70];
	v6 =	vand.u32 $0x17F, v6  }
0x18b: {  	v60 =	vadd.s32 v0, v6  }
0x18c: {  	v6 =	vadd.s32 v2, v6;
	_ =	sdelay $0x1  }
0x18d: {  	v7 =	vadd.f32 v7, v4  }
0x18e: {  	v8 =	vadd.f32 v8, v3  }
0x18f: {  	[tilespmem:v60+s7+$0x0] =	vst.idx.msk $0xffff, v7  }
0x190: {  	s28 =	simm.s32 $0x180;
	[tilespmem:v6+s7+$0x0] =	vst.idx.msk $0xffff, v8  }
0x191: {  	v6 =	vmov s28;
	v7 =	vld [tilespmem:s23+$0x1000]  }
0x192: {  	v8 =	vld [tilespmem:s23+$0x1010];
	v6 =	vand.u32 $0x1FC, v6  }
0x193: {  	v61 =	vadd.s32 v0, v6  }
0x194: {  	v6 =	vadd.s32 v2, v6;
	_ =	sdelay $0x1  }
0x195: {  	v7 =	vadd.f32 v7, v4  }
0x196: {  	v8 =	vadd.f32 v8, v3  }
0x197: {  	[tilespmem:v61+s7+$0x0] =	vst.idx.msk $0xffff, v7  }
0x198: {  	s29 =	simm.s32 $0x181;
	[tilespmem:v6+s7+$0x0] =	vst.idx.msk $0xffff, v8  }
0x199: {  	v6 =	vmov s29;
	v7 =	vld [tilespmem:s23+$0x1020]  }
0x19a: {  	v8 =	vld [tilespmem:s23+$0x1030];
	v6 =	vand.u32 $0x1FD, v6  }
0x19b: {  	v62 =	vadd.s32 v0, v6  }
0x19c: {  	v6 =	vadd.s32 v2, v6;
	_ =	sdelay $0x1  }
0x19d: {  	v7 =	vadd.f32 v7, v4  }
0x19e: {  	v8 =	vadd.f32 v8, v3  }
0x19f: {  	[tilespmem:v62+s7+$0x0] =	vst.idx.msk $0xffff, v7  }
0x1a0: {  	[tilespmem:v6+s7+$0x0] =	vst.idx.msk $0xffff, v8  }
0x1a1: {  	v6 =	vld [tilespmem:s23+$0x1040]  }
0x1a2: {  	v5 =	vand.u32 $0x1FE, v5;
	v7 =	vld [tilespmem:s23+$0x1050]  }
0x1a3: {  	v8 =	vadd.s32 v0, v5  }
0x1a4: {  	v5 =	vadd.s32 v2, v5;
	_ =	sdelay $0x1  }
0x1a5: {  	v6 =	vadd.f32 v6, v4  }
0x1a6: {  	v7 =	vadd.f32 v7, v3  }
0x1a7: {  	[tilespmem:v8+s7+$0x0] =	vst.idx.msk $0xffff, v6  }
0x1a8: {  	s30 =	simm.s32 $0x183;
	[tilespmem:v5+s7+$0x0] =	vst.idx.msk $0xffff, v7  }
0x1a9: {  	v5 =	vmov s30;
	v6 =	vld [tilespmem:s23+$0x1060]  }
0x1aa: {  	v5 =	vand.u32 $0x1FF, v5  }
0x1ab: {  	v7 =	vld [tilespmem:s23+$0x1070];
	v8 =	vadd.s32 v0, v5;
	_ =	sdelay $0x1  }
0x1ac: {  	v5 =	vadd.s32 v2, v5  }
0x1ad: {  	v63 =	vadd.f32 v6, v4;
	_ =	sdelay $0x1  }
0x1ae: {  	s24 =	simm.s32 $0x187;
	s25 =	simm.s32 $0x18B;
	v6 =	vadd.f32 v7, v3;
	[tilespmem:v8+s7+$0x0] =	vst.idx.msk $0xffff, v63  }
.LBB2_7:
0x1af: {  	s29 =	sadd.s32 $0xFFFFFE7D, s24  }
0x1b0: {  	[tilespmem:v5+s7+$0x0] =	vst.idx.msk $0xffff, v6;
	s23 =	sadd.s32 $0x80, s23;
	s26 =	smov.u32 s25;
	s28 =	sadd.s32 $0x4, s25  }
0x1b1: {  	p0 =	sne.s32 s25, $0x1FF;
	v5 =	vmov s29;
	v6 =	vld [tilespmem:s23+$0xFFFFE000]  }
0x1b2: {  	v7 =	vld [tilespmem:s23+$0xFFFFE010];
	v5 =	vand.u32 $0x7C, v5  }
0x1b3: {  	v8 =	vadd.s32 v0, v5  }
0x1b4: {  	v5 =	vadd.s32 v2, v5;
	_ =	sdelay $0x1  }
0x1b5: {  	v6 =	vadd.f32 v6, v4  }
0x1b6: {  	v7 =	vadd.f32 v7, v3  }
0x1b7: {  	[tilespmem:v8+s7+$0x0] =	vst.idx.msk $0xffff, v6  }
0x1b8: {  	s25 =	sadd.s32 $0xFFFFFE7E, s24;
	[tilespmem:v5+s7+$0x0] =	vst.idx.msk $0xffff, v7  }
0x1b9: {  	v5 =	vmov s25;
	v6 =	vld [tilespmem:s23+$0xFFFFE020]  }
0x1ba: {  	v5 =	vand.u32 $0x7D, v5;
	v7 =	vld [tilespmem:s23+$0xFFFFE030]  }
0x1bb: {  	v8 =	vadd.s32 v0, v5  }
0x1bc: {  	v5 =	vadd.s32 v2, v5;
	_ =	sdelay $0x1  }
0x1bd: {  	v6 =	vadd.f32 v6, v4  }
0x1be: {  	v7 =	vadd.f32 v7, v3  }
0x1bf: {  	[tilespmem:v8+s7+$0x0] =	vst.idx.msk $0xffff, v6  }
0x1c0: {  	s25 =	sadd.s32 $0xFFFFFFFF, s24;
	[tilespmem:v5+s7+$0x0] =	vst.idx.msk $0xffff, v7  }
0x1c1: {  	v5 =	vmov s25;
	v6 =	vld [tilespmem:s23+$0xFFFFE040]  }
0x1c2: {  	v8 =	vand.u32 $0x7E, v5;
	v7 =	vld [tilespmem:s23+$0xFFFFE050]  }
0x1c3: {  	v9 =	vadd.s32 v0, v8  }
0x1c4: {  	v8 =	vadd.s32 v2, v8;
	_ =	sdelay $0x1  }
0x1c5: {  	v6 =	vadd.f32 v6, v4  }
0x1c6: {  	v7 =	vadd.f32 v7, v3  }
0x1c7: {  	[tilespmem:v9+s7+$0x0] =	vst.idx.msk $0xffff, v6  }
0x1c8: {  	s25 =	sadd.s32 $0xFFFFFE80, s24;
	[tilespmem:v8+s7+$0x0] =	vst.idx.msk $0xffff, v7  }
0x1c9: {  	v6 =	vmov s25;
	v7 =	vld [tilespmem:s23+$0xFFFFE060]  }
0x1ca: {  	v6 =	vand.u32 $0x7F, v6;
	v8 =	vld [tilespmem:s23+$0xFFFFE070]  }
0x1cb: {  	v9 =	vadd.s32 v0, v6  }
0x1cc: {  	v6 =	vadd.s32 v2, v6;
	_ =	sdelay $0x1  }
0x1cd: {  	v7 =	vadd.f32 v7, v4  }
0x1ce: {  	v8 =	vadd.f32 v8, v3  }
0x1cf: {  	[tilespmem:v9+s7+$0x0] =	vst.idx.msk $0xffff, v7  }
0x1d0: {  	s25 =	sadd.s32 $0xFFFFFEFD, s24;
	[tilespmem:v6+s7+$0x0] =	vst.idx.msk $0xffff, v8  }
0x1d1: {  	v6 =	vmov s25;
	v7 =	vld [tilespmem:s23+$0xFFFFF000]  }
0x1d2: {  	v6 =	vand.u32 $0xFC, v6;
	v8 =	vld [tilespmem:s23+$0xFFFFF010]  }
0x1d3: {  	v9 =	vadd.s32 v0, v6  }
0x1d4: {  	v6 =	vadd.s32 v2, v6;
	_ =	sdelay $0x1  }
0x1d5: {  	v7 =	vadd.f32 v7, v4  }
0x1d6: {  	v8 =	vadd.f32 v8, v3  }
0x1d7: {  	[tilespmem:v9+s7+$0x0] =	vst.idx.msk $0xffff, v7  }
0x1d8: {  	s25 =	sadd.s32 $0xFFFFFEFE, s24;
	[tilespmem:v6+s7+$0x0] =	vst.idx.msk $0xffff, v8  }
0x1d9: {  	v6 =	vmov s25;
	v7 =	vld [tilespmem:s23+$0xFFFFF020]  }
0x1da: {  	v6 =	vand.u32 $0xFD, v6;
	v8 =	vld [tilespmem:s23+$0xFFFFF030]  }
0x1db: {  	v9 =	vadd.s32 v0, v6  }
0x1dc: {  	v6 =	vadd.s32 v2, v6;
	_ =	sdelay $0x1  }
0x1dd: {  	v7 =	vadd.f32 v7, v4  }
0x1de: {  	v8 =	vadd.f32 v8, v3  }
0x1df: {  	[tilespmem:v9+s7+$0x0] =	vst.idx.msk $0xffff, v7  }
0x1e0: {  	[tilespmem:v6+s7+$0x0] =	vst.idx.msk $0xffff, v8  }
0x1e1: {  	v6 =	vld [tilespmem:s23+$0xFFFFF040]  }
0x1e2: {  	v8 =	vand.u32 $0xFE, v5;
	v7 =	vld [tilespmem:s23+$0xFFFFF050]  }
0x1e3: {  	v9 =	vadd.s32 v0, v8  }
0x1e4: {  	v8 =	vadd.s32 v2, v8;
	_ =	sdelay $0x1  }
0x1e5: {  	v6 =	vadd.f32 v6, v4  }
0x1e6: {  	v7 =	vadd.f32 v7, v3  }
0x1e7: {  	[tilespmem:v9+s7+$0x0] =	vst.idx.msk $0xffff, v6  }
0x1e8: {  	s25 =	sadd.s32 $0xFFFFFF00, s24;
	[tilespmem:v8+s7+$0x0] =	vst.idx.msk $0xffff, v7  }
0x1e9: {  	v6 =	vmov s25;
	v7 =	vld [tilespmem:s23+$0xFFFFF060]  }
0x1ea: {  	v6 =	vand.u32 $0xFF, v6;
	v8 =	vld [tilespmem:s23+$0xFFFFF070]  }
0x1eb: {  	v9 =	vadd.s32 v0, v6  }
0x1ec: {  	v6 =	vadd.s32 v2, v6;
	_ =	sdelay $0x1  }
0x1ed: {  	v7 =	vadd.f32 v7, v4  }
0x1ee: {  	v8 =	vadd.f32 v8, v3  }
0x1ef: {  	[tilespmem:v9+s7+$0x0] =	vst.idx.msk $0xffff, v7  }
0x1f0: {  	s25 =	sadd.s32 $0xFFFFFF7D, s24;
	[tilespmem:v6+s7+$0x0] =	vst.idx.msk $0xffff, v8  }
0x1f1: {  	v6 =	vmov s25;
	v7 =	vld [tilespmem:s23+$0x0]  }
0x1f2: {  	v6 =	vand.u32 $0x17C, v6;
	v8 =	vld [tilespmem:s23+$0x10]  }
0x1f3: {  	v9 =	vadd.s32 v0, v6  }
0x1f4: {  	v6 =	vadd.s32 v2, v6;
	_ =	sdelay $0x1  }
0x1f5: {  	v7 =	vadd.f32 v7, v4  }
0x1f6: {  	v8 =	vadd.f32 v8, v3  }
0x1f7: {  	[tilespmem:v9+s7+$0x0] =	vst.idx.msk $0xffff, v7  }
0x1f8: {  	s25 =	sadd.s32 $0xFFFFFF7E, s24;
	[tilespmem:v6+s7+$0x0] =	vst.idx.msk $0xffff, v8  }
0x1f9: {  	v6 =	vmov s25;
	v7 =	vld [tilespmem:s23+$0x20]  }
0x1fa: {  	v6 =	vand.u32 $0x17D, v6;
	v8 =	vld [tilespmem:s23+$0x30]  }
0x1fb: {  	v9 =	vadd.s32 v0, v6  }
0x1fc: {  	v6 =	vadd.s32 v2, v6;
	_ =	sdelay $0x1  }
0x1fd: {  	v7 =	vadd.f32 v7, v4  }
0x1fe: {  	v8 =	vadd.f32 v8, v3  }
0x1ff: {  	[tilespmem:v9+s7+$0x0] =	vst.idx.msk $0xffff, v7  }
0x200: {  	s25 =	sadd.s32 $0xFFFFFF7F, s24;
	[tilespmem:v6+s7+$0x0] =	vst.idx.msk $0xffff, v8  }
0x201: {  	v6 =	vmov s25;
	v7 =	vld [tilespmem:s23+$0x40]  }
0x202: {  	v6 =	vand.u32 $0x17E, v6;
	v8 =	vld [tilespmem:s23+$0x50]  }
0x203: {  	v9 =	vadd.s32 v0, v6  }
0x204: {  	v6 =	vadd.s32 v2, v6;
	_ =	sdelay $0x1  }
0x205: {  	v7 =	vadd.f32 v7, v4  }
0x206: {  	v8 =	vadd.f32 v8, v3  }
0x207: {  	[tilespmem:v9+s7+$0x0] =	vst.idx.msk $0xffff, v7  }
0x208: {  	s25 =	sadd.s32 $0xFFFFFF80, s24;
	[tilespmem:v6+s7+$0x0] =	vst.idx.msk $0xffff, v8  }
0x209: {  	v6 =	vmov s25;
	v7 =	vld [tilespmem:s23+$0x60]  }
0x20a: {  	v6 =	vand.u32 $0x17F, v6;
	v8 =	vld [tilespmem:s23+$0x70]  }
0x20b: {  	v9 =	vadd.s32 v0, v6  }
0x20c: {  	v6 =	vadd.s32 v2, v6;
	_ =	sdelay $0x1  }
0x20d: {  	v7 =	vadd.f32 v7, v4  }
0x20e: {  	v8 =	vadd.f32 v8, v3  }
0x20f: {  	[tilespmem:v9+s7+$0x0] =	vst.idx.msk $0xffff, v7  }
0x210: {  	s25 =	sadd.s32 $0xFFFFFFFD, s24;
	[tilespmem:v6+s7+$0x0] =	vst.idx.msk $0xffff, v8  }
0x211: {  	v6 =	vmov s25;
	v7 =	vld [tilespmem:s23+$0x1000]  }
0x212: {  	v6 =	vand.u32 $0x1FC, v6;
	v8 =	vld [tilespmem:s23+$0x1010]  }
0x213: {  	v9 =	vadd.s32 v0, v6  }
0x214: {  	v6 =	vadd.s32 v2, v6;
	_ =	sdelay $0x1  }
0x215: {  	v7 =	vadd.f32 v7, v4  }
0x216: {  	v8 =	vadd.f32 v8, v3  }
0x217: {  	[tilespmem:v9+s7+$0x0] =	vst.idx.msk $0xffff, v7  }
0x218: {  	s25 =	sadd.s32 $0xFFFFFFFE, s24;
	[tilespmem:v6+s7+$0x0] =	vst.idx.msk $0xffff, v8  }
0x219: {  	v6 =	vmov s25;
	v7 =	vld [tilespmem:s23+$0x1020]  }
0x21a: {  	v6 =	vand.u32 $0x1FD, v6;
	v8 =	vld [tilespmem:s23+$0x1030]  }
0x21b: {  	v9 =	vadd.s32 v0, v6  }
0x21c: {  	v6 =	vadd.s32 v2, v6;
	_ =	sdelay $0x1  }
0x21d: {  	v7 =	vadd.f32 v7, v4  }
0x21e: {  	v8 =	vadd.f32 v8, v3  }
0x21f: {  	[tilespmem:v9+s7+$0x0] =	vst.idx.msk $0xffff, v7  }
0x220: {  	[tilespmem:v6+s7+$0x0] =	vst.idx.msk $0xffff, v8  }
0x221: {  	v6 =	vld [tilespmem:s23+$0x1040]  }
0x222: {  	v5 =	vand.u32 $0x1FE, v5;
	v7 =	vld [tilespmem:s23+$0x1050]  }
0x223: {  	v8 =	vadd.s32 v0, v5  }
0x224: {  	v5 =	vadd.s32 v2, v5;
	_ =	sdelay $0x1  }
0x225: {  	v6 =	vadd.f32 v6, v4  }
0x226: {  	v7 =	vadd.f32 v7, v3  }
0x227: {  	[tilespmem:v8+s7+$0x0] =	vst.idx.msk $0xffff, v6  }
0x228: {  	[tilespmem:v5+s7+$0x0] =	vst.idx.msk $0xffff, v7  }
0x229: {  	v5 =	vmov s24;
	s24 =	smov.u32 s26;
	v6 =	vld [tilespmem:s23+$0x1060]  }
0x22a: {  	v5 =	vand.u32 $0x1FF, v5;
	v7 =	vld [tilespmem:s23+$0x1070]  }
0x22b: {  	v8 =	vadd.s32 v0, v5  }
.Ltmp2:
0x22c: {  	v5 =	vadd.s32 v2, v5;
	(pc) =	sbr.rel @p0 .LBB2_7-.Ltmp2, $4  }
0x22d: {  	_ = 	snop  }
0x22e: {  	v9 =	vadd.f32 v6, v4  }
0x22f: {  	v6 =	vadd.f32 v7, v3  }
0x230: {  	s25 =	smov.u32 s28;
	[tilespmem:v8+s7+$0x0] =	vst.idx.msk $0xffff, v9  }
0x231: {  	_ =	sdelay $0x3  }
0x232: {  	s25 =	sadd.s32 $0xFFFFFE7D, s24;
	[tilespmem:v5+s7+$0x0] =	vst.idx.msk $0xffff, v6;
	s23 =	sadd.s32 $0x80, s23  }
0x233: {  	v33 =	vmov s25;
	v6 =	vld [tilespmem:s23+$0xFFFFE000]  }
0x234: {  	v7 =	vld [tilespmem:s23+$0xFFFFE010];
	v5 =	vand.u32 $0x7C, v33  }
0x235: {  	v8 =	vadd.s32 v0, v5  }
0x236: {  	v5 =	vadd.s32 v2, v5;
	_ =	sdelay $0x1  }
0x237: {  	v6 =	vadd.f32 v6, v4  }
0x238: {  	v7 =	vadd.f32 v7, v3  }
0x239: {  	[tilespmem:v8+s7+$0x0] =	vst.idx.msk $0xffff, v6  }
0x23a: {  	s28 =	sadd.s32 $0xFFFFFE7E, s24;
	[tilespmem:v5+s7+$0x0] =	vst.idx.msk $0xffff, v7  }
0x23b: {  	v34 =	vmov s28;
	v6 =	vld [tilespmem:s23+$0xFFFFE020]  }
0x23c: {  	v5 =	vand.u32 $0x7D, v34;
	v7 =	vld [tilespmem:s23+$0xFFFFE030]  }
0x23d: {  	v35 =	vadd.s32 v0, v5  }
0x23e: {  	v5 =	vadd.s32 v2, v5;
	_ =	sdelay $0x1  }
0x23f: {  	v6 =	vadd.f32 v6, v4  }
0x240: {  	v7 =	vadd.f32 v7, v3  }
0x241: {  	[tilespmem:v35+s7+$0x0] =	vst.idx.msk $0xffff, v6  }
0x242: {  	s29 =	sadd.s32 $0xFFFFFFFF, s24;
	[tilespmem:v5+s7+$0x0] =	vst.idx.msk $0xffff, v7  }
0x243: {  	v36 =	vmov s29;
	v6 =	vld [tilespmem:s23+$0xFFFFE040]  }
0x244: {  	v37 =	vand.u32 $0x7E, v36;
	v7 =	vld [tilespmem:s23+$0xFFFFE050]  }
0x245: {  	v9 =	vadd.s32 v0, v37  }
0x246: {  	v8 =	vadd.s32 v2, v37;
	_ =	sdelay $0x1  }
0x247: {  	v6 =	vadd.f32 v6, v4  }
0x248: {  	v7 =	vadd.f32 v7, v3  }
0x249: {  	[tilespmem:v9+s7+$0x0] =	vst.idx.msk $0xffff, v6  }
0x24a: {  	s30 =	sadd.s32 $0xFFFFFE80, s24;
	[tilespmem:v8+s7+$0x0] =	vst.idx.msk $0xffff, v7  }
0x24b: {  	v38 =	vmov s30;
	v7 =	vld [tilespmem:s23+$0xFFFFE060]  }
0x24c: {  	v6 =	vand.u32 $0x7F, v38;
	v8 =	vld [tilespmem:s23+$0xFFFFE070]  }
0x24d: {  	v39 =	vadd.s32 v0, v6  }
0x24e: {  	v6 =	vadd.s32 v2, v6;
	_ =	sdelay $0x1  }
0x24f: {  	v7 =	vadd.f32 v7, v4  }
0x250: {  	v8 =	vadd.f32 v8, v3  }
0x251: {  	[tilespmem:v39+s7+$0x0] =	vst.idx.msk $0xffff, v7  }
0x252: {  	s26 =	sadd.s32 $0xFFFFFEFD, s24;
	[tilespmem:v6+s7+$0x0] =	vst.idx.msk $0xffff, v8  }
0x253: {  	v40 =	vmov s26;
	v7 =	vld [tilespmem:s23+$0xFFFFF000]  }
0x254: {  	v6 =	vand.u32 $0xFC, v40;
	v8 =	vld [tilespmem:s23+$0xFFFFF010]  }
0x255: {  	v41 =	vadd.s32 v0, v6  }
0x256: {  	v6 =	vadd.s32 v2, v6;
	_ =	sdelay $0x1  }
0x257: {  	v7 =	vadd.f32 v7, v4  }
0x258: {  	v8 =	vadd.f32 v8, v3  }
0x259: {  	[tilespmem:v41+s7+$0x0] =	vst.idx.msk $0xffff, v7  }
0x25a: {  	s28 =	sadd.s32 $0xFFFFFEFE, s24;
	[tilespmem:v6+s7+$0x0] =	vst.idx.msk $0xffff, v8  }
0x25b: {  	v42 =	vmov s28;
	v7 =	vld [tilespmem:s23+$0xFFFFF020]  }
0x25c: {  	v6 =	vand.u32 $0xFD, v42;
	v8 =	vld [tilespmem:s23+$0xFFFFF030]  }
0x25d: {  	v43 =	vadd.s32 v0, v6  }
0x25e: {  	v6 =	vadd.s32 v2, v6;
	_ =	sdelay $0x1  }
0x25f: {  	v7 =	vadd.f32 v7, v4  }
0x260: {  	v8 =	vadd.f32 v8, v3  }
0x261: {  	[tilespmem:v43+s7+$0x0] =	vst.idx.msk $0xffff, v7  }
0x262: {  	[tilespmem:v6+s7+$0x0] =	vst.idx.msk $0xffff, v8  }
0x263: {  	v6 =	vld [tilespmem:s23+$0xFFFFF040]  }
0x264: {  	v44 =	vand.u32 $0xFE, v36;
	v7 =	vld [tilespmem:s23+$0xFFFFF050]  }
0x265: {  	v45 =	vadd.s32 v0, v44  }
0x266: {  	v8 =	vadd.s32 v2, v44;
	_ =	sdelay $0x1  }
0x267: {  	v6 =	vadd.f32 v6, v4  }
0x268: {  	v7 =	vadd.f32 v7, v3  }
0x269: {  	[tilespmem:v45+s7+$0x0] =	vst.idx.msk $0xffff, v6  }
0x26a: {  	s29 =	sadd.s32 $0xFFFFFF00, s24;
	[tilespmem:v8+s7+$0x0] =	vst.idx.msk $0xffff, v7  }
0x26b: {  	v46 =	vmov s29;
	v7 =	vld [tilespmem:s23+$0xFFFFF060]  }
0x26c: {  	v6 =	vand.u32 $0xFF, v46;
	v8 =	vld [tilespmem:s23+$0xFFFFF070]  }
0x26d: {  	v47 =	vadd.s32 v0, v6  }
0x26e: {  	v6 =	vadd.s32 v2, v6;
	_ =	sdelay $0x1  }
0x26f: {  	v7 =	vadd.f32 v7, v4  }
0x270: {  	v8 =	vadd.f32 v8, v3  }
0x271: {  	[tilespmem:v47+s7+$0x0] =	vst.idx.msk $0xffff, v7  }
0x272: {  	s30 =	sadd.s32 $0xFFFFFF7D, s24;
	[tilespmem:v6+s7+$0x0] =	vst.idx.msk $0xffff, v8  }
0x273: {  	v48 =	vmov s30;
	v7 =	vld [tilespmem:s23+$0x0]  }
0x274: {  	v6 =	vand.u32 $0x17C, v48;
	v8 =	vld [tilespmem:s23+$0x10]  }
0x275: {  	v49 =	vadd.s32 v0, v6  }
0x276: {  	v6 =	vadd.s32 v2, v6;
	_ =	sdelay $0x1  }
0x277: {  	v7 =	vadd.f32 v7, v4  }
0x278: {  	v8 =	vadd.f32 v8, v3  }
0x279: {  	[tilespmem:v49+s7+$0x0] =	vst.idx.msk $0xffff, v7  }
0x27a: {  	s26 =	sadd.s32 $0xFFFFFF7E, s24;
	[tilespmem:v6+s7+$0x0] =	vst.idx.msk $0xffff, v8  }
0x27b: {  	v50 =	vmov s26;
	v7 =	vld [tilespmem:s23+$0x20]  }
0x27c: {  	v6 =	vand.u32 $0x17D, v50;
	v8 =	vld [tilespmem:s23+$0x30]  }
0x27d: {  	v51 =	vadd.s32 v0, v6  }
0x27e: {  	v6 =	vadd.s32 v2, v6;
	_ =	sdelay $0x1  }
0x27f: {  	v7 =	vadd.f32 v7, v4  }
0x280: {  	v8 =	vadd.f32 v8, v3  }
0x281: {  	[tilespmem:v51+s7+$0x0] =	vst.idx.msk $0xffff, v7  }
0x282: {  	s28 =	sadd.s32 $0xFFFFFF7F, s24;
	[tilespmem:v6+s7+$0x0] =	vst.idx.msk $0xffff, v8  }
0x283: {  	v52 =	vmov s28;
	v7 =	vld [tilespmem:s23+$0x40]  }
0x284: {  	v6 =	vand.u32 $0x17E, v52;
	v8 =	vld [tilespmem:s23+$0x50]  }
0x285: {  	v53 =	vadd.s32 v0, v6  }
0x286: {  	v6 =	vadd.s32 v2, v6;
	_ =	sdelay $0x1  }
0x287: {  	v7 =	vadd.f32 v7, v4  }
0x288: {  	v8 =	vadd.f32 v8, v3  }
0x289: {  	[tilespmem:v53+s7+$0x0] =	vst.idx.msk $0xffff, v7  }
0x28a: {  	s29 =	sadd.s32 $0xFFFFFF80, s24;
	[tilespmem:v6+s7+$0x0] =	vst.idx.msk $0xffff, v8  }
0x28b: {  	v54 =	vmov s29;
	v7 =	vld [tilespmem:s23+$0x60]  }
0x28c: {  	v6 =	vand.u32 $0x17F, v54;
	v8 =	vld [tilespmem:s23+$0x70]  }
0x28d: {  	v55 =	vadd.s32 v0, v6  }
0x28e: {  	v6 =	vadd.s32 v2, v6;
	_ =	sdelay $0x1  }
0x28f: {  	v7 =	vadd.f32 v7, v4  }
0x290: {  	v8 =	vadd.f32 v8, v3  }
0x291: {  	[tilespmem:v55+s7+$0x0] =	vst.idx.msk $0xffff, v7  }
0x292: {  	s30 =	sadd.s32 $0xFFFFFFFD, s24;
	[tilespmem:v6+s7+$0x0] =	vst.idx.msk $0xffff, v8  }
0x293: {  	v56 =	vmov s30;
	v7 =	vld [tilespmem:s23+$0x1000]  }
0x294: {  	v6 =	vand.u32 $0x1FC, v56;
	v8 =	vld [tilespmem:s23+$0x1010]  }
0x295: {  	v57 =	vadd.s32 v0, v6  }
0x296: {  	v6 =	vadd.s32 v2, v6;
	_ =	sdelay $0x1  }
0x297: {  	v7 =	vadd.f32 v7, v4  }
0x298: {  	v8 =	vadd.f32 v8, v3  }
0x299: {  	[tilespmem:v57+s7+$0x0] =	vst.idx.msk $0xffff, v7  }
0x29a: {  	s26 =	sadd.s32 $0xFFFFFFFE, s24;
	[tilespmem:v6+s7+$0x0] =	vst.idx.msk $0xffff, v8  }
0x29b: {  	v58 =	vmov s26;
	v7 =	vld [tilespmem:s23+$0x1020]  }
0x29c: {  	v6 =	vand.u32 $0x1FD, v58;
	v8 =	vld [tilespmem:s23+$0x1030]  }
0x29d: {  	v59 =	vadd.s32 v0, v6  }
0x29e: {  	v6 =	vadd.s32 v2, v6;
	_ =	sdelay $0x1  }
0x29f: {  	v7 =	vadd.f32 v7, v4  }
0x2a0: {  	v8 =	vadd.f32 v8, v3  }
0x2a1: {  	[tilespmem:v59+s7+$0x0] =	vst.idx.msk $0xffff, v7  }
0x2a2: {  	[tilespmem:v6+s7+$0x0] =	vst.idx.msk $0xffff, v8  }
0x2a3: {  	v6 =	vld [tilespmem:s23+$0x1040]  }
0x2a4: {  	v5 =	vand.u32 $0x1FE, v36;
	v7 =	vld [tilespmem:s23+$0x1050]  }
0x2a5: {  	v60 =	vadd.s32 v0, v5  }
0x2a6: {  	v5 =	vadd.s32 v2, v5;
	_ =	sdelay $0x1  }
0x2a7: {  	v6 =	vadd.f32 v6, v4  }
0x2a8: {  	v7 =	vadd.f32 v7, v3  }
0x2a9: {  	[tilespmem:v60+s7+$0x0] =	vst.idx.msk $0xffff, v6  }
0x2aa: {  	[tilespmem:v5+s7+$0x0] =	vst.idx.msk $0xffff, v7  }
0x2ab: {  	v61 =	vmov s24;
	v6 =	vld [tilespmem:s23+$0x1060]  }
0x2ac: {  	v5 =	vand.u32 $0x1FF, v61;
	v7 =	vld [tilespmem:s23+$0x1070]  }
0x2ad: {  	v62 =	vadd.s32 v0, v5  }
0x2ae: {  	v5 =	vadd.s32 v2, v5;
	_ =	sdelay $0x1  }
0x2af: {  	s25 =	sshll.u32 s20, $0x14;
	v63 =	vadd.f32 v6, v4  }
0x2b0: {  	s28 =	sor.u32 s6, s25;
	v3 =	vadd.f32 v7, v3  }
0x2b1: {  	s26 =	sshrl.u32 s28, $0x3;
	[tilespmem:v62+s7+$0x0] =	vst.idx.msk $0xffff, v63  }
0x2b2: {  	s23 =	sadd.s32 s2, s26;
	[tilespmem:v5+s7+$0x0] =	vst.idx.msk $0xffff, v3  }
0x2b3: {  	[hbm4b:s23+s3] =	stream.linear.scatter [tilespmem:s7], [sflag:$0x3], $0x80, $0x38;
	[tilespmem:$0x14940] =	vst v63  }
0x2b4: {  	s28 =	simm.s32 $0xC948;
	s29 =	sadd.s32 $0x10, s23  }
0x2b5: {  	[hbm4b:s29+s3] =	stream.linear.scatter [tilespmem:s28], [sflag:$0x3], $0x80, $0x38;
	[tilespmem:$0x14940] =	vst v63  }
0x2b6: {  	s30 =	sadd.s32 $0x20, s23;
	s29 =	simm.s32 $0xCB50  }
0x2b7: {  	[hbm4b:s30+s3] =	stream.linear.scatter [tilespmem:s29], [sflag:$0x3], $0x80, $0x38;
	[tilespmem:$0x14940] =	vst v63  }
0x2b8: {  	s30 =	sadd.s32 $0x30, s23;
	s29 =	simm.s32 $0xCD58  }
0x2b9: {  	[hbm4b:s30+s3] =	stream.linear.scatter [tilespmem:s29], [sflag:$0x3], $0x80, $0x38;
	[tilespmem:$0x14940] =	vst v63  }
0x2ba: {  	s30 =	sadd.s32 $0x40, s23;
	s29 =	simm.s32 $0xCF60  }
0x2bb: {  	[hbm4b:s30+s3] =	stream.linear.scatter [tilespmem:s29], [sflag:$0x3], $0x80, $0x38;
	[tilespmem:$0x14940] =	vst v63  }
0x2bc: {  	s30 =	sadd.s32 $0x50, s23;
	s29 =	simm.s32 $0xD168  }
0x2bd: {  	[hbm4b:s30+s3] =	stream.linear.scatter [tilespmem:s29], [sflag:$0x3], $0x80, $0x38;
	[tilespmem:$0x14940] =	vst v63  }
0x2be: {  	s30 =	sadd.s32 $0x60, s23;
	s29 =	simm.s32 $0xD370  }
0x2bf: {  	[hbm4b:s30+s3] =	stream.linear.scatter [tilespmem:s29], [sflag:$0x3], $0x80, $0x38;
	[tilespmem:$0x14940] =	vst v63  }
0x2c0: {  	s24 =	sor.u32 s8, s25;
	s23 =	sadd.s32 $0x70, s23;
	s30 =	simm.s32 $0xD578  }
0x2c1: {  	[hbm4b:s23+s3] =	stream.linear.scatter [tilespmem:s30], [sflag:$0x3], $0x80, $0x38;
	[tilespmem:$0x14940] =	vst v63  }
0x2c2: {  	s23 =	sshrl.u32 s24, $0x3  }
0x2c3: {  	s28 =	simm.s32 $0xC7C0;
	s23 =	sadd.s32 s2, s23  }
0x2c4: {  	[hbm4b:s23+s3] =	stream.linear.scatter [tilespmem:s28], [sflag:$0x3], $0x80, $0x38;
	[tilespmem:$0x14940] =	vst v63  }
0x2c5: {  	s30 =	simm.s32 $0xC9C8;
	s29 =	sadd.s32 $0x10, s23  }
0x2c6: {  	[hbm4b:s29+s3] =	stream.linear.scatter [tilespmem:s30], [sflag:$0x3], $0x80, $0x38;
	[tilespmem:$0x14940] =	vst v63  }
0x2c7: {  	s29 =	sadd.s32 $0x20, s23;
	s30 =	simm.s32 $0xCBD0  }
0x2c8: {  	[hbm4b:s29+s3] =	stream.linear.scatter [tilespmem:s30], [sflag:$0x3], $0x80, $0x38;
	[tilespmem:$0x14940] =	vst v63  }
0x2c9: {  	s29 =	sadd.s32 $0x30, s23;
	s30 =	simm.s32 $0xCDD8  }
0x2ca: {  	[hbm4b:s29+s3] =	stream.linear.scatter [tilespmem:s30], [sflag:$0x3], $0x80, $0x38;
	[tilespmem:$0x14940] =	vst v63  }
0x2cb: {  	s29 =	sadd.s32 $0x40, s23;
	s30 =	simm.s32 $0xCFE0  }
0x2cc: {  	[hbm4b:s29+s3] =	stream.linear.scatter [tilespmem:s30], [sflag:$0x3], $0x80, $0x38;
	[tilespmem:$0x14940] =	vst v63  }
0x2cd: {  	s29 =	sadd.s32 $0x50, s23;
	s30 =	simm.s32 $0xD1E8  }
0x2ce: {  	[hbm4b:s29+s3] =	stream.linear.scatter [tilespmem:s30], [sflag:$0x3], $0x80, $0x38;
	[tilespmem:$0x14940] =	vst v63  }
0x2cf: {  	s28 =	sor.u32 s9, s25;
	s29 =	sadd.s32 $0x60, s23;
	s30 =	simm.s32 $0xD3F0  }
0x2d0: {  	[hbm4b:s29+s3] =	stream.linear.scatter [tilespmem:s30], [sflag:$0x3], $0x80, $0x38;
	[tilespmem:$0x14940] =	vst v63  }
0x2d1: {  	s24 =	sshrl.u32 s28, $0x3;
	s29 =	sadd.s32 $0x70, s23;
	s30 =	simm.s32 $0xD5F8  }
0x2d2: {  	[hbm4b:s29+s3] =	stream.linear.scatter [tilespmem:s30], [sflag:$0x3], $0x80, $0x38;
	[tilespmem:$0x14940] =	vst v63  }
0x2d3: {  	s24 =	sadd.s32 s2, s24;
	s29 =	simm.s32 $0xC840  }
0x2d4: {  	[hbm4b:s24+s3] =	stream.linear.scatter [tilespmem:s29], [sflag:$0x3], $0x80, $0x38;
	[tilespmem:$0x14940] =	vst v63  }
0x2d5: {  	s30 =	sadd.s32 $0x10, s24;
	s29 =	simm.s32 $0xCA48  }
0x2d6: {  	[hbm4b:s30+s3] =	stream.linear.scatter [tilespmem:s29], [sflag:$0x3], $0x80, $0x38;
	[tilespmem:$0x14940] =	vst v63  }
0x2d7: {  	s28 =	sadd.s32 $0x20, s24;
	s30 =	simm.s32 $0xCC50  }
0x2d8: {  	[hbm4b:s28+s3] =	stream.linear.scatter [tilespmem:s30], [sflag:$0x3], $0x80, $0x38;
	[tilespmem:$0x14940] =	vst v63  }
0x2d9: {  	s28 =	sadd.s32 $0x30, s24;
	s30 =	simm.s32 $0xCE58  }
0x2da: {  	[hbm4b:s28+s3] =	stream.linear.scatter [tilespmem:s30], [sflag:$0x3], $0x80, $0x38;
	[tilespmem:$0x14940] =	vst v63  }
0x2db: {  	s28 =	sadd.s32 $0x40, s24;
	s30 =	simm.s32 $0xD060  }
0x2dc: {  	[hbm4b:s28+s3] =	stream.linear.scatter [tilespmem:s30], [sflag:$0x3], $0x80, $0x38;
	[tilespmem:$0x14940] =	vst v63  }
0x2dd: {  	s28 =	sadd.s32 $0x50, s24;
	s30 =	simm.s32 $0xD268  }
0x2de: {  	[hbm4b:s28+s3] =	stream.linear.scatter [tilespmem:s30], [sflag:$0x3], $0x80, $0x38;
	[tilespmem:$0x14940] =	vst v63  }
0x2df: {  	s25 =	sor.u32 s10, s25;
	s28 =	sadd.s32 $0x60, s24;
	s30 =	simm.s32 $0xD470  }
0x2e0: {  	[hbm4b:s28+s3] =	stream.linear.scatter [tilespmem:s30], [sflag:$0x3], $0x80, $0x38;
	[tilespmem:$0x14940] =	vst v63  }
0x2e1: {  	s25 =	sshrl.u32 s25, $0x3;
	s28 =	sadd.s32 $0x70, s24;
	s30 =	simm.s32 $0xD678  }
0x2e2: {  	[hbm4b:s28+s3] =	stream.linear.scatter [tilespmem:s30], [sflag:$0x3], $0x80, $0x38;
	[tilespmem:$0x14940] =	vst v63  }
0x2e3: {  	s25 =	sadd.s32 s2, s25;
	s29 =	simm.s32 $0xC8C0  }
0x2e4: {  	[hbm4b:s25+s3] =	stream.linear.scatter [tilespmem:s29], [sflag:$0x3], $0x80, $0x38;
	[tilespmem:$0x14940] =	vst v63  }
0x2e5: {  	s28 =	sadd.s32 $0x10, s25;
	s30 =	simm.s32 $0xCAC8  }
0x2e6: {  	[hbm4b:s28+s3] =	stream.linear.scatter [tilespmem:s30], [sflag:$0x3], $0x80, $0x38;
	[tilespmem:$0x14940] =	vst v63  }
0x2e7: {  	s28 =	sadd.s32 $0x20, s25;
	s30 =	simm.s32 $0xCCD0  }
0x2e8: {  	[hbm4b:s28+s3] =	stream.linear.scatter [tilespmem:s30], [sflag:$0x3], $0x80, $0x38;
	[tilespmem:$0x14940] =	vst v63  }
0x2e9: {  	s28 =	sadd.s32 $0x30, s25;
	s30 =	simm.s32 $0xCED8  }
0x2ea: {  	[hbm4b:s28+s3] =	stream.linear.scatter [tilespmem:s30], [sflag:$0x3], $0x80, $0x38;
	[tilespmem:$0x14940] =	vst v63  }
0x2eb: {  	s28 =	sadd.s32 $0x40, s25;
	s30 =	simm.s32 $0xD0E0  }
0x2ec: {  	[hbm4b:s28+s3] =	stream.linear.scatter [tilespmem:s30], [sflag:$0x3], $0x80, $0x38;
	[tilespmem:$0x14940] =	vst v63  }
0x2ed: {  	s28 =	sadd.s32 $0x50, s25;
	s30 =	simm.s32 $0xD2E8  }
0x2ee: {  	[hbm4b:s28+s3] =	stream.linear.scatter [tilespmem:s30], [sflag:$0x3], $0x80, $0x38;
	[tilespmem:$0x14940] =	vst v63  }
0x2ef: {  	s28 =	sadd.s32 $0x60, s25;
	s30 =	simm.s32 $0xD4F0  }
0x2f0: {  	[hbm4b:s28+s3] =	stream.linear.scatter [tilespmem:s30], [sflag:$0x3], $0x80, $0x38;
	[tilespmem:$0x14940] =	vst v63  }
0x2f1: {  	s28 =	sadd.s32 $0x70, s25;
	s30 =	simm.s32 $0xD6F8  }
0x2f2: {  	[hbm4b:s28+s3] =	stream.linear.scatter [tilespmem:s30], [sflag:$0x3], $0x80, $0x38;
	[tilespmem:$0x14940] =	vst v63  }
0x2f3: {  	s28 =	sadd.s32 s26, s11;
	s30 =	simm.s32 $0xD780  }
0x2f4: {  	[hbm4b:s28+s3] =	stream.linear.scatter [tilespmem:s30], [sflag:$0x3], $0x80, $0x38;
	[tilespmem:$0x14940] =	vst v63  }
0x2f5: {  	s29 =	sadd.s32 $0x10, s28;
	s30 =	simm.s32 $0xD988  }
0x2f6: {  	[hbm4b:s29+s3] =	stream.linear.scatter [tilespmem:s30], [sflag:$0x3], $0x80, $0x38;
	[tilespmem:$0x14940] =	vst v63  }
0x2f7: {  	s29 =	sadd.s32 $0x20, s28;
	s30 =	simm.s32 $0xDB90  }
0x2f8: {  	[hbm4b:s29+s3] =	stream.linear.scatter [tilespmem:s30], [sflag:$0x3], $0x80, $0x38;
	[tilespmem:$0x14940] =	vst v63  }
0x2f9: {  	s29 =	sadd.s32 $0x30, s28;
	s30 =	simm.s32 $0xDD98  }
0x2fa: {  	[hbm4b:s29+s3] =	stream.linear.scatter [tilespmem:s30], [sflag:$0x3], $0x80, $0x38;
	[tilespmem:$0x14940] =	vst v63  }
0x2fb: {  	s29 =	sadd.s32 $0x40, s28;
	s30 =	simm.s32 $0xDFA0  }
0x2fc: {  	[hbm4b:s29+s3] =	stream.linear.scatter [tilespmem:s30], [sflag:$0x3], $0x80, $0x38;
	[tilespmem:$0x14940] =	vst v63  }
0x2fd: {  	s29 =	sadd.s32 $0x50, s28;
	s30 =	simm.s32 $0xE1A8  }
0x2fe: {  	[hbm4b:s29+s3] =	stream.linear.scatter [tilespmem:s30], [sflag:$0x3], $0x80, $0x38;
	[tilespmem:$0x14940] =	vst v63  }
0x2ff: {  	s29 =	sadd.s32 $0x60, s28;
	s30 =	simm.s32 $0xE3B0  }
0x300: {  	[hbm4b:s29+s3] =	stream.linear.scatter [tilespmem:s30], [sflag:$0x3], $0x80, $0x38;
	[tilespmem:$0x14940] =	vst v63  }
0x301: {  	s28 =	sadd.s32 $0x70, s28;
	s30 =	simm.s32 $0xE5B8  }
0x302: {  	[hbm4b:s28+s3] =	stream.linear.scatter [tilespmem:s30], [sflag:$0x3], $0x80, $0x38;
	[tilespmem:$0x14940] =	vst v63  }
0x303: {  	s28 =	sadd.s32 $0x4000, s23;
	s30 =	simm.s32 $0xD800  }
0x304: {  	[hbm4b:s28+s3] =	stream.linear.scatter [tilespmem:s30], [sflag:$0x3], $0x80, $0x38;
	[tilespmem:$0x14940] =	vst v63  }
0x305: {  	s28 =	sadd.s32 $0x4010, s23;
	s30 =	simm.s32 $0xDA08  }
0x306: {  	[hbm4b:s28+s3] =	stream.linear.scatter [tilespmem:s30], [sflag:$0x3], $0x80, $0x38;
	[tilespmem:$0x14940] =	vst v63  }
0x307: {  	s28 =	sadd.s32 $0x4020, s23;
	s30 =	simm.s32 $0xDC10  }
0x308: {  	[hbm4b:s28+s3] =	stream.linear.scatter [tilespmem:s30], [sflag:$0x3], $0x80, $0x38;
	[tilespmem:$0x14940] =	vst v63  }
0x309: {  	s28 =	sadd.s32 $0x4030, s23;
	s30 =	simm.s32 $0xDE18  }
0x30a: {  	[hbm4b:s28+s3] =	stream.linear.scatter [tilespmem:s30], [sflag:$0x3], $0x80, $0x38;
	[tilespmem:$0x14940] =	vst v63  }
0x30b: {  	s28 =	sadd.s32 $0x4040, s23;
	s30 =	simm.s32 $0xE020  }
0x30c: {  	[hbm4b:s28+s3] =	stream.linear.scatter [tilespmem:s30], [sflag:$0x3], $0x80, $0x38;
	[tilespmem:$0x14940] =	vst v63  }
0x30d: {  	s28 =	sadd.s32 $0x4050, s23;
	s30 =	simm.s32 $0xE228  }
0x30e: {  	[hbm4b:s28+s3] =	stream.linear.scatter [tilespmem:s30], [sflag:$0x3], $0x80, $0x38;
	[tilespmem:$0x14940] =	vst v63  }
0x30f: {  	s28 =	sadd.s32 $0x4060, s23;
	s30 =	simm.s32 $0xE430  }
0x310: {  	[hbm4b:s28+s3] =	stream.linear.scatter [tilespmem:s30], [sflag:$0x3], $0x80, $0x38;
	[tilespmem:$0x14940] =	vst v63  }
0x311: {  	s28 =	sadd.s32 $0x4070, s23;
	s30 =	simm.s32 $0xE638  }
0x312: {  	[hbm4b:s28+s3] =	stream.linear.scatter [tilespmem:s30], [sflag:$0x3], $0x80, $0x38;
	[tilespmem:$0x14940] =	vst v63  }
0x313: {  	s28 =	sadd.s32 $0x4000, s24;
	s30 =	simm.s32 $0xD880  }
0x314: {  	[hbm4b:s28+s3] =	stream.linear.scatter [tilespmem:s30], [sflag:$0x3], $0x80, $0x38;
	[tilespmem:$0x14940] =	vst v63  }
0x315: {  	s28 =	sadd.s32 $0x4010, s24;
	s30 =	simm.s32 $0xDA88  }
0x316: {  	[hbm4b:s28+s3] =	stream.linear.scatter [tilespmem:s30], [sflag:$0x3], $0x80, $0x38;
	[tilespmem:$0x14940] =	vst v63  }
0x317: {  	s28 =	sadd.s32 $0x4020, s24;
	s30 =	simm.s32 $0xDC90  }
0x318: {  	[hbm4b:s28+s3] =	stream.linear.scatter [tilespmem:s30], [sflag:$0x3], $0x80, $0x38;
	[tilespmem:$0x14940] =	vst v63  }
0x319: {  	s28 =	sadd.s32 $0x4030, s24;
	s30 =	simm.s32 $0xDE98  }
0x31a: {  	[hbm4b:s28+s3] =	stream.linear.scatter [tilespmem:s30], [sflag:$0x3], $0x80, $0x38;
	[tilespmem:$0x14940] =	vst v63  }
0x31b: {  	s28 =	sadd.s32 $0x4040, s24;
	s30 =	simm.s32 $0xE0A0  }
0x31c: {  	[hbm4b:s28+s3] =	stream.linear.scatter [tilespmem:s30], [sflag:$0x3], $0x80, $0x38;
	[tilespmem:$0x14940] =	vst v63  }
0x31d: {  	s28 =	sadd.s32 $0x4050, s24;
	s30 =	simm.s32 $0xE2A8  }
0x31e: {  	[hbm4b:s28+s3] =	stream.linear.scatter [tilespmem:s30], [sflag:$0x3], $0x80, $0x38;
	[tilespmem:$0x14940] =	vst v63  }
0x31f: {  	s28 =	sadd.s32 $0x4060, s24;
	s30 =	simm.s32 $0xE4B0  }
0x320: {  	[hbm4b:s28+s3] =	stream.linear.scatter [tilespmem:s30], [sflag:$0x3], $0x80, $0x38;
	[tilespmem:$0x14940] =	vst v63  }
0x321: {  	s28 =	sadd.s32 $0x4070, s24;
	s30 =	simm.s32 $0xE6B8  }
0x322: {  	[hbm4b:s28+s3] =	stream.linear.scatter [tilespmem:s30], [sflag:$0x3], $0x80, $0x38;
	[tilespmem:$0x14940] =	vst v63  }
0x323: {  	s28 =	sadd.s32 $0x4000, s25;
	s30 =	simm.s32 $0xD900  }
0x324: {  	[hbm4b:s28+s3] =	stream.linear.scatter [tilespmem:s30], [sflag:$0x3], $0x80, $0x38;
	[tilespmem:$0x14940] =	vst v63  }
0x325: {  	s28 =	sadd.s32 $0x4010, s25;
	s30 =	simm.s32 $0xDB08  }
0x326: {  	[hbm4b:s28+s3] =	stream.linear.scatter [tilespmem:s30], [sflag:$0x3], $0x80, $0x38;
	[tilespmem:$0x14940] =	vst v63  }
0x327: {  	s28 =	sadd.s32 $0x4020, s25;
	s30 =	simm.s32 $0xDD10  }
0x328: {  	[hbm4b:s28+s3] =	stream.linear.scatter [tilespmem:s30], [sflag:$0x3], $0x80, $0x38;
	[tilespmem:$0x14940] =	vst v63  }
0x329: {  	s28 =	sadd.s32 $0x4030, s25;
	s30 =	simm.s32 $0xDF18  }
0x32a: {  	[hbm4b:s28+s3] =	stream.linear.scatter [tilespmem:s30], [sflag:$0x3], $0x80, $0x38;
	[tilespmem:$0x14940] =	vst v63  }
0x32b: {  	s28 =	sadd.s32 $0x4040, s25;
	s30 =	simm.s32 $0xE120  }
0x32c: {  	[hbm4b:s28+s3] =	stream.linear.scatter [tilespmem:s30], [sflag:$0x3], $0x80, $0x38;
	[tilespmem:$0x14940] =	vst v63  }
0x32d: {  	s28 =	sadd.s32 $0x4050, s25;
	s30 =	simm.s32 $0xE328  }
0x32e: {  	[hbm4b:s28+s3] =	stream.linear.scatter [tilespmem:s30], [sflag:$0x3], $0x80, $0x38;
	[tilespmem:$0x14940] =	vst v63  }
0x32f: {  	s28 =	sadd.s32 $0x4060, s25;
	s30 =	simm.s32 $0xE530  }
0x330: {  	[hbm4b:s28+s3] =	stream.linear.scatter [tilespmem:s30], [sflag:$0x3], $0x80, $0x38;
	[tilespmem:$0x14940] =	vst v63  }
0x331: {  	s28 =	sadd.s32 $0x4070, s25;
	s30 =	simm.s32 $0xE738  }
0x332: {  	[hbm4b:s28+s3] =	stream.linear.scatter [tilespmem:s30], [sflag:$0x3], $0x80, $0x38;
	[tilespmem:$0x14940] =	vst v63  }
0x333: {  	s28 =	sadd.s32 s26, s12;
	s30 =	simm.s32 $0xE7C0  }
0x334: {  	[hbm4b:s28+s3] =	stream.linear.scatter [tilespmem:s30], [sflag:$0x3], $0x80, $0x38;
	[tilespmem:$0x14940] =	vst v63  }
0x335: {  	s29 =	sadd.s32 $0x10, s28;
	s30 =	simm.s32 $0xE9C8  }
0x336: {  	[hbm4b:s29+s3] =	stream.linear.scatter [tilespmem:s30], [sflag:$0x3], $0x80, $0x38;
	[tilespmem:$0x14940] =	vst v63  }
0x337: {  	s29 =	sadd.s32 $0x20, s28;
	s30 =	simm.s32 $0xEBD0  }
0x338: {  	[hbm4b:s29+s3] =	stream.linear.scatter [tilespmem:s30], [sflag:$0x3], $0x80, $0x38;
	[tilespmem:$0x14940] =	vst v63  }
0x339: {  	s29 =	sadd.s32 $0x30, s28;
	s30 =	simm.s32 $0xEDD8  }
0x33a: {  	[hbm4b:s29+s3] =	stream.linear.scatter [tilespmem:s30], [sflag:$0x3], $0x80, $0x38;
	[tilespmem:$0x14940] =	vst v63  }
0x33b: {  	s29 =	sadd.s32 $0x40, s28;
	s30 =	simm.s32 $0xEFE0  }
0x33c: {  	[hbm4b:s29+s3] =	stream.linear.scatter [tilespmem:s30], [sflag:$0x3], $0x80, $0x38;
	[tilespmem:$0x14940] =	vst v63  }
0x33d: {  	s29 =	sadd.s32 $0x50, s28;
	s30 =	simm.s32 $0xF1E8  }
0x33e: {  	[hbm4b:s29+s3] =	stream.linear.scatter [tilespmem:s30], [sflag:$0x3], $0x80, $0x38;
	[tilespmem:$0x14940] =	vst v63  }
0x33f: {  	s29 =	sadd.s32 $0x60, s28;
	s30 =	simm.s32 $0xF3F0  }
0x340: {  	[hbm4b:s29+s3] =	stream.linear.scatter [tilespmem:s30], [sflag:$0x3], $0x80, $0x38;
	[tilespmem:$0x14940] =	vst v63  }
0x341: {  	s28 =	sadd.s32 $0x70, s28;
	s30 =	simm.s32 $0xF5F8  }
0x342: {  	[hbm4b:s28+s3] =	stream.linear.scatter [tilespmem:s30], [sflag:$0x3], $0x80, $0x38;
	[tilespmem:$0x14940] =	vst v63  }
0x343: {  	s28 =	sadd.s32 $0x8000, s23;
	s30 =	simm.s32 $0xE840  }
0x344: {  	[hbm4b:s28+s3] =	stream.linear.scatter [tilespmem:s30], [sflag:$0x3], $0x80, $0x38;
	[tilespmem:$0x14940] =	vst v63  }
0x345: {  	s28 =	sadd.s32 $0x8010, s23;
	s30 =	simm.s32 $0xEA48  }
0x346: {  	[hbm4b:s28+s3] =	stream.linear.scatter [tilespmem:s30], [sflag:$0x3], $0x80, $0x38;
	[tilespmem:$0x14940] =	vst v63  }
0x347: {  	s28 =	sadd.s32 $0x8020, s23;
	s30 =	simm.s32 $0xEC50  }
0x348: {  	[hbm4b:s28+s3] =	stream.linear.scatter [tilespmem:s30], [sflag:$0x3], $0x80, $0x38;
	[tilespmem:$0x14940] =	vst v63  }
0x349: {  	s28 =	sadd.s32 $0x8030, s23;
	s30 =	simm.s32 $0xEE58  }
0x34a: {  	[hbm4b:s28+s3] =	stream.linear.scatter [tilespmem:s30], [sflag:$0x3], $0x80, $0x38;
	[tilespmem:$0x14940] =	vst v63  }
0x34b: {  	s28 =	sadd.s32 $0x8040, s23;
	s30 =	simm.s32 $0xF060  }
0x34c: {  	[hbm4b:s28+s3] =	stream.linear.scatter [tilespmem:s30], [sflag:$0x3], $0x80, $0x38;
	[tilespmem:$0x14940] =	vst v63  }
0x34d: {  	s28 =	sadd.s32 $0x8050, s23;
	s30 =	simm.s32 $0xF268  }
0x34e: {  	[hbm4b:s28+s3] =	stream.linear.scatter [tilespmem:s30], [sflag:$0x3], $0x80, $0x38;
	[tilespmem:$0x14940] =	vst v63  }
0x34f: {  	s28 =	sadd.s32 $0x8060, s23;
	s30 =	simm.s32 $0xF470  }
0x350: {  	[hbm4b:s28+s3] =	stream.linear.scatter [tilespmem:s30], [sflag:$0x3], $0x80, $0x38;
	[tilespmem:$0x14940] =	vst v63  }
0x351: {  	s28 =	sadd.s32 $0x8070, s23;
	s30 =	simm.s32 $0xF678  }
0x352: {  	[hbm4b:s28+s3] =	stream.linear.scatter [tilespmem:s30], [sflag:$0x3], $0x80, $0x38;
	[tilespmem:$0x14940] =	vst v63  }
0x353: {  	s28 =	sadd.s32 $0x8000, s24;
	s30 =	simm.s32 $0xE8C0  }
0x354: {  	[hbm4b:s28+s3] =	stream.linear.scatter [tilespmem:s30], [sflag:$0x3], $0x80, $0x38;
	[tilespmem:$0x14940] =	vst v63  }
0x355: {  	s28 =	sadd.s32 $0x8010, s24;
	s30 =	simm.s32 $0xEAC8  }
0x356: {  	[hbm4b:s28+s3] =	stream.linear.scatter [tilespmem:s30], [sflag:$0x3], $0x80, $0x38;
	[tilespmem:$0x14940] =	vst v63  }
0x357: {  	s28 =	sadd.s32 $0x8020, s24;
	s30 =	simm.s32 $0xECD0  }
0x358: {  	[hbm4b:s28+s3] =	stream.linear.scatter [tilespmem:s30], [sflag:$0x3], $0x80, $0x38;
	[tilespmem:$0x14940] =	vst v63  }
0x359: {  	s28 =	sadd.s32 $0x8030, s24;
	s30 =	simm.s32 $0xEED8  }
0x35a: {  	[hbm4b:s28+s3] =	stream.linear.scatter [tilespmem:s30], [sflag:$0x3], $0x80, $0x38;
	[tilespmem:$0x14940] =	vst v63  }
0x35b: {  	s28 =	sadd.s32 $0x8040, s24;
	s30 =	simm.s32 $0xF0E0  }
0x35c: {  	[hbm4b:s28+s3] =	stream.linear.scatter [tilespmem:s30], [sflag:$0x3], $0x80, $0x38;
	[tilespmem:$0x14940] =	vst v63  }
0x35d: {  	s28 =	sadd.s32 $0x8050, s24;
	s30 =	simm.s32 $0xF2E8  }
0x35e: {  	[hbm4b:s28+s3] =	stream.linear.scatter [tilespmem:s30], [sflag:$0x3], $0x80, $0x38;
	[tilespmem:$0x14940] =	vst v63  }
0x35f: {  	s28 =	sadd.s32 $0x8060, s24;
	s30 =	simm.s32 $0xF4F0  }
0x360: {  	[hbm4b:s28+s3] =	stream.linear.scatter [tilespmem:s30], [sflag:$0x3], $0x80, $0x38;
	[tilespmem:$0x14940] =	vst v63  }
0x361: {  	s28 =	sadd.s32 $0x8070, s24;
	s30 =	simm.s32 $0xF6F8  }
0x362: {  	[hbm4b:s28+s3] =	stream.linear.scatter [tilespmem:s30], [sflag:$0x3], $0x80, $0x38;
	[tilespmem:$0x14940] =	vst v63  }
0x363: {  	s28 =	sadd.s32 $0x8000, s25;
	s30 =	simm.s32 $0xE940  }
0x364: {  	[hbm4b:s28+s3] =	stream.linear.scatter [tilespmem:s30], [sflag:$0x3], $0x80, $0x38;
	[tilespmem:$0x14940] =	vst v63  }
0x365: {  	s28 =	sadd.s32 $0x8010, s25;
	s30 =	simm.s32 $0xEB48  }
0x366: {  	[hbm4b:s28+s3] =	stream.linear.scatter [tilespmem:s30], [sflag:$0x3], $0x80, $0x38;
	[tilespmem:$0x14940] =	vst v63  }
0x367: {  	s28 =	sadd.s32 $0x8020, s25;
	s30 =	simm.s32 $0xED50  }
0x368: {  	[hbm4b:s28+s3] =	stream.linear.scatter [tilespmem:s30], [sflag:$0x3], $0x80, $0x38;
	[tilespmem:$0x14940] =	vst v63  }
0x369: {  	s28 =	sadd.s32 $0x8030, s25;
	s30 =	simm.s32 $0xEF58  }
0x36a: {  	[hbm4b:s28+s3] =	stream.linear.scatter [tilespmem:s30], [sflag:$0x3], $0x80, $0x38;
	[tilespmem:$0x14940] =	vst v63  }
0x36b: {  	s28 =	sadd.s32 $0x8040, s25;
	s30 =	simm.s32 $0xF160  }
0x36c: {  	[hbm4b:s28+s3] =	stream.linear.scatter [tilespmem:s30], [sflag:$0x3], $0x80, $0x38;
	[tilespmem:$0x14940] =	vst v63  }
0x36d: {  	s28 =	sadd.s32 $0x8050, s25;
	s30 =	simm.s32 $0xF368  }
0x36e: {  	[hbm4b:s28+s3] =	stream.linear.scatter [tilespmem:s30], [sflag:$0x3], $0x80, $0x38;
	[tilespmem:$0x14940] =	vst v63  }
0x36f: {  	s28 =	sadd.s32 $0x8060, s25;
	s30 =	simm.s32 $0xF570  }
0x370: {  	[hbm4b:s28+s3] =	stream.linear.scatter [tilespmem:s30], [sflag:$0x3], $0x80, $0x38;
	[tilespmem:$0x14940] =	vst v63  }
0x371: {  	s28 =	sadd.s32 $0x8070, s25;
	s30 =	simm.s32 $0xF778  }
0x372: {  	[hbm4b:s28+s3] =	stream.linear.scatter [tilespmem:s30], [sflag:$0x3], $0x80, $0x38;
	[tilespmem:$0x14940] =	vst v63  }
0x373: {  	s26 =	sadd.s32 s26, s13;
	s29 =	simm.s32 $0xF800  }
0x374: {  	[hbm4b:s26+s3] =	stream.linear.scatter [tilespmem:s29], [sflag:$0x3], $0x80, $0x38;
	[tilespmem:$0x14940] =	vst v63  }
0x375: {  	s28 =	sadd.s32 $0x10, s26;
	s30 =	simm.s32 $0xFA08  }
0x376: {  	[hbm4b:s28+s3] =	stream.linear.scatter [tilespmem:s30], [sflag:$0x3], $0x80, $0x38;
	[tilespmem:$0x14940] =	vst v63  }
0x377: {  	s28 =	sadd.s32 $0x20, s26;
	s30 =	simm.s32 $0xFC10  }
0x378: {  	[hbm4b:s28+s3] =	stream.linear.scatter [tilespmem:s30], [sflag:$0x3], $0x80, $0x38;
	[tilespmem:$0x14940] =	vst v63  }
0x379: {  	s28 =	sadd.s32 $0x30, s26;
	s30 =	simm.s32 $0xFE18  }
0x37a: {  	[hbm4b:s28+s3] =	stream.linear.scatter [tilespmem:s30], [sflag:$0x3], $0x80, $0x38;
	[tilespmem:$0x14940] =	vst v63  }
0x37b: {  	s28 =	sadd.s32 $0x40, s26;
	s30 =	simm.s32 $0x10020  }
0x37c: {  	[hbm4b:s28+s3] =	stream.linear.scatter [tilespmem:s30], [sflag:$0x3], $0x80, $0x38;
	[tilespmem:$0x14940] =	vst v63  }
0x37d: {  	s28 =	sadd.s32 $0x50, s26;
	s30 =	simm.s32 $0x10228  }
0x37e: {  	[hbm4b:s28+s3] =	stream.linear.scatter [tilespmem:s30], [sflag:$0x3], $0x80, $0x38;
	[tilespmem:$0x14940] =	vst v63  }
0x37f: {  	s28 =	sadd.s32 $0x60, s26;
	s30 =	simm.s32 $0x10430  }
0x380: {  	[hbm4b:s28+s3] =	stream.linear.scatter [tilespmem:s30], [sflag:$0x3], $0x80, $0x38;
	[tilespmem:$0x14940] =	vst v63  }
0x381: {  	s29 =	simm.s32 $0x10638;
	s26 =	sadd.s32 $0x70, s26  }
0x382: {  	[hbm4b:s26+s3] =	stream.linear.scatter [tilespmem:s29], [sflag:$0x3], $0x80, $0x38;
	[tilespmem:$0x14940] =	vst v63  }
0x383: {  	s30 =	sadd.s32 $0xC000, s23;
	s29 =	simm.s32 $0xF880  }
0x384: {  	[hbm4b:s30+s3] =	stream.linear.scatter [tilespmem:s29], [sflag:$0x3], $0x80, $0x38;
	[tilespmem:$0x14940] =	vst v63  }
0x385: {  	s30 =	sadd.s32 $0xC010, s23;
	s29 =	simm.s32 $0xFA88  }
0x386: {  	[hbm4b:s30+s3] =	stream.linear.scatter [tilespmem:s29], [sflag:$0x3], $0x80, $0x38;
	[tilespmem:$0x14940] =	vst v63  }
0x387: {  	s30 =	sadd.s32 $0xC020, s23;
	s29 =	simm.s32 $0xFC90  }
0x388: {  	[hbm4b:s30+s3] =	stream.linear.scatter [tilespmem:s29], [sflag:$0x3], $0x80, $0x38;
	[tilespmem:$0x14940] =	vst v63  }
0x389: {  	s30 =	sadd.s32 $0xC030, s23;
	s29 =	simm.s32 $0xFE98  }
0x38a: {  	[hbm4b:s30+s3] =	stream.linear.scatter [tilespmem:s29], [sflag:$0x3], $0x80, $0x38;
	[tilespmem:$0x14940] =	vst v63  }
0x38b: {  	s30 =	sadd.s32 $0xC040, s23;
	s29 =	simm.s32 $0x100A0  }
0x38c: {  	[hbm4b:s30+s3] =	stream.linear.scatter [tilespmem:s29], [sflag:$0x3], $0x80, $0x38;
	[tilespmem:$0x14940] =	vst v63  }
0x38d: {  	s30 =	sadd.s32 $0xC050, s23;
	s29 =	simm.s32 $0x102A8  }
0x38e: {  	[hbm4b:s30+s3] =	stream.linear.scatter [tilespmem:s29], [sflag:$0x3], $0x80, $0x38;
	[tilespmem:$0x14940] =	vst v63  }
0x38f: {  	s30 =	sadd.s32 $0xC060, s23;
	s29 =	simm.s32 $0x104B0  }
0x390: {  	[hbm4b:s30+s3] =	stream.linear.scatter [tilespmem:s29], [sflag:$0x3], $0x80, $0x38;
	[tilespmem:$0x14940] =	vst v63  }
0x391: {  	s23 =	sadd.s32 $0xC070, s23;
	s30 =	simm.s32 $0x106B8  }
0x392: {  	[hbm4b:s23+s3] =	stream.linear.scatter [tilespmem:s30], [sflag:$0x3], $0x80, $0x38;
	[tilespmem:$0x14940] =	vst v63  }
0x393: {  	s28 =	simm.s32 $0xF900;
	s26 =	sadd.s32 $0xC000, s24  }
0x394: {  	[hbm4b:s26+s3] =	stream.linear.scatter [tilespmem:s28], [sflag:$0x3], $0x80, $0x38;
	[tilespmem:$0x14940] =	vst v63  }
0x395: {  	s29 =	sadd.s32 $0xC010, s24;
	s30 =	simm.s32 $0xFB08  }
0x396: {  	[hbm4b:s29+s3] =	stream.linear.scatter [tilespmem:s30], [sflag:$0x3], $0x80, $0x38;
	[tilespmem:$0x14940] =	vst v63  }
0x397: {  	s26 =	sadd.s32 $0xC020, s24;
	s28 =	simm.s32 $0xFD10  }
0x398: {  	[hbm4b:s26+s3] =	stream.linear.scatter [tilespmem:s28], [sflag:$0x3], $0x80, $0x38;
	[tilespmem:$0x14940] =	vst v63  }
0x399: {  	s29 =	sadd.s32 $0xC030, s24;
	s30 =	simm.s32 $0xFF18  }
0x39a: {  	[hbm4b:s29+s3] =	stream.linear.scatter [tilespmem:s30], [sflag:$0x3], $0x80, $0x38;
	[tilespmem:$0x14940] =	vst v63  }
0x39b: {  	s26 =	sadd.s32 $0xC040, s24;
	s28 =	simm.s32 $0x10120  }
0x39c: {  	[hbm4b:s26+s3] =	stream.linear.scatter [tilespmem:s28], [sflag:$0x3], $0x80, $0x38;
	[tilespmem:$0x14940] =	vst v63  }
0x39d: {  	s29 =	sadd.s32 $0xC050, s24;
	s30 =	simm.s32 $0x10328  }
0x39e: {  	[hbm4b:s29+s3] =	stream.linear.scatter [tilespmem:s30], [sflag:$0x3], $0x80, $0x38;
	[tilespmem:$0x14940] =	vst v63  }
0x39f: {  	s26 =	sadd.s32 $0xC060, s24;
	s28 =	simm.s32 $0x10530  }
0x3a0: {  	[hbm4b:s26+s3] =	stream.linear.scatter [tilespmem:s28], [sflag:$0x3], $0x80, $0x38;
	[tilespmem:$0x14940] =	vst v63  }
0x3a1: {  	s29 =	sadd.s32 $0xC070, s24;
	s30 =	simm.s32 $0x10738  }
0x3a2: {  	[hbm4b:s29+s3] =	stream.linear.scatter [tilespmem:s30], [sflag:$0x3], $0x80, $0x38;
	[tilespmem:$0x14940] =	vst v63  }
0x3a3: {  	s26 =	sadd.s32 $0xC000, s25;
	s28 =	simm.s32 $0xF980  }
0x3a4: {  	[hbm4b:s26+s3] =	stream.linear.scatter [tilespmem:s28], [sflag:$0x3], $0x80, $0x38;
	[tilespmem:$0x14940] =	vst v63  }
0x3a5: {  	s29 =	sadd.s32 $0xC010, s25;
	s30 =	simm.s32 $0xFB88  }
0x3a6: {  	[hbm4b:s29+s3] =	stream.linear.scatter [tilespmem:s30], [sflag:$0x3], $0x80, $0x38;
	[tilespmem:$0x14940] =	vst v63  }
0x3a7: {  	s26 =	sadd.s32 $0xC020, s25;
	s28 =	simm.s32 $0xFD90  }
0x3a8: {  	[hbm4b:s26+s3] =	stream.linear.scatter [tilespmem:s28], [sflag:$0x3], $0x80, $0x38;
	[tilespmem:$0x14940] =	vst v63  }
0x3a9: {  	s29 =	sadd.s32 $0xC030, s25;
	s30 =	simm.s32 $0xFF98  }
0x3aa: {  	[hbm4b:s29+s3] =	stream.linear.scatter [tilespmem:s30], [sflag:$0x3], $0x80, $0x38;
	[tilespmem:$0x14940] =	vst v63  }
0x3ab: {  	s26 =	sadd.s32 $0xC040, s25;
	s28 =	simm.s32 $0x101A0  }
0x3ac: {  	[hbm4b:s26+s3] =	stream.linear.scatter [tilespmem:s28], [sflag:$0x3], $0x80, $0x38;
	[tilespmem:$0x14940] =	vst v63  }
0x3ad: {  	p0 =	seq.s32 s20, $0xC;
	s29 =	sadd.s32 $0xC050, s25;
	s30 =	simm.s32 $0x103A8  }
0x3ae: {  	[hbm4b:s29+s3] =	stream.linear.scatter [tilespmem:s30], [sflag:$0x3], $0x80, $0x38;
	[tilespmem:$0x14940] =	vst v63  }
.Ltmp3:
0x3af: {  	_ = 	snop;
	(pc) =	sbr.rel @p0 .LBB2_12-.Ltmp3, $4  }
0x3b0: {  	s26 =	sadd.s32 $0xC060, s25;
	s28 =	simm.s32 $0x105B0  }
0x3b1: {  	[hbm4b:s26+s3] =	stream.linear.scatter [tilespmem:s28], [sflag:$0x3], $0x80, $0x38;
	[tilespmem:$0x14940] =	vst v63  }
0x3b2: {  	s29 =	sadd.s32 $0xC070, s25;
	s30 =	simm.s32 $0x107B8  }
0x3b3: {  	[hbm4b:s29+s3] =	stream.linear.scatter [tilespmem:s30], [sflag:$0x3], $0x80, $0x38;
	[tilespmem:$0x14940] =	vst v63  }
0x3b4: {  	_ =	swait.ge [sflag:s14], $0x400  }
0x3b5: {  	[sflag:s14] =	ssyncset.done $0x0  }
0x3b6: {  	[sflag:s14] =	ssyncadd.s32 $0xFFFFFC00  }
0x3b7: {  	_ =	swait.ge [sflag:s14], $0x400  }
0x3b8: {  	[sflag:s14] =	ssyncset.done $0x0  }
0x3b9: {  	[sflag:s14] =	ssyncadd.s32 $0xFFFFFC00  }
0x3ba: {  	_ =	swait.ge [sflag:s14], $0x400  }
0x3bb: {  	[sflag:s14] =	ssyncset.done $0x0  }
0x3bc: {  	[sflag:s14] =	ssyncadd.s32 $0xFFFFFC00  }
0x3bd: {  	_ =	swait.ge [sflag:s14], $0x400  }
0x3be: {  	[sflag:s14] =	ssyncset.done $0x0  }
0x3bf: {  	[sflag:s14] =	ssyncadd.s32 $0xFFFFFC00  }
0x3c0: {  	_ =	swait.ge [sflag:s14], $0x400  }
0x3c1: {  	[sflag:s14] =	ssyncset.done $0x0  }
0x3c2: {  	[sflag:s14] =	ssyncadd.s32 $0xFFFFFC00  }
0x3c3: {  	_ =	swait.ge [sflag:s14], $0x400  }
0x3c4: {  	[sflag:s14] =	ssyncset.done $0x0  }
0x3c5: {  	[sflag:s14] =	ssyncadd.s32 $0xFFFFFC00  }
0x3c6: {  	_ =	swait.ge [sflag:s14], $0x400  }
0x3c7: {  	[sflag:s14] =	ssyncset.done $0x0  }
0x3c8: {  	[sflag:s14] =	ssyncadd.s32 $0xFFFFFC00  }
0x3c9: {  	_ =	swait.ge [sflag:s14], $0x400  }
0x3ca: {  	[sflag:s14] =	ssyncset.done $0x0  }
0x3cb: {  	[sflag:s14] =	ssyncadd.s32 $0xFFFFFC00  }
0x3cc: {  	_ =	swait.ge [sflag:s14], $0x400  }
0x3cd: {  	[sflag:s14] =	ssyncset.done $0x0  }
0x3ce: {  	[sflag:s14] =	ssyncadd.s32 $0xFFFFFC00  }
0x3cf: {  	_ =	swait.ge [sflag:s14], $0x400  }
0x3d0: {  	[sflag:s14] =	ssyncset.done $0x0  }
0x3d1: {  	[sflag:s14] =	ssyncadd.s32 $0xFFFFFC00  }
0x3d2: {  	_ =	swait.ge [sflag:s14], $0x400  }
0x3d3: {  	[sflag:s14] =	ssyncset.done $0x0  }
0x3d4: {  	[sflag:s14] =	ssyncadd.s32 $0xFFFFFC00  }
0x3d5: {  	_ =	swait.ge [sflag:s14], $0x400  }
0x3d6: {  	[sflag:s14] =	ssyncset.done $0x0  }
0x3d7: {  	[sflag:s14] =	ssyncadd.s32 $0xFFFFFC00  }
0x3d8: {  	_ =	swait.ge [sflag:s14], $0x400  }
0x3d9: {  	[sflag:s14] =	ssyncset.done $0x0  }
0x3da: {  	s22 =	sadd.s32 $0x2, s22;
	[sflag:s14] =	ssyncadd.s32 $0xFFFFFC00  }
0x3db: {  	s23 =	simm.s32 $0x0;
	v3 =	vmov s22;
	_ =	swait.ge [sflag:s14], $0x400  }
0x3dc: {  	v4 =	vmov s23;
	v3 =	vand.u32 $0x3E, v3;
	[sflag:s14] =	ssyncset.done $0x0  }
0x3dd: {  	v4 =	vshll.u32 v4, $0x5;
	v3 =	vbroadcast v3, $0x0;
	[sflag:s14] =	ssyncadd.s32 $0xFFFFFC00  }
0x3de: {  	v4 =	vor.u32 v1, v4;
	_ =	swait.ge [sflag:s14], $0x400  }
0x3df: {  	v4 =	vadd.s32 v3, v4;
	[sflag:s14] =	ssyncset.done $0x0  }
0x3e0: {  	[sflag:s14] =	ssyncadd.s32 $0xFFFFFC00  }
0x3e1: {  	s24 =	simm.s32 $0x10;
	_ =	swait.ge [sflag:s14], $0x400  }
0x3e2: {  	v5 =	vmov s24;
	[sflag:s14] =	ssyncset.done $0x0  }
0x3e3: {  	v5 =	vshll.u32 v5, $0x5;
	[sflag:s14] =	ssyncadd.s32 $0xFFFFFC00  }
0x3e4: {  	v5 =	vor.u32 v1, v5;
	v4 =	vld.idx.msk [tilespmem:v4+s3+$0x0], $0xffff  }
0x3e5: {  	v5 =	vadd.s32 v3, v5;
	_ =	sdelay $0x1  }
0x3e6: {  	s23 =	simm.s32 $0x20  }
0x3e7: {  	s22 =	simm.s32 $0x4380;
	v6 =	vmov s23  }
0x3e8: {  	[tilespmem:s22+$0xFFFFFFC0] =	vst v4;
	v4 =	vshll.u32 v6, $0x5  }
0x3e9: {  	v5 =	vld.idx.msk [tilespmem:v5+s3+$0x0], $0xffff;
	v4 =	vor.u32 v1, v4  }
0x3ea: {  	v4 =	vadd.s32 v3, v4;
	_ =	sdelay $0x1  }
0x3eb: {  	s25 =	simm.s32 $0x30  }
0x3ec: {  	v6 =	vmov s25  }
0x3ed: {  	[tilespmem:s22+$0xFFFFFFD0] =	vst v5;
	v5 =	vshll.u32 v6, $0x5  }
0x3ee: {  	v4 =	vld.idx.msk [tilespmem:v4+s3+$0x0], $0xffff;
	v5 =	vor.u32 v1, v5  }
0x3ef: {  	v5 =	vadd.s32 v3, v5;
	_ =	sdelay $0x1  }
0x3f0: {  	s26 =	simm.s32 $0x40  }
0x3f1: {  	v6 =	vmov s26  }
0x3f2: {  	[tilespmem:s22+$0xFFFFFFE0] =	vst v4;
	v4 =	vshll.u32 v6, $0x5  }
0x3f3: {  	v5 =	vld.idx.msk [tilespmem:v5+s3+$0x0], $0xffff;
	v4 =	vor.u32 v1, v4  }
0x3f4: {  	v4 =	vadd.s32 v3, v4;
	_ =	sdelay $0x1  }
0x3f5: {  	s28 =	simm.s32 $0x50  }
0x3f6: {  	v6 =	vmov s28  }
0x3f7: {  	[tilespmem:s22+$0xFFFFFFF0] =	vst v5;
	v5 =	vshll.u32 v6, $0x5  }
0x3f8: {  	v4 =	vld.idx.msk [tilespmem:v4+s3+$0x0], $0xffff;
	v5 =	vor.u32 v1, v5  }
0x3f9: {  	v5 =	vadd.s32 v3, v5;
	_ =	sdelay $0x1  }
0x3fa: {  	s29 =	simm.s32 $0x60  }
0x3fb: {  	v6 =	vmov s29  }
0x3fc: {  	[tilespmem:s22+$0x0] =	vst v4;
	v4 =	vshll.u32 v6, $0x5  }
0x3fd: {  	v5 =	vld.idx.msk [tilespmem:v5+s3+$0x0], $0xffff;
	v4 =	vor.u32 v1, v4  }
0x3fe: {  	v4 =	vadd.s32 v3, v4;
	_ =	sdelay $0x1  }
0x3ff: {  	s30 =	simm.s32 $0x70  }
0x400: {  	v6 =	vmov s30  }
0x401: {  	v6 =	vshll.u32 v6, $0x5;
	[tilespmem:s22+$0x10] =	vst v5  }
0x402: {  	v5 =	vor.u32 v1, v6;
	v4 =	vld.idx.msk [tilespmem:v4+s3+$0x0], $0xffff  }
0x403: {  	v5 =	vadd.s32 v3, v5;
	_ =	sdelay $0x2  }
0x404: {  	s24 =	simm.s32 $0x170;
	s23 =	simm.s32 $0xF0;
	s25 =	simm.s32 $0x80  }
.LBB2_10:
0x405: {  	p0 =	sne.s32 s24, $0x1F0;
	v6 =	vmov s25;
	[tilespmem:s22+$0x20] =	vst v4  }
0x406: {  	v4 =	vshll.u32 v6, $0x5;
	v5 =	vld.idx.msk [tilespmem:v5+s3+$0x0], $0xffff  }
0x407: {  	v4 =	vor.u32 v1, v4  }
0x408: {  	v4 =	vadd.s32 v3, v4;
	_ =	sdelay $0x2  }
0x409: {  	s25 =	sadd.s32 $0xFFFFFFA0, s23  }
0x40a: {  	v6 =	vmov s25;
	[tilespmem:s22+$0x30] =	vst v5  }
0x40b: {  	v5 =	vshll.u32 v6, $0x5;
	v4 =	vld.idx.msk [tilespmem:v4+s3+$0x0], $0xffff  }
0x40c: {  	v5 =	vor.u32 v1, v5  }
0x40d: {  	v5 =	vadd.s32 v3, v5;
	_ =	sdelay $0x2  }
0x40e: {  	s25 =	sadd.s32 $0xFFFFFFB0, s23;
	s22 =	sadd.s32 $0x80, s22  }
0x40f: {  	[tilespmem:s22+$0xFFFFFFC0] =	vst v4;
	v4 =	vmov s25  }
0x410: {  	v5 =	vld.idx.msk [tilespmem:v5+s3+$0x0], $0xffff;
	v4 =	vshll.u32 v4, $0x5  }
0x411: {  	v4 =	vor.u32 v1, v4  }
0x412: {  	v4 =	vadd.s32 v3, v4;
	_ =	sdelay $0x2  }
0x413: {  	s25 =	sadd.s32 $0xFFFFFFC0, s23  }
0x414: {  	[tilespmem:s22+$0xFFFFFFD0] =	vst v5;
	v5 =	vmov s25  }
0x415: {  	v4 =	vld.idx.msk [tilespmem:v4+s3+$0x0], $0xffff;
	v5 =	vshll.u32 v5, $0x5  }
0x416: {  	v5 =	vor.u32 v1, v5  }
0x417: {  	v5 =	vadd.s32 v3, v5;
	_ =	sdelay $0x2  }
0x418: {  	s25 =	sadd.s32 $0xFFFFFFD0, s23  }
0x419: {  	[tilespmem:s22+$0xFFFFFFE0] =	vst v4;
	v4 =	vmov s25  }
0x41a: {  	v5 =	vld.idx.msk [tilespmem:v5+s3+$0x0], $0xffff;
	v4 =	vshll.u32 v4, $0x5  }
0x41b: {  	v4 =	vor.u32 v1, v4  }
0x41c: {  	v4 =	vadd.s32 v3, v4;
	_ =	sdelay $0x2  }
0x41d: {  	s25 =	sadd.s32 $0xFFFFFFE0, s23  }
0x41e: {  	[tilespmem:s22+$0xFFFFFFF0] =	vst v5;
	v5 =	vmov s25  }
0x41f: {  	v4 =	vld.idx.msk [tilespmem:v4+s3+$0x0], $0xffff;
	v5 =	vshll.u32 v5, $0x5  }
0x420: {  	v5 =	vor.u32 v1, v5  }
0x421: {  	v5 =	vadd.s32 v3, v5;
	_ =	sdelay $0x2  }
0x422: {  	s25 =	sadd.s32 $0xFFFFFFF0, s23  }
0x423: {  	[tilespmem:s22+$0x0] =	vst v4;
	v4 =	vmov s25  }
0x424: {  	v5 =	vld.idx.msk [tilespmem:v5+s3+$0x0], $0xffff;
	v4 =	vshll.u32 v4, $0x5  }
0x425: {  	v4 =	vor.u32 v1, v4  }
0x426: {  	v4 =	vadd.s32 v3, v4;
	_ =	sdelay $0x3  }
0x427: {  	[tilespmem:s22+$0x10] =	vst v5;
	v5 =	vmov s23;
	s23 =	smov.u32 s24  }
0x428: {  	v4 =	vld.idx.msk [tilespmem:v4+s3+$0x0], $0xffff;
	v5 =	vshll.u32 v5, $0x5  }
.Ltmp4:
0x429: {  	v5 =	vor.u32 v1, v5;
	(pc) =	sbr.rel @p0 .LBB2_10-.Ltmp4, $2  }
0x42a: {  	v5 =	vadd.s32 v3, v5;
	_ =	sdelay $0x2  }
0x42b: {  	s24 =	sadd.s32 $0x80, s24;
	s25 =	sadd.s32 $0xFFFFFF90, s23  }
0x42c: {  	_ =	sdelay $0x1  }
0x42d: {  	v6 =	vmov s25  }
0x42e: {  	[tilespmem:s22+$0x20] =	vst v4;
	v49 =	vshll.u32 v6, $0x5  }
0x42f: {  	v5 =	vld.idx.msk [tilespmem:v5+s3+$0x0], $0xffff;
	v4 =	vor.u32 v1, v49  }
0x430: {  	v4 =	vadd.s32 v3, v4;
	_ =	sdelay $0x1  }
0x431: {  	s24 =	sadd.s32 $0xFFFFFFA0, s23  }
0x432: {  	v50 =	vmov s24  }
0x433: {  	v51 =	vshll.u32 v50, $0x5;
	[tilespmem:s22+$0x30] =	vst v5  }
0x434: {  	v5 =	vor.u32 v1, v51;
	v4 =	vld.idx.msk [tilespmem:v4+s3+$0x0], $0xffff  }
0x435: {  	v5 =	vadd.s32 v3, v5;
	_ =	sdelay $0x1  }
0x436: {  	s28 =	sadd.s32 $0xFFFFFFB0, s23  }
0x437: {  	s29 =	sadd.s32 $0x80, s22;
	v52 =	vmov s28  }
0x438: {  	v53 =	vshll.u32 v52, $0x5;
	[tilespmem:s29+$0xFFFFFFC0] =	vst v4  }
0x439: {  	v4 =	vor.u32 v1, v53;
	v5 =	vld.idx.msk [tilespmem:v5+s3+$0x0], $0xffff  }
0x43a: {  	v4 =	vadd.s32 v3, v4;
	_ =	sdelay $0x1  }
0x43b: {  	s30 =	sadd.s32 $0xFFFFFFC0, s23  }
0x43c: {  	v54 =	vmov s30  }
0x43d: {  	v55 =	vshll.u32 v54, $0x5;
	[tilespmem:s29+$0xFFFFFFD0] =	vst v5  }
0x43e: {  	v5 =	vor.u32 v1, v55;
	v4 =	vld.idx.msk [tilespmem:v4+s3+$0x0], $0xffff  }
0x43f: {  	v5 =	vadd.s32 v3, v5;
	_ =	sdelay $0x1  }
0x440: {  	s25 =	sadd.s32 $0xFFFFFFD0, s23  }
0x441: {  	v56 =	vmov s25  }
0x442: {  	v57 =	vshll.u32 v56, $0x5;
	[tilespmem:s29+$0xFFFFFFE0] =	vst v4  }
0x443: {  	v4 =	vor.u32 v1, v57;
	v5 =	vld.idx.msk [tilespmem:v5+s3+$0x0], $0xffff  }
0x444: {  	v4 =	vadd.s32 v3, v4;
	_ =	sdelay $0x1  }
0x445: {  	s26 =	sadd.s32 $0xFFFFFFE0, s23  }
0x446: {  	v58 =	vmov s26  }
0x447: {  	v59 =	vshll.u32 v58, $0x5;
	[tilespmem:s29+$0xFFFFFFF0] =	vst v5  }
0x448: {  	v5 =	vor.u32 v1, v59;
	v4 =	vld.idx.msk [tilespmem:v4+s3+$0x0], $0xffff  }
0x449: {  	v5 =	vadd.s32 v3, v5;
	_ =	sdelay $0x1  }
0x44a: {  	s28 =	sadd.s32 $0xFFFFFFF0, s23  }
0x44b: {  	v60 =	vmov s28  }
0x44c: {  	v61 =	vshll.u32 v60, $0x5;
	[tilespmem:s29+$0x0] =	vst v4  }
0x44d: {  	v4 =	vor.u32 v1, v61;
	v5 =	vld.idx.msk [tilespmem:v5+s3+$0x0], $0xffff  }
0x44e: {  	v4 =	vadd.s32 v3, v4;
	_ =	sdelay $0x2  }
0x44f: {  	v62 =	vmov s23  }
0x450: {  	v63 =	vshll.u32 v62, $0x5;
	[tilespmem:s29+$0x10] =	vst v5  }
0x451: {  	v5 =	vor.u32 v1, v63;
	v4 =	vld.idx.msk [tilespmem:v4+s3+$0x0], $0xffff  }
0x452: {  	v3 =	vadd.s32 v3, v5;
	_ =	sdelay $0x3  }
0x453: {  	[tilespmem:s29+$0x20] =	vst v4  }
0x454: {  	v3 =	vld.idx.msk [tilespmem:v3+s3+$0x0], $0xffff;
	_ =	sdelay $0x4  }
0x455: {  	s30 =	simm.s32 $0x4740;
	[tilespmem:s29+$0x30] =	vst v3;
	s29 =	simm.s32 $0x4340  }
0x456: {  	[tilespmem:s30], [sflag:$0x1] =	stream.indirect.gather [hbm4b:s4+s17], $0x20, s29, s17, $0xb8;
	[tilespmem:$0x14940] =	vst v63  }
0x457: {  	s24 =	simm.s32 $0x43C0;
	s25 =	simm.s32 $0x5740  }
0x458: {  	[tilespmem:s25], [sflag:$0x1] =	stream.indirect.gather [hbm4b:s4+s17], $0x20, s24, s17, $0xb8;
	[tilespmem:$0x14940] =	vst v63  }
0x459: {  	s26 =	simm.s32 $0x4440;
	s28 =	simm.s32 $0x6740  }
0x45a: {  	[tilespmem:s28], [sflag:$0x1] =	stream.indirect.gather [hbm4b:s4+s17], $0x20, s26, s17, $0xb8;
	[tilespmem:$0x14940] =	vst v63  }
0x45b: {  	s29 =	simm.s32 $0x44C0;
	s30 =	simm.s32 $0x7740  }
0x45c: {  	[tilespmem:s30], [sflag:$0x1] =	stream.indirect.gather [hbm4b:s4+s17], $0x20, s29, s17, $0xb8;
	[tilespmem:$0x14940] =	vst v63  }
.LBB2_12:
0x45d: {  	_ =	swait.ge [sflag:s15], $0x4000  }
0x45e: {  	s22 =	sshll.u32 s21, $0x5;
	[sflag:s15] =	ssyncset.done $0x0  }
0x45f: {  	s22 =	sand.u32 $0x3FFFFFE0, s22;
	[sflag:s15] =	ssyncadd.s32 $0xFFFFC000  }
0x460: {  	v4 =	vld [tilespmem:s22+$0x4000]  }
0x461: {  	s23 =	simm.s32 $0x0;
	v3 =	vld [tilespmem:s22+$0x4010];
	s22 =	simm.s32 $0xA740  }
0x462: {  	v5 =	vmov s23;
	v6 =	vld [tilespmem:s22+$0xFFFFE000]  }
0x463: {  	v5 =	vand.u32 $0x7C, v5;
	v7 =	vld [tilespmem:s22+$0xFFFFE010]  }
0x464: {  	v8 =	vadd.s32 v0, v5  }
0x465: {  	v5 =	vadd.s32 v2, v5;
	_ =	sdelay $0x1  }
0x466: {  	v6 =	vadd.f32 v6, v4  }
0x467: {  	v7 =	vadd.f32 v7, v3  }
0x468: {  	[tilespmem:v8+s18+$0x0] =	vst.idx.msk $0xffff, v6  }
0x469: {  	s30 =	simm.s32 $0x1;
	[tilespmem:v5+s18+$0x0] =	vst.idx.msk $0xffff, v7  }
0x46a: {  	v5 =	vmov s30;
	v6 =	vld [tilespmem:s22+$0xFFFFE020]  }
0x46b: {  	v7 =	vld [tilespmem:s22+$0xFFFFE030];
	v5 =	vand.u32 $0x7D, v5  }
0x46c: {  	v8 =	vadd.s32 v0, v5  }
0x46d: {  	v5 =	vadd.s32 v2, v5;
	_ =	sdelay $0x1  }
0x46e: {  	v6 =	vadd.f32 v6, v4  }
0x46f: {  	v7 =	vadd.f32 v7, v3  }
0x470: {  	[tilespmem:v8+s18+$0x0] =	vst.idx.msk $0xffff, v6  }
0x471: {  	s24 =	simm.s32 $0x182;
	[tilespmem:v5+s18+$0x0] =	vst.idx.msk $0xffff, v7  }
0x472: {  	v5 =	vmov s24;
	v6 =	vld [tilespmem:s22+$0xFFFFE040]  }
0x473: {  	v7 =	vld [tilespmem:s22+$0xFFFFE050];
	v8 =	vand.u32 $0x7E, v5  }
0x474: {  	v9 =	vadd.s32 v0, v8  }
0x475: {  	v8 =	vadd.s32 v2, v8;
	_ =	sdelay $0x1  }
0x476: {  	v6 =	vadd.f32 v6, v4  }
0x477: {  	v7 =	vadd.f32 v7, v3  }
0x478: {  	[tilespmem:v9+s18+$0x0] =	vst.idx.msk $0xffff, v6  }
0x479: {  	s25 =	simm.s32 $0x3;
	[tilespmem:v8+s18+$0x0] =	vst.idx.msk $0xffff, v7  }
0x47a: {  	v6 =	vmov s25;
	v7 =	vld [tilespmem:s22+$0xFFFFE060]  }
0x47b: {  	v6 =	vand.u32 $0x7F, v6;
	v8 =	vld [tilespmem:s22+$0xFFFFE070]  }
0x47c: {  	v52 =	vadd.s32 v0, v6  }
0x47d: {  	v6 =	vadd.s32 v2, v6;
	_ =	sdelay $0x1  }
0x47e: {  	v7 =	vadd.f32 v7, v4  }
0x47f: {  	v8 =	vadd.f32 v8, v3  }
0x480: {  	[tilespmem:v52+s18+$0x0] =	vst.idx.msk $0xffff, v7  }
0x481: {  	s26 =	simm.s32 $0x80;
	[tilespmem:v6+s18+$0x0] =	vst.idx.msk $0xffff, v8  }
0x482: {  	v6 =	vmov s26;
	v7 =	vld [tilespmem:s22+$0xFFFFF000]  }
0x483: {  	v8 =	vld [tilespmem:s22+$0xFFFFF010];
	v6 =	vand.u32 $0xFC, v6  }
0x484: {  	v53 =	vadd.s32 v0, v6  }
0x485: {  	v6 =	vadd.s32 v2, v6;
	_ =	sdelay $0x1  }
0x486: {  	v7 =	vadd.f32 v7, v4  }
0x487: {  	v8 =	vadd.f32 v8, v3  }
0x488: {  	[tilespmem:v53+s18+$0x0] =	vst.idx.msk $0xffff, v7  }
0x489: {  	s28 =	simm.s32 $0x81;
	[tilespmem:v6+s18+$0x0] =	vst.idx.msk $0xffff, v8  }
0x48a: {  	v6 =	vmov s28;
	v7 =	vld [tilespmem:s22+$0xFFFFF020]  }
0x48b: {  	v8 =	vld [tilespmem:s22+$0xFFFFF030];
	v6 =	vand.u32 $0xFD, v6  }
0x48c: {  	v54 =	vadd.s32 v0, v6  }
0x48d: {  	v6 =	vadd.s32 v2, v6;
	_ =	sdelay $0x1  }
0x48e: {  	v7 =	vadd.f32 v7, v4  }
0x48f: {  	v8 =	vadd.f32 v8, v3  }
0x490: {  	[tilespmem:v54+s18+$0x0] =	vst.idx.msk $0xffff, v7  }
0x491: {  	[tilespmem:v6+s18+$0x0] =	vst.idx.msk $0xffff, v8  }
0x492: {  	v6 =	vld [tilespmem:s22+$0xFFFFF040]  }
0x493: {  	v8 =	vand.u32 $0xFE, v5;
	v7 =	vld [tilespmem:s22+$0xFFFFF050]  }
0x494: {  	v55 =	vadd.s32 v0, v8  }
0x495: {  	v8 =	vadd.s32 v2, v8;
	_ =	sdelay $0x1  }
0x496: {  	v6 =	vadd.f32 v6, v4  }
0x497: {  	v7 =	vadd.f32 v7, v3  }
0x498: {  	[tilespmem:v55+s18+$0x0] =	vst.idx.msk $0xffff, v6  }
0x499: {  	s29 =	simm.s32 $0x83;
	[tilespmem:v8+s18+$0x0] =	vst.idx.msk $0xffff, v7  }
0x49a: {  	v6 =	vmov s29;
	v7 =	vld [tilespmem:s22+$0xFFFFF060]  }
0x49b: {  	v6 =	vand.u32 $0xFF, v6;
	v8 =	vld [tilespmem:s22+$0xFFFFF070]  }
0x49c: {  	v56 =	vadd.s32 v0, v6  }
0x49d: {  	v6 =	vadd.s32 v2, v6;
	_ =	sdelay $0x1  }
0x49e: {  	v7 =	vadd.f32 v7, v4  }
0x49f: {  	v8 =	vadd.f32 v8, v3  }
0x4a0: {  	[tilespmem:v56+s18+$0x0] =	vst.idx.msk $0xffff, v7  }
0x4a1: {  	s30 =	simm.s32 $0x100;
	[tilespmem:v6+s18+$0x0] =	vst.idx.msk $0xffff, v8  }
0x4a2: {  	v6 =	vmov s30;
	v7 =	vld [tilespmem:s22+$0x0]  }
0x4a3: {  	v8 =	vld [tilespmem:s22+$0x10];
	v6 =	vand.u32 $0x17C, v6  }
0x4a4: {  	v57 =	vadd.s32 v0, v6  }
0x4a5: {  	v6 =	vadd.s32 v2, v6;
	_ =	sdelay $0x1  }
0x4a6: {  	v7 =	vadd.f32 v7, v4  }
0x4a7: {  	v8 =	vadd.f32 v8, v3  }
0x4a8: {  	[tilespmem:v57+s18+$0x0] =	vst.idx.msk $0xffff, v7  }
0x4a9: {  	s24 =	simm.s32 $0x101;
	[tilespmem:v6+s18+$0x0] =	vst.idx.msk $0xffff, v8  }
0x4aa: {  	v6 =	vmov s24;
	v7 =	vld [tilespmem:s22+$0x20]  }
0x4ab: {  	v8 =	vld [tilespmem:s22+$0x30];
	v6 =	vand.u32 $0x17D, v6  }
0x4ac: {  	v58 =	vadd.s32 v0, v6  }
0x4ad: {  	v6 =	vadd.s32 v2, v6;
	_ =	sdelay $0x1  }
0x4ae: {  	v7 =	vadd.f32 v7, v4  }
0x4af: {  	v8 =	vadd.f32 v8, v3  }
0x4b0: {  	[tilespmem:v58+s18+$0x0] =	vst.idx.msk $0xffff, v7  }
0x4b1: {  	s25 =	simm.s32 $0x102;
	[tilespmem:v6+s18+$0x0] =	vst.idx.msk $0xffff, v8  }
0x4b2: {  	v6 =	vmov s25;
	v7 =	vld [tilespmem:s22+$0x40]  }
0x4b3: {  	v8 =	vld [tilespmem:s22+$0x50];
	v6 =	vand.u32 $0x17E, v6  }
0x4b4: {  	v59 =	vadd.s32 v0, v6  }
0x4b5: {  	v6 =	vadd.s32 v2, v6;
	_ =	sdelay $0x1  }
0x4b6: {  	v7 =	vadd.f32 v7, v4  }
0x4b7: {  	v8 =	vadd.f32 v8, v3  }
0x4b8: {  	[tilespmem:v59+s18+$0x0] =	vst.idx.msk $0xffff, v7  }
0x4b9: {  	s26 =	simm.s32 $0x103;
	[tilespmem:v6+s18+$0x0] =	vst.idx.msk $0xffff, v8  }
0x4ba: {  	v6 =	vmov s26;
	v7 =	vld [tilespmem:s22+$0x60]  }
0x4bb: {  	v8 =	vld [tilespmem:s22+$0x70];
	v6 =	vand.u32 $0x17F, v6  }
0x4bc: {  	v60 =	vadd.s32 v0, v6  }
0x4bd: {  	v6 =	vadd.s32 v2, v6;
	_ =	sdelay $0x1  }
0x4be: {  	v7 =	vadd.f32 v7, v4  }
0x4bf: {  	v8 =	vadd.f32 v8, v3  }
0x4c0: {  	[tilespmem:v60+s18+$0x0] =	vst.idx.msk $0xffff, v7  }
0x4c1: {  	s28 =	simm.s32 $0x180;
	[tilespmem:v6+s18+$0x0] =	vst.idx.msk $0xffff, v8  }
0x4c2: {  	v6 =	vmov s28;
	v7 =	vld [tilespmem:s22+$0x1000]  }
0x4c3: {  	v8 =	vld [tilespmem:s22+$0x1010];
	v6 =	vand.u32 $0x1FC, v6  }
0x4c4: {  	v61 =	vadd.s32 v0, v6  }
0x4c5: {  	v6 =	vadd.s32 v2, v6;
	_ =	sdelay $0x1  }
0x4c6: {  	v7 =	vadd.f32 v7, v4  }
0x4c7: {  	v8 =	vadd.f32 v8, v3  }
0x4c8: {  	[tilespmem:v61+s18+$0x0] =	vst.idx.msk $0xffff, v7  }
0x4c9: {  	s29 =	simm.s32 $0x181;
	[tilespmem:v6+s18+$0x0] =	vst.idx.msk $0xffff, v8  }
0x4ca: {  	v6 =	vmov s29;
	v7 =	vld [tilespmem:s22+$0x1020]  }
0x4cb: {  	v8 =	vld [tilespmem:s22+$0x1030];
	v6 =	vand.u32 $0x1FD, v6  }
0x4cc: {  	v62 =	vadd.s32 v0, v6  }
0x4cd: {  	v6 =	vadd.s32 v2, v6;
	_ =	sdelay $0x1  }
0x4ce: {  	v7 =	vadd.f32 v7, v4  }
0x4cf: {  	v8 =	vadd.f32 v8, v3  }
0x4d0: {  	[tilespmem:v62+s18+$0x0] =	vst.idx.msk $0xffff, v7  }
0x4d1: {  	[tilespmem:v6+s18+$0x0] =	vst.idx.msk $0xffff, v8  }
0x4d2: {  	v6 =	vld [tilespmem:s22+$0x1040]  }
0x4d3: {  	v5 =	vand.u32 $0x1FE, v5;
	v7 =	vld [tilespmem:s22+$0x1050]  }
0x4d4: {  	v8 =	vadd.s32 v0, v5  }
0x4d5: {  	v5 =	vadd.s32 v2, v5;
	_ =	sdelay $0x1  }
0x4d6: {  	v6 =	vadd.f32 v6, v4  }
0x4d7: {  	v7 =	vadd.f32 v7, v3  }
0x4d8: {  	[tilespmem:v8+s18+$0x0] =	vst.idx.msk $0xffff, v6  }
0x4d9: {  	s30 =	simm.s32 $0x183;
	[tilespmem:v5+s18+$0x0] =	vst.idx.msk $0xffff, v7  }
0x4da: {  	v5 =	vmov s30;
	v6 =	vld [tilespmem:s22+$0x1060]  }
0x4db: {  	v5 =	vand.u32 $0x1FF, v5  }
0x4dc: {  	v7 =	vld [tilespmem:s22+$0x1070];
	v8 =	vadd.s32 v0, v5;
	_ =	sdelay $0x1  }
0x4dd: {  	v5 =	vadd.s32 v2, v5  }
0x4de: {  	v63 =	vadd.f32 v6, v4;
	_ =	sdelay $0x1  }
0x4df: {  	s23 =	simm.s32 $0x187;
	s26 =	simm.s32 $0x18B;
	v6 =	vadd.f32 v7, v3;
	[tilespmem:v8+s18+$0x0] =	vst.idx.msk $0xffff, v63  }
.LBB2_13:
0x4e0: {  	s28 =	sadd.s32 $0xFFFFFE7D, s23  }
0x4e1: {  	[tilespmem:v5+s18+$0x0] =	vst.idx.msk $0xffff, v6;
	s22 =	sadd.s32 $0x80, s22;
	s25 =	smov.u32 s26;
	s24 =	sadd.s32 $0x4, s26  }
0x4e2: {  	p0 =	sne.s32 s26, $0x1FF;
	v5 =	vmov s28;
	v6 =	vld [tilespmem:s22+$0xFFFFE000]  }
0x4e3: {  	v7 =	vld [tilespmem:s22+$0xFFFFE010];
	v5 =	vand.u32 $0x7C, v5  }
0x4e4: {  	v8 =	vadd.s32 v0, v5  }
0x4e5: {  	v5 =	vadd.s32 v2, v5;
	_ =	sdelay $0x1  }
0x4e6: {  	v6 =	vadd.f32 v6, v4  }
0x4e7: {  	v7 =	vadd.f32 v7, v3  }
0x4e8: {  	[tilespmem:v8+s18+$0x0] =	vst.idx.msk $0xffff, v6  }
0x4e9: {  	s26 =	sadd.s32 $0xFFFFFE7E, s23;
	[tilespmem:v5+s18+$0x0] =	vst.idx.msk $0xffff, v7  }
0x4ea: {  	v5 =	vmov s26;
	v6 =	vld [tilespmem:s22+$0xFFFFE020]  }
0x4eb: {  	v5 =	vand.u32 $0x7D, v5;
	v7 =	vld [tilespmem:s22+$0xFFFFE030]  }
0x4ec: {  	v8 =	vadd.s32 v0, v5  }
0x4ed: {  	v5 =	vadd.s32 v2, v5;
	_ =	sdelay $0x1  }
0x4ee: {  	v6 =	vadd.f32 v6, v4  }
0x4ef: {  	v7 =	vadd.f32 v7, v3  }
0x4f0: {  	[tilespmem:v8+s18+$0x0] =	vst.idx.msk $0xffff, v6  }
0x4f1: {  	s26 =	sadd.s32 $0xFFFFFFFF, s23;
	[tilespmem:v5+s18+$0x0] =	vst.idx.msk $0xffff, v7  }
0x4f2: {  	v5 =	vmov s26;
	v6 =	vld [tilespmem:s22+$0xFFFFE040]  }
0x4f3: {  	v8 =	vand.u32 $0x7E, v5;
	v7 =	vld [tilespmem:s22+$0xFFFFE050]  }
0x4f4: {  	v9 =	vadd.s32 v0, v8  }
0x4f5: {  	v8 =	vadd.s32 v2, v8;
	_ =	sdelay $0x1  }
0x4f6: {  	v6 =	vadd.f32 v6, v4  }
0x4f7: {  	v7 =	vadd.f32 v7, v3  }
0x4f8: {  	[tilespmem:v9+s18+$0x0] =	vst.idx.msk $0xffff, v6  }
0x4f9: {  	s26 =	sadd.s32 $0xFFFFFE80, s23;
	[tilespmem:v8+s18+$0x0] =	vst.idx.msk $0xffff, v7  }
0x4fa: {  	v6 =	vmov s26;
	v7 =	vld [tilespmem:s22+$0xFFFFE060]  }
0x4fb: {  	v6 =	vand.u32 $0x7F, v6;
	v8 =	vld [tilespmem:s22+$0xFFFFE070]  }
0x4fc: {  	v9 =	vadd.s32 v0, v6  }
0x4fd: {  	v6 =	vadd.s32 v2, v6;
	_ =	sdelay $0x1  }
0x4fe: {  	v7 =	vadd.f32 v7, v4  }
0x4ff: {  	v8 =	vadd.f32 v8, v3  }
0x500: {  	[tilespmem:v9+s18+$0x0] =	vst.idx.msk $0xffff, v7  }
0x501: {  	s26 =	sadd.s32 $0xFFFFFEFD, s23;
	[tilespmem:v6+s18+$0x0] =	vst.idx.msk $0xffff, v8  }
0x502: {  	v6 =	vmov s26;
	v7 =	vld [tilespmem:s22+$0xFFFFF000]  }
0x503: {  	v6 =	vand.u32 $0xFC, v6;
	v8 =	vld [tilespmem:s22+$0xFFFFF010]  }
0x504: {  	v9 =	vadd.s32 v0, v6  }
0x505: {  	v6 =	vadd.s32 v2, v6;
	_ =	sdelay $0x1  }
0x506: {  	v7 =	vadd.f32 v7, v4  }
0x507: {  	v8 =	vadd.f32 v8, v3  }
0x508: {  	[tilespmem:v9+s18+$0x0] =	vst.idx.msk $0xffff, v7  }
0x509: {  	s26 =	sadd.s32 $0xFFFFFEFE, s23;
	[tilespmem:v6+s18+$0x0] =	vst.idx.msk $0xffff, v8  }
0x50a: {  	v6 =	vmov s26;
	v7 =	vld [tilespmem:s22+$0xFFFFF020]  }
0x50b: {  	v6 =	vand.u32 $0xFD, v6;
	v8 =	vld [tilespmem:s22+$0xFFFFF030]  }
0x50c: {  	v9 =	vadd.s32 v0, v6  }
0x50d: {  	v6 =	vadd.s32 v2, v6;
	_ =	sdelay $0x1  }
0x50e: {  	v7 =	vadd.f32 v7, v4  }
0x50f: {  	v8 =	vadd.f32 v8, v3  }
0x510: {  	[tilespmem:v9+s18+$0x0] =	vst.idx.msk $0xffff, v7  }
0x511: {  	[tilespmem:v6+s18+$0x0] =	vst.idx.msk $0xffff, v8  }
0x512: {  	v6 =	vld [tilespmem:s22+$0xFFFFF040]  }
0x513: {  	v8 =	vand.u32 $0xFE, v5;
	v7 =	vld [tilespmem:s22+$0xFFFFF050]  }
0x514: {  	v9 =	vadd.s32 v0, v8  }
0x515: {  	v8 =	vadd.s32 v2, v8;
	_ =	sdelay $0x1  }
0x516: {  	v6 =	vadd.f32 v6, v4  }
0x517: {  	v7 =	vadd.f32 v7, v3  }
0x518: {  	[tilespmem:v9+s18+$0x0] =	vst.idx.msk $0xffff, v6  }
0x519: {  	s26 =	sadd.s32 $0xFFFFFF00, s23;
	[tilespmem:v8+s18+$0x0] =	vst.idx.msk $0xffff, v7  }
0x51a: {  	v6 =	vmov s26;
	v7 =	vld [tilespmem:s22+$0xFFFFF060]  }
0x51b: {  	v6 =	vand.u32 $0xFF, v6;
	v8 =	vld [tilespmem:s22+$0xFFFFF070]  }
0x51c: {  	v9 =	vadd.s32 v0, v6  }
0x51d: {  	v6 =	vadd.s32 v2, v6;
	_ =	sdelay $0x1  }
0x51e: {  	v7 =	vadd.f32 v7, v4  }
0x51f: {  	v8 =	vadd.f32 v8, v3  }
0x520: {  	[tilespmem:v9+s18+$0x0] =	vst.idx.msk $0xffff, v7  }
0x521: {  	s26 =	sadd.s32 $0xFFFFFF7D, s23;
	[tilespmem:v6+s18+$0x0] =	vst.idx.msk $0xffff, v8  }
0x522: {  	v6 =	vmov s26;
	v7 =	vld [tilespmem:s22+$0x0]  }
0x523: {  	v6 =	vand.u32 $0x17C, v6;
	v8 =	vld [tilespmem:s22+$0x10]  }
0x524: {  	v9 =	vadd.s32 v0, v6  }
0x525: {  	v6 =	vadd.s32 v2, v6;
	_ =	sdelay $0x1  }
0x526: {  	v7 =	vadd.f32 v7, v4  }
0x527: {  	v8 =	vadd.f32 v8, v3  }
0x528: {  	[tilespmem:v9+s18+$0x0] =	vst.idx.msk $0xffff, v7  }
0x529: {  	s26 =	sadd.s32 $0xFFFFFF7E, s23;
	[tilespmem:v6+s18+$0x0] =	vst.idx.msk $0xffff, v8  }
0x52a: {  	v6 =	vmov s26;
	v7 =	vld [tilespmem:s22+$0x20]  }
0x52b: {  	v6 =	vand.u32 $0x17D, v6;
	v8 =	vld [tilespmem:s22+$0x30]  }
0x52c: {  	v9 =	vadd.s32 v0, v6  }
0x52d: {  	v6 =	vadd.s32 v2, v6;
	_ =	sdelay $0x1  }
0x52e: {  	v7 =	vadd.f32 v7, v4  }
0x52f: {  	v8 =	vadd.f32 v8, v3  }
0x530: {  	[tilespmem:v9+s18+$0x0] =	vst.idx.msk $0xffff, v7  }
0x531: {  	s26 =	sadd.s32 $0xFFFFFF7F, s23;
	[tilespmem:v6+s18+$0x0] =	vst.idx.msk $0xffff, v8  }
0x532: {  	v6 =	vmov s26;
	v7 =	vld [tilespmem:s22+$0x40]  }
0x533: {  	v6 =	vand.u32 $0x17E, v6;
	v8 =	vld [tilespmem:s22+$0x50]  }
0x534: {  	v9 =	vadd.s32 v0, v6  }
0x535: {  	v6 =	vadd.s32 v2, v6;
	_ =	sdelay $0x1  }
0x536: {  	v7 =	vadd.f32 v7, v4  }
0x537: {  	v8 =	vadd.f32 v8, v3  }
0x538: {  	[tilespmem:v9+s18+$0x0] =	vst.idx.msk $0xffff, v7  }
0x539: {  	s26 =	sadd.s32 $0xFFFFFF80, s23;
	[tilespmem:v6+s18+$0x0] =	vst.idx.msk $0xffff, v8  }
0x53a: {  	v6 =	vmov s26;
	v7 =	vld [tilespmem:s22+$0x60]  }
0x53b: {  	v6 =	vand.u32 $0x17F, v6;
	v8 =	vld [tilespmem:s22+$0x70]  }
0x53c: {  	v9 =	vadd.s32 v0, v6  }
0x53d: {  	v6 =	vadd.s32 v2, v6;
	_ =	sdelay $0x1  }
0x53e: {  	v7 =	vadd.f32 v7, v4  }
0x53f: {  	v8 =	vadd.f32 v8, v3  }
0x540: {  	[tilespmem:v9+s18+$0x0] =	vst.idx.msk $0xffff, v7  }
0x541: {  	s26 =	sadd.s32 $0xFFFFFFFD, s23;
	[tilespmem:v6+s18+$0x0] =	vst.idx.msk $0xffff, v8  }
0x542: {  	v6 =	vmov s26;
	v7 =	vld [tilespmem:s22+$0x1000]  }
0x543: {  	v6 =	vand.u32 $0x1FC, v6;
	v8 =	vld [tilespmem:s22+$0x1010]  }
0x544: {  	v9 =	vadd.s32 v0, v6  }
0x545: {  	v6 =	vadd.s32 v2, v6;
	_ =	sdelay $0x1  }
0x546: {  	v7 =	vadd.f32 v7, v4  }
0x547: {  	v8 =	vadd.f32 v8, v3  }
0x548: {  	[tilespmem:v9+s18+$0x0] =	vst.idx.msk $0xffff, v7  }
0x549: {  	s26 =	sadd.s32 $0xFFFFFFFE, s23;
	[tilespmem:v6+s18+$0x0] =	vst.idx.msk $0xffff, v8  }
0x54a: {  	v6 =	vmov s26;
	v7 =	vld [tilespmem:s22+$0x1020]  }
0x54b: {  	v6 =	vand.u32 $0x1FD, v6;
	v8 =	vld [tilespmem:s22+$0x1030]  }
0x54c: {  	v9 =	vadd.s32 v0, v6  }
0x54d: {  	v6 =	vadd.s32 v2, v6;
	_ =	sdelay $0x1  }
0x54e: {  	v7 =	vadd.f32 v7, v4  }
0x54f: {  	v8 =	vadd.f32 v8, v3  }
0x550: {  	[tilespmem:v9+s18+$0x0] =	vst.idx.msk $0xffff, v7  }
0x551: {  	[tilespmem:v6+s18+$0x0] =	vst.idx.msk $0xffff, v8  }
0x552: {  	v6 =	vld [tilespmem:s22+$0x1040]  }
0x553: {  	v5 =	vand.u32 $0x1FE, v5;
	v7 =	vld [tilespmem:s22+$0x1050]  }
0x554: {  	v8 =	vadd.s32 v0, v5  }
0x555: {  	v5 =	vadd.s32 v2, v5;
	_ =	sdelay $0x1  }
0x556: {  	v6 =	vadd.f32 v6, v4  }
0x557: {  	v7 =	vadd.f32 v7, v3  }
0x558: {  	[tilespmem:v8+s18+$0x0] =	vst.idx.msk $0xffff, v6  }
0x559: {  	[tilespmem:v5+s18+$0x0] =	vst.idx.msk $0xffff, v7  }
0x55a: {  	v5 =	vmov s23;
	s23 =	smov.u32 s25;
	v6 =	vld [tilespmem:s22+$0x1060]  }
0x55b: {  	v5 =	vand.u32 $0x1FF, v5;
	v7 =	vld [tilespmem:s22+$0x1070]  }
0x55c: {  	v8 =	vadd.s32 v0, v5  }
.Ltmp5:
0x55d: {  	v5 =	vadd.s32 v2, v5;
	(pc) =	sbr.rel @p0 .LBB2_13-.Ltmp5, $4  }
0x55e: {  	_ = 	snop  }
0x55f: {  	v9 =	vadd.f32 v6, v4  }
0x560: {  	v6 =	vadd.f32 v7, v3  }
0x561: {  	s26 =	smov.u32 s24;
	[tilespmem:v8+s18+$0x0] =	vst.idx.msk $0xffff, v9  }
0x562: {  	_ =	sdelay $0x3  }
0x563: {  	s24 =	sadd.s32 $0xFFFFFE7D, s23;
	[tilespmem:v5+s18+$0x0] =	vst.idx.msk $0xffff, v6;
	s22 =	sadd.s32 $0x80, s22  }
0x564: {  	v33 =	vmov s24;
	v6 =	vld [tilespmem:s22+$0xFFFFE000]  }
0x565: {  	v7 =	vld [tilespmem:s22+$0xFFFFE010];
	v5 =	vand.u32 $0x7C, v33  }
0x566: {  	v8 =	vadd.s32 v0, v5  }
0x567: {  	v5 =	vadd.s32 v2, v5;
	_ =	sdelay $0x1  }
0x568: {  	v6 =	vadd.f32 v6, v4  }
0x569: {  	v7 =	vadd.f32 v7, v3  }
0x56a: {  	[tilespmem:v8+s18+$0x0] =	vst.idx.msk $0xffff, v6  }
0x56b: {  	s25 =	sadd.s32 $0xFFFFFE7E, s23;
	[tilespmem:v5+s18+$0x0] =	vst.idx.msk $0xffff, v7  }
0x56c: {  	v34 =	vmov s25;
	v6 =	vld [tilespmem:s22+$0xFFFFE020]  }
0x56d: {  	v5 =	vand.u32 $0x7D, v34;
	v7 =	vld [tilespmem:s22+$0xFFFFE030]  }
0x56e: {  	v35 =	vadd.s32 v0, v5  }
0x56f: {  	v5 =	vadd.s32 v2, v5;
	_ =	sdelay $0x1  }
0x570: {  	v6 =	vadd.f32 v6, v4  }
0x571: {  	v7 =	vadd.f32 v7, v3  }
0x572: {  	[tilespmem:v35+s18+$0x0] =	vst.idx.msk $0xffff, v6  }
0x573: {  	s26 =	sadd.s32 $0xFFFFFFFF, s23;
	[tilespmem:v5+s18+$0x0] =	vst.idx.msk $0xffff, v7  }
0x574: {  	v36 =	vmov s26;
	v6 =	vld [tilespmem:s22+$0xFFFFE040]  }
0x575: {  	v37 =	vand.u32 $0x7E, v36;
	v7 =	vld [tilespmem:s22+$0xFFFFE050]  }
0x576: {  	v9 =	vadd.s32 v0, v37  }
0x577: {  	v8 =	vadd.s32 v2, v37;
	_ =	sdelay $0x1  }
0x578: {  	v6 =	vadd.f32 v6, v4  }
0x579: {  	v7 =	vadd.f32 v7, v3  }
0x57a: {  	[tilespmem:v9+s18+$0x0] =	vst.idx.msk $0xffff, v6  }
0x57b: {  	s28 =	sadd.s32 $0xFFFFFE80, s23;
	[tilespmem:v8+s18+$0x0] =	vst.idx.msk $0xffff, v7  }
0x57c: {  	v38 =	vmov s28;
	v7 =	vld [tilespmem:s22+$0xFFFFE060]  }
0x57d: {  	v6 =	vand.u32 $0x7F, v38;
	v8 =	vld [tilespmem:s22+$0xFFFFE070]  }
0x57e: {  	v39 =	vadd.s32 v0, v6  }
0x57f: {  	v6 =	vadd.s32 v2, v6;
	_ =	sdelay $0x1  }
0x580: {  	v7 =	vadd.f32 v7, v4  }
0x581: {  	v8 =	vadd.f32 v8, v3  }
0x582: {  	[tilespmem:v39+s18+$0x0] =	vst.idx.msk $0xffff, v7  }
0x583: {  	s29 =	sadd.s32 $0xFFFFFEFD, s23;
	[tilespmem:v6+s18+$0x0] =	vst.idx.msk $0xffff, v8  }
0x584: {  	v40 =	vmov s29;
	v7 =	vld [tilespmem:s22+$0xFFFFF000]  }
0x585: {  	v6 =	vand.u32 $0xFC, v40;
	v8 =	vld [tilespmem:s22+$0xFFFFF010]  }
0x586: {  	v41 =	vadd.s32 v0, v6  }
0x587: {  	v6 =	vadd.s32 v2, v6;
	_ =	sdelay $0x1  }
0x588: {  	v7 =	vadd.f32 v7, v4  }
0x589: {  	v8 =	vadd.f32 v8, v3  }
0x58a: {  	[tilespmem:v41+s18+$0x0] =	vst.idx.msk $0xffff, v7  }
0x58b: {  	s30 =	sadd.s32 $0xFFFFFEFE, s23;
	[tilespmem:v6+s18+$0x0] =	vst.idx.msk $0xffff, v8  }
0x58c: {  	v42 =	vmov s30;
	v7 =	vld [tilespmem:s22+$0xFFFFF020]  }
0x58d: {  	v6 =	vand.u32 $0xFD, v42;
	v8 =	vld [tilespmem:s22+$0xFFFFF030]  }
0x58e: {  	v43 =	vadd.s32 v0, v6  }
0x58f: {  	v6 =	vadd.s32 v2, v6;
	_ =	sdelay $0x1  }
0x590: {  	v7 =	vadd.f32 v7, v4  }
0x591: {  	v8 =	vadd.f32 v8, v3  }
0x592: {  	[tilespmem:v43+s18+$0x0] =	vst.idx.msk $0xffff, v7  }
0x593: {  	[tilespmem:v6+s18+$0x0] =	vst.idx.msk $0xffff, v8  }
0x594: {  	v6 =	vld [tilespmem:s22+$0xFFFFF040]  }
0x595: {  	v44 =	vand.u32 $0xFE, v36;
	v7 =	vld [tilespmem:s22+$0xFFFFF050]  }
0x596: {  	v45 =	vadd.s32 v0, v44  }
0x597: {  	v8 =	vadd.s32 v2, v44;
	_ =	sdelay $0x1  }
0x598: {  	v6 =	vadd.f32 v6, v4  }
0x599: {  	v7 =	vadd.f32 v7, v3  }
0x59a: {  	[tilespmem:v45+s18+$0x0] =	vst.idx.msk $0xffff, v6  }
0x59b: {  	s25 =	sadd.s32 $0xFFFFFF00, s23;
	[tilespmem:v8+s18+$0x0] =	vst.idx.msk $0xffff, v7  }
0x59c: {  	v46 =	vmov s25;
	v7 =	vld [tilespmem:s22+$0xFFFFF060]  }
0x59d: {  	v6 =	vand.u32 $0xFF, v46;
	v8 =	vld [tilespmem:s22+$0xFFFFF070]  }
0x59e: {  	v47 =	vadd.s32 v0, v6  }
0x59f: {  	v6 =	vadd.s32 v2, v6;
	_ =	sdelay $0x1  }
0x5a0: {  	v7 =	vadd.f32 v7, v4  }
0x5a1: {  	v8 =	vadd.f32 v8, v3  }
0x5a2: {  	[tilespmem:v47+s18+$0x0] =	vst.idx.msk $0xffff, v7  }
0x5a3: {  	s26 =	sadd.s32 $0xFFFFFF7D, s23;
	[tilespmem:v6+s18+$0x0] =	vst.idx.msk $0xffff, v8  }
0x5a4: {  	v48 =	vmov s26;
	v7 =	vld [tilespmem:s22+$0x0]  }
0x5a5: {  	v6 =	vand.u32 $0x17C, v48;
	v8 =	vld [tilespmem:s22+$0x10]  }
0x5a6: {  	v49 =	vadd.s32 v0, v6  }
0x5a7: {  	v6 =	vadd.s32 v2, v6;
	_ =	sdelay $0x1  }
0x5a8: {  	v7 =	vadd.f32 v7, v4  }
0x5a9: {  	v8 =	vadd.f32 v8, v3  }
0x5aa: {  	[tilespmem:v49+s18+$0x0] =	vst.idx.msk $0xffff, v7  }
0x5ab: {  	s28 =	sadd.s32 $0xFFFFFF7E, s23;
	[tilespmem:v6+s18+$0x0] =	vst.idx.msk $0xffff, v8  }
0x5ac: {  	v50 =	vmov s28;
	v7 =	vld [tilespmem:s22+$0x20]  }
0x5ad: {  	v6 =	vand.u32 $0x17D, v50;
	v8 =	vld [tilespmem:s22+$0x30]  }
0x5ae: {  	v51 =	vadd.s32 v0, v6  }
0x5af: {  	v6 =	vadd.s32 v2, v6;
	_ =	sdelay $0x1  }
0x5b0: {  	v7 =	vadd.f32 v7, v4  }
0x5b1: {  	v8 =	vadd.f32 v8, v3  }
0x5b2: {  	[tilespmem:v51+s18+$0x0] =	vst.idx.msk $0xffff, v7  }
0x5b3: {  	s29 =	sadd.s32 $0xFFFFFF7F, s23;
	[tilespmem:v6+s18+$0x0] =	vst.idx.msk $0xffff, v8  }
0x5b4: {  	v52 =	vmov s29;
	v7 =	vld [tilespmem:s22+$0x40]  }
0x5b5: {  	v6 =	vand.u32 $0x17E, v52;
	v8 =	vld [tilespmem:s22+$0x50]  }
0x5b6: {  	v53 =	vadd.s32 v0, v6  }
0x5b7: {  	v6 =	vadd.s32 v2, v6;
	_ =	sdelay $0x1  }
0x5b8: {  	v7 =	vadd.f32 v7, v4  }
0x5b9: {  	v8 =	vadd.f32 v8, v3  }
0x5ba: {  	[tilespmem:v53+s18+$0x0] =	vst.idx.msk $0xffff, v7  }
0x5bb: {  	s30 =	sadd.s32 $0xFFFFFF80, s23;
	[tilespmem:v6+s18+$0x0] =	vst.idx.msk $0xffff, v8  }
0x5bc: {  	v54 =	vmov s30;
	v7 =	vld [tilespmem:s22+$0x60]  }
0x5bd: {  	v6 =	vand.u32 $0x17F, v54;
	v8 =	vld [tilespmem:s22+$0x70]  }
0x5be: {  	v55 =	vadd.s32 v0, v6  }
0x5bf: {  	v6 =	vadd.s32 v2, v6;
	_ =	sdelay $0x1  }
0x5c0: {  	v7 =	vadd.f32 v7, v4  }
0x5c1: {  	v8 =	vadd.f32 v8, v3  }
0x5c2: {  	[tilespmem:v55+s18+$0x0] =	vst.idx.msk $0xffff, v7  }
0x5c3: {  	s25 =	sadd.s32 $0xFFFFFFFD, s23;
	[tilespmem:v6+s18+$0x0] =	vst.idx.msk $0xffff, v8  }
0x5c4: {  	v56 =	vmov s25;
	v7 =	vld [tilespmem:s22+$0x1000]  }
0x5c5: {  	v6 =	vand.u32 $0x1FC, v56;
	v8 =	vld [tilespmem:s22+$0x1010]  }
0x5c6: {  	v57 =	vadd.s32 v0, v6  }
0x5c7: {  	v6 =	vadd.s32 v2, v6;
	_ =	sdelay $0x1  }
0x5c8: {  	v7 =	vadd.f32 v7, v4  }
0x5c9: {  	v8 =	vadd.f32 v8, v3  }
0x5ca: {  	[tilespmem:v57+s18+$0x0] =	vst.idx.msk $0xffff, v7  }
0x5cb: {  	s26 =	sadd.s32 $0xFFFFFFFE, s23;
	[tilespmem:v6+s18+$0x0] =	vst.idx.msk $0xffff, v8  }
0x5cc: {  	v58 =	vmov s26;
	v7 =	vld [tilespmem:s22+$0x1020]  }
0x5cd: {  	v6 =	vand.u32 $0x1FD, v58;
	v8 =	vld [tilespmem:s22+$0x1030]  }
0x5ce: {  	v59 =	vadd.s32 v0, v6  }
0x5cf: {  	v6 =	vadd.s32 v2, v6;
	_ =	sdelay $0x1  }
0x5d0: {  	v7 =	vadd.f32 v7, v4  }
0x5d1: {  	v8 =	vadd.f32 v8, v3  }
0x5d2: {  	[tilespmem:v59+s18+$0x0] =	vst.idx.msk $0xffff, v7  }
0x5d3: {  	[tilespmem:v6+s18+$0x0] =	vst.idx.msk $0xffff, v8  }
0x5d4: {  	v6 =	vld [tilespmem:s22+$0x1040]  }
0x5d5: {  	v5 =	vand.u32 $0x1FE, v36;
	v7 =	vld [tilespmem:s22+$0x1050]  }
0x5d6: {  	v60 =	vadd.s32 v0, v5  }
0x5d7: {  	v5 =	vadd.s32 v2, v5;
	_ =	sdelay $0x1  }
0x5d8: {  	v6 =	vadd.f32 v6, v4  }
0x5d9: {  	v7 =	vadd.f32 v7, v3  }
0x5da: {  	[tilespmem:v60+s18+$0x0] =	vst.idx.msk $0xffff, v6  }
0x5db: {  	[tilespmem:v5+s18+$0x0] =	vst.idx.msk $0xffff, v7  }
0x5dc: {  	v61 =	vmov s23;
	v6 =	vld [tilespmem:s22+$0x1060]  }
0x5dd: {  	v5 =	vand.u32 $0x1FF, v61;
	v7 =	vld [tilespmem:s22+$0x1070]  }
0x5de: {  	v62 =	vadd.s32 v0, v5  }
0x5df: {  	v5 =	vadd.s32 v2, v5;
	_ =	sdelay $0x1  }
0x5e0: {  	s23 =	sshll.u32 s21, $0x13;
	v63 =	vadd.f32 v6, v4  }
0x5e1: {  	s21 =	sor.u32 s6, s23;
	v3 =	vadd.f32 v7, v3  }
0x5e2: {  	s24 =	sshrl.u32 s21, $0x3;
	[tilespmem:v62+s18+$0x0] =	vst.idx.msk $0xffff, v63  }
0x5e3: {  	s21 =	sadd.s32 s2, s24;
	[tilespmem:v5+s18+$0x0] =	vst.idx.msk $0xffff, v3  }
0x5e4: {  	[hbm4b:s21+s3] =	stream.linear.scatter [tilespmem:s18], [sflag:$0x4], $0x80, $0x38;
	[tilespmem:$0x14940] =	vst v63  }
0x5e5: {  	s25 =	simm.s32 $0x10A48;
	s28 =	sadd.s32 $0x10, s21  }
0x5e6: {  	[hbm4b:s28+s3] =	stream.linear.scatter [tilespmem:s25], [sflag:$0x4], $0x80, $0x38;
	[tilespmem:$0x14940] =	vst v63  }
0x5e7: {  	s30 =	simm.s32 $0x10C50;
	s29 =	sadd.s32 $0x20, s21  }
0x5e8: {  	[hbm4b:s29+s3] =	stream.linear.scatter [tilespmem:s30], [sflag:$0x4], $0x80, $0x38;
	[tilespmem:$0x14940] =	vst v63  }
0x5e9: {  	s26 =	sadd.s32 $0x30, s21;
	s28 =	simm.s32 $0x10E58  }
0x5ea: {  	[hbm4b:s26+s3] =	stream.linear.scatter [tilespmem:s28], [sflag:$0x4], $0x80, $0x38;
	[tilespmem:$0x14940] =	vst v63  }
0x5eb: {  	s29 =	sadd.s32 $0x40, s21;
	s30 =	simm.s32 $0x11060  }
0x5ec: {  	[hbm4b:s29+s3] =	stream.linear.scatter [tilespmem:s30], [sflag:$0x4], $0x80, $0x38;
	[tilespmem:$0x14940] =	vst v63  }
0x5ed: {  	s25 =	sadd.s32 $0x50, s21;
	s26 =	simm.s32 $0x11268  }
0x5ee: {  	[hbm4b:s25+s3] =	stream.linear.scatter [tilespmem:s26], [sflag:$0x4], $0x80, $0x38;
	[tilespmem:$0x14940] =	vst v63  }
0x5ef: {  	s28 =	sadd.s32 $0x60, s21;
	s29 =	simm.s32 $0x11470  }
0x5f0: {  	[hbm4b:s28+s3] =	stream.linear.scatter [tilespmem:s29], [sflag:$0x4], $0x80, $0x38;
	[tilespmem:$0x14940] =	vst v63  }
0x5f1: {  	s22 =	sor.u32 s8, s23;
	s21 =	sadd.s32 $0x70, s21;
	s30 =	simm.s32 $0x11678  }
0x5f2: {  	[hbm4b:s21+s3] =	stream.linear.scatter [tilespmem:s30], [sflag:$0x4], $0x80, $0x38;
	[tilespmem:$0x14940] =	vst v63  }
0x5f3: {  	s21 =	sshrl.u32 s22, $0x3  }
0x5f4: {  	s25 =	simm.s32 $0x108C0;
	s21 =	sadd.s32 s2, s21  }
0x5f5: {  	[hbm4b:s21+s3] =	stream.linear.scatter [tilespmem:s25], [sflag:$0x4], $0x80, $0x38;
	[tilespmem:$0x14940] =	vst v63  }
0x5f6: {  	s28 =	simm.s32 $0x10AC8;
	s26 =	sadd.s32 $0x10, s21  }
0x5f7: {  	[hbm4b:s26+s3] =	stream.linear.scatter [tilespmem:s28], [sflag:$0x4], $0x80, $0x38;
	[tilespmem:$0x14940] =	vst v63  }
0x5f8: {  	s30 =	simm.s32 $0x10CD0;
	s29 =	sadd.s32 $0x20, s21  }
0x5f9: {  	[hbm4b:s29+s3] =	stream.linear.scatter [tilespmem:s30], [sflag:$0x4], $0x80, $0x38;
	[tilespmem:$0x14940] =	vst v63  }
0x5fa: {  	s26 =	sadd.s32 $0x30, s21;
	s28 =	simm.s32 $0x10ED8  }
0x5fb: {  	[hbm4b:s26+s3] =	stream.linear.scatter [tilespmem:s28], [sflag:$0x4], $0x80, $0x38;
	[tilespmem:$0x14940] =	vst v63  }
0x5fc: {  	s29 =	sadd.s32 $0x40, s21;
	s30 =	simm.s32 $0x110E0  }
0x5fd: {  	[hbm4b:s29+s3] =	stream.linear.scatter [tilespmem:s30], [sflag:$0x4], $0x80, $0x38;
	[tilespmem:$0x14940] =	vst v63  }
0x5fe: {  	s26 =	sadd.s32 $0x50, s21;
	s28 =	simm.s32 $0x112E8  }
0x5ff: {  	[hbm4b:s26+s3] =	stream.linear.scatter [tilespmem:s28], [sflag:$0x4], $0x80, $0x38;
	[tilespmem:$0x14940] =	vst v63  }
0x600: {  	s29 =	sadd.s32 $0x60, s21;
	s30 =	simm.s32 $0x114F0;
	s28 =	sor.u32 s9, s23  }
0x601: {  	[hbm4b:s29+s3] =	stream.linear.scatter [tilespmem:s30], [sflag:$0x4], $0x80, $0x38;
	[tilespmem:$0x14940] =	vst v63  }
0x602: {  	s25 =	sadd.s32 $0x70, s21;
	s26 =	simm.s32 $0x116F8;
	s22 =	sshrl.u32 s28, $0x3  }
0x603: {  	[hbm4b:s25+s3] =	stream.linear.scatter [tilespmem:s26], [sflag:$0x4], $0x80, $0x38;
	[tilespmem:$0x14940] =	vst v63  }
0x604: {  	s22 =	sadd.s32 s2, s22;
	s29 =	simm.s32 $0x10940  }
0x605: {  	[hbm4b:s22+s3] =	stream.linear.scatter [tilespmem:s29], [sflag:$0x4], $0x80, $0x38;
	[tilespmem:$0x14940] =	vst v63  }
0x606: {  	s30 =	sadd.s32 $0x10, s22;
	s26 =	simm.s32 $0x10B48  }
0x607: {  	[hbm4b:s30+s3] =	stream.linear.scatter [tilespmem:s26], [sflag:$0x4], $0x80, $0x38;
	[tilespmem:$0x14940] =	vst v63  }
0x608: {  	s28 =	simm.s32 $0x10D50;
	s26 =	sadd.s32 $0x20, s22  }
0x609: {  	[hbm4b:s26+s3] =	stream.linear.scatter [tilespmem:s28], [sflag:$0x4], $0x80, $0x38;
	[tilespmem:$0x14940] =	vst v63  }
0x60a: {  	s29 =	sadd.s32 $0x30, s22;
	s30 =	simm.s32 $0x10F58  }
0x60b: {  	[hbm4b:s29+s3] =	stream.linear.scatter [tilespmem:s30], [sflag:$0x4], $0x80, $0x38;
	[tilespmem:$0x14940] =	vst v63  }
0x60c: {  	s26 =	sadd.s32 $0x40, s22;
	s28 =	simm.s32 $0x11160  }
0x60d: {  	[hbm4b:s26+s3] =	stream.linear.scatter [tilespmem:s28], [sflag:$0x4], $0x80, $0x38;
	[tilespmem:$0x14940] =	vst v63  }
0x60e: {  	s29 =	sadd.s32 $0x50, s22;
	s30 =	simm.s32 $0x11368  }
0x60f: {  	[hbm4b:s29+s3] =	stream.linear.scatter [tilespmem:s30], [sflag:$0x4], $0x80, $0x38;
	[tilespmem:$0x14940] =	vst v63  }
0x610: {  	s23 =	sor.u32 s10, s23;
	s26 =	sadd.s32 $0x60, s22;
	s28 =	simm.s32 $0x11570  }
0x611: {  	[hbm4b:s26+s3] =	stream.linear.scatter [tilespmem:s28], [sflag:$0x4], $0x80, $0x38;
	[tilespmem:$0x14940] =	vst v63  }
0x612: {  	s23 =	sshrl.u32 s23, $0x3;
	s29 =	sadd.s32 $0x70, s22;
	s30 =	simm.s32 $0x11778  }
0x613: {  	[hbm4b:s29+s3] =	stream.linear.scatter [tilespmem:s30], [sflag:$0x4], $0x80, $0x38;
	[tilespmem:$0x14940] =	vst v63  }
0x614: {  	s23 =	sadd.s32 s2, s23;
	s28 =	simm.s32 $0x109C0  }
0x615: {  	[hbm4b:s23+s3] =	stream.linear.scatter [tilespmem:s28], [sflag:$0x4], $0x80, $0x38;
	[tilespmem:$0x14940] =	vst v63  }
0x616: {  	s29 =	sadd.s32 $0x10, s23;
	s30 =	simm.s32 $0x10BC8  }
0x617: {  	[hbm4b:s29+s3] =	stream.linear.scatter [tilespmem:s30], [sflag:$0x4], $0x80, $0x38;
	[tilespmem:$0x14940] =	vst v63  }
0x618: {  	s26 =	sadd.s32 $0x20, s23;
	s28 =	simm.s32 $0x10DD0  }
0x619: {  	[hbm4b:s26+s3] =	stream.linear.scatter [tilespmem:s28], [sflag:$0x4], $0x80, $0x38;
	[tilespmem:$0x14940] =	vst v63  }
0x61a: {  	s29 =	sadd.s32 $0x30, s23;
	s30 =	simm.s32 $0x10FD8  }
0x61b: {  	[hbm4b:s29+s3] =	stream.linear.scatter [tilespmem:s30], [sflag:$0x4], $0x80, $0x38;
	[tilespmem:$0x14940] =	vst v63  }
0x61c: {  	s26 =	sadd.s32 $0x40, s23;
	s28 =	simm.s32 $0x111E0  }
0x61d: {  	[hbm4b:s26+s3] =	stream.linear.scatter [tilespmem:s28], [sflag:$0x4], $0x80, $0x38;
	[tilespmem:$0x14940] =	vst v63  }
0x61e: {  	s29 =	sadd.s32 $0x50, s23;
	s30 =	simm.s32 $0x113E8  }
0x61f: {  	[hbm4b:s29+s3] =	stream.linear.scatter [tilespmem:s30], [sflag:$0x4], $0x80, $0x38;
	[tilespmem:$0x14940] =	vst v63  }
0x620: {  	s26 =	sadd.s32 $0x60, s23;
	s28 =	simm.s32 $0x115F0  }
0x621: {  	[hbm4b:s26+s3] =	stream.linear.scatter [tilespmem:s28], [sflag:$0x4], $0x80, $0x38;
	[tilespmem:$0x14940] =	vst v63  }
0x622: {  	s29 =	sadd.s32 $0x70, s23;
	s30 =	simm.s32 $0x117F8  }
0x623: {  	[hbm4b:s29+s3] =	stream.linear.scatter [tilespmem:s30], [sflag:$0x4], $0x80, $0x38;
	[tilespmem:$0x14940] =	vst v63  }
0x624: {  	s25 =	sadd.s32 s24, s11;
	s28 =	simm.s32 $0x11880  }
0x625: {  	[hbm4b:s25+s3] =	stream.linear.scatter [tilespmem:s28], [sflag:$0x4], $0x80, $0x38;
	[tilespmem:$0x14940] =	vst v63  }
0x626: {  	s29 =	sadd.s32 $0x10, s25;
	s28 =	simm.s32 $0x11A88  }
0x627: {  	[hbm4b:s29+s3] =	stream.linear.scatter [tilespmem:s28], [sflag:$0x4], $0x80, $0x38;
	[tilespmem:$0x14940] =	vst v63  }
0x628: {  	s30 =	sadd.s32 $0x20, s25;
	s29 =	simm.s32 $0x11C90  }
0x629: {  	[hbm4b:s30+s3] =	stream.linear.scatter [tilespmem:s29], [sflag:$0x4], $0x80, $0x38;
	[tilespmem:$0x14940] =	vst v63  }
0x62a: {  	s30 =	sadd.s32 $0x30, s25;
	s29 =	simm.s32 $0x11E98  }
0x62b: {  	[hbm4b:s30+s3] =	stream.linear.scatter [tilespmem:s29], [sflag:$0x4], $0x80, $0x38;
	[tilespmem:$0x14940] =	vst v63  }
0x62c: {  	s30 =	sadd.s32 $0x40, s25;
	s29 =	simm.s32 $0x120A0  }
0x62d: {  	[hbm4b:s30+s3] =	stream.linear.scatter [tilespmem:s29], [sflag:$0x4], $0x80, $0x38;
	[tilespmem:$0x14940] =	vst v63  }
0x62e: {  	s30 =	sadd.s32 $0x50, s25;
	s29 =	simm.s32 $0x122A8  }
0x62f: {  	[hbm4b:s30+s3] =	stream.linear.scatter [tilespmem:s29], [sflag:$0x4], $0x80, $0x38;
	[tilespmem:$0x14940] =	vst v63  }
0x630: {  	s30 =	sadd.s32 $0x60, s25;
	s29 =	simm.s32 $0x124B0  }
0x631: {  	[hbm4b:s30+s3] =	stream.linear.scatter [tilespmem:s29], [sflag:$0x4], $0x80, $0x38;
	[tilespmem:$0x14940] =	vst v63  }
0x632: {  	s25 =	sadd.s32 $0x70, s25;
	s30 =	simm.s32 $0x126B8  }
0x633: {  	[hbm4b:s25+s3] =	stream.linear.scatter [tilespmem:s30], [sflag:$0x4], $0x80, $0x38;
	[tilespmem:$0x14940] =	vst v63  }
0x634: {  	s26 =	sadd.s32 $0x4000, s21;
	s28 =	simm.s32 $0x11900  }
0x635: {  	[hbm4b:s26+s3] =	stream.linear.scatter [tilespmem:s28], [sflag:$0x4], $0x80, $0x38;
	[tilespmem:$0x14940] =	vst v63  }
0x636: {  	s29 =	sadd.s32 $0x4010, s21;
	s30 =	simm.s32 $0x11B08  }
0x637: {  	[hbm4b:s29+s3] =	stream.linear.scatter [tilespmem:s30], [sflag:$0x4], $0x80, $0x38;
	[tilespmem:$0x14940] =	vst v63  }
0x638: {  	s26 =	sadd.s32 $0x4020, s21;
	s28 =	simm.s32 $0x11D10  }
0x639: {  	[hbm4b:s26+s3] =	stream.linear.scatter [tilespmem:s28], [sflag:$0x4], $0x80, $0x38;
	[tilespmem:$0x14940] =	vst v63  }
0x63a: {  	s29 =	sadd.s32 $0x4030, s21;
	s30 =	simm.s32 $0x11F18  }
0x63b: {  	[hbm4b:s29+s3] =	stream.linear.scatter [tilespmem:s30], [sflag:$0x4], $0x80, $0x38;
	[tilespmem:$0x14940] =	vst v63  }
0x63c: {  	s26 =	sadd.s32 $0x4040, s21;
	s28 =	simm.s32 $0x12120  }
0x63d: {  	[hbm4b:s26+s3] =	stream.linear.scatter [tilespmem:s28], [sflag:$0x4], $0x80, $0x38;
	[tilespmem:$0x14940] =	vst v63  }
0x63e: {  	s29 =	sadd.s32 $0x4050, s21;
	s30 =	simm.s32 $0x12328  }
0x63f: {  	[hbm4b:s29+s3] =	stream.linear.scatter [tilespmem:s30], [sflag:$0x4], $0x80, $0x38;
	[tilespmem:$0x14940] =	vst v63  }
0x640: {  	s26 =	sadd.s32 $0x4060, s21;
	s28 =	simm.s32 $0x12530  }
0x641: {  	[hbm4b:s26+s3] =	stream.linear.scatter [tilespmem:s28], [sflag:$0x4], $0x80, $0x38;
	[tilespmem:$0x14940] =	vst v63  }
0x642: {  	s29 =	sadd.s32 $0x4070, s21;
	s30 =	simm.s32 $0x12738  }
0x643: {  	[hbm4b:s29+s3] =	stream.linear.scatter [tilespmem:s30], [sflag:$0x4], $0x80, $0x38;
	[tilespmem:$0x14940] =	vst v63  }
0x644: {  	s26 =	sadd.s32 $0x4000, s22;
	s28 =	simm.s32 $0x11980  }
0x645: {  	[hbm4b:s26+s3] =	stream.linear.scatter [tilespmem:s28], [sflag:$0x4], $0x80, $0x38;
	[tilespmem:$0x14940] =	vst v63  }
0x646: {  	s29 =	sadd.s32 $0x4010, s22;
	s30 =	simm.s32 $0x11B88  }
0x647: {  	[hbm4b:s29+s3] =	stream.linear.scatter [tilespmem:s30], [sflag:$0x4], $0x80, $0x38;
	[tilespmem:$0x14940] =	vst v63  }
0x648: {  	s26 =	sadd.s32 $0x4020, s22;
	s28 =	simm.s32 $0x11D90  }
0x649: {  	[hbm4b:s26+s3] =	stream.linear.scatter [tilespmem:s28], [sflag:$0x4], $0x80, $0x38;
	[tilespmem:$0x14940] =	vst v63  }
0x64a: {  	s29 =	sadd.s32 $0x4030, s22;
	s30 =	simm.s32 $0x11F98  }
0x64b: {  	[hbm4b:s29+s3] =	stream.linear.scatter [tilespmem:s30], [sflag:$0x4], $0x80, $0x38;
	[tilespmem:$0x14940] =	vst v63  }
0x64c: {  	s26 =	sadd.s32 $0x4040, s22;
	s28 =	simm.s32 $0x121A0  }
0x64d: {  	[hbm4b:s26+s3] =	stream.linear.scatter [tilespmem:s28], [sflag:$0x4], $0x80, $0x38;
	[tilespmem:$0x14940] =	vst v63  }
0x64e: {  	s29 =	sadd.s32 $0x4050, s22;
	s30 =	simm.s32 $0x123A8  }
0x64f: {  	[hbm4b:s29+s3] =	stream.linear.scatter [tilespmem:s30], [sflag:$0x4], $0x80, $0x38;
	[tilespmem:$0x14940] =	vst v63  }
0x650: {  	s26 =	sadd.s32 $0x4060, s22;
	s28 =	simm.s32 $0x125B0  }
0x651: {  	[hbm4b:s26+s3] =	stream.linear.scatter [tilespmem:s28], [sflag:$0x4], $0x80, $0x38;
	[tilespmem:$0x14940] =	vst v63  }
0x652: {  	s29 =	sadd.s32 $0x4070, s22;
	s30 =	simm.s32 $0x127B8  }
0x653: {  	[hbm4b:s29+s3] =	stream.linear.scatter [tilespmem:s30], [sflag:$0x4], $0x80, $0x38;
	[tilespmem:$0x14940] =	vst v63  }
0x654: {  	s26 =	sadd.s32 $0x4000, s23;
	s28 =	simm.s32 $0x11A00  }
0x655: {  	[hbm4b:s26+s3] =	stream.linear.scatter [tilespmem:s28], [sflag:$0x4], $0x80, $0x38;
	[tilespmem:$0x14940] =	vst v63  }
0x656: {  	s29 =	sadd.s32 $0x4010, s23;
	s30 =	simm.s32 $0x11C08  }
0x657: {  	[hbm4b:s29+s3] =	stream.linear.scatter [tilespmem:s30], [sflag:$0x4], $0x80, $0x38;
	[tilespmem:$0x14940] =	vst v63  }
0x658: {  	s26 =	sadd.s32 $0x4020, s23;
	s28 =	simm.s32 $0x11E10  }
0x659: {  	[hbm4b:s26+s3] =	stream.linear.scatter [tilespmem:s28], [sflag:$0x4], $0x80, $0x38;
	[tilespmem:$0x14940] =	vst v63  }
0x65a: {  	s29 =	sadd.s32 $0x4030, s23;
	s30 =	simm.s32 $0x12018  }
0x65b: {  	[hbm4b:s29+s3] =	stream.linear.scatter [tilespmem:s30], [sflag:$0x4], $0x80, $0x38;
	[tilespmem:$0x14940] =	vst v63  }
0x65c: {  	s26 =	sadd.s32 $0x4040, s23;
	s28 =	simm.s32 $0x12220  }
0x65d: {  	[hbm4b:s26+s3] =	stream.linear.scatter [tilespmem:s28], [sflag:$0x4], $0x80, $0x38;
	[tilespmem:$0x14940] =	vst v63  }
0x65e: {  	s29 =	sadd.s32 $0x4050, s23;
	s30 =	simm.s32 $0x12428  }
0x65f: {  	[hbm4b:s29+s3] =	stream.linear.scatter [tilespmem:s30], [sflag:$0x4], $0x80, $0x38;
	[tilespmem:$0x14940] =	vst v63  }
0x660: {  	s26 =	sadd.s32 $0x4060, s23;
	s28 =	simm.s32 $0x12630  }
0x661: {  	[hbm4b:s26+s3] =	stream.linear.scatter [tilespmem:s28], [sflag:$0x4], $0x80, $0x38;
	[tilespmem:$0x14940] =	vst v63  }
0x662: {  	s29 =	sadd.s32 $0x4070, s23;
	s30 =	simm.s32 $0x12838  }
0x663: {  	[hbm4b:s29+s3] =	stream.linear.scatter [tilespmem:s30], [sflag:$0x4], $0x80, $0x38;
	[tilespmem:$0x14940] =	vst v63  }
0x664: {  	s25 =	sadd.s32 s24, s12;
	s28 =	simm.s32 $0x128C0  }
0x665: {  	[hbm4b:s25+s3] =	stream.linear.scatter [tilespmem:s28], [sflag:$0x4], $0x80, $0x38;
	[tilespmem:$0x14940] =	vst v63  }
0x666: {  	s29 =	sadd.s32 $0x10, s25;
	s30 =	simm.s32 $0x12AC8  }
0x667: {  	[hbm4b:s29+s3] =	stream.linear.scatter [tilespmem:s30], [sflag:$0x4], $0x80, $0x38;
	[tilespmem:$0x14940] =	vst v63  }
0x668: {  	s29 =	sadd.s32 $0x20, s25;
	s30 =	simm.s32 $0x12CD0  }
0x669: {  	[hbm4b:s29+s3] =	stream.linear.scatter [tilespmem:s30], [sflag:$0x4], $0x80, $0x38;
	[tilespmem:$0x14940] =	vst v63  }
0x66a: {  	s29 =	sadd.s32 $0x30, s25;
	s30 =	simm.s32 $0x12ED8  }
0x66b: {  	[hbm4b:s29+s3] =	stream.linear.scatter [tilespmem:s30], [sflag:$0x4], $0x80, $0x38;
	[tilespmem:$0x14940] =	vst v63  }
0x66c: {  	s29 =	sadd.s32 $0x40, s25;
	s30 =	simm.s32 $0x130E0  }
0x66d: {  	[hbm4b:s29+s3] =	stream.linear.scatter [tilespmem:s30], [sflag:$0x4], $0x80, $0x38;
	[tilespmem:$0x14940] =	vst v63  }
0x66e: {  	s29 =	sadd.s32 $0x50, s25;
	s30 =	simm.s32 $0x132E8  }
0x66f: {  	[hbm4b:s29+s3] =	stream.linear.scatter [tilespmem:s30], [sflag:$0x4], $0x80, $0x38;
	[tilespmem:$0x14940] =	vst v63  }
0x670: {  	s29 =	sadd.s32 $0x60, s25;
	s30 =	simm.s32 $0x134F0  }
0x671: {  	[hbm4b:s29+s3] =	stream.linear.scatter [tilespmem:s30], [sflag:$0x4], $0x80, $0x38;
	[tilespmem:$0x14940] =	vst v63  }
0x672: {  	s28 =	simm.s32 $0x136F8;
	s25 =	sadd.s32 $0x70, s25  }
0x673: {  	[hbm4b:s25+s3] =	stream.linear.scatter [tilespmem:s28], [sflag:$0x4], $0x80, $0x38;
	[tilespmem:$0x14940] =	vst v63  }
0x674: {  	s29 =	sadd.s32 $0x8000, s21;
	s30 =	simm.s32 $0x12940  }
0x675: {  	[hbm4b:s29+s3] =	stream.linear.scatter [tilespmem:s30], [sflag:$0x4], $0x80, $0x38;
	[tilespmem:$0x14940] =	vst v63  }
0x676: {  	s26 =	sadd.s32 $0x8010, s21;
	s28 =	simm.s32 $0x12B48  }
0x677: {  	[hbm4b:s26+s3] =	stream.linear.scatter [tilespmem:s28], [sflag:$0x4], $0x80, $0x38;
	[tilespmem:$0x14940] =	vst v63  }
0x678: {  	s29 =	sadd.s32 $0x8020, s21;
	s30 =	simm.s32 $0x12D50  }
0x679: {  	[hbm4b:s29+s3] =	stream.linear.scatter [tilespmem:s30], [sflag:$0x4], $0x80, $0x38;
	[tilespmem:$0x14940] =	vst v63  }
0x67a: {  	s26 =	sadd.s32 $0x8030, s21;
	s28 =	simm.s32 $0x12F58  }
0x67b: {  	[hbm4b:s26+s3] =	stream.linear.scatter [tilespmem:s28], [sflag:$0x4], $0x80, $0x38;
	[tilespmem:$0x14940] =	vst v63  }
0x67c: {  	s29 =	sadd.s32 $0x8040, s21;
	s30 =	simm.s32 $0x13160  }
0x67d: {  	[hbm4b:s29+s3] =	stream.linear.scatter [tilespmem:s30], [sflag:$0x4], $0x80, $0x38;
	[tilespmem:$0x14940] =	vst v63  }
0x67e: {  	s26 =	sadd.s32 $0x8050, s21;
	s28 =	simm.s32 $0x13368  }
0x67f: {  	[hbm4b:s26+s3] =	stream.linear.scatter [tilespmem:s28], [sflag:$0x4], $0x80, $0x38;
	[tilespmem:$0x14940] =	vst v63  }
0x680: {  	s29 =	sadd.s32 $0x8060, s21;
	s30 =	simm.s32 $0x13570  }
0x681: {  	[hbm4b:s29+s3] =	stream.linear.scatter [tilespmem:s30], [sflag:$0x4], $0x80, $0x38;
	[tilespmem:$0x14940] =	vst v63  }
0x682: {  	s26 =	sadd.s32 $0x8070, s21;
	s28 =	simm.s32 $0x13778  }
0x683: {  	[hbm4b:s26+s3] =	stream.linear.scatter [tilespmem:s28], [sflag:$0x4], $0x80, $0x38;
	[tilespmem:$0x14940] =	vst v63  }
0x684: {  	s29 =	sadd.s32 $0x8000, s22;
	s30 =	simm.s32 $0x129C0  }
0x685: {  	[hbm4b:s29+s3] =	stream.linear.scatter [tilespmem:s30], [sflag:$0x4], $0x80, $0x38;
	[tilespmem:$0x14940] =	vst v63  }
0x686: {  	s26 =	sadd.s32 $0x8010, s22;
	s28 =	simm.s32 $0x12BC8  }
0x687: {  	[hbm4b:s26+s3] =	stream.linear.scatter [tilespmem:s28], [sflag:$0x4], $0x80, $0x38;
	[tilespmem:$0x14940] =	vst v63  }
0x688: {  	s29 =	sadd.s32 $0x8020, s22;
	s30 =	simm.s32 $0x12DD0  }
0x689: {  	[hbm4b:s29+s3] =	stream.linear.scatter [tilespmem:s30], [sflag:$0x4], $0x80, $0x38;
	[tilespmem:$0x14940] =	vst v63  }
0x68a: {  	s26 =	sadd.s32 $0x8030, s22;
	s28 =	simm.s32 $0x12FD8  }
0x68b: {  	[hbm4b:s26+s3] =	stream.linear.scatter [tilespmem:s28], [sflag:$0x4], $0x80, $0x38;
	[tilespmem:$0x14940] =	vst v63  }
0x68c: {  	s29 =	sadd.s32 $0x8040, s22;
	s30 =	simm.s32 $0x131E0  }
0x68d: {  	[hbm4b:s29+s3] =	stream.linear.scatter [tilespmem:s30], [sflag:$0x4], $0x80, $0x38;
	[tilespmem:$0x14940] =	vst v63  }
0x68e: {  	s26 =	sadd.s32 $0x8050, s22;
	s28 =	simm.s32 $0x133E8  }
0x68f: {  	[hbm4b:s26+s3] =	stream.linear.scatter [tilespmem:s28], [sflag:$0x4], $0x80, $0x38;
	[tilespmem:$0x14940] =	vst v63  }
0x690: {  	s29 =	sadd.s32 $0x8060, s22;
	s30 =	simm.s32 $0x135F0  }
0x691: {  	[hbm4b:s29+s3] =	stream.linear.scatter [tilespmem:s30], [sflag:$0x4], $0x80, $0x38;
	[tilespmem:$0x14940] =	vst v63  }
0x692: {  	s26 =	sadd.s32 $0x8070, s22;
	s28 =	simm.s32 $0x137F8  }
0x693: {  	[hbm4b:s26+s3] =	stream.linear.scatter [tilespmem:s28], [sflag:$0x4], $0x80, $0x38;
	[tilespmem:$0x14940] =	vst v63  }
0x694: {  	s29 =	sadd.s32 $0x8000, s23;
	s30 =	simm.s32 $0x12A40  }
0x695: {  	[hbm4b:s29+s3] =	stream.linear.scatter [tilespmem:s30], [sflag:$0x4], $0x80, $0x38;
	[tilespmem:$0x14940] =	vst v63  }
0x696: {  	s26 =	sadd.s32 $0x8010, s23;
	s28 =	simm.s32 $0x12C48  }
0x697: {  	[hbm4b:s26+s3] =	stream.linear.scatter [tilespmem:s28], [sflag:$0x4], $0x80, $0x38;
	[tilespmem:$0x14940] =	vst v63  }
0x698: {  	s29 =	sadd.s32 $0x8020, s23;
	s30 =	simm.s32 $0x12E50  }
0x699: {  	[hbm4b:s29+s3] =	stream.linear.scatter [tilespmem:s30], [sflag:$0x4], $0x80, $0x38;
	[tilespmem:$0x14940] =	vst v63  }
0x69a: {  	s26 =	sadd.s32 $0x8030, s23;
	s28 =	simm.s32 $0x13058  }
0x69b: {  	[hbm4b:s26+s3] =	stream.linear.scatter [tilespmem:s28], [sflag:$0x4], $0x80, $0x38;
	[tilespmem:$0x14940] =	vst v63  }
0x69c: {  	s29 =	sadd.s32 $0x8040, s23;
	s30 =	simm.s32 $0x13260  }
0x69d: {  	[hbm4b:s29+s3] =	stream.linear.scatter [tilespmem:s30], [sflag:$0x4], $0x80, $0x38;
	[tilespmem:$0x14940] =	vst v63  }
0x69e: {  	s26 =	sadd.s32 $0x8050, s23;
	s28 =	simm.s32 $0x13468  }
0x69f: {  	[hbm4b:s26+s3] =	stream.linear.scatter [tilespmem:s28], [sflag:$0x4], $0x80, $0x38;
	[tilespmem:$0x14940] =	vst v63  }
0x6a0: {  	s29 =	sadd.s32 $0x8060, s23;
	s30 =	simm.s32 $0x13670  }
0x6a1: {  	[hbm4b:s29+s3] =	stream.linear.scatter [tilespmem:s30], [sflag:$0x4], $0x80, $0x38;
	[tilespmem:$0x14940] =	vst v63  }
0x6a2: {  	s28 =	sadd.s32 $0x8070, s23;
	s29 =	simm.s32 $0x13878  }
0x6a3: {  	[hbm4b:s28+s3] =	stream.linear.scatter [tilespmem:s29], [sflag:$0x4], $0x80, $0x38;
	[tilespmem:$0x14940] =	vst v63  }
0x6a4: {  	s24 =	sadd.s32 s24, s13;
	s30 =	simm.s32 $0x13900  }
0x6a5: {  	[hbm4b:s24+s3] =	stream.linear.scatter [tilespmem:s30], [sflag:$0x4], $0x80, $0x38;
	[tilespmem:$0x14940] =	vst v63  }
0x6a6: {  	s26 =	sadd.s32 $0x10, s24;
	s28 =	simm.s32 $0x13B08  }
0x6a7: {  	[hbm4b:s26+s3] =	stream.linear.scatter [tilespmem:s28], [sflag:$0x4], $0x80, $0x38;
	[tilespmem:$0x14940] =	vst v63  }
0x6a8: {  	s29 =	sadd.s32 $0x20, s24;
	s30 =	simm.s32 $0x13D10  }
0x6a9: {  	[hbm4b:s29+s3] =	stream.linear.scatter [tilespmem:s30], [sflag:$0x4], $0x80, $0x38;
	[tilespmem:$0x14940] =	vst v63  }
0x6aa: {  	s26 =	sadd.s32 $0x30, s24;
	s28 =	simm.s32 $0x13F18  }
0x6ab: {  	[hbm4b:s26+s3] =	stream.linear.scatter [tilespmem:s28], [sflag:$0x4], $0x80, $0x38;
	[tilespmem:$0x14940] =	vst v63  }
0x6ac: {  	s29 =	sadd.s32 $0x40, s24;
	s30 =	simm.s32 $0x14120  }
0x6ad: {  	[hbm4b:s29+s3] =	stream.linear.scatter [tilespmem:s30], [sflag:$0x4], $0x80, $0x38;
	[tilespmem:$0x14940] =	vst v63  }
0x6ae: {  	s26 =	sadd.s32 $0x50, s24;
	s28 =	simm.s32 $0x14328  }
0x6af: {  	[hbm4b:s26+s3] =	stream.linear.scatter [tilespmem:s28], [sflag:$0x4], $0x80, $0x38;
	[tilespmem:$0x14940] =	vst v63  }
0x6b0: {  	s29 =	sadd.s32 $0x60, s24;
	s30 =	simm.s32 $0x14530  }
0x6b1: {  	[hbm4b:s29+s3] =	stream.linear.scatter [tilespmem:s30], [sflag:$0x4], $0x80, $0x38;
	[tilespmem:$0x14940] =	vst v63  }
0x6b2: {  	s24 =	sadd.s32 $0x70, s24;
	s28 =	simm.s32 $0x14738  }
0x6b3: {  	[hbm4b:s24+s3] =	stream.linear.scatter [tilespmem:s28], [sflag:$0x4], $0x80, $0x38;
	[tilespmem:$0x14940] =	vst v63  }
0x6b4: {  	s29 =	sadd.s32 $0xC000, s21;
	s30 =	simm.s32 $0x13980  }
0x6b5: {  	[hbm4b:s29+s3] =	stream.linear.scatter [tilespmem:s30], [sflag:$0x4], $0x80, $0x38;
	[tilespmem:$0x14940] =	vst v63  }
0x6b6: {  	s26 =	sadd.s32 $0xC010, s21;
	s28 =	simm.s32 $0x13B88  }
0x6b7: {  	[hbm4b:s26+s3] =	stream.linear.scatter [tilespmem:s28], [sflag:$0x4], $0x80, $0x38;
	[tilespmem:$0x14940] =	vst v63  }
0x6b8: {  	s29 =	sadd.s32 $0xC020, s21;
	s30 =	simm.s32 $0x13D90  }
0x6b9: {  	[hbm4b:s29+s3] =	stream.linear.scatter [tilespmem:s30], [sflag:$0x4], $0x80, $0x38;
	[tilespmem:$0x14940] =	vst v63  }
0x6ba: {  	s26 =	sadd.s32 $0xC030, s21;
	s28 =	simm.s32 $0x13F98  }
0x6bb: {  	[hbm4b:s26+s3] =	stream.linear.scatter [tilespmem:s28], [sflag:$0x4], $0x80, $0x38;
	[tilespmem:$0x14940] =	vst v63  }
0x6bc: {  	s29 =	sadd.s32 $0xC040, s21;
	s30 =	simm.s32 $0x141A0  }
0x6bd: {  	[hbm4b:s29+s3] =	stream.linear.scatter [tilespmem:s30], [sflag:$0x4], $0x80, $0x38;
	[tilespmem:$0x14940] =	vst v63  }
0x6be: {  	s26 =	sadd.s32 $0xC050, s21;
	s28 =	simm.s32 $0x143A8  }
0x6bf: {  	[hbm4b:s26+s3] =	stream.linear.scatter [tilespmem:s28], [sflag:$0x4], $0x80, $0x38;
	[tilespmem:$0x14940] =	vst v63  }
0x6c0: {  	s29 =	sadd.s32 $0xC060, s21;
	s30 =	simm.s32 $0x145B0  }
0x6c1: {  	[hbm4b:s29+s3] =	stream.linear.scatter [tilespmem:s30], [sflag:$0x4], $0x80, $0x38;
	[tilespmem:$0x14940] =	vst v63  }
0x6c2: {  	s25 =	simm.s32 $0x147B8;
	s21 =	sadd.s32 $0xC070, s21  }
0x6c3: {  	[hbm4b:s21+s3] =	stream.linear.scatter [tilespmem:s25], [sflag:$0x4], $0x80, $0x38;
	[tilespmem:$0x14940] =	vst v63  }
0x6c4: {  	s26 =	sadd.s32 $0xC000, s22;
	s28 =	simm.s32 $0x13A00  }
0x6c5: {  	[hbm4b:s26+s3] =	stream.linear.scatter [tilespmem:s28], [sflag:$0x4], $0x80, $0x38;
	[tilespmem:$0x14940] =	vst v63  }
0x6c6: {  	s29 =	sadd.s32 $0xC010, s22;
	s30 =	simm.s32 $0x13C08  }
0x6c7: {  	[hbm4b:s29+s3] =	stream.linear.scatter [tilespmem:s30], [sflag:$0x4], $0x80, $0x38;
	[tilespmem:$0x14940] =	vst v63  }
0x6c8: {  	s24 =	sadd.s32 $0xC020, s22;
	s25 =	simm.s32 $0x13E10  }
0x6c9: {  	[hbm4b:s24+s3] =	stream.linear.scatter [tilespmem:s25], [sflag:$0x4], $0x80, $0x38;
	[tilespmem:$0x14940] =	vst v63  }
0x6ca: {  	s26 =	sadd.s32 $0xC030, s22;
	s28 =	simm.s32 $0x14018  }
0x6cb: {  	[hbm4b:s26+s3] =	stream.linear.scatter [tilespmem:s28], [sflag:$0x4], $0x80, $0x38;
	[tilespmem:$0x14940] =	vst v63  }
0x6cc: {  	s29 =	sadd.s32 $0xC040, s22;
	s30 =	simm.s32 $0x14220  }
0x6cd: {  	[hbm4b:s29+s3] =	stream.linear.scatter [tilespmem:s30], [sflag:$0x4], $0x80, $0x38;
	[tilespmem:$0x14940] =	vst v63  }
0x6ce: {  	s24 =	sadd.s32 $0xC050, s22;
	s25 =	simm.s32 $0x14428  }
0x6cf: {  	[hbm4b:s24+s3] =	stream.linear.scatter [tilespmem:s25], [sflag:$0x4], $0x80, $0x38;
	[tilespmem:$0x14940] =	vst v63  }
0x6d0: {  	s26 =	sadd.s32 $0xC060, s22;
	s28 =	simm.s32 $0x14630  }
0x6d1: {  	[hbm4b:s26+s3] =	stream.linear.scatter [tilespmem:s28], [sflag:$0x4], $0x80, $0x38;
	[tilespmem:$0x14940] =	vst v63  }
0x6d2: {  	s29 =	sadd.s32 $0xC070, s22;
	s30 =	simm.s32 $0x14838  }
0x6d3: {  	[hbm4b:s29+s3] =	stream.linear.scatter [tilespmem:s30], [sflag:$0x4], $0x80, $0x38;
	[tilespmem:$0x14940] =	vst v63  }
0x6d4: {  	s24 =	sadd.s32 $0xC000, s23;
	s25 =	simm.s32 $0x13A80  }
0x6d5: {  	[hbm4b:s24+s3] =	stream.linear.scatter [tilespmem:s25], [sflag:$0x4], $0x80, $0x38;
	[tilespmem:$0x14940] =	vst v63  }
0x6d6: {  	s26 =	sadd.s32 $0xC010, s23;
	s28 =	simm.s32 $0x13C88  }
0x6d7: {  	[hbm4b:s26+s3] =	stream.linear.scatter [tilespmem:s28], [sflag:$0x4], $0x80, $0x38;
	[tilespmem:$0x14940] =	vst v63  }
0x6d8: {  	s29 =	sadd.s32 $0xC020, s23;
	s30 =	simm.s32 $0x13E90  }
0x6d9: {  	[hbm4b:s29+s3] =	stream.linear.scatter [tilespmem:s30], [sflag:$0x4], $0x80, $0x38;
	[tilespmem:$0x14940] =	vst v63  }
0x6da: {  	s24 =	sadd.s32 $0xC030, s23;
	s25 =	simm.s32 $0x14098  }
0x6db: {  	[hbm4b:s24+s3] =	stream.linear.scatter [tilespmem:s25], [sflag:$0x4], $0x80, $0x38;
	[tilespmem:$0x14940] =	vst v63  }
0x6dc: {  	s20 =	sadd.s32 $0x1, s20;
	s26 =	sadd.s32 $0xC040, s23  }
0x6dd: {  	[hbm4b:s26+s3] =	stream.linear.scatter [tilespmem:s31], [sflag:$0x4], $0x80, $0x38;
	[tilespmem:$0x14940] =	vst v63  }
0x6de: {  	p0 =	sne.s32 s20, $0xD;
	s28 =	sadd.s32 $0xC050, s23  }
0x6df: {  	[hbm4b:s28+s3] =	stream.linear.scatter [tilespmem:s0], [sflag:$0x4], $0x80, $0x38;
	[tilespmem:$0x14940] =	vst v63  }
.Ltmp6:
0x6e0: {  	_ = 	snop;
	(pc) =	sbr.rel @p0 .LBB2_4-.Ltmp6, $4  }
0x6e1: {  	s29 =	sadd.s32 $0xC060, s23  }
0x6e2: {  	[hbm4b:s29+s3] =	stream.linear.scatter [tilespmem:s1], [sflag:$0x4], $0x80, $0x38;
	[tilespmem:$0x14940] =	vst v63  }
0x6e3: {  	s30 =	sadd.s32 $0xC070, s23  }
0x6e4: {  	[hbm4b:s30+s3] =	stream.linear.scatter [tilespmem:s16], [sflag:$0x4], $0x80, $0x38;
	[tilespmem:$0x14940] =	vst v63  }
0x6e5: {  	_ =	swait.ge [sflag:s14], $0x400  }
0x6e6: {  	[sflag:s14] =	ssyncset.done $0x0  }
0x6e7: {  	[sflag:s14] =	ssyncadd.s32 $0xFFFFFC00  }
0x6e8: {  	_ =	swait.ge [sflag:s14], $0x400  }
0x6e9: {  	[sflag:s14] =	ssyncset.done $0x0  }
0x6ea: {  	[sflag:s14] =	ssyncadd.s32 $0xFFFFFC00  }
0x6eb: {  	_ =	swait.ge [sflag:s14], $0x400  }
0x6ec: {  	[sflag:s14] =	ssyncset.done $0x0  }
0x6ed: {  	[sflag:s14] =	ssyncadd.s32 $0xFFFFFC00  }
0x6ee: {  	_ =	swait.ge [sflag:s14], $0x400  }
0x6ef: {  	[sflag:s14] =	ssyncset.done $0x0  }
0x6f0: {  	[sflag:s14] =	ssyncadd.s32 $0xFFFFFC00  }
0x6f1: {  	_ =	swait.ge [sflag:s14], $0x400  }
0x6f2: {  	[sflag:s14] =	ssyncset.done $0x0  }
0x6f3: {  	[sflag:s14] =	ssyncadd.s32 $0xFFFFFC00  }
0x6f4: {  	_ =	swait.ge [sflag:s14], $0x400  }
0x6f5: {  	[sflag:s14] =	ssyncset.done $0x0  }
0x6f6: {  	[sflag:s14] =	ssyncadd.s32 $0xFFFFFC00  }
0x6f7: {  	_ =	swait.ge [sflag:s14], $0x400  }
0x6f8: {  	[sflag:s14] =	ssyncset.done $0x0  }
0x6f9: {  	[sflag:s14] =	ssyncadd.s32 $0xFFFFFC00  }
0x6fa: {  	_ =	swait.ge [sflag:s14], $0x400  }
0x6fb: {  	[sflag:s14] =	ssyncset.done $0x0  }
0x6fc: {  	[sflag:s14] =	ssyncadd.s32 $0xFFFFFC00  }
0x6fd: {  	_ =	swait.ge [sflag:s14], $0x400  }
0x6fe: {  	[sflag:s14] =	ssyncset.done $0x0  }
0x6ff: {  	[sflag:s14] =	ssyncadd.s32 $0xFFFFFC00  }
0x700: {  	_ =	swait.ge [sflag:s14], $0x400  }
0x701: {  	[sflag:s14] =	ssyncset.done $0x0  }
0x702: {  	[sflag:s14] =	ssyncadd.s32 $0xFFFFFC00  }
0x703: {  	_ =	swait.ge [sflag:s14], $0x400  }
0x704: {  	[sflag:s14] =	ssyncset.done $0x0  }
0x705: {  	[sflag:s14] =	ssyncadd.s32 $0xFFFFFC00  }
0x706: {  	_ =	swait.ge [sflag:s14], $0x400  }
0x707: {  	[sflag:s14] =	ssyncset.done $0x0  }
0x708: {  	[sflag:s14] =	ssyncadd.s32 $0xFFFFFC00  }
0x709: {  	_ =	swait.ge [sflag:s14], $0x400  }
0x70a: {  	[sflag:s14] =	ssyncset.done $0x0  }
0x70b: {  	[sflag:s14] =	ssyncadd.s32 $0xFFFFFC00  }
0x70c: {  	_ =	swait.ge [sflag:s14], $0x400  }
0x70d: {  	[sflag:s14] =	ssyncset.done $0x0  }
0x70e: {  	[sflag:s14] =	ssyncadd.s32 $0xFFFFFC00  }
0x70f: {  	_ =	swait.ge [sflag:s14], $0x400  }
0x710: {  	[sflag:s14] =	ssyncset.done $0x0  }
0x711: {  	[sflag:s14] =	ssyncadd.s32 $0xFFFFFC00  }
0x712: {  	_ =	swait.ge [sflag:s14], $0x400  }
0x713: {  	[sflag:s14] =	ssyncset.done $0x0  }
0x714: {  	[sflag:s14] =	ssyncadd.s32 $0xFFFFFC00  }
0x715: {  	_ =	swait.ge [sflag:s19], $0x400  }
0x716: {  	[sflag:s19] =	ssyncset.done $0x0  }
0x717: {  	[sflag:s19] =	ssyncadd.s32 $0xFFFFFC00  }
0x718: {  	_ =	swait.ge [sflag:s19], $0x400  }
0x719: {  	[sflag:s19] =	ssyncset.done $0x0  }
0x71a: {  	[sflag:s19] =	ssyncadd.s32 $0xFFFFFC00  }
0x71b: {  	_ =	swait.ge [sflag:s19], $0x400  }
0x71c: {  	[sflag:s19] =	ssyncset.done $0x0  }
0x71d: {  	[sflag:s19] =	ssyncadd.s32 $0xFFFFFC00  }
0x71e: {  	_ =	swait.ge [sflag:s19], $0x400  }
0x71f: {  	[sflag:s19] =	ssyncset.done $0x0  }
0x720: {  	[sflag:s19] =	ssyncadd.s32 $0xFFFFFC00  }
0x721: {  	_ =	swait.ge [sflag:s19], $0x400  }
0x722: {  	[sflag:s19] =	ssyncset.done $0x0  }
0x723: {  	[sflag:s19] =	ssyncadd.s32 $0xFFFFFC00  }
0x724: {  	_ =	swait.ge [sflag:s19], $0x400  }
0x725: {  	[sflag:s19] =	ssyncset.done $0x0  }
0x726: {  	[sflag:s19] =	ssyncadd.s32 $0xFFFFFC00  }
0x727: {  	_ =	swait.ge [sflag:s19], $0x400  }
0x728: {  	[sflag:s19] =	ssyncset.done $0x0  }
0x729: {  	[sflag:s19] =	ssyncadd.s32 $0xFFFFFC00  }
0x72a: {  	_ =	swait.ge [sflag:s19], $0x400  }
0x72b: {  	[sflag:s19] =	ssyncset.done $0x0  }
0x72c: {  	[sflag:s19] =	ssyncadd.s32 $0xFFFFFC00  }
0x72d: {  	_ =	swait.ge [sflag:s19], $0x400  }
0x72e: {  	[sflag:s19] =	ssyncset.done $0x0  }
0x72f: {  	[sflag:s19] =	ssyncadd.s32 $0xFFFFFC00  }
0x730: {  	_ =	swait.ge [sflag:s19], $0x400  }
0x731: {  	[sflag:s19] =	ssyncset.done $0x0  }
0x732: {  	[sflag:s19] =	ssyncadd.s32 $0xFFFFFC00  }
0x733: {  	_ =	swait.ge [sflag:s19], $0x400  }
0x734: {  	[sflag:s19] =	ssyncset.done $0x0  }
0x735: {  	[sflag:s19] =	ssyncadd.s32 $0xFFFFFC00  }
0x736: {  	_ =	swait.ge [sflag:s19], $0x400  }
0x737: {  	[sflag:s19] =	ssyncset.done $0x0  }
0x738: {  	[sflag:s19] =	ssyncadd.s32 $0xFFFFFC00  }
0x739: {  	_ =	swait.ge [sflag:s19], $0x400  }
0x73a: {  	[sflag:s19] =	ssyncset.done $0x0  }
0x73b: {  	[sflag:s19] =	ssyncadd.s32 $0xFFFFFC00  }
0x73c: {  	_ =	swait.ge [sflag:s19], $0x400  }
0x73d: {  	[sflag:s19] =	ssyncset.done $0x0  }
0x73e: {  	[sflag:s19] =	ssyncadd.s32 $0xFFFFFC00  }
0x73f: {  	_ =	swait.ge [sflag:s19], $0x400  }
0x740: {  	[sflag:s19] =	ssyncset.done $0x0  }
0x741: {  	[sflag:s19] =	ssyncadd.s32 $0xFFFFFC00  }
0x742: {  	_ =	swait.ge [sflag:s19], $0x400  }
0x743: {  	s21 =	rddreg [dreg:$0x6]  }
0x744: {  	s20 =	rddreg [dreg:$0x5];
	s21 =	sadd.s32 $0x1, s21  }
0x745: {  	p0 =	sne.s32 s21, s20  }
.Ltmp7:
0x746: {  	_ = 	snop;
	(pc) =	sbr.rel @p0 .LBB2_1-.Ltmp7, $3  }
0x747: {  	_ =	sdelay $0x1  }
0x748: {  	[sflag:s19] =	ssyncset.done $0x0  }
0x749: {  	[sflag:s19] =	ssyncadd.s32 $0xFFFFFC00  }
0x74a: {  	_ =	sfence.sel $0x180000  }
0x74b: {  	[bflag:$0x0] =	sbarrier.arrive $0xFFFF  }
0x74c: {  	_ =	strace $0x90000047  }
0x74d: {  	s0 =	stileid.u32;
	[bflag:$0x2] =	sbarrier.arrive $0xFFFF  }
0x74e: {  	p0 =	sne.s32 s0, $0x0;
	s0 =	rddreg [dreg:$0x2]  }
0x74f: {  	s0 =	sadd.s32 @!p0 $0x100000, s0  }
0x750: {  	[sflag:s0] =	ssyncadd.tile.s32 @!p0 $0x1;
	_ =	shalt  }
.Lfunc_end2:
_tile_overlayer_lowered:
.L_overlay_start_2:
0x751: {  	(tag) =	ssettag $0x2  }
0x752: {  	s0 =	rddreg [dreg:$0x0];
	s2 =	stileid.u32  }
0x753: {  	s1 =	rddreg [dreg:$0x1];
	p0 =	sne.s32 s2, $0x0  }
0x754: {  	s3 =	rddreg [dreg:$0x2];
	[bflag:$0x3] =	sbarrier.arrive $0xFFFF;
	s2 =	simm.s32 @!p0 $0x1C05  }
0x755: {  	[timem:s3], [sflag:s2] =	dma.local @!p0 [hbm:s0], s1  }
0x756: {  	s0 =	simm.s32 @!p0 $0x5  }
0x757: {  	_ =	swait.ge @!p0 [sflag:s0], s1  }
0x758: {  	s1 =	ssub.s32 @!p0 $0x0, s1;
	[sflag:s0] =	ssyncset.done @!p0 $0x0  }
0x759: {  	[sflag:s0] =	ssyncadd.s32 @!p0 s1  }
0x75a: {  	[bflag:$0x3] =	sbarrier.arrive $0xFFFF  }
0x75b: {  	_ =	shalt  }

</sc_bundles>
